<compile_context>
chip_gen: v7x
topology: tpu7x:2x2x1
jax: 0.10.2.dev20260603
libtpu: 0.0.44.dev20260713+nightly
codegen_flags: <defaults>
</compile_context>

<pallas_src>
import functools

import jax
import jax.numpy as jnp
from jax import lax
from jax.experimental import pallas as pl
from jax.experimental.pallas import tpu as pltpu
from jax.experimental.pallas import tpu_sc as plsc

N = 10000
D = 256
E = 160000
NREL = 4
NSUB = 16
NCORE = 2
HALF = D // 2
CH = 128
NCHUNK = E // CH
_CPS = NCHUNK // NSUB
_CEXTRA = NCHUNK - _CPS * NSUB
RPW = (N // NSUB) // 8 * 8
RTAIL = N - RPW * NSUB

_MESH = plsc.VectorSubcoreMesh(core_axis_name="c", subcore_axis_name="s")


def _chunk_range(s):
    cnt = jnp.where(s < _CEXTRA, _CPS + 1, _CPS)
    start = jnp.where(s < _CEXTRA, (_CPS + 1) * s,
                      (_CPS + 1) * _CEXTRA + _CPS * (s - _CEXTRA))
    return start, cnt


def _deg_body(dst_hbm, ones_hbm, zeros_hbm, out_hbm, acc_sh, ones_v, idx_v):
    c = lax.axis_index("c")
    s = lax.axis_index("s")
    row0 = s * RPW
    pltpu.sync_copy(ones_hbm, ones_v)
    cstart, ccnt = _chunk_range(s)
    for rr in range(2):
        r = c * 2 + rr
        pltpu.sync_copy(zeros_hbm.at[pl.ds(row0, RPW)], acc_sh.at[pl.ds(row0, RPW)])

        @pl.when(s == NSUB - 1)
        def _():
            pltpu.sync_copy(zeros_hbm.at[pl.ds(N - RTAIL, RTAIL)],
                            acc_sh.at[pl.ds(N - RTAIL, RTAIL)])

        plsc.subcore_barrier()

        def body(j, _):
            base = r * E + (cstart + j) * CH
            pltpu.sync_copy(dst_hbm.at[pl.ds(base, CH)], idx_v)
            pltpu.sync_copy(ones_v, acc_sh.at[idx_v], add=True)
            return 0

        lax.fori_loop(0, ccnt, body, 0)
        plsc.subcore_barrier()
        pltpu.sync_copy(acc_sh.at[pl.ds(row0, RPW)], out_hbm.at[r, pl.ds(row0, RPW)])

        @pl.when(s == NSUB - 1)
        def _():
            pltpu.sync_copy(acc_sh.at[pl.ds(N - RTAIL, RTAIL)],
                            out_hbm.at[r, pl.ds(N - RTAIL, RTAIL)])

        plsc.subcore_barrier()


_deg_call = pl.kernel(
    _deg_body,
    out_type=jax.ShapeDtypeStruct((NREL, N, 16), jnp.float32),
    mesh=_MESH,
    scratch_types=[
        pltpu.VMEM_SHARED((N, 16), jnp.float32),
        pltpu.VMEM((CH, 16), jnp.float32),
        pltpu.VMEM((CH,), jnp.int32),
    ],
)


def _spmm_body(g_hbm, src_hbm, dst_hbm, zeros_hbm, out_hbm,
               acc_sh, rows_v, sidx_v, didx_v, sem):
    c = lax.axis_index("c")
    s = lax.axis_index("s")
    row0 = s * RPW
    cstart, ccnt = _chunk_range(s)
    for r in range(NREL):
        pltpu.sync_copy(zeros_hbm.at[pl.ds(row0, RPW)], acc_sh.at[pl.ds(row0, RPW)])

        @pl.when(s == NSUB - 1)
        def _():
            pltpu.sync_copy(zeros_hbm.at[pl.ds(N - RTAIL, RTAIL)],
                            acc_sh.at[pl.ds(N - RTAIL, RTAIL)])

        plsc.subcore_barrier()

        def body(j, _):
            base = r * E + (cstart + j) * CH
            pltpu.sync_copy(src_hbm.at[pl.ds(base, CH)], sidx_v)
            pltpu.sync_copy(dst_hbm.at[pl.ds(base, CH)], didx_v)
            pltpu.async_copy(g_hbm.at[c, r].at[sidx_v], rows_v, sem).wait()
            pltpu.sync_copy(rows_v, acc_sh.at[didx_v], add=True)
            return 0

        lax.fori_loop(0, ccnt, body, 0)
        plsc.subcore_barrier()
        pltpu.sync_copy(acc_sh.at[pl.ds(row0, RPW)], out_hbm.at[c, r, pl.ds(row0, RPW)])

        @pl.when(s == NSUB - 1)
        def _():
            pltpu.sync_copy(acc_sh.at[pl.ds(N - RTAIL, RTAIL)],
                            out_hbm.at[c, r, pl.ds(N - RTAIL, RTAIL)])

        plsc.subcore_barrier()


_spmm_call = pl.kernel(
    _spmm_body,
    out_type=jax.ShapeDtypeStruct((NCORE, NREL, N, HALF), jnp.float32),
    mesh=_MESH,
    scratch_types=[
        pltpu.VMEM_SHARED((N, HALF), jnp.float32),
        pltpu.VMEM((CH, HALF), jnp.float32),
        pltpu.VMEM((CH,), jnp.int32),
        pltpu.VMEM((CH,), jnp.int32),
        pltpu.SemaphoreType.DMA,
    ],
)


def kernel(features, n_r, n_edge_index, poi_r, poi_edge_index, s_r, s_edge_index,
           d_r, d_edge_index,
           gcn_W0, gcn_b0, rel_W0, rel_b0,
           gcn_W1, gcn_b1, rel_W1, rel_b1,
           gcn_W2, gcn_b2, rel_W2, rel_b2,
           bn_g0, bn_b0, bn_g1, bn_b1,
           attn_Wqkv, attn_bqkv, attn_Wo, attn_bo,
           alpha_n, alpha_poi, alpha_s, alpha_d,
           fus_q, fus_W, fus_b):
    src_all = jnp.stack([n_edge_index[0], poi_edge_index[0], s_edge_index[0],
                         d_edge_index[0]]).reshape(NREL * E)
    dst_all = jnp.stack([n_edge_index[1], poi_edge_index[1], s_edge_index[1],
                         d_edge_index[1]]).reshape(NREL * E)
    ones16 = jnp.ones((CH, 16), jnp.float32)
    zeros16 = jnp.zeros((N, 16), jnp.float32)
    zeros128 = jnp.zeros((N, HALF), jnp.float32)

    deg16 = _deg_call(dst_all, ones16, zeros16)
    deg = deg16[:, :, 0] + 1.0
    dinv = lax.rsqrt(deg)

    emb = jnp.broadcast_to(features, (NREL, N, D))
    rels = jnp.stack([n_r, poi_r, s_r, d_r])
    Ws = [gcn_W0, gcn_W1, gcn_W2]
    bs = [gcn_b0, gcn_b1, gcn_b2]
    rWs = [rel_W0, rel_W1, rel_W2]
    rbs = [rel_b0, rel_b1, rel_b2]
    bng = [bn_g0, bn_g1]
    bnb = [bn_b0, bn_b1]

    for i in range(3):
        x = emb * rels[:, None, :]
        h = jnp.einsum('rnd,ed->rne', x, Ws[i], preferred_element_type=jnp.float32)
        g = h * dinv[:, :, None]
        g2 = jnp.stack([g[..., :HALF], g[..., HALF:]])
        acc2 = _spmm_call(g2, src_all, dst_all, zeros128)
        acc = jnp.concatenate([acc2[0], acc2[1]], axis=-1)
        msg = (acc + g) * dinv[:, :, None] + bs[i]
        if i < 2:
            mu = msg.mean(axis=1, keepdims=True)
            var = msg.var(axis=1, keepdims=True)
            bn = (msg - mu) / jnp.sqrt(var + 1e-5) * bng[i] + bnb[i]
            emb = emb + jnp.where(bn >= 0, bn, 0.01 * bn)
            rels = rels @ rWs[i].T + rbs[i]
        else:
            emb = msg

    qkv = jnp.einsum('rnd,ed->rne', emb, attn_Wqkv, preferred_element_type=jnp.float32) + attn_bqkv
    q, k, v = jnp.split(qkv, 3, axis=-1)
    nh, hd = 4, D // 4

    def rs(t):
        return t.reshape(NREL, N * nh, hd).transpose(1, 0, 2)
    qh, kh, vh = rs(q), rs(k), rs(v)
    a = jax.nn.softmax(jnp.einsum('bld,bmd->blm', qh, kh) / jnp.sqrt(float(hd)), axis=-1)
    o = jnp.einsum('blm,bmd->bld', a, vh).transpose(1, 0, 2).reshape(NREL, N, D)
    fusion = jnp.einsum('rnd,ed->rne', o, attn_Wo, preferred_element_type=jnp.float32) + attn_bo

    alphas = jnp.stack([alpha_n, alpha_poi, alpha_s, alpha_d])
    f = fusion * alphas[:, None, None] + (1.0 - alphas[:, None, None]) * emb
    z = jnp.einsum('rnd,ed->rne', f, fus_W, preferred_element_type=jnp.float32) + fus_b
    z = jnp.where(z >= 0, z, 0.01 * z)
    wsum = jnp.mean(jnp.sum(z * fus_q, axis=2), axis=1)
    w = jax.nn.softmax(wsum)
    return jnp.einsum('r,rnd->nd', w, f)

# --- scband reference (transcript-rebuilt; emitter-appended) ---
"""Pipeline reference for scband-eupac-80796924772919 (READ-ONLY COPY).

The authoritative reference and input builder live on the scoring server;
editing this copy changes nothing except your own understanding.
"""

import jax, jax.numpy as jnp
import numpy as np

N = 10000
D = 256
E = 160000
GCN_LAYERS = 3
NUM_HEADS = 4
REL = ['n', 'poi', 's', 'd']

def gcn_conv(x, W, b, src, dst, n):
    loop = jnp.arange(n, dtype=src.dtype)
    s = jnp.concatenate([src, loop])
    d = jnp.concatenate([dst, loop])
    h = x @ W.T
    deg = jax.ops.segment_sum(jnp.ones(d.shape[0], dtype=h.dtype), d, num_segments=n)
    dinv = jnp.where(deg > 0, 1.0 / jnp.sqrt(deg), 0.0)
    norm = dinv[s] * dinv[d]
    out = jax.ops.segment_sum(h[s] * norm[:, None], d, num_segments=n)
    return out + b

def batchnorm(x, gamma, beta):
    mu = jnp.mean(x, axis=0)
    var = jnp.var(x, axis=0)
    return (x - mu) / jnp.sqrt(var + 1e-5) * gamma + beta

def mha(x, Wqkv, bqkv, Wo, bo, nh):
    L, B, Em = x.shape
    qkv = x @ Wqkv.T + bqkv
    q, k, v = jnp.split(qkv, 3, axis=-1)
    hd = Em // nh
    def rs(t):
        return t.reshape(L, B * nh, hd).transpose(1, 0, 2)
    q, k, v = rs(q), rs(k), rs(v)
    a = jax.nn.softmax((q @ k.transpose(0, 2, 1)) / jnp.sqrt(float(hd)), axis=-1)
    o = (a @ v).transpose(1, 0, 2).reshape(L, B, Em)
    return o @ Wo.T + bo

def setup_inputs(seed: int = 0):
    key = jax.random.key(seed)
    ks = jax.random.split(key, 64)
    inp = {}
    inp['features'] = jax.random.normal(ks[0], (N, D), dtype=jnp.float32)
    for i, r in enumerate(REL):
        inp[r + '_r'] = jax.random.normal(ks[1 + i], (D,), dtype=jnp.float32)
        inp[r + '_edge_index'] = jax.random.randint(ks[5 + i], (2, E), 0, N, dtype=jnp.int32)
    sc = 1.0 / np.sqrt(D)
    for i in range(GCN_LAYERS):
        inp['gcn_W%d' % i] = jax.random.uniform(ks[9 + i], (D, D), minval=-sc, maxval=sc, dtype=jnp.float32)
        inp['gcn_b%d' % i] = jnp.zeros((D,), dtype=jnp.float32)
        inp['rel_W%d' % i] = jax.random.uniform(ks[13 + i], (D, D), minval=-sc, maxval=sc, dtype=jnp.float32)
        inp['rel_b%d' % i] = jnp.zeros((D,), dtype=jnp.float32)
    for i in range(GCN_LAYERS - 1):
        inp['bn_g%d' % i] = jnp.ones((D,), dtype=jnp.float32)
        inp['bn_b%d' % i] = jnp.zeros((D,), dtype=jnp.float32)
    inp['attn_Wqkv'] = jax.random.uniform(ks[20], (3 * D, D), minval=-sc, maxval=sc, dtype=jnp.float32)
    inp['attn_bqkv'] = jnp.zeros((3 * D,), dtype=jnp.float32)
    inp['attn_Wo'] = jax.random.uniform(ks[21], (D, D), minval=-sc, maxval=sc, dtype=jnp.float32)
    inp['attn_bo'] = jnp.zeros((D,), dtype=jnp.float32)
    for r in REL:
        inp['alpha_' + r] = jnp.asarray(0.8, dtype=jnp.float32)
    inp['fus_q'] = jax.random.normal(ks[22], (D,), dtype=jnp.float32)
    inp['fus_W'] = jax.random.uniform(ks[23], (D, D), minval=-sc, maxval=sc, dtype=jnp.float32)
    inp['fus_b'] = jnp.zeros((D,), dtype=jnp.float32)
    return inp

def forward(p):
    embs = {r: p['features'] for r in REL}
    rels = {r: p[r + '_r'] for r in REL}
    ei = {r: p[r + '_edge_index'] for r in REL}
    for i in range(GCN_LAYERS - 1):
        for r in REL:
            h = gcn_conv(embs[r] * rels[r], p['gcn_W%d' % i], p['gcn_b%d' % i], ei[r][0], ei[r][1], N)
            embs[r] = embs[r] + jax.nn.leaky_relu(batchnorm(h, p['bn_g%d' % i], p['bn_b%d' % i]))
            rels[r] = rels[r] @ p['rel_W%d' % i].T + p['rel_b%d' % i]
    i = GCN_LAYERS - 1
    for r in REL:
        embs[r] = gcn_conv(embs[r] * rels[r], p['gcn_W%d' % i], p['gcn_b%d' % i], ei[r][0], ei[r][1], N)
    stk = jnp.stack((embs['n'], embs['poi'], embs['d'], embs['s']))
    fusion = mha(stk, p['attn_Wqkv'], p['attn_bqkv'], p['attn_Wo'], p['attn_bo'], NUM_HEADS)
    n_f = fusion[0] * p['alpha_n'] + (1.0 - p['alpha_n']) * embs['n']
    poi_f = fusion[1] * p['alpha_poi'] + (1.0 - p['alpha_poi']) * embs['poi']
    d_f = fusion[2] * p['alpha_d'] + (1.0 - p['alpha_d']) * embs['d']
    s_f = fusion[3] * p['alpha_s'] + (1.0 - p['alpha_s']) * embs['s']
    def w_of(f):
        return jnp.mean(jnp.sum(jax.nn.leaky_relu(f @ p['fus_W'].T + p['fus_b']) * p['fus_q'], axis=1))
    w = jax.nn.softmax(jnp.stack((w_of(n_f), w_of(poi_f), w_of(s_f), w_of(d_f))))
    return w[0] * n_f + w[1] * poi_f + w[2] * s_f + w[3] * d_f

def reference(features, n_r, n_edge_index, poi_r, poi_edge_index, s_r, s_edge_index,
              d_r, d_edge_index,
              gcn_W0, gcn_b0, rel_W0, rel_b0,
              gcn_W1, gcn_b1, rel_W1, rel_b1,
              gcn_W2, gcn_b2, rel_W2, rel_b2,
              bn_g0, bn_b0, bn_g1, bn_b1,
              attn_Wqkv, attn_bqkv, attn_Wo, attn_bo,
              alpha_n, alpha_poi, alpha_s, alpha_d,
              fus_q, fus_W, fus_b):
    return forward(dict(locals()))

if __name__ == "__main__":
    import jax
    _d = setup_inputs()
    print(jax.jit(kernel)(*tuple(_d.values())))

</pallas_src>

<mosaic_0001>
#map = affine_map<(d0, d1) -> (0, 0, 0, 0)>
#map1 = affine_map<(d0, d1) -> (0)>
#map2 = affine_map<(d0, d1) -> (0, 0)>
module attributes {stable_mosaic.version = 14 : i64} {
  func.func @_spmm_body(%arg0: i32, %arg1: i32, %arg2: memref<2x4x10000x128xf32, #tpu.memory_space<hbm>>, %arg3: memref<640000xi32, #tpu.memory_space<hbm>>, %arg4: memref<640000xi32, #tpu.memory_space<hbm>>, %arg5: memref<10000x128xf32, #tpu.memory_space<hbm>>, %arg6: memref<2x4x10000x128xf32, #tpu.memory_space<hbm>>, %arg7: memref<10000x128xf32, #tpu.memory_space<vmem_shared>>, %arg8: memref<128x128xf32, #tpu.memory_space<vmem>>, %arg9: memref<128xi32, #tpu.memory_space<vmem>>, %arg10: memref<128xi32, #tpu.memory_space<vmem>>, %arg11: memref<!tpu.dma_semaphore, #tpu.memory_space<semaphore_mem>>) attributes {dimension_semantics = [#tpu.dimension_semantics<core_parallel>, #tpu.dimension_semantics<subcore_parallel>], iteration_bounds = array<i64: 2, 16>, scalar_prefetch = 0 : i64, scratch_operands = 5 : i64, tpu.core_type = #tpu.core_type<sc_vector_subcore>, window_params = [{transform_indices = #map}, {transform_indices = #map1}, {transform_indices = #map1}, {transform_indices = #map2}, {transform_indices = #map}]} {
    %mul3A = arith.constant 624 : i32
    %mul3A_0 = arith.muli %arg1, %mul3A : i32
    %lt3A = arith.constant 2 : i32
    %lt3A_1 = arith.cmpi slt, %arg1, %lt3A : i32
    %jit3A = arith.constant 79 : i32
    %jit3A_2 = arith.constant 78 : i32
    %select_n3A = arith.select %lt3A_1, %jit3A, %jit3A_2 : i32
    %lt3A_3 = arith.constant 2 : i32
    %lt3A_4 = arith.cmpi slt, %arg1, %lt3A_3 : i32
    %mul3A_5 = arith.constant 79 : i32
    %mul3A_6 = arith.muli %mul3A_5, %arg1 : i32
    %sub3A = arith.constant 2 : i32
    %sub3A_7 = arith.subi %arg1, %sub3A : i32
    %mul3A_8 = arith.constant 78 : i32
    %mul3A_9 = arith.muli %mul3A_8, %sub3A_7 : i32
    %add3A = arith.constant 158 : i32
    %add3A_10 = arith.addi %add3A, %mul3A_9 : i32
    %select_n3A_11 = arith.select %lt3A_4, %mul3A_6, %add3A_10 : i32
    "tpu.region"() ({
      %run_scoped3A_110 = tpu.sem_alloc : memref<!tpu.dma_semaphore, #tpu.memory_space<semaphore_mem>>
      %dma_start3A = arith.constant 0 : i32
      %dma_start3A_111 = tpu.memref_slice %arg7[%mul3A_0, %dma_start3A] : memref<10000x128xf32, #tpu.memory_space<vmem_shared>> -> memref<624x128xf32, #tpu.memory_space<vmem_shared>>
      %dma_start3A_112 = arith.constant 0 : i32
      %dma_start3A_113 = tpu.memref_slice %arg5[%mul3A_0, %dma_start3A_112] : memref<10000x128xf32, #tpu.memory_space<hbm>> -> memref<624x128xf32, #tpu.memory_space<hbm>>
      tpu.enqueue_dma source(%dma_start3A_113 : memref<624x128xf32, #tpu.memory_space<hbm>>) target(%dma_start3A_111 : memref<624x128xf32, #tpu.memory_space<vmem_shared>>) target_semaphore(%run_scoped3A_110 : memref<!tpu.dma_semaphore, #tpu.memory_space<semaphore_mem>>)
      %dma_wait3A = arith.constant 0 : i32
      %dma_wait3A_114 = tpu.memref_slice %arg7[%mul3A_0, %dma_wait3A] : memref<10000x128xf32, #tpu.memory_space<vmem_shared>> -> memref<624x128xf32, #tpu.memory_space<vmem_shared>>
      %dma_wait3A_115 = arith.constant 0 : i32
      %dma_wait3A_116 = tpu.memref_slice %arg5[%mul3A_0, %dma_wait3A_115] : memref<10000x128xf32, #tpu.memory_space<hbm>> -> memref<624x128xf32, #tpu.memory_space<hbm>>
      tpu.wait_dma2 semaphore(%run_scoped3A_110 : memref<!tpu.dma_semaphore, #tpu.memory_space<semaphore_mem>>) src(%dma_wait3A_116 : memref<624x128xf32, #tpu.memory_space<hbm>>) dst(%dma_wait3A_114 : memref<624x128xf32, #tpu.memory_space<vmem_shared>>)
      tpu.yield
    }) : () -> ()
    %eq3A = arith.constant 15 : i32
    %eq3A_12 = arith.cmpi eq, %arg1, %eq3A : i32
    %convert_element_type3A = arith.extui %eq3A_12 : i1 to i32
    %cond3A = arith.constant 0 : i32
    %cond3A_13 = arith.cmpi ne, %convert_element_type3A, %cond3A : i32
    scf.if %cond3A_13 {
      "tpu.region"() ({
        %run_scoped3A_110 = tpu.sem_alloc : memref<!tpu.dma_semaphore, #tpu.memory_space<semaphore_mem>>
        %dma_start3A = arith.constant 9984 : i32
        %dma_start3A_111 = arith.constant 0 : i32
        %dma_start3A_112 = tpu.memref_slice %arg7[%dma_start3A, %dma_start3A_111] : memref<10000x128xf32, #tpu.memory_space<vmem_shared>> -> memref<16x128xf32, #tpu.memory_space<vmem_shared>>
        %dma_start3A_113 = arith.constant 9984 : i32
        %dma_start3A_114 = arith.constant 0 : i32
        %dma_start3A_115 = tpu.memref_slice %arg5[%dma_start3A_113, %dma_start3A_114] : memref<10000x128xf32, #tpu.memory_space<hbm>> -> memref<16x128xf32, #tpu.memory_space<hbm>>
        tpu.enqueue_dma source(%dma_start3A_115 : memref<16x128xf32, #tpu.memory_space<hbm>>) target(%dma_start3A_112 : memref<16x128xf32, #tpu.memory_space<vmem_shared>>) target_semaphore(%run_scoped3A_110 : memref<!tpu.dma_semaphore, #tpu.memory_space<semaphore_mem>>)
        %dma_wait3A = arith.constant 9984 : i32
        %dma_wait3A_116 = arith.constant 0 : i32
        %dma_wait3A_117 = tpu.memref_slice %arg7[%dma_wait3A, %dma_wait3A_116] : memref<10000x128xf32, #tpu.memory_space<vmem_shared>> -> memref<16x128xf32, #tpu.memory_space<vmem_shared>>
        %dma_wait3A_118 = arith.constant 9984 : i32
        %dma_wait3A_119 = arith.constant 0 : i32
        %dma_wait3A_120 = tpu.memref_slice %arg5[%dma_wait3A_118, %dma_wait3A_119] : memref<10000x128xf32, #tpu.memory_space<hbm>> -> memref<16x128xf32, #tpu.memory_space<hbm>>
        tpu.wait_dma2 semaphore(%run_scoped3A_110 : memref<!tpu.dma_semaphore, #tpu.memory_space<semaphore_mem>>) src(%dma_wait3A_120 : memref<16x128xf32, #tpu.memory_space<hbm>>) dst(%dma_wait3A_117 : memref<16x128xf32, #tpu.memory_space<vmem_shared>>)
        tpu.yield
      }) : () -> ()
    } else {
    }
    %barrier3A = arith.constant 0 : index
    tpu.barrier barrier_id(%barrier3A)
    %while3A = arith.constant 0 : i32
    %while3A_14 = arith.constant 0 : i32
    %while3A_15 = arith.subi %select_n3A, %while3A : i32
    %while3A_16 = arith.addi %while3A, %while3A_15 : i32
    %while3A_17 = arith.constant 1 : i32
    %while3A_18 = arith.divsi %while3A_15, %while3A_17 : i32
    %while3A_19 = arith.muli %while3A_18, %while3A_17 : i32
    %while3A_20 = arith.addi %while3A, %while3A_19 : i32
    %while3A_21 = arith.constant 1 : i32
    %while3A_22 = scf.for %while3A_110 = %while3A to %while3A_20 step %while3A_21 iter_args(%while3A_111 = %while3A_14) -> (i32)  : i32 {
      %add3A_112 = arith.addi %select_n3A_11, %while3A_110 : i32
      %mul3A_113 = arith.constant 128 : i32
      %mul3A_114 = arith.muli %add3A_112, %mul3A_113 : i32
      %add3A_115 = arith.constant 0 : i32
      %add3A_116 = arith.addi %add3A_115, %mul3A_114 : i32
      "tpu.region"() ({
        %run_scoped3A_132 = tpu.sem_alloc : memref<!tpu.dma_semaphore, #tpu.memory_space<semaphore_mem>>
        %dma_start3A_133 = tpu.memref_slice %arg3[%add3A_116] : memref<640000xi32, #tpu.memory_space<hbm>> -> memref<128xi32, #tpu.memory_space<hbm>>
        %dma_start3A_134 = tpu.memref_slice %arg3[%add3A_116] : memref<640000xi32, #tpu.memory_space<hbm>> -> memref<128xi32, #tpu.memory_space<hbm>>
        tpu.enqueue_dma source(%dma_start3A_134 : memref<128xi32, #tpu.memory_space<hbm>>) target(%arg9 : memref<128xi32, #tpu.memory_space<vmem>>) target_semaphore(%run_scoped3A_132 : memref<!tpu.dma_semaphore, #tpu.memory_space<semaphore_mem>>)
        %dma_wait3A_135 = tpu.memref_slice %arg3[%add3A_116] : memref<640000xi32, #tpu.memory_space<hbm>> -> memref<128xi32, #tpu.memory_space<hbm>>
        %dma_wait3A_136 = tpu.memref_slice %arg3[%add3A_116] : memref<640000xi32, #tpu.memory_space<hbm>> -> memref<128xi32, #tpu.memory_space<hbm>>
        tpu.wait_dma2 semaphore(%run_scoped3A_132 : memref<!tpu.dma_semaphore, #tpu.memory_space<semaphore_mem>>) src(%dma_wait3A_136 : memref<128xi32, #tpu.memory_space<hbm>>) dst(%arg9 : memref<128xi32, #tpu.memory_space<vmem>>)
        tpu.yield
      }) : () -> ()
      "tpu.region"() ({
        %run_scoped3A_132 = tpu.sem_alloc : memref<!tpu.dma_semaphore, #tpu.memory_space<semaphore_mem>>
        %dma_start3A_133 = tpu.memref_slice %arg4[%add3A_116] : memref<640000xi32, #tpu.memory_space<hbm>> -> memref<128xi32, #tpu.memory_space<hbm>>
        %dma_start3A_134 = tpu.memref_slice %arg4[%add3A_116] : memref<640000xi32, #tpu.memory_space<hbm>> -> memref<128xi32, #tpu.memory_space<hbm>>
        tpu.enqueue_dma source(%dma_start3A_134 : memref<128xi32, #tpu.memory_space<hbm>>) target(%arg10 : memref<128xi32, #tpu.memory_space<vmem>>) target_semaphore(%run_scoped3A_132 : memref<!tpu.dma_semaphore, #tpu.memory_space<semaphore_mem>>)
        %dma_wait3A_135 = tpu.memref_slice %arg4[%add3A_116] : memref<640000xi32, #tpu.memory_space<hbm>> -> memref<128xi32, #tpu.memory_space<hbm>>
        %dma_wait3A_136 = tpu.memref_slice %arg4[%add3A_116] : memref<640000xi32, #tpu.memory_space<hbm>> -> memref<128xi32, #tpu.memory_space<hbm>>
        tpu.wait_dma2 semaphore(%run_scoped3A_132 : memref<!tpu.dma_semaphore, #tpu.memory_space<semaphore_mem>>) src(%dma_wait3A_136 : memref<128xi32, #tpu.memory_space<hbm>>) dst(%arg10 : memref<128xi32, #tpu.memory_space<vmem>>)
        tpu.yield
      }) : () -> ()
      %dma_start3A = arith.constant 0 : i32
      %dma_start3A_117 = arith.constant 0 : i32
      %dma_start3A_118 = arith.constant 0 : i32
      %dma_start3A_119 = tpu.memref_slice %arg2[%arg0, %dma_start3A, %dma_start3A_117, %dma_start3A_118] : memref<2x4x10000x128xf32, #tpu.memory_space<hbm>> -> memref<1x1x10000x128xf32, #tpu.memory_space<hbm>>
      %dma_start3A_120 = tpu.memref_squeeze %dma_start3A_119 : memref<1x1x10000x128xf32, #tpu.memory_space<hbm>> -> memref<10000x128xf32, #tpu.memory_space<hbm>>
      %dma_start3A_121 = arith.constant 0 : i32
      %dma_start3A_122 = arith.constant 0 : i32
      %dma_start3A_123 = tpu.memref_slice %dma_start3A_120[%dma_start3A_121, %dma_start3A_122] : memref<10000x128xf32, #tpu.memory_space<hbm>> -> memref<10000x128xf32, #tpu.memory_space<hbm>>
      tpu.enqueue_indirect_dma source(%dma_start3A_123 : memref<10000x128xf32, #tpu.memory_space<hbm>>) target(%arg8 : memref<128x128xf32, #tpu.memory_space<vmem>>) offsets(%arg9 : memref<128xi32, #tpu.memory_space<vmem>>) semaphore(%arg11 : memref<!tpu.dma_semaphore, #tpu.memory_space<semaphore_mem>>)
      %dma_wait3A = arith.constant 0 : i32
      %dma_wait3A_124 = arith.constant 0 : i32
      %dma_wait3A_125 = arith.constant 0 : i32
      %dma_wait3A_126 = tpu.memref_slice %arg2[%arg0, %dma_wait3A, %dma_wait3A_124, %dma_wait3A_125] : memref<2x4x10000x128xf32, #tpu.memory_space<hbm>> -> memref<1x1x10000x128xf32, #tpu.memory_space<hbm>>
      %dma_wait3A_127 = tpu.memref_squeeze %dma_wait3A_126 : memref<1x1x10000x128xf32, #tpu.memory_space<hbm>> -> memref<10000x128xf32, #tpu.memory_space<hbm>>
      %dma_wait3A_128 = arith.constant 0 : i32
      %dma_wait3A_129 = arith.constant 0 : i32
      %dma_wait3A_130 = tpu.memref_slice %dma_wait3A_127[%dma_wait3A_128, %dma_wait3A_129] : memref<10000x128xf32, #tpu.memory_space<hbm>> -> memref<10000x128xf32, #tpu.memory_space<hbm>>
      tpu.wait_indirect_dma semaphore(%arg11 : memref<!tpu.dma_semaphore, #tpu.memory_space<semaphore_mem>>) src(%dma_wait3A_130 : memref<10000x128xf32, #tpu.memory_space<hbm>>) dst(%arg8 : memref<128x128xf32, #tpu.memory_space<vmem>>)
      "tpu.region"() ({
        %run_scoped3A_132 = tpu.sem_alloc : memref<!tpu.dma_semaphore, #tpu.memory_space<semaphore_mem>>
        %dma_start3A_133 = arith.constant 0 : i32
        %dma_start3A_134 = arith.constant 0 : i32
        %dma_start3A_135 = tpu.memref_slice %arg7[%dma_start3A_133, %dma_start3A_134] : memref<10000x128xf32, #tpu.memory_space<vmem_shared>> -> memref<10000x128xf32, #tpu.memory_space<vmem_shared>>
        tpu.enqueue_indirect_dma source(%arg8 : memref<128x128xf32, #tpu.memory_space<vmem>>) target(%dma_start3A_135 : memref<10000x128xf32, #tpu.memory_space<vmem_shared>>) offsets(%arg10 : memref<128xi32, #tpu.memory_space<vmem>>) semaphore(%run_scoped3A_132 : memref<!tpu.dma_semaphore, #tpu.memory_space<semaphore_mem>>) {add = true}
        %dma_wait3A_136 = arith.constant 0 : i32
        %dma_wait3A_137 = arith.constant 0 : i32
        %dma_wait3A_138 = tpu.memref_slice %arg7[%dma_wait3A_136, %dma_wait3A_137] : memref<10000x128xf32, #tpu.memory_space<vmem_shared>> -> memref<10000x128xf32, #tpu.memory_space<vmem_shared>>
        tpu.wait_indirect_dma semaphore(%run_scoped3A_132 : memref<!tpu.dma_semaphore, #tpu.memory_space<semaphore_mem>>) src(%arg8 : memref<128x128xf32, #tpu.memory_space<vmem>>) dst(%dma_wait3A_138 : memref<10000x128xf32, #tpu.memory_space<vmem_shared>>)
        tpu.yield
      }) : () -> ()
      %while3A_131 = arith.constant 0 : i32
      scf.yield %while3A_131 : i32
    }
    %while3A_23 = arith.constant 1 : i32
    %while3A_24 = scf.for %while3A_110 = %while3A_20 to %while3A_16 step %while3A_23 iter_args(%while3A_111 = %while3A_22) -> (i32)  : i32 {
      %add3A_112 = arith.addi %select_n3A_11, %while3A_110 : i32
      %mul3A_113 = arith.constant 128 : i32
      %mul3A_114 = arith.muli %add3A_112, %mul3A_113 : i32
      %add3A_115 = arith.constant 0 : i32
      %add3A_116 = arith.addi %add3A_115, %mul3A_114 : i32
      "tpu.region"() ({
        %run_scoped3A_132 = tpu.sem_alloc : memref<!tpu.dma_semaphore, #tpu.memory_space<semaphore_mem>>
        %dma_start3A_133 = tpu.memref_slice %arg3[%add3A_116] : memref<640000xi32, #tpu.memory_space<hbm>> -> memref<128xi32, #tpu.memory_space<hbm>>
        %dma_start3A_134 = tpu.memref_slice %arg3[%add3A_116] : memref<640000xi32, #tpu.memory_space<hbm>> -> memref<128xi32, #tpu.memory_space<hbm>>
        tpu.enqueue_dma source(%dma_start3A_134 : memref<128xi32, #tpu.memory_space<hbm>>) target(%arg9 : memref<128xi32, #tpu.memory_space<vmem>>) target_semaphore(%run_scoped3A_132 : memref<!tpu.dma_semaphore, #tpu.memory_space<semaphore_mem>>)
        %dma_wait3A_135 = tpu.memref_slice %arg3[%add3A_116] : memref<640000xi32, #tpu.memory_space<hbm>> -> memref<128xi32, #tpu.memory_space<hbm>>
        %dma_wait3A_136 = tpu.memref_slice %arg3[%add3A_116] : memref<640000xi32, #tpu.memory_space<hbm>> -> memref<128xi32, #tpu.memory_space<hbm>>
        tpu.wait_dma2 semaphore(%run_scoped3A_132 : memref<!tpu.dma_semaphore, #tpu.memory_space<semaphore_mem>>) src(%dma_wait3A_136 : memref<128xi32, #tpu.memory_space<hbm>>) dst(%arg9 : memref<128xi32, #tpu.memory_space<vmem>>)
        tpu.yield
      }) : () -> ()
      "tpu.region"() ({
        %run_scoped3A_132 = tpu.sem_alloc : memref<!tpu.dma_semaphore, #tpu.memory_space<semaphore_mem>>
        %dma_start3A_133 = tpu.memref_slice %arg4[%add3A_116] : memref<640000xi32, #tpu.memory_space<hbm>> -> memref<128xi32, #tpu.memory_space<hbm>>
        %dma_start3A_134 = tpu.memref_slice %arg4[%add3A_116] : memref<640000xi32, #tpu.memory_space<hbm>> -> memref<128xi32, #tpu.memory_space<hbm>>
        tpu.enqueue_dma source(%dma_start3A_134 : memref<128xi32, #tpu.memory_space<hbm>>) target(%arg10 : memref<128xi32, #tpu.memory_space<vmem>>) target_semaphore(%run_scoped3A_132 : memref<!tpu.dma_semaphore, #tpu.memory_space<semaphore_mem>>)
        %dma_wait3A_135 = tpu.memref_slice %arg4[%add3A_116] : memref<640000xi32, #tpu.memory_space<hbm>> -> memref<128xi32, #tpu.memory_space<hbm>>
        %dma_wait3A_136 = tpu.memref_slice %arg4[%add3A_116] : memref<640000xi32, #tpu.memory_space<hbm>> -> memref<128xi32, #tpu.memory_space<hbm>>
        tpu.wait_dma2 semaphore(%run_scoped3A_132 : memref<!tpu.dma_semaphore, #tpu.memory_space<semaphore_mem>>) src(%dma_wait3A_136 : memref<128xi32, #tpu.memory_space<hbm>>) dst(%arg10 : memref<128xi32, #tpu.memory_space<vmem>>)
        tpu.yield
      }) : () -> ()
      %dma_start3A = arith.constant 0 : i32
      %dma_start3A_117 = arith.constant 0 : i32
      %dma_start3A_118 = arith.constant 0 : i32
      %dma_start3A_119 = tpu.memref_slice %arg2[%arg0, %dma_start3A, %dma_start3A_117, %dma_start3A_118] : memref<2x4x10000x128xf32, #tpu.memory_space<hbm>> -> memref<1x1x10000x128xf32, #tpu.memory_space<hbm>>
      %dma_start3A_120 = tpu.memref_squeeze %dma_start3A_119 : memref<1x1x10000x128xf32, #tpu.memory_space<hbm>> -> memref<10000x128xf32, #tpu.memory_space<hbm>>
      %dma_start3A_121 = arith.constant 0 : i32
      %dma_start3A_122 = arith.constant 0 : i32
      %dma_start3A_123 = tpu.memref_slice %dma_start3A_120[%dma_start3A_121, %dma_start3A_122] : memref<10000x128xf32, #tpu.memory_space<hbm>> -> memref<10000x128xf32, #tpu.memory_space<hbm>>
      tpu.enqueue_indirect_dma source(%dma_start3A_123 : memref<10000x128xf32, #tpu.memory_space<hbm>>) target(%arg8 : memref<128x128xf32, #tpu.memory_space<vmem>>) offsets(%arg9 : memref<128xi32, #tpu.memory_space<vmem>>) semaphore(%arg11 : memref<!tpu.dma_semaphore, #tpu.memory_space<semaphore_mem>>)
      %dma_wait3A = arith.constant 0 : i32
      %dma_wait3A_124 = arith.constant 0 : i32
      %dma_wait3A_125 = arith.constant 0 : i32
      %dma_wait3A_126 = tpu.memref_slice %arg2[%arg0, %dma_wait3A, %dma_wait3A_124, %dma_wait3A_125] : memref<2x4x10000x128xf32, #tpu.memory_space<hbm>> -> memref<1x1x10000x128xf32, #tpu.memory_space<hbm>>
      %dma_wait3A_127 = tpu.memref_squeeze %dma_wait3A_126 : memref<1x1x10000x128xf32, #tpu.memory_space<hbm>> -> memref<10000x128xf32, #tpu.memory_space<hbm>>
      %dma_wait3A_128 = arith.constant 0 : i32
      %dma_wait3A_129 = arith.constant 0 : i32
      %dma_wait3A_130 = tpu.memref_slice %dma_wait3A_127[%dma_wait3A_128, %dma_wait3A_129] : memref<10000x128xf32, #tpu.memory_space<hbm>> -> memref<10000x128xf32, #tpu.memory_space<hbm>>
      tpu.wait_indirect_dma semaphore(%arg11 : memref<!tpu.dma_semaphore, #tpu.memory_space<semaphore_mem>>) src(%dma_wait3A_130 : memref<10000x128xf32, #tpu.memory_space<hbm>>) dst(%arg8 : memref<128x128xf32, #tpu.memory_space<vmem>>)
      "tpu.region"() ({
        %run_scoped3A_132 = tpu.sem_alloc : memref<!tpu.dma_semaphore, #tpu.memory_space<semaphore_mem>>
        %dma_start3A_133 = arith.constant 0 : i32
        %dma_start3A_134 = arith.constant 0 : i32
        %dma_start3A_135 = tpu.memref_slice %arg7[%dma_start3A_133, %dma_start3A_134] : memref<10000x128xf32, #tpu.memory_space<vmem_shared>> -> memref<10000x128xf32, #tpu.memory_space<vmem_shared>>
        tpu.enqueue_indirect_dma source(%arg8 : memref<128x128xf32, #tpu.memory_space<vmem>>) target(%dma_start3A_135 : memref<10000x128xf32, #tpu.memory_space<vmem_shared>>) offsets(%arg10 : memref<128xi32, #tpu.memory_space<vmem>>) semaphore(%run_scoped3A_132 : memref<!tpu.dma_semaphore, #tpu.memory_space<semaphore_mem>>) {add = true}
        %dma_wait3A_136 = arith.constant 0 : i32
        %dma_wait3A_137 = arith.constant 0 : i32
        %dma_wait3A_138 = tpu.memref_slice %arg7[%dma_wait3A_136, %dma_wait3A_137] : memref<10000x128xf32, #tpu.memory_space<vmem_shared>> -> memref<10000x128xf32, #tpu.memory_space<vmem_shared>>
        tpu.wait_indirect_dma semaphore(%run_scoped3A_132 : memref<!tpu.dma_semaphore, #tpu.memory_space<semaphore_mem>>) src(%arg8 : memref<128x128xf32, #tpu.memory_space<vmem>>) dst(%dma_wait3A_138 : memref<10000x128xf32, #tpu.memory_space<vmem_shared>>)
        tpu.yield
      }) : () -> ()
      %while3A_131 = arith.constant 0 : i32
      scf.yield %while3A_131 : i32
    }
    %barrier3A_25 = arith.constant 0 : index
    tpu.barrier barrier_id(%barrier3A_25)
    %run_scoped3A = arith.constant 0 : i32
    "tpu.region"() ({
      %run_scoped3A_110 = tpu.sem_alloc : memref<!tpu.dma_semaphore, #tpu.memory_space<semaphore_mem>>
      %dma_start3A = arith.constant 0 : i32
      %dma_start3A_111 = tpu.memref_slice %arg6[%arg0, %run_scoped3A, %mul3A_0, %dma_start3A] : memref<2x4x10000x128xf32, #tpu.memory_space<hbm>> -> memref<1x1x624x128xf32, #tpu.memory_space<hbm>>
      %dma_start3A_112 = tpu.memref_squeeze %dma_start3A_111 : memref<1x1x624x128xf32, #tpu.memory_space<hbm>> -> memref<624x128xf32, #tpu.memory_space<hbm>>
      %dma_start3A_113 = arith.constant 0 : i32
      %dma_start3A_114 = tpu.memref_slice %arg7[%mul3A_0, %dma_start3A_113] : memref<10000x128xf32, #tpu.memory_space<vmem_shared>> -> memref<624x128xf32, #tpu.memory_space<vmem_shared>>
      tpu.enqueue_dma source(%dma_start3A_114 : memref<624x128xf32, #tpu.memory_space<vmem_shared>>) target(%dma_start3A_112 : memref<624x128xf32, #tpu.memory_space<hbm>>) target_semaphore(%run_scoped3A_110 : memref<!tpu.dma_semaphore, #tpu.memory_space<semaphore_mem>>)
      %dma_wait3A = arith.constant 0 : i32
      %dma_wait3A_115 = tpu.memref_slice %arg6[%arg0, %run_scoped3A, %mul3A_0, %dma_wait3A] : memref<2x4x10000x128xf32, #tpu.memory_space<hbm>> -> memref<1x1x624x128xf32, #tpu.memory_space<hbm>>
      %dma_wait3A_116 = tpu.memref_squeeze %dma_wait3A_115 : memref<1x1x624x128xf32, #tpu.memory_space<hbm>> -> memref<624x128xf32, #tpu.memory_space<hbm>>
      %dma_wait3A_117 = arith.constant 0 : i32
      %dma_wait3A_118 = tpu.memref_slice %arg7[%mul3A_0, %dma_wait3A_117] : memref<10000x128xf32, #tpu.memory_space<vmem_shared>> -> memref<624x128xf32, #tpu.memory_space<vmem_shared>>
      tpu.wait_dma2 semaphore(%run_scoped3A_110 : memref<!tpu.dma_semaphore, #tpu.memory_space<semaphore_mem>>) src(%dma_wait3A_118 : memref<624x128xf32, #tpu.memory_space<vmem_shared>>) dst(%dma_wait3A_116 : memref<624x128xf32, #tpu.memory_space<hbm>>)
      tpu.yield
    }) : () -> ()
    %eq3A_26 = arith.constant 15 : i32
    %eq3A_27 = arith.cmpi eq, %arg1, %eq3A_26 : i32
    %convert_element_type3A_28 = arith.extui %eq3A_27 : i1 to i32
    %cond3A_29 = arith.constant 0 : i32
    %cond3A_30 = arith.cmpi ne, %convert_element_type3A_28, %cond3A_29 : i32
    scf.if %cond3A_30 {
      %run_scoped3A_110 = arith.constant 0 : i32
      "tpu.region"() ({
        %run_scoped3A_111 = tpu.sem_alloc : memref<!tpu.dma_semaphore, #tpu.memory_space<semaphore_mem>>
        %dma_start3A = arith.constant 9984 : i32
        %dma_start3A_112 = arith.constant 0 : i32
        %dma_start3A_113 = tpu.memref_slice %arg6[%arg0, %run_scoped3A_110, %dma_start3A, %dma_start3A_112] : memref<2x4x10000x128xf32, #tpu.memory_space<hbm>> -> memref<1x1x16x128xf32, #tpu.memory_space<hbm>>
        %dma_start3A_114 = tpu.memref_squeeze %dma_start3A_113 : memref<1x1x16x128xf32, #tpu.memory_space<hbm>> -> memref<16x128xf32, #tpu.memory_space<hbm>>
        %dma_start3A_115 = arith.constant 9984 : i32
        %dma_start3A_116 = arith.constant 0 : i32
        %dma_start3A_117 = tpu.memref_slice %arg7[%dma_start3A_115, %dma_start3A_116] : memref<10000x128xf32, #tpu.memory_space<vmem_shared>> -> memref<16x128xf32, #tpu.memory_space<vmem_shared>>
        tpu.enqueue_dma source(%dma_start3A_117 : memref<16x128xf32, #tpu.memory_space<vmem_shared>>) target(%dma_start3A_114 : memref<16x128xf32, #tpu.memory_space<hbm>>) target_semaphore(%run_scoped3A_111 : memref<!tpu.dma_semaphore, #tpu.memory_space<semaphore_mem>>)
        %dma_wait3A = arith.constant 9984 : i32
        %dma_wait3A_118 = arith.constant 0 : i32
        %dma_wait3A_119 = tpu.memref_slice %arg6[%arg0, %run_scoped3A_110, %dma_wait3A, %dma_wait3A_118] : memref<2x4x10000x128xf32, #tpu.memory_space<hbm>> -> memref<1x1x16x128xf32, #tpu.memory_space<hbm>>
        %dma_wait3A_120 = tpu.memref_squeeze %dma_wait3A_119 : memref<1x1x16x128xf32, #tpu.memory_space<hbm>> -> memref<16x128xf32, #tpu.memory_space<hbm>>
        %dma_wait3A_121 = arith.constant 9984 : i32
        %dma_wait3A_122 = arith.constant 0 : i32
        %dma_wait3A_123 = tpu.memref_slice %arg7[%dma_wait3A_121, %dma_wait3A_122] : memref<10000x128xf32, #tpu.memory_space<vmem_shared>> -> memref<16x128xf32, #tpu.memory_space<vmem_shared>>
        tpu.wait_dma2 semaphore(%run_scoped3A_111 : memref<!tpu.dma_semaphore, #tpu.memory_space<semaphore_mem>>) src(%dma_wait3A_123 : memref<16x128xf32, #tpu.memory_space<vmem_shared>>) dst(%dma_wait3A_120 : memref<16x128xf32, #tpu.memory_space<hbm>>)
        tpu.yield
      }) : () -> ()
    } else {
    }
    %barrier3A_31 = arith.constant 0 : index
    tpu.barrier barrier_id(%barrier3A_31)
    "tpu.region"() ({
      %run_scoped3A_110 = tpu.sem_alloc : memref<!tpu.dma_semaphore, #tpu.memory_space<semaphore_mem>>
      %dma_start3A = arith.constant 0 : i32
      %dma_start3A_111 = tpu.memref_slice %arg7[%mul3A_0, %dma_start3A] : memref<10000x128xf32, #tpu.memory_space<vmem_shared>> -> memref<624x128xf32, #tpu.memory_space<vmem_shared>>
      %dma_start3A_112 = arith.constant 0 : i32
      %dma_start3A_113 = tpu.memref_slice %arg5[%mul3A_0, %dma_start3A_112] : memref<10000x128xf32, #tpu.memory_space<hbm>> -> memref<624x128xf32, #tpu.memory_space<hbm>>
      tpu.enqueue_dma source(%dma_start3A_113 : memref<624x128xf32, #tpu.memory_space<hbm>>) target(%dma_start3A_111 : memref<624x128xf32, #tpu.memory_space<vmem_shared>>) target_semaphore(%run_scoped3A_110 : memref<!tpu.dma_semaphore, #tpu.memory_space<semaphore_mem>>)
      %dma_wait3A = arith.constant 0 : i32
      %dma_wait3A_114 = tpu.memref_slice %arg7[%mul3A_0, %dma_wait3A] : memref<10000x128xf32, #tpu.memory_space<vmem_shared>> -> memref<624x128xf32, #tpu.memory_space<vmem_shared>>
      %dma_wait3A_115 = arith.constant 0 : i32
      %dma_wait3A_116 = tpu.memref_slice %arg5[%mul3A_0, %dma_wait3A_115] : memref<10000x128xf32, #tpu.memory_space<hbm>> -> memref<624x128xf32, #tpu.memory_space<hbm>>
      tpu.wait_dma2 semaphore(%run_scoped3A_110 : memref<!tpu.dma_semaphore, #tpu.memory_space<semaphore_mem>>) src(%dma_wait3A_116 : memref<624x128xf32, #tpu.memory_space<hbm>>) dst(%dma_wait3A_114 : memref<624x128xf32, #tpu.memory_space<vmem_shared>>)
      tpu.yield
    }) : () -> ()
    %eq3A_32 = arith.constant 15 : i32
    %eq3A_33 = arith.cmpi eq, %arg1, %eq3A_32 : i32
    %convert_element_type3A_34 = arith.extui %eq3A_33 : i1 to i32
    %cond3A_35 = arith.constant 0 : i32
    %cond3A_36 = arith.cmpi ne, %convert_element_type3A_34, %cond3A_35 : i32
    scf.if %cond3A_36 {
      "tpu.region"() ({
        %run_scoped3A_110 = tpu.sem_alloc : memref<!tpu.dma_semaphore, #tpu.memory_space<semaphore_mem>>
        %dma_start3A = arith.constant 9984 : i32
        %dma_start3A_111 = arith.constant 0 : i32
        %dma_start3A_112 = tpu.memref_slice %arg7[%dma_start3A, %dma_start3A_111] : memref<10000x128xf32, #tpu.memory_space<vmem_shared>> -> memref<16x128xf32, #tpu.memory_space<vmem_shared>>
        %dma_start3A_113 = arith.constant 9984 : i32
        %dma_start3A_114 = arith.constant 0 : i32
        %dma_start3A_115 = tpu.memref_slice %arg5[%dma_start3A_113, %dma_start3A_114] : memref<10000x128xf32, #tpu.memory_space<hbm>> -> memref<16x128xf32, #tpu.memory_space<hbm>>
        tpu.enqueue_dma source(%dma_start3A_115 : memref<16x128xf32, #tpu.memory_space<hbm>>) target(%dma_start3A_112 : memref<16x128xf32, #tpu.memory_space<vmem_shared>>) target_semaphore(%run_scoped3A_110 : memref<!tpu.dma_semaphore, #tpu.memory_space<semaphore_mem>>)
        %dma_wait3A = arith.constant 9984 : i32
        %dma_wait3A_116 = arith.constant 0 : i32
        %dma_wait3A_117 = tpu.memref_slice %arg7[%dma_wait3A, %dma_wait3A_116] : memref<10000x128xf32, #tpu.memory_space<vmem_shared>> -> memref<16x128xf32, #tpu.memory_space<vmem_shared>>
        %dma_wait3A_118 = arith.constant 9984 : i32
        %dma_wait3A_119 = arith.constant 0 : i32
        %dma_wait3A_120 = tpu.memref_slice %arg5[%dma_wait3A_118, %dma_wait3A_119] : memref<10000x128xf32, #tpu.memory_space<hbm>> -> memref<16x128xf32, #tpu.memory_space<hbm>>
        tpu.wait_dma2 semaphore(%run_scoped3A_110 : memref<!tpu.dma_semaphore, #tpu.memory_space<semaphore_mem>>) src(%dma_wait3A_120 : memref<16x128xf32, #tpu.memory_space<hbm>>) dst(%dma_wait3A_117 : memref<16x128xf32, #tpu.memory_space<vmem_shared>>)
        tpu.yield
      }) : () -> ()
    } else {
    }
    %barrier3A_37 = arith.constant 0 : index
    tpu.barrier barrier_id(%barrier3A_37)
    %while3A_38 = arith.constant 0 : i32
    %while3A_39 = arith.constant 0 : i32
    %while3A_40 = arith.subi %select_n3A, %while3A_38 : i32
    %while3A_41 = arith.addi %while3A_38, %while3A_40 : i32
    %while3A_42 = arith.constant 1 : i32
    %while3A_43 = arith.divsi %while3A_40, %while3A_42 : i32
    %while3A_44 = arith.muli %while3A_43, %while3A_42 : i32
    %while3A_45 = arith.addi %while3A_38, %while3A_44 : i32
    %while3A_46 = arith.constant 1 : i32
    %while3A_47 = scf.for %while3A_110 = %while3A_38 to %while3A_45 step %while3A_46 iter_args(%while3A_111 = %while3A_39) -> (i32)  : i32 {
      %add3A_112 = arith.addi %select_n3A_11, %while3A_110 : i32
      %mul3A_113 = arith.constant 128 : i32
      %mul3A_114 = arith.muli %add3A_112, %mul3A_113 : i32
      %add3A_115 = arith.constant 160000 : i32
      %add3A_116 = arith.addi %add3A_115, %mul3A_114 : i32
      "tpu.region"() ({
        %run_scoped3A_132 = tpu.sem_alloc : memref<!tpu.dma_semaphore, #tpu.memory_space<semaphore_mem>>
        %dma_start3A_133 = tpu.memref_slice %arg3[%add3A_116] : memref<640000xi32, #tpu.memory_space<hbm>> -> memref<128xi32, #tpu.memory_space<hbm>>
        %dma_start3A_134 = tpu.memref_slice %arg3[%add3A_116] : memref<640000xi32, #tpu.memory_space<hbm>> -> memref<128xi32, #tpu.memory_space<hbm>>
        tpu.enqueue_dma source(%dma_start3A_134 : memref<128xi32, #tpu.memory_space<hbm>>) target(%arg9 : memref<128xi32, #tpu.memory_space<vmem>>) target_semaphore(%run_scoped3A_132 : memref<!tpu.dma_semaphore, #tpu.memory_space<semaphore_mem>>)
        %dma_wait3A_135 = tpu.memref_slice %arg3[%add3A_116] : memref<640000xi32, #tpu.memory_space<hbm>> -> memref<128xi32, #tpu.memory_space<hbm>>
        %dma_wait3A_136 = tpu.memref_slice %arg3[%add3A_116] : memref<640000xi32, #tpu.memory_space<hbm>> -> memref<128xi32, #tpu.memory_space<hbm>>
        tpu.wait_dma2 semaphore(%run_scoped3A_132 : memref<!tpu.dma_semaphore, #tpu.memory_space<semaphore_mem>>) src(%dma_wait3A_136 : memref<128xi32, #tpu.memory_space<hbm>>) dst(%arg9 : memref<128xi32, #tpu.memory_space<vmem>>)
        tpu.yield
      }) : () -> ()
      "tpu.region"() ({
        %run_scoped3A_132 = tpu.sem_alloc : memref<!tpu.dma_semaphore, #tpu.memory_space<semaphore_mem>>
        %dma_start3A_133 = tpu.memref_slice %arg4[%add3A_116] : memref<640000xi32, #tpu.memory_space<hbm>> -> memref<128xi32, #tpu.memory_space<hbm>>
        %dma_start3A_134 = tpu.memref_slice %arg4[%add3A_116] : memref<640000xi32, #tpu.memory_space<hbm>> -> memref<128xi32, #tpu.memory_space<hbm>>
        tpu.enqueue_dma source(%dma_start3A_134 : memref<128xi32, #tpu.memory_space<hbm>>) target(%arg10 : memref<128xi32, #tpu.memory_space<vmem>>) target_semaphore(%run_scoped3A_132 : memref<!tpu.dma_semaphore, #tpu.memory_space<semaphore_mem>>)
        %dma_wait3A_135 = tpu.memref_slice %arg4[%add3A_116] : memref<640000xi32, #tpu.memory_space<hbm>> -> memref<128xi32, #tpu.memory_space<hbm>>
        %dma_wait3A_136 = tpu.memref_slice %arg4[%add3A_116] : memref<640000xi32, #tpu.memory_space<hbm>> -> memref<128xi32, #tpu.memory_space<hbm>>
        tpu.wait_dma2 semaphore(%run_scoped3A_132 : memref<!tpu.dma_semaphore, #tpu.memory_space<semaphore_mem>>) src(%dma_wait3A_136 : memref<128xi32, #tpu.memory_space<hbm>>) dst(%arg10 : memref<128xi32, #tpu.memory_space<vmem>>)
        tpu.yield
      }) : () -> ()
      %dma_start3A = arith.constant 1 : i32
      %dma_start3A_117 = arith.constant 0 : i32
      %dma_start3A_118 = arith.constant 0 : i32
      %dma_start3A_119 = tpu.memref_slice %arg2[%arg0, %dma_start3A, %dma_start3A_117, %dma_start3A_118] : memref<2x4x10000x128xf32, #tpu.memory_space<hbm>> -> memref<1x1x10000x128xf32, #tpu.memory_space<hbm>>
      %dma_start3A_120 = tpu.memref_squeeze %dma_start3A_119 : memref<1x1x10000x128xf32, #tpu.memory_space<hbm>> -> memref<10000x128xf32, #tpu.memory_space<hbm>>
      %dma_start3A_121 = arith.constant 0 : i32
      %dma_start3A_122 = arith.constant 0 : i32
      %dma_start3A_123 = tpu.memref_slice %dma_start3A_120[%dma_start3A_121, %dma_start3A_122] : memref<10000x128xf32, #tpu.memory_space<hbm>> -> memref<10000x128xf32, #tpu.memory_space<hbm>>
      tpu.enqueue_indirect_dma source(%dma_start3A_123 : memref<10000x128xf32, #tpu.memory_space<hbm>>) target(%arg8 : memref<128x128xf32, #tpu.memory_space<vmem>>) offsets(%arg9 : memref<128xi32, #tpu.memory_space<vmem>>) semaphore(%arg11 : memref<!tpu.dma_semaphore, #tpu.memory_space<semaphore_mem>>)
      %dma_wait3A = arith.constant 1 : i32
      %dma_wait3A_124 = arith.constant 0 : i32
      %dma_wait3A_125 = arith.constant 0 : i32
      %dma_wait3A_126 = tpu.memref_slice %arg2[%arg0, %dma_wait3A, %dma_wait3A_124, %dma_wait3A_125] : memref<2x4x10000x128xf32, #tpu.memory_space<hbm>> -> memref<1x1x10000x128xf32, #tpu.memory_space<hbm>>
      %dma_wait3A_127 = tpu.memref_squeeze %dma_wait3A_126 : memref<1x1x10000x128xf32, #tpu.memory_space<hbm>> -> memref<10000x128xf32, #tpu.memory_space<hbm>>
      %dma_wait3A_128 = arith.constant 0 : i32
      %dma_wait3A_129 = arith.constant 0 : i32
      %dma_wait3A_130 = tpu.memref_slice %dma_wait3A_127[%dma_wait3A_128, %dma_wait3A_129] : memref<10000x128xf32, #tpu.memory_space<hbm>> -> memref<10000x128xf32, #tpu.memory_space<hbm>>
      tpu.wait_indirect_dma semaphore(%arg11 : memref<!tpu.dma_semaphore, #tpu.memory_space<semaphore_mem>>) src(%dma_wait3A_130 : memref<10000x128xf32, #tpu.memory_space<hbm>>) dst(%arg8 : memref<128x128xf32, #tpu.memory_space<vmem>>)
      "tpu.region"() ({
        %run_scoped3A_132 = tpu.sem_alloc : memref<!tpu.dma_semaphore, #tpu.memory_space<semaphore_mem>>
        %dma_start3A_133 = arith.constant 0 : i32
        %dma_start3A_134 = arith.constant 0 : i32
        %dma_start3A_135 = tpu.memref_slice %arg7[%dma_start3A_133, %dma_start3A_134] : memref<10000x128xf32, #tpu.memory_space<vmem_shared>> -> memref<10000x128xf32, #tpu.memory_space<vmem_shared>>
        tpu.enqueue_indirect_dma source(%arg8 : memref<128x128xf32, #tpu.memory_space<vmem>>) target(%dma_start3A_135 : memref<10000x128xf32, #tpu.memory_space<vmem_shared>>) offsets(%arg10 : memref<128xi32, #tpu.memory_space<vmem>>) semaphore(%run_scoped3A_132 : memref<!tpu.dma_semaphore, #tpu.memory_space<semaphore_mem>>) {add = true}
        %dma_wait3A_136 = arith.constant 0 : i32
        %dma_wait3A_137 = arith.constant 0 : i32
        %dma_wait3A_138 = tpu.memref_slice %arg7[%dma_wait3A_136, %dma_wait3A_137] : memref<10000x128xf32, #tpu.memory_space<vmem_shared>> -> memref<10000x128xf32, #tpu.memory_space<vmem_shared>>
        tpu.wait_indirect_dma semaphore(%run_scoped3A_132 : memref<!tpu.dma_semaphore, #tpu.memory_space<semaphore_mem>>) src(%arg8 : memref<128x128xf32, #tpu.memory_space<vmem>>) dst(%dma_wait3A_138 : memref<10000x128xf32, #tpu.memory_space<vmem_shared>>)
        tpu.yield
      }) : () -> ()
      %while3A_131 = arith.constant 0 : i32
      scf.yield %while3A_131 : i32
    }
    %while3A_48 = arith.constant 1 : i32
    %while3A_49 = scf.for %while3A_110 = %while3A_45 to %while3A_41 step %while3A_48 iter_args(%while3A_111 = %while3A_47) -> (i32)  : i32 {
      %add3A_112 = arith.addi %select_n3A_11, %while3A_110 : i32
      %mul3A_113 = arith.constant 128 : i32
      %mul3A_114 = arith.muli %add3A_112, %mul3A_113 : i32
      %add3A_115 = arith.constant 160000 : i32
      %add3A_116 = arith.addi %add3A_115, %mul3A_114 : i32
      "tpu.region"() ({
        %run_scoped3A_132 = tpu.sem_alloc : memref<!tpu.dma_semaphore, #tpu.memory_space<semaphore_mem>>
        %dma_start3A_133 = tpu.memref_slice %arg3[%add3A_116] : memref<640000xi32, #tpu.memory_space<hbm>> -> memref<128xi32, #tpu.memory_space<hbm>>
        %dma_start3A_134 = tpu.memref_slice %arg3[%add3A_116] : memref<640000xi32, #tpu.memory_space<hbm>> -> memref<128xi32, #tpu.memory_space<hbm>>
        tpu.enqueue_dma source(%dma_start3A_134 : memref<128xi32, #tpu.memory_space<hbm>>) target(%arg9 : memref<128xi32, #tpu.memory_space<vmem>>) target_semaphore(%run_scoped3A_132 : memref<!tpu.dma_semaphore, #tpu.memory_space<semaphore_mem>>)
        %dma_wait3A_135 = tpu.memref_slice %arg3[%add3A_116] : memref<640000xi32, #tpu.memory_space<hbm>> -> memref<128xi32, #tpu.memory_space<hbm>>
        %dma_wait3A_136 = tpu.memref_slice %arg3[%add3A_116] : memref<640000xi32, #tpu.memory_space<hbm>> -> memref<128xi32, #tpu.memory_space<hbm>>
        tpu.wait_dma2 semaphore(%run_scoped3A_132 : memref<!tpu.dma_semaphore, #tpu.memory_space<semaphore_mem>>) src(%dma_wait3A_136 : memref<128xi32, #tpu.memory_space<hbm>>) dst(%arg9 : memref<128xi32, #tpu.memory_space<vmem>>)
        tpu.yield
      }) : () -> ()
      "tpu.region"() ({
        %run_scoped3A_132 = tpu.sem_alloc : memref<!tpu.dma_semaphore, #tpu.memory_space<semaphore_mem>>
        %dma_start3A_133 = tpu.memref_slice %arg4[%add3A_116] : memref<640000xi32, #tpu.memory_space<hbm>> -> memref<128xi32, #tpu.memory_space<hbm>>
        %dma_start3A_134 = tpu.memref_slice %arg4[%add3A_116] : memref<640000xi32, #tpu.memory_space<hbm>> -> memref<128xi32, #tpu.memory_space<hbm>>
        tpu.enqueue_dma source(%dma_start3A_134 : memref<128xi32, #tpu.memory_space<hbm>>) target(%arg10 : memref<128xi32, #tpu.memory_space<vmem>>) target_semaphore(%run_scoped3A_132 : memref<!tpu.dma_semaphore, #tpu.memory_space<semaphore_mem>>)
        %dma_wait3A_135 = tpu.memref_slice %arg4[%add3A_116] : memref<640000xi32, #tpu.memory_space<hbm>> -> memref<128xi32, #tpu.memory_space<hbm>>
        %dma_wait3A_136 = tpu.memref_slice %arg4[%add3A_116] : memref<640000xi32, #tpu.memory_space<hbm>> -> memref<128xi32, #tpu.memory_space<hbm>>
        tpu.wait_dma2 semaphore(%run_scoped3A_132 : memref<!tpu.dma_semaphore, #tpu.memory_space<semaphore_mem>>) src(%dma_wait3A_136 : memref<128xi32, #tpu.memory_space<hbm>>) dst(%arg10 : memref<128xi32, #tpu.memory_space<vmem>>)
        tpu.yield
      }) : () -> ()
      %dma_start3A = arith.constant 1 : i32
      %dma_start3A_117 = arith.constant 0 : i32
      %dma_start3A_118 = arith.constant 0 : i32
      %dma_start3A_119 = tpu.memref_slice %arg2[%arg0, %dma_start3A, %dma_start3A_117, %dma_start3A_118] : memref<2x4x10000x128xf32, #tpu.memory_space<hbm>> -> memref<1x1x10000x128xf32, #tpu.memory_space<hbm>>
      %dma_start3A_120 = tpu.memref_squeeze %dma_start3A_119 : memref<1x1x10000x128xf32, #tpu.memory_space<hbm>> -> memref<10000x128xf32, #tpu.memory_space<hbm>>
      %dma_start3A_121 = arith.constant 0 : i32
      %dma_start3A_122 = arith.constant 0 : i32
      %dma_start3A_123 = tpu.memref_slice %dma_start3A_120[%dma_start3A_121, %dma_start3A_122] : memref<10000x128xf32, #tpu.memory_space<hbm>> -> memref<10000x128xf32, #tpu.memory_space<hbm>>
      tpu.enqueue_indirect_dma source(%dma_start3A_123 : memref<10000x128xf32, #tpu.memory_space<hbm>>) target(%arg8 : memref<128x128xf32, #tpu.memory_space<vmem>>) offsets(%arg9 : memref<128xi32, #tpu.memory_space<vmem>>) semaphore(%arg11 : memref<!tpu.dma_semaphore, #tpu.memory_space<semaphore_mem>>)
      %dma_wait3A = arith.constant 1 : i32
      %dma_wait3A_124 = arith.constant 0 : i32
      %dma_wait3A_125 = arith.constant 0 : i32
      %dma_wait3A_126 = tpu.memref_slice %arg2[%arg0, %dma_wait3A, %dma_wait3A_124, %dma_wait3A_125] : memref<2x4x10000x128xf32, #tpu.memory_space<hbm>> -> memref<1x1x10000x128xf32, #tpu.memory_space<hbm>>
      %dma_wait3A_127 = tpu.memref_squeeze %dma_wait3A_126 : memref<1x1x10000x128xf32, #tpu.memory_space<hbm>> -> memref<10000x128xf32, #tpu.memory_space<hbm>>
      %dma_wait3A_128 = arith.constant 0 : i32
      %dma_wait3A_129 = arith.constant 0 : i32
      %dma_wait3A_130 = tpu.memref_slice %dma_wait3A_127[%dma_wait3A_128, %dma_wait3A_129] : memref<10000x128xf32, #tpu.memory_space<hbm>> -> memref<10000x128xf32, #tpu.memory_space<hbm>>
      tpu.wait_indirect_dma semaphore(%arg11 : memref<!tpu.dma_semaphore, #tpu.memory_space<semaphore_mem>>) src(%dma_wait3A_130 : memref<10000x128xf32, #tpu.memory_space<hbm>>) dst(%arg8 : memref<128x128xf32, #tpu.memory_space<vmem>>)
      "tpu.region"() ({
        %run_scoped3A_132 = tpu.sem_alloc : memref<!tpu.dma_semaphore, #tpu.memory_space<semaphore_mem>>
        %dma_start3A_133 = arith.constant 0 : i32
        %dma_start3A_134 = arith.constant 0 : i32
        %dma_start3A_135 = tpu.memref_slice %arg7[%dma_start3A_133, %dma_start3A_134] : memref<10000x128xf32, #tpu.memory_space<vmem_shared>> -> memref<10000x128xf32, #tpu.memory_space<vmem_shared>>
        tpu.enqueue_indirect_dma source(%arg8 : memref<128x128xf32, #tpu.memory_space<vmem>>) target(%dma_start3A_135 : memref<10000x128xf32, #tpu.memory_space<vmem_shared>>) offsets(%arg10 : memref<128xi32, #tpu.memory_space<vmem>>) semaphore(%run_scoped3A_132 : memref<!tpu.dma_semaphore, #tpu.memory_space<semaphore_mem>>) {add = true}
        %dma_wait3A_136 = arith.constant 0 : i32
        %dma_wait3A_137 = arith.constant 0 : i32
        %dma_wait3A_138 = tpu.memref_slice %arg7[%dma_wait3A_136, %dma_wait3A_137] : memref<10000x128xf32, #tpu.memory_space<vmem_shared>> -> memref<10000x128xf32, #tpu.memory_space<vmem_shared>>
        tpu.wait_indirect_dma semaphore(%run_scoped3A_132 : memref<!tpu.dma_semaphore, #tpu.memory_space<semaphore_mem>>) src(%arg8 : memref<128x128xf32, #tpu.memory_space<vmem>>) dst(%dma_wait3A_138 : memref<10000x128xf32, #tpu.memory_space<vmem_shared>>)
        tpu.yield
      }) : () -> ()
      %while3A_131 = arith.constant 0 : i32
      scf.yield %while3A_131 : i32
    }
    %barrier3A_50 = arith.constant 0 : index
    tpu.barrier barrier_id(%barrier3A_50)
    %run_scoped3A_51 = arith.constant 1 : i32
    "tpu.region"() ({
      %run_scoped3A_110 = tpu.sem_alloc : memref<!tpu.dma_semaphore, #tpu.memory_space<semaphore_mem>>
      %dma_start3A = arith.constant 0 : i32
      %dma_start3A_111 = tpu.memref_slice %arg6[%arg0, %run_scoped3A_51, %mul3A_0, %dma_start3A] : memref<2x4x10000x128xf32, #tpu.memory_space<hbm>> -> memref<1x1x624x128xf32, #tpu.memory_space<hbm>>
      %dma_start3A_112 = tpu.memref_squeeze %dma_start3A_111 : memref<1x1x624x128xf32, #tpu.memory_space<hbm>> -> memref<624x128xf32, #tpu.memory_space<hbm>>
      %dma_start3A_113 = arith.constant 0 : i32
      %dma_start3A_114 = tpu.memref_slice %arg7[%mul3A_0, %dma_start3A_113] : memref<10000x128xf32, #tpu.memory_space<vmem_shared>> -> memref<624x128xf32, #tpu.memory_space<vmem_shared>>
      tpu.enqueue_dma source(%dma_start3A_114 : memref<624x128xf32, #tpu.memory_space<vmem_shared>>) target(%dma_start3A_112 : memref<624x128xf32, #tpu.memory_space<hbm>>) target_semaphore(%run_scoped3A_110 : memref<!tpu.dma_semaphore, #tpu.memory_space<semaphore_mem>>)
      %dma_wait3A = arith.constant 0 : i32
      %dma_wait3A_115 = tpu.memref_slice %arg6[%arg0, %run_scoped3A_51, %mul3A_0, %dma_wait3A] : memref<2x4x10000x128xf32, #tpu.memory_space<hbm>> -> memref<1x1x624x128xf32, #tpu.memory_space<hbm>>
      %dma_wait3A_116 = tpu.memref_squeeze %dma_wait3A_115 : memref<1x1x624x128xf32, #tpu.memory_space<hbm>> -> memref<624x128xf32, #tpu.memory_space<hbm>>
      %dma_wait3A_117 = arith.constant 0 : i32
      %dma_wait3A_118 = tpu.memref_slice %arg7[%mul3A_0, %dma_wait3A_117] : memref<10000x128xf32, #tpu.memory_space<vmem_shared>> -> memref<624x128xf32, #tpu.memory_space<vmem_shared>>
      tpu.wait_dma2 semaphore(%run_scoped3A_110 : memref<!tpu.dma_semaphore, #tpu.memory_space<semaphore_mem>>) src(%dma_wait3A_118 : memref<624x128xf32, #tpu.memory_space<vmem_shared>>) dst(%dma_wait3A_116 : memref<624x128xf32, #tpu.memory_space<hbm>>)
      tpu.yield
    }) : () -> ()
    %eq3A_52 = arith.constant 15 : i32
    %eq3A_53 = arith.cmpi eq, %arg1, %eq3A_52 : i32
    %convert_element_type3A_54 = arith.extui %eq3A_53 : i1 to i32
    %cond3A_55 = arith.constant 0 : i32
    %cond3A_56 = arith.cmpi ne, %convert_element_type3A_54, %cond3A_55 : i32
    scf.if %cond3A_56 {
      %run_scoped3A_110 = arith.constant 1 : i32
      "tpu.region"() ({
        %run_scoped3A_111 = tpu.sem_alloc : memref<!tpu.dma_semaphore, #tpu.memory_space<semaphore_mem>>
        %dma_start3A = arith.constant 9984 : i32
        %dma_start3A_112 = arith.constant 0 : i32
        %dma_start3A_113 = tpu.memref_slice %arg6[%arg0, %run_scoped3A_110, %dma_start3A, %dma_start3A_112] : memref<2x4x10000x128xf32, #tpu.memory_space<hbm>> -> memref<1x1x16x128xf32, #tpu.memory_space<hbm>>
        %dma_start3A_114 = tpu.memref_squeeze %dma_start3A_113 : memref<1x1x16x128xf32, #tpu.memory_space<hbm>> -> memref<16x128xf32, #tpu.memory_space<hbm>>
        %dma_start3A_115 = arith.constant 9984 : i32
        %dma_start3A_116 = arith.constant 0 : i32
        %dma_start3A_117 = tpu.memref_slice %arg7[%dma_start3A_115, %dma_start3A_116] : memref<10000x128xf32, #tpu.memory_space<vmem_shared>> -> memref<16x128xf32, #tpu.memory_space<vmem_shared>>
        tpu.enqueue_dma source(%dma_start3A_117 : memref<16x128xf32, #tpu.memory_space<vmem_shared>>) target(%dma_start3A_114 : memref<16x128xf32, #tpu.memory_space<hbm>>) target_semaphore(%run_scoped3A_111 : memref<!tpu.dma_semaphore, #tpu.memory_space<semaphore_mem>>)
        %dma_wait3A = arith.constant 9984 : i32
        %dma_wait3A_118 = arith.constant 0 : i32
        %dma_wait3A_119 = tpu.memref_slice %arg6[%arg0, %run_scoped3A_110, %dma_wait3A, %dma_wait3A_118] : memref<2x4x10000x128xf32, #tpu.memory_space<hbm>> -> memref<1x1x16x128xf32, #tpu.memory_space<hbm>>
        %dma_wait3A_120 = tpu.memref_squeeze %dma_wait3A_119 : memref<1x1x16x128xf32, #tpu.memory_space<hbm>> -> memref<16x128xf32, #tpu.memory_space<hbm>>
        %dma_wait3A_121 = arith.constant 9984 : i32
        %dma_wait3A_122 = arith.constant 0 : i32
        %dma_wait3A_123 = tpu.memref_slice %arg7[%dma_wait3A_121, %dma_wait3A_122] : memref<10000x128xf32, #tpu.memory_space<vmem_shared>> -> memref<16x128xf32, #tpu.memory_space<vmem_shared>>
        tpu.wait_dma2 semaphore(%run_scoped3A_111 : memref<!tpu.dma_semaphore, #tpu.memory_space<semaphore_mem>>) src(%dma_wait3A_123 : memref<16x128xf32, #tpu.memory_space<vmem_shared>>) dst(%dma_wait3A_120 : memref<16x128xf32, #tpu.memory_space<hbm>>)
        tpu.yield
      }) : () -> ()
    } else {
    }
    %barrier3A_57 = arith.constant 0 : index
    tpu.barrier barrier_id(%barrier3A_57)
    "tpu.region"() ({
      %run_scoped3A_110 = tpu.sem_alloc : memref<!tpu.dma_semaphore, #tpu.memory_space<semaphore_mem>>
      %dma_start3A = arith.constant 0 : i32
      %dma_start3A_111 = tpu.memref_slice %arg7[%mul3A_0, %dma_start3A] : memref<10000x128xf32, #tpu.memory_space<vmem_shared>> -> memref<624x128xf32, #tpu.memory_space<vmem_shared>>
      %dma_start3A_112 = arith.constant 0 : i32
      %dma_start3A_113 = tpu.memref_slice %arg5[%mul3A_0, %dma_start3A_112] : memref<10000x128xf32, #tpu.memory_space<hbm>> -> memref<624x128xf32, #tpu.memory_space<hbm>>
      tpu.enqueue_dma source(%dma_start3A_113 : memref<624x128xf32, #tpu.memory_space<hbm>>) target(%dma_start3A_111 : memref<624x128xf32, #tpu.memory_space<vmem_shared>>) target_semaphore(%run_scoped3A_110 : memref<!tpu.dma_semaphore, #tpu.memory_space<semaphore_mem>>)
      %dma_wait3A = arith.constant 0 : i32
      %dma_wait3A_114 = tpu.memref_slice %arg7[%mul3A_0, %dma_wait3A] : memref<10000x128xf32, #tpu.memory_space<vmem_shared>> -> memref<624x128xf32, #tpu.memory_space<vmem_shared>>
      %dma_wait3A_115 = arith.constant 0 : i32
      %dma_wait3A_116 = tpu.memref_slice %arg5[%mul3A_0, %dma_wait3A_115] : memref<10000x128xf32, #tpu.memory_space<hbm>> -> memref<624x128xf32, #tpu.memory_space<hbm>>
      tpu.wait_dma2 semaphore(%run_scoped3A_110 : memref<!tpu.dma_semaphore, #tpu.memory_space<semaphore_mem>>) src(%dma_wait3A_116 : memref<624x128xf32, #tpu.memory_space<hbm>>) dst(%dma_wait3A_114 : memref<624x128xf32, #tpu.memory_space<vmem_shared>>)
      tpu.yield
    }) : () -> ()
    %eq3A_58 = arith.constant 15 : i32
    %eq3A_59 = arith.cmpi eq, %arg1, %eq3A_58 : i32
    %convert_element_type3A_60 = arith.extui %eq3A_59 : i1 to i32
    %cond3A_61 = arith.constant 0 : i32
    %cond3A_62 = arith.cmpi ne, %convert_element_type3A_60, %cond3A_61 : i32
    scf.if %cond3A_62 {
      "tpu.region"() ({
        %run_scoped3A_110 = tpu.sem_alloc : memref<!tpu.dma_semaphore, #tpu.memory_space<semaphore_mem>>
        %dma_start3A = arith.constant 9984 : i32
        %dma_start3A_111 = arith.constant 0 : i32
        %dma_start3A_112 = tpu.memref_slice %arg7[%dma_start3A, %dma_start3A_111] : memref<10000x128xf32, #tpu.memory_space<vmem_shared>> -> memref<16x128xf32, #tpu.memory_space<vmem_shared>>
        %dma_start3A_113 = arith.constant 9984 : i32
        %dma_start3A_114 = arith.constant 0 : i32
        %dma_start3A_115 = tpu.memref_slice %arg5[%dma_start3A_113, %dma_start3A_114] : memref<10000x128xf32, #tpu.memory_space<hbm>> -> memref<16x128xf32, #tpu.memory_space<hbm>>
        tpu.enqueue_dma source(%dma_start3A_115 : memref<16x128xf32, #tpu.memory_space<hbm>>) target(%dma_start3A_112 : memref<16x128xf32, #tpu.memory_space<vmem_shared>>) target_semaphore(%run_scoped3A_110 : memref<!tpu.dma_semaphore, #tpu.memory_space<semaphore_mem>>)
        %dma_wait3A = arith.constant 9984 : i32
        %dma_wait3A_116 = arith.constant 0 : i32
        %dma_wait3A_117 = tpu.memref_slice %arg7[%dma_wait3A, %dma_wait3A_116] : memref<10000x128xf32, #tpu.memory_space<vmem_shared>> -> memref<16x128xf32, #tpu.memory_space<vmem_shared>>
        %dma_wait3A_118 = arith.constant 9984 : i32
        %dma_wait3A_119 = arith.constant 0 : i32
        %dma_wait3A_120 = tpu.memref_slice %arg5[%dma_wait3A_118, %dma_wait3A_119] : memref<10000x128xf32, #tpu.memory_space<hbm>> -> memref<16x128xf32, #tpu.memory_space<hbm>>
        tpu.wait_dma2 semaphore(%run_scoped3A_110 : memref<!tpu.dma_semaphore, #tpu.memory_space<semaphore_mem>>) src(%dma_wait3A_120 : memref<16x128xf32, #tpu.memory_space<hbm>>) dst(%dma_wait3A_117 : memref<16x128xf32, #tpu.memory_space<vmem_shared>>)
        tpu.yield
      }) : () -> ()
    } else {
    }
    %barrier3A_63 = arith.constant 0 : index
    tpu.barrier barrier_id(%barrier3A_63)
    %while3A_64 = arith.constant 0 : i32
    %while3A_65 = arith.constant 0 : i32
    %while3A_66 = arith.subi %select_n3A, %while3A_64 : i32
    %while3A_67 = arith.addi %while3A_64, %while3A_66 : i32
    %while3A_68 = arith.constant 1 : i32
    %while3A_69 = arith.divsi %while3A_66, %while3A_68 : i32
    %while3A_70 = arith.muli %while3A_69, %while3A_68 : i32
    %while3A_71 = arith.addi %while3A_64, %while3A_70 : i32
    %while3A_72 = arith.constant 1 : i32
    %while3A_73 = scf.for %while3A_110 = %while3A_64 to %while3A_71 step %while3A_72 iter_args(%while3A_111 = %while3A_65) -> (i32)  : i32 {
      %add3A_112 = arith.addi %select_n3A_11, %while3A_110 : i32
      %mul3A_113 = arith.constant 128 : i32
      %mul3A_114 = arith.muli %add3A_112, %mul3A_113 : i32
      %add3A_115 = arith.constant 320000 : i32
      %add3A_116 = arith.addi %add3A_115, %mul3A_114 : i32
      "tpu.region"() ({
        %run_scoped3A_132 = tpu.sem_alloc : memref<!tpu.dma_semaphore, #tpu.memory_space<semaphore_mem>>
        %dma_start3A_133 = tpu.memref_slice %arg3[%add3A_116] : memref<640000xi32, #tpu.memory_space<hbm>> -> memref<128xi32, #tpu.memory_space<hbm>>
        %dma_start3A_134 = tpu.memref_slice %arg3[%add3A_116] : memref<640000xi32, #tpu.memory_space<hbm>> -> memref<128xi32, #tpu.memory_space<hbm>>
        tpu.enqueue_dma source(%dma_start3A_134 : memref<128xi32, #tpu.memory_space<hbm>>) target(%arg9 : memref<128xi32, #tpu.memory_space<vmem>>) target_semaphore(%run_scoped3A_132 : memref<!tpu.dma_semaphore, #tpu.memory_space<semaphore_mem>>)
        %dma_wait3A_135 = tpu.memref_slice %arg3[%add3A_116] : memref<640000xi32, #tpu.memory_space<hbm>> -> memref<128xi32, #tpu.memory_space<hbm>>
        %dma_wait3A_136 = tpu.memref_slice %arg3[%add3A_116] : memref<640000xi32, #tpu.memory_space<hbm>> -> memref<128xi32, #tpu.memory_space<hbm>>
        tpu.wait_dma2 semaphore(%run_scoped3A_132 : memref<!tpu.dma_semaphore, #tpu.memory_space<semaphore_mem>>) src(%dma_wait3A_136 : memref<128xi32, #tpu.memory_space<hbm>>) dst(%arg9 : memref<128xi32, #tpu.memory_space<vmem>>)
        tpu.yield
      }) : () -> ()
      "tpu.region"() ({
        %run_scoped3A_132 = tpu.sem_alloc : memref<!tpu.dma_semaphore, #tpu.memory_space<semaphore_mem>>
        %dma_start3A_133 = tpu.memref_slice %arg4[%add3A_116] : memref<640000xi32, #tpu.memory_space<hbm>> -> memref<128xi32, #tpu.memory_space<hbm>>
        %dma_start3A_134 = tpu.memref_slice %arg4[%add3A_116] : memref<640000xi32, #tpu.memory_space<hbm>> -> memref<128xi32, #tpu.memory_space<hbm>>
        tpu.enqueue_dma source(%dma_start3A_134 : memref<128xi32, #tpu.memory_space<hbm>>) target(%arg10 : memref<128xi32, #tpu.memory_space<vmem>>) target_semaphore(%run_scoped3A_132 : memref<!tpu.dma_semaphore, #tpu.memory_space<semaphore_mem>>)
        %dma_wait3A_135 = tpu.memref_slice %arg4[%add3A_116] : memref<640000xi32, #tpu.memory_space<hbm>> -> memref<128xi32, #tpu.memory_space<hbm>>
        %dma_wait3A_136 = tpu.memref_slice %arg4[%add3A_116] : memref<640000xi32, #tpu.memory_space<hbm>> -> memref<128xi32, #tpu.memory_space<hbm>>
        tpu.wait_dma2 semaphore(%run_scoped3A_132 : memref<!tpu.dma_semaphore, #tpu.memory_space<semaphore_mem>>) src(%dma_wait3A_136 : memref<128xi32, #tpu.memory_space<hbm>>) dst(%arg10 : memref<128xi32, #tpu.memory_space<vmem>>)
        tpu.yield
      }) : () -> ()
      %dma_start3A = arith.constant 2 : i32
      %dma_start3A_117 = arith.constant 0 : i32
      %dma_start3A_118 = arith.constant 0 : i32
      %dma_start3A_119 = tpu.memref_slice %arg2[%arg0, %dma_start3A, %dma_start3A_117, %dma_start3A_118] : memref<2x4x10000x128xf32, #tpu.memory_space<hbm>> -> memref<1x1x10000x128xf32, #tpu.memory_space<hbm>>
      %dma_start3A_120 = tpu.memref_squeeze %dma_start3A_119 : memref<1x1x10000x128xf32, #tpu.memory_space<hbm>> -> memref<10000x128xf32, #tpu.memory_space<hbm>>
      %dma_start3A_121 = arith.constant 0 : i32
      %dma_start3A_122 = arith.constant 0 : i32
      %dma_start3A_123 = tpu.memref_slice %dma_start3A_120[%dma_start3A_121, %dma_start3A_122] : memref<10000x128xf32, #tpu.memory_space<hbm>> -> memref<10000x128xf32, #tpu.memory_space<hbm>>
      tpu.enqueue_indirect_dma source(%dma_start3A_123 : memref<10000x128xf32, #tpu.memory_space<hbm>>) target(%arg8 : memref<128x128xf32, #tpu.memory_space<vmem>>) offsets(%arg9 : memref<128xi32, #tpu.memory_space<vmem>>) semaphore(%arg11 : memref<!tpu.dma_semaphore, #tpu.memory_space<semaphore_mem>>)
      %dma_wait3A = arith.constant 2 : i32
      %dma_wait3A_124 = arith.constant 0 : i32
      %dma_wait3A_125 = arith.constant 0 : i32
      %dma_wait3A_126 = tpu.memref_slice %arg2[%arg0, %dma_wait3A, %dma_wait3A_124, %dma_wait3A_125] : memref<2x4x10000x128xf32, #tpu.memory_space<hbm>> -> memref<1x1x10000x128xf32, #tpu.memory_space<hbm>>
      %dma_wait3A_127 = tpu.memref_squeeze %dma_wait3A_126 : memref<1x1x10000x128xf32, #tpu.memory_space<hbm>> -> memref<10000x128xf32, #tpu.memory_space<hbm>>
      %dma_wait3A_128 = arith.constant 0 : i32
      %dma_wait3A_129 = arith.constant 0 : i32
      %dma_wait3A_130 = tpu.memref_slice %dma_wait3A_127[%dma_wait3A_128, %dma_wait3A_129] : memref<10000x128xf32, #tpu.memory_space<hbm>> -> memref<10000x128xf32, #tpu.memory_space<hbm>>
      tpu.wait_indirect_dma semaphore(%arg11 : memref<!tpu.dma_semaphore, #tpu.memory_space<semaphore_mem>>) src(%dma_wait3A_130 : memref<10000x128xf32, #tpu.memory_space<hbm>>) dst(%arg8 : memref<128x128xf32, #tpu.memory_space<vmem>>)
      "tpu.region"() ({
        %run_scoped3A_132 = tpu.sem_alloc : memref<!tpu.dma_semaphore, #tpu.memory_space<semaphore_mem>>
        %dma_start3A_133 = arith.constant 0 : i32
        %dma_start3A_134 = arith.constant 0 : i32
        %dma_start3A_135 = tpu.memref_slice %arg7[%dma_start3A_133, %dma_start3A_134] : memref<10000x128xf32, #tpu.memory_space<vmem_shared>> -> memref<10000x128xf32, #tpu.memory_space<vmem_shared>>
        tpu.enqueue_indirect_dma source(%arg8 : memref<128x128xf32, #tpu.memory_space<vmem>>) target(%dma_start3A_135 : memref<10000x128xf32, #tpu.memory_space<vmem_shared>>) offsets(%arg10 : memref<128xi32, #tpu.memory_space<vmem>>) semaphore(%run_scoped3A_132 : memref<!tpu.dma_semaphore, #tpu.memory_space<semaphore_mem>>) {add = true}
        %dma_wait3A_136 = arith.constant 0 : i32
        %dma_wait3A_137 = arith.constant 0 : i32
        %dma_wait3A_138 = tpu.memref_slice %arg7[%dma_wait3A_136, %dma_wait3A_137] : memref<10000x128xf32, #tpu.memory_space<vmem_shared>> -> memref<10000x128xf32, #tpu.memory_space<vmem_shared>>
        tpu.wait_indirect_dma semaphore(%run_scoped3A_132 : memref<!tpu.dma_semaphore, #tpu.memory_space<semaphore_mem>>) src(%arg8 : memref<128x128xf32, #tpu.memory_space<vmem>>) dst(%dma_wait3A_138 : memref<10000x128xf32, #tpu.memory_space<vmem_shared>>)
        tpu.yield
      }) : () -> ()
      %while3A_131 = arith.constant 0 : i32
      scf.yield %while3A_131 : i32
    }
    %while3A_74 = arith.constant 1 : i32
    %while3A_75 = scf.for %while3A_110 = %while3A_71 to %while3A_67 step %while3A_74 iter_args(%while3A_111 = %while3A_73) -> (i32)  : i32 {
      %add3A_112 = arith.addi %select_n3A_11, %while3A_110 : i32
      %mul3A_113 = arith.constant 128 : i32
      %mul3A_114 = arith.muli %add3A_112, %mul3A_113 : i32
      %add3A_115 = arith.constant 320000 : i32
      %add3A_116 = arith.addi %add3A_115, %mul3A_114 : i32
      "tpu.region"() ({
        %run_scoped3A_132 = tpu.sem_alloc : memref<!tpu.dma_semaphore, #tpu.memory_space<semaphore_mem>>
        %dma_start3A_133 = tpu.memref_slice %arg3[%add3A_116] : memref<640000xi32, #tpu.memory_space<hbm>> -> memref<128xi32, #tpu.memory_space<hbm>>
        %dma_start3A_134 = tpu.memref_slice %arg3[%add3A_116] : memref<640000xi32, #tpu.memory_space<hbm>> -> memref<128xi32, #tpu.memory_space<hbm>>
        tpu.enqueue_dma source(%dma_start3A_134 : memref<128xi32, #tpu.memory_space<hbm>>) target(%arg9 : memref<128xi32, #tpu.memory_space<vmem>>) target_semaphore(%run_scoped3A_132 : memref<!tpu.dma_semaphore, #tpu.memory_space<semaphore_mem>>)
        %dma_wait3A_135 = tpu.memref_slice %arg3[%add3A_116] : memref<640000xi32, #tpu.memory_space<hbm>> -> memref<128xi32, #tpu.memory_space<hbm>>
        %dma_wait3A_136 = tpu.memref_slice %arg3[%add3A_116] : memref<640000xi32, #tpu.memory_space<hbm>> -> memref<128xi32, #tpu.memory_space<hbm>>
        tpu.wait_dma2 semaphore(%run_scoped3A_132 : memref<!tpu.dma_semaphore, #tpu.memory_space<semaphore_mem>>) src(%dma_wait3A_136 : memref<128xi32, #tpu.memory_space<hbm>>) dst(%arg9 : memref<128xi32, #tpu.memory_space<vmem>>)
        tpu.yield
      }) : () -> ()
      "tpu.region"() ({
        %run_scoped3A_132 = tpu.sem_alloc : memref<!tpu.dma_semaphore, #tpu.memory_space<semaphore_mem>>
        %dma_start3A_133 = tpu.memref_slice %arg4[%add3A_116] : memref<640000xi32, #tpu.memory_space<hbm>> -> memref<128xi32, #tpu.memory_space<hbm>>
        %dma_start3A_134 = tpu.memref_slice %arg4[%add3A_116] : memref<640000xi32, #tpu.memory_space<hbm>> -> memref<128xi32, #tpu.memory_space<hbm>>
        tpu.enqueue_dma source(%dma_start3A_134 : memref<128xi32, #tpu.memory_space<hbm>>) target(%arg10 : memref<128xi32, #tpu.memory_space<vmem>>) target_semaphore(%run_scoped3A_132 : memref<!tpu.dma_semaphore, #tpu.memory_space<semaphore_mem>>)
        %dma_wait3A_135 = tpu.memref_slice %arg4[%add3A_116] : memref<640000xi32, #tpu.memory_space<hbm>> -> memref<128xi32, #tpu.memory_space<hbm>>
        %dma_wait3A_136 = tpu.memref_slice %arg4[%add3A_116] : memref<640000xi32, #tpu.memory_space<hbm>> -> memref<128xi32, #tpu.memory_space<hbm>>
        tpu.wait_dma2 semaphore(%run_scoped3A_132 : memref<!tpu.dma_semaphore, #tpu.memory_space<semaphore_mem>>) src(%dma_wait3A_136 : memref<128xi32, #tpu.memory_space<hbm>>) dst(%arg10 : memref<128xi32, #tpu.memory_space<vmem>>)
        tpu.yield
      }) : () -> ()
      %dma_start3A = arith.constant 2 : i32
      %dma_start3A_117 = arith.constant 0 : i32
      %dma_start3A_118 = arith.constant 0 : i32
      %dma_start3A_119 = tpu.memref_slice %arg2[%arg0, %dma_start3A, %dma_start3A_117, %dma_start3A_118] : memref<2x4x10000x128xf32, #tpu.memory_space<hbm>> -> memref<1x1x10000x128xf32, #tpu.memory_space<hbm>>
      %dma_start3A_120 = tpu.memref_squeeze %dma_start3A_119 : memref<1x1x10000x128xf32, #tpu.memory_space<hbm>> -> memref<10000x128xf32, #tpu.memory_space<hbm>>
      %dma_start3A_121 = arith.constant 0 : i32
      %dma_start3A_122 = arith.constant 0 : i32
      %dma_start3A_123 = tpu.memref_slice %dma_start3A_120[%dma_start3A_121, %dma_start3A_122] : memref<10000x128xf32, #tpu.memory_space<hbm>> -> memref<10000x128xf32, #tpu.memory_space<hbm>>
      tpu.enqueue_indirect_dma source(%dma_start3A_123 : memref<10000x128xf32, #tpu.memory_space<hbm>>) target(%arg8 : memref<128x128xf32, #tpu.memory_space<vmem>>) offsets(%arg9 : memref<128xi32, #tpu.memory_space<vmem>>) semaphore(%arg11 : memref<!tpu.dma_semaphore, #tpu.memory_space<semaphore_mem>>)
      %dma_wait3A = arith.constant 2 : i32
      %dma_wait3A_124 = arith.constant 0 : i32
      %dma_wait3A_125 = arith.constant 0 : i32
      %dma_wait3A_126 = tpu.memref_slice %arg2[%arg0, %dma_wait3A, %dma_wait3A_124, %dma_wait3A_125] : memref<2x4x10000x128xf32, #tpu.memory_space<hbm>> -> memref<1x1x10000x128xf32, #tpu.memory_space<hbm>>
      %dma_wait3A_127 = tpu.memref_squeeze %dma_wait3A_126 : memref<1x1x10000x128xf32, #tpu.memory_space<hbm>> -> memref<10000x128xf32, #tpu.memory_space<hbm>>
      %dma_wait3A_128 = arith.constant 0 : i32
      %dma_wait3A_129 = arith.constant 0 : i32
      %dma_wait3A_130 = tpu.memref_slice %dma_wait3A_127[%dma_wait3A_128, %dma_wait3A_129] : memref<10000x128xf32, #tpu.memory_space<hbm>> -> memref<10000x128xf32, #tpu.memory_space<hbm>>
      tpu.wait_indirect_dma semaphore(%arg11 : memref<!tpu.dma_semaphore, #tpu.memory_space<semaphore_mem>>) src(%dma_wait3A_130 : memref<10000x128xf32, #tpu.memory_space<hbm>>) dst(%arg8 : memref<128x128xf32, #tpu.memory_space<vmem>>)
      "tpu.region"() ({
        %run_scoped3A_132 = tpu.sem_alloc : memref<!tpu.dma_semaphore, #tpu.memory_space<semaphore_mem>>
        %dma_start3A_133 = arith.constant 0 : i32
        %dma_start3A_134 = arith.constant 0 : i32
        %dma_start3A_135 = tpu.memref_slice %arg7[%dma_start3A_133, %dma_start3A_134] : memref<10000x128xf32, #tpu.memory_space<vmem_shared>> -> memref<10000x128xf32, #tpu.memory_space<vmem_shared>>
        tpu.enqueue_indirect_dma source(%arg8 : memref<128x128xf32, #tpu.memory_space<vmem>>) target(%dma_start3A_135 : memref<10000x128xf32, #tpu.memory_space<vmem_shared>>) offsets(%arg10 : memref<128xi32, #tpu.memory_space<vmem>>) semaphore(%run_scoped3A_132 : memref<!tpu.dma_semaphore, #tpu.memory_space<semaphore_mem>>) {add = true}
        %dma_wait3A_136 = arith.constant 0 : i32
        %dma_wait3A_137 = arith.constant 0 : i32
        %dma_wait3A_138 = tpu.memref_slice %arg7[%dma_wait3A_136, %dma_wait3A_137] : memref<10000x128xf32, #tpu.memory_space<vmem_shared>> -> memref<10000x128xf32, #tpu.memory_space<vmem_shared>>
        tpu.wait_indirect_dma semaphore(%run_scoped3A_132 : memref<!tpu.dma_semaphore, #tpu.memory_space<semaphore_mem>>) src(%arg8 : memref<128x128xf32, #tpu.memory_space<vmem>>) dst(%dma_wait3A_138 : memref<10000x128xf32, #tpu.memory_space<vmem_shared>>)
        tpu.yield
      }) : () -> ()
      %while3A_131 = arith.constant 0 : i32
      scf.yield %while3A_131 : i32
    }
    %barrier3A_76 = arith.constant 0 : index
    tpu.barrier barrier_id(%barrier3A_76)
    %run_scoped3A_77 = arith.constant 2 : i32
    "tpu.region"() ({
      %run_scoped3A_110 = tpu.sem_alloc : memref<!tpu.dma_semaphore, #tpu.memory_space<semaphore_mem>>
      %dma_start3A = arith.constant 0 : i32
      %dma_start3A_111 = tpu.memref_slice %arg6[%arg0, %run_scoped3A_77, %mul3A_0, %dma_start3A] : memref<2x4x10000x128xf32, #tpu.memory_space<hbm>> -> memref<1x1x624x128xf32, #tpu.memory_space<hbm>>
      %dma_start3A_112 = tpu.memref_squeeze %dma_start3A_111 : memref<1x1x624x128xf32, #tpu.memory_space<hbm>> -> memref<624x128xf32, #tpu.memory_space<hbm>>
      %dma_start3A_113 = arith.constant 0 : i32
      %dma_start3A_114 = tpu.memref_slice %arg7[%mul3A_0, %dma_start3A_113] : memref<10000x128xf32, #tpu.memory_space<vmem_shared>> -> memref<624x128xf32, #tpu.memory_space<vmem_shared>>
      tpu.enqueue_dma source(%dma_start3A_114 : memref<624x128xf32, #tpu.memory_space<vmem_shared>>) target(%dma_start3A_112 : memref<624x128xf32, #tpu.memory_space<hbm>>) target_semaphore(%run_scoped3A_110 : memref<!tpu.dma_semaphore, #tpu.memory_space<semaphore_mem>>)
      %dma_wait3A = arith.constant 0 : i32
      %dma_wait3A_115 = tpu.memref_slice %arg6[%arg0, %run_scoped3A_77, %mul3A_0, %dma_wait3A] : memref<2x4x10000x128xf32, #tpu.memory_space<hbm>> -> memref<1x1x624x128xf32, #tpu.memory_space<hbm>>
      %dma_wait3A_116 = tpu.memref_squeeze %dma_wait3A_115 : memref<1x1x624x128xf32, #tpu.memory_space<hbm>> -> memref<624x128xf32, #tpu.memory_space<hbm>>
      %dma_wait3A_117 = arith.constant 0 : i32
      %dma_wait3A_118 = tpu.memref_slice %arg7[%mul3A_0, %dma_wait3A_117] : memref<10000x128xf32, #tpu.memory_space<vmem_shared>> -> memref<624x128xf32, #tpu.memory_space<vmem_shared>>
      tpu.wait_dma2 semaphore(%run_scoped3A_110 : memref<!tpu.dma_semaphore, #tpu.memory_space<semaphore_mem>>) src(%dma_wait3A_118 : memref<624x128xf32, #tpu.memory_space<vmem_shared>>) dst(%dma_wait3A_116 : memref<624x128xf32, #tpu.memory_space<hbm>>)
      tpu.yield
    }) : () -> ()
    %eq3A_78 = arith.constant 15 : i32
    %eq3A_79 = arith.cmpi eq, %arg1, %eq3A_78 : i32
    %convert_element_type3A_80 = arith.extui %eq3A_79 : i1 to i32
    %cond3A_81 = arith.constant 0 : i32
    %cond3A_82 = arith.cmpi ne, %convert_element_type3A_80, %cond3A_81 : i32
    scf.if %cond3A_82 {
      %run_scoped3A_110 = arith.constant 2 : i32
      "tpu.region"() ({
        %run_scoped3A_111 = tpu.sem_alloc : memref<!tpu.dma_semaphore, #tpu.memory_space<semaphore_mem>>
        %dma_start3A = arith.constant 9984 : i32
        %dma_start3A_112 = arith.constant 0 : i32
        %dma_start3A_113 = tpu.memref_slice %arg6[%arg0, %run_scoped3A_110, %dma_start3A, %dma_start3A_112] : memref<2x4x10000x128xf32, #tpu.memory_space<hbm>> -> memref<1x1x16x128xf32, #tpu.memory_space<hbm>>
        %dma_start3A_114 = tpu.memref_squeeze %dma_start3A_113 : memref<1x1x16x128xf32, #tpu.memory_space<hbm>> -> memref<16x128xf32, #tpu.memory_space<hbm>>
        %dma_start3A_115 = arith.constant 9984 : i32
        %dma_start3A_116 = arith.constant 0 : i32
        %dma_start3A_117 = tpu.memref_slice %arg7[%dma_start3A_115, %dma_start3A_116] : memref<10000x128xf32, #tpu.memory_space<vmem_shared>> -> memref<16x128xf32, #tpu.memory_space<vmem_shared>>
        tpu.enqueue_dma source(%dma_start3A_117 : memref<16x128xf32, #tpu.memory_space<vmem_shared>>) target(%dma_start3A_114 : memref<16x128xf32, #tpu.memory_space<hbm>>) target_semaphore(%run_scoped3A_111 : memref<!tpu.dma_semaphore, #tpu.memory_space<semaphore_mem>>)
        %dma_wait3A = arith.constant 9984 : i32
        %dma_wait3A_118 = arith.constant 0 : i32
        %dma_wait3A_119 = tpu.memref_slice %arg6[%arg0, %run_scoped3A_110, %dma_wait3A, %dma_wait3A_118] : memref<2x4x10000x128xf32, #tpu.memory_space<hbm>> -> memref<1x1x16x128xf32, #tpu.memory_space<hbm>>
        %dma_wait3A_120 = tpu.memref_squeeze %dma_wait3A_119 : memref<1x1x16x128xf32, #tpu.memory_space<hbm>> -> memref<16x128xf32, #tpu.memory_space<hbm>>
        %dma_wait3A_121 = arith.constant 9984 : i32
        %dma_wait3A_122 = arith.constant 0 : i32
        %dma_wait3A_123 = tpu.memref_slice %arg7[%dma_wait3A_121, %dma_wait3A_122] : memref<10000x128xf32, #tpu.memory_space<vmem_shared>> -> memref<16x128xf32, #tpu.memory_space<vmem_shared>>
        tpu.wait_dma2 semaphore(%run_scoped3A_111 : memref<!tpu.dma_semaphore, #tpu.memory_space<semaphore_mem>>) src(%dma_wait3A_123 : memref<16x128xf32, #tpu.memory_space<vmem_shared>>) dst(%dma_wait3A_120 : memref<16x128xf32, #tpu.memory_space<hbm>>)
        tpu.yield
      }) : () -> ()
    } else {
    }
    %barrier3A_83 = arith.constant 0 : index
    tpu.barrier barrier_id(%barrier3A_83)
    "tpu.region"() ({
      %run_scoped3A_110 = tpu.sem_alloc : memref<!tpu.dma_semaphore, #tpu.memory_space<semaphore_mem>>
      %dma_start3A = arith.constant 0 : i32
      %dma_start3A_111 = tpu.memref_slice %arg7[%mul3A_0, %dma_start3A] : memref<10000x128xf32, #tpu.memory_space<vmem_shared>> -> memref<624x128xf32, #tpu.memory_space<vmem_shared>>
      %dma_start3A_112 = arith.constant 0 : i32
      %dma_start3A_113 = tpu.memref_slice %arg5[%mul3A_0, %dma_start3A_112] : memref<10000x128xf32, #tpu.memory_space<hbm>> -> memref<624x128xf32, #tpu.memory_space<hbm>>
      tpu.enqueue_dma source(%dma_start3A_113 : memref<624x128xf32, #tpu.memory_space<hbm>>) target(%dma_start3A_111 : memref<624x128xf32, #tpu.memory_space<vmem_shared>>) target_semaphore(%run_scoped3A_110 : memref<!tpu.dma_semaphore, #tpu.memory_space<semaphore_mem>>)
      %dma_wait3A = arith.constant 0 : i32
      %dma_wait3A_114 = tpu.memref_slice %arg7[%mul3A_0, %dma_wait3A] : memref<10000x128xf32, #tpu.memory_space<vmem_shared>> -> memref<624x128xf32, #tpu.memory_space<vmem_shared>>
      %dma_wait3A_115 = arith.constant 0 : i32
      %dma_wait3A_116 = tpu.memref_slice %arg5[%mul3A_0, %dma_wait3A_115] : memref<10000x128xf32, #tpu.memory_space<hbm>> -> memref<624x128xf32, #tpu.memory_space<hbm>>
      tpu.wait_dma2 semaphore(%run_scoped3A_110 : memref<!tpu.dma_semaphore, #tpu.memory_space<semaphore_mem>>) src(%dma_wait3A_116 : memref<624x128xf32, #tpu.memory_space<hbm>>) dst(%dma_wait3A_114 : memref<624x128xf32, #tpu.memory_space<vmem_shared>>)
      tpu.yield
    }) : () -> ()
    %eq3A_84 = arith.constant 15 : i32
    %eq3A_85 = arith.cmpi eq, %arg1, %eq3A_84 : i32
    %convert_element_type3A_86 = arith.extui %eq3A_85 : i1 to i32
    %cond3A_87 = arith.constant 0 : i32
    %cond3A_88 = arith.cmpi ne, %convert_element_type3A_86, %cond3A_87 : i32
    scf.if %cond3A_88 {
      "tpu.region"() ({
        %run_scoped3A_110 = tpu.sem_alloc : memref<!tpu.dma_semaphore, #tpu.memory_space<semaphore_mem>>
        %dma_start3A = arith.constant 9984 : i32
        %dma_start3A_111 = arith.constant 0 : i32
        %dma_start3A_112 = tpu.memref_slice %arg7[%dma_start3A, %dma_start3A_111] : memref<10000x128xf32, #tpu.memory_space<vmem_shared>> -> memref<16x128xf32, #tpu.memory_space<vmem_shared>>
        %dma_start3A_113 = arith.constant 9984 : i32
        %dma_start3A_114 = arith.constant 0 : i32
        %dma_start3A_115 = tpu.memref_slice %arg5[%dma_start3A_113, %dma_start3A_114] : memref<10000x128xf32, #tpu.memory_space<hbm>> -> memref<16x128xf32, #tpu.memory_space<hbm>>
        tpu.enqueue_dma source(%dma_start3A_115 : memref<16x128xf32, #tpu.memory_space<hbm>>) target(%dma_start3A_112 : memref<16x128xf32, #tpu.memory_space<vmem_shared>>) target_semaphore(%run_scoped3A_110 : memref<!tpu.dma_semaphore, #tpu.memory_space<semaphore_mem>>)
        %dma_wait3A = arith.constant 9984 : i32
        %dma_wait3A_116 = arith.constant 0 : i32
        %dma_wait3A_117 = tpu.memref_slice %arg7[%dma_wait3A, %dma_wait3A_116] : memref<10000x128xf32, #tpu.memory_space<vmem_shared>> -> memref<16x128xf32, #tpu.memory_space<vmem_shared>>
        %dma_wait3A_118 = arith.constant 9984 : i32
        %dma_wait3A_119 = arith.constant 0 : i32
        %dma_wait3A_120 = tpu.memref_slice %arg5[%dma_wait3A_118, %dma_wait3A_119] : memref<10000x128xf32, #tpu.memory_space<hbm>> -> memref<16x128xf32, #tpu.memory_space<hbm>>
        tpu.wait_dma2 semaphore(%run_scoped3A_110 : memref<!tpu.dma_semaphore, #tpu.memory_space<semaphore_mem>>) src(%dma_wait3A_120 : memref<16x128xf32, #tpu.memory_space<hbm>>) dst(%dma_wait3A_117 : memref<16x128xf32, #tpu.memory_space<vmem_shared>>)
        tpu.yield
      }) : () -> ()
    } else {
    }
    %barrier3A_89 = arith.constant 0 : index
    tpu.barrier barrier_id(%barrier3A_89)
    %while3A_90 = arith.constant 0 : i32
    %while3A_91 = arith.constant 0 : i32
    %while3A_92 = arith.subi %select_n3A, %while3A_90 : i32
    %while3A_93 = arith.addi %while3A_90, %while3A_92 : i32
    %while3A_94 = arith.constant 1 : i32
    %while3A_95 = arith.divsi %while3A_92, %while3A_94 : i32
    %while3A_96 = arith.muli %while3A_95, %while3A_94 : i32
    %while3A_97 = arith.addi %while3A_90, %while3A_96 : i32
    %while3A_98 = arith.constant 1 : i32
    %while3A_99 = scf.for %while3A_110 = %while3A_90 to %while3A_97 step %while3A_98 iter_args(%while3A_111 = %while3A_91) -> (i32)  : i32 {
      %add3A_112 = arith.addi %select_n3A_11, %while3A_110 : i32
      %mul3A_113 = arith.constant 128 : i32
      %mul3A_114 = arith.muli %add3A_112, %mul3A_113 : i32
      %add3A_115 = arith.constant 480000 : i32
      %add3A_116 = arith.addi %add3A_115, %mul3A_114 : i32
      "tpu.region"() ({
        %run_scoped3A_132 = tpu.sem_alloc : memref<!tpu.dma_semaphore, #tpu.memory_space<semaphore_mem>>
        %dma_start3A_133 = tpu.memref_slice %arg3[%add3A_116] : memref<640000xi32, #tpu.memory_space<hbm>> -> memref<128xi32, #tpu.memory_space<hbm>>
        %dma_start3A_134 = tpu.memref_slice %arg3[%add3A_116] : memref<640000xi32, #tpu.memory_space<hbm>> -> memref<128xi32, #tpu.memory_space<hbm>>
        tpu.enqueue_dma source(%dma_start3A_134 : memref<128xi32, #tpu.memory_space<hbm>>) target(%arg9 : memref<128xi32, #tpu.memory_space<vmem>>) target_semaphore(%run_scoped3A_132 : memref<!tpu.dma_semaphore, #tpu.memory_space<semaphore_mem>>)
        %dma_wait3A_135 = tpu.memref_slice %arg3[%add3A_116] : memref<640000xi32, #tpu.memory_space<hbm>> -> memref<128xi32, #tpu.memory_space<hbm>>
        %dma_wait3A_136 = tpu.memref_slice %arg3[%add3A_116] : memref<640000xi32, #tpu.memory_space<hbm>> -> memref<128xi32, #tpu.memory_space<hbm>>
        tpu.wait_dma2 semaphore(%run_scoped3A_132 : memref<!tpu.dma_semaphore, #tpu.memory_space<semaphore_mem>>) src(%dma_wait3A_136 : memref<128xi32, #tpu.memory_space<hbm>>) dst(%arg9 : memref<128xi32, #tpu.memory_space<vmem>>)
        tpu.yield
      }) : () -> ()
      "tpu.region"() ({
        %run_scoped3A_132 = tpu.sem_alloc : memref<!tpu.dma_semaphore, #tpu.memory_space<semaphore_mem>>
        %dma_start3A_133 = tpu.memref_slice %arg4[%add3A_116] : memref<640000xi32, #tpu.memory_space<hbm>> -> memref<128xi32, #tpu.memory_space<hbm>>
        %dma_start3A_134 = tpu.memref_slice %arg4[%add3A_116] : memref<640000xi32, #tpu.memory_space<hbm>> -> memref<128xi32, #tpu.memory_space<hbm>>
        tpu.enqueue_dma source(%dma_start3A_134 : memref<128xi32, #tpu.memory_space<hbm>>) target(%arg10 : memref<128xi32, #tpu.memory_space<vmem>>) target_semaphore(%run_scoped3A_132 : memref<!tpu.dma_semaphore, #tpu.memory_space<semaphore_mem>>)
        %dma_wait3A_135 = tpu.memref_slice %arg4[%add3A_116] : memref<640000xi32, #tpu.memory_space<hbm>> -> memref<128xi32, #tpu.memory_space<hbm>>
        %dma_wait3A_136 = tpu.memref_slice %arg4[%add3A_116] : memref<640000xi32, #tpu.memory_space<hbm>> -> memref<128xi32, #tpu.memory_space<hbm>>
        tpu.wait_dma2 semaphore(%run_scoped3A_132 : memref<!tpu.dma_semaphore, #tpu.memory_space<semaphore_mem>>) src(%dma_wait3A_136 : memref<128xi32, #tpu.memory_space<hbm>>) dst(%arg10 : memref<128xi32, #tpu.memory_space<vmem>>)
        tpu.yield
      }) : () -> ()
      %dma_start3A = arith.constant 3 : i32
      %dma_start3A_117 = arith.constant 0 : i32
      %dma_start3A_118 = arith.constant 0 : i32
      %dma_start3A_119 = tpu.memref_slice %arg2[%arg0, %dma_start3A, %dma_start3A_117, %dma_start3A_118] : memref<2x4x10000x128xf32, #tpu.memory_space<hbm>> -> memref<1x1x10000x128xf32, #tpu.memory_space<hbm>>
      %dma_start3A_120 = tpu.memref_squeeze %dma_start3A_119 : memref<1x1x10000x128xf32, #tpu.memory_space<hbm>> -> memref<10000x128xf32, #tpu.memory_space<hbm>>
      %dma_start3A_121 = arith.constant 0 : i32
      %dma_start3A_122 = arith.constant 0 : i32
      %dma_start3A_123 = tpu.memref_slice %dma_start3A_120[%dma_start3A_121, %dma_start3A_122] : memref<10000x128xf32, #tpu.memory_space<hbm>> -> memref<10000x128xf32, #tpu.memory_space<hbm>>
      tpu.enqueue_indirect_dma source(%dma_start3A_123 : memref<10000x128xf32, #tpu.memory_space<hbm>>) target(%arg8 : memref<128x128xf32, #tpu.memory_space<vmem>>) offsets(%arg9 : memref<128xi32, #tpu.memory_space<vmem>>) semaphore(%arg11 : memref<!tpu.dma_semaphore, #tpu.memory_space<semaphore_mem>>)
      %dma_wait3A = arith.constant 3 : i32
      %dma_wait3A_124 = arith.constant 0 : i32
      %dma_wait3A_125 = arith.constant 0 : i32
      %dma_wait3A_126 = tpu.memref_slice %arg2[%arg0, %dma_wait3A, %dma_wait3A_124, %dma_wait3A_125] : memref<2x4x10000x128xf32, #tpu.memory_space<hbm>> -> memref<1x1x10000x128xf32, #tpu.memory_space<hbm>>
      %dma_wait3A_127 = tpu.memref_squeeze %dma_wait3A_126 : memref<1x1x10000x128xf32, #tpu.memory_space<hbm>> -> memref<10000x128xf32, #tpu.memory_space<hbm>>
      %dma_wait3A_128 = arith.constant 0 : i32
      %dma_wait3A_129 = arith.constant 0 : i32
      %dma_wait3A_130 = tpu.memref_slice %dma_wait3A_127[%dma_wait3A_128, %dma_wait3A_129] : memref<10000x128xf32, #tpu.memory_space<hbm>> -> memref<10000x128xf32, #tpu.memory_space<hbm>>
      tpu.wait_indirect_dma semaphore(%arg11 : memref<!tpu.dma_semaphore, #tpu.memory_space<semaphore_mem>>) src(%dma_wait3A_130 : memref<10000x128xf32, #tpu.memory_space<hbm>>) dst(%arg8 : memref<128x128xf32, #tpu.memory_space<vmem>>)
      "tpu.region"() ({
        %run_scoped3A_132 = tpu.sem_alloc : memref<!tpu.dma_semaphore, #tpu.memory_space<semaphore_mem>>
        %dma_start3A_133 = arith.constant 0 : i32
        %dma_start3A_134 = arith.constant 0 : i32
        %dma_start3A_135 = tpu.memref_slice %arg7[%dma_start3A_133, %dma_start3A_134] : memref<10000x128xf32, #tpu.memory_space<vmem_shared>> -> memref<10000x128xf32, #tpu.memory_space<vmem_shared>>
        tpu.enqueue_indirect_dma source(%arg8 : memref<128x128xf32, #tpu.memory_space<vmem>>) target(%dma_start3A_135 : memref<10000x128xf32, #tpu.memory_space<vmem_shared>>) offsets(%arg10 : memref<128xi32, #tpu.memory_space<vmem>>) semaphore(%run_scoped3A_132 : memref<!tpu.dma_semaphore, #tpu.memory_space<semaphore_mem>>) {add = true}
        %dma_wait3A_136 = arith.constant 0 : i32
        %dma_wait3A_137 = arith.constant 0 : i32
        %dma_wait3A_138 = tpu.memref_slice %arg7[%dma_wait3A_136, %dma_wait3A_137] : memref<10000x128xf32, #tpu.memory_space<vmem_shared>> -> memref<10000x128xf32, #tpu.memory_space<vmem_shared>>
        tpu.wait_indirect_dma semaphore(%run_scoped3A_132 : memref<!tpu.dma_semaphore, #tpu.memory_space<semaphore_mem>>) src(%arg8 : memref<128x128xf32, #tpu.memory_space<vmem>>) dst(%dma_wait3A_138 : memref<10000x128xf32, #tpu.memory_space<vmem_shared>>)
        tpu.yield
      }) : () -> ()
      %while3A_131 = arith.constant 0 : i32
      scf.yield %while3A_131 : i32
    }
    %while3A_100 = arith.constant 1 : i32
    %while3A_101 = scf.for %while3A_110 = %while3A_97 to %while3A_93 step %while3A_100 iter_args(%while3A_111 = %while3A_99) -> (i32)  : i32 {
      %add3A_112 = arith.addi %select_n3A_11, %while3A_110 : i32
      %mul3A_113 = arith.constant 128 : i32
      %mul3A_114 = arith.muli %add3A_112, %mul3A_113 : i32
      %add3A_115 = arith.constant 480000 : i32
      %add3A_116 = arith.addi %add3A_115, %mul3A_114 : i32
      "tpu.region"() ({
        %run_scoped3A_132 = tpu.sem_alloc : memref<!tpu.dma_semaphore, #tpu.memory_space<semaphore_mem>>
        %dma_start3A_133 = tpu.memref_slice %arg3[%add3A_116] : memref<640000xi32, #tpu.memory_space<hbm>> -> memref<128xi32, #tpu.memory_space<hbm>>
        %dma_start3A_134 = tpu.memref_slice %arg3[%add3A_116] : memref<640000xi32, #tpu.memory_space<hbm>> -> memref<128xi32, #tpu.memory_space<hbm>>
        tpu.enqueue_dma source(%dma_start3A_134 : memref<128xi32, #tpu.memory_space<hbm>>) target(%arg9 : memref<128xi32, #tpu.memory_space<vmem>>) target_semaphore(%run_scoped3A_132 : memref<!tpu.dma_semaphore, #tpu.memory_space<semaphore_mem>>)
        %dma_wait3A_135 = tpu.memref_slice %arg3[%add3A_116] : memref<640000xi32, #tpu.memory_space<hbm>> -> memref<128xi32, #tpu.memory_space<hbm>>
        %dma_wait3A_136 = tpu.memref_slice %arg3[%add3A_116] : memref<640000xi32, #tpu.memory_space<hbm>> -> memref<128xi32, #tpu.memory_space<hbm>>
        tpu.wait_dma2 semaphore(%run_scoped3A_132 : memref<!tpu.dma_semaphore, #tpu.memory_space<semaphore_mem>>) src(%dma_wait3A_136 : memref<128xi32, #tpu.memory_space<hbm>>) dst(%arg9 : memref<128xi32, #tpu.memory_space<vmem>>)
        tpu.yield
      }) : () -> ()
      "tpu.region"() ({
        %run_scoped3A_132 = tpu.sem_alloc : memref<!tpu.dma_semaphore, #tpu.memory_space<semaphore_mem>>
        %dma_start3A_133 = tpu.memref_slice %arg4[%add3A_116] : memref<640000xi32, #tpu.memory_space<hbm>> -> memref<128xi32, #tpu.memory_space<hbm>>
        %dma_start3A_134 = tpu.memref_slice %arg4[%add3A_116] : memref<640000xi32, #tpu.memory_space<hbm>> -> memref<128xi32, #tpu.memory_space<hbm>>
        tpu.enqueue_dma source(%dma_start3A_134 : memref<128xi32, #tpu.memory_space<hbm>>) target(%arg10 : memref<128xi32, #tpu.memory_space<vmem>>) target_semaphore(%run_scoped3A_132 : memref<!tpu.dma_semaphore, #tpu.memory_space<semaphore_mem>>)
        %dma_wait3A_135 = tpu.memref_slice %arg4[%add3A_116] : memref<640000xi32, #tpu.memory_space<hbm>> -> memref<128xi32, #tpu.memory_space<hbm>>
        %dma_wait3A_136 = tpu.memref_slice %arg4[%add3A_116] : memref<640000xi32, #tpu.memory_space<hbm>> -> memref<128xi32, #tpu.memory_space<hbm>>
        tpu.wait_dma2 semaphore(%run_scoped3A_132 : memref<!tpu.dma_semaphore, #tpu.memory_space<semaphore_mem>>) src(%dma_wait3A_136 : memref<128xi32, #tpu.memory_space<hbm>>) dst(%arg10 : memref<128xi32, #tpu.memory_space<vmem>>)
        tpu.yield
      }) : () -> ()
      %dma_start3A = arith.constant 3 : i32
      %dma_start3A_117 = arith.constant 0 : i32
      %dma_start3A_118 = arith.constant 0 : i32
      %dma_start3A_119 = tpu.memref_slice %arg2[%arg0, %dma_start3A, %dma_start3A_117, %dma_start3A_118] : memref<2x4x10000x128xf32, #tpu.memory_space<hbm>> -> memref<1x1x10000x128xf32, #tpu.memory_space<hbm>>
      %dma_start3A_120 = tpu.memref_squeeze %dma_start3A_119 : memref<1x1x10000x128xf32, #tpu.memory_space<hbm>> -> memref<10000x128xf32, #tpu.memory_space<hbm>>
      %dma_start3A_121 = arith.constant 0 : i32
      %dma_start3A_122 = arith.constant 0 : i32
      %dma_start3A_123 = tpu.memref_slice %dma_start3A_120[%dma_start3A_121, %dma_start3A_122] : memref<10000x128xf32, #tpu.memory_space<hbm>> -> memref<10000x128xf32, #tpu.memory_space<hbm>>
      tpu.enqueue_indirect_dma source(%dma_start3A_123 : memref<10000x128xf32, #tpu.memory_space<hbm>>) target(%arg8 : memref<128x128xf32, #tpu.memory_space<vmem>>) offsets(%arg9 : memref<128xi32, #tpu.memory_space<vmem>>) semaphore(%arg11 : memref<!tpu.dma_semaphore, #tpu.memory_space<semaphore_mem>>)
      %dma_wait3A = arith.constant 3 : i32
      %dma_wait3A_124 = arith.constant 0 : i32
      %dma_wait3A_125 = arith.constant 0 : i32
      %dma_wait3A_126 = tpu.memref_slice %arg2[%arg0, %dma_wait3A, %dma_wait3A_124, %dma_wait3A_125] : memref<2x4x10000x128xf32, #tpu.memory_space<hbm>> -> memref<1x1x10000x128xf32, #tpu.memory_space<hbm>>
      %dma_wait3A_127 = tpu.memref_squeeze %dma_wait3A_126 : memref<1x1x10000x128xf32, #tpu.memory_space<hbm>> -> memref<10000x128xf32, #tpu.memory_space<hbm>>
      %dma_wait3A_128 = arith.constant 0 : i32
      %dma_wait3A_129 = arith.constant 0 : i32
      %dma_wait3A_130 = tpu.memref_slice %dma_wait3A_127[%dma_wait3A_128, %dma_wait3A_129] : memref<10000x128xf32, #tpu.memory_space<hbm>> -> memref<10000x128xf32, #tpu.memory_space<hbm>>
      tpu.wait_indirect_dma semaphore(%arg11 : memref<!tpu.dma_semaphore, #tpu.memory_space<semaphore_mem>>) src(%dma_wait3A_130 : memref<10000x128xf32, #tpu.memory_space<hbm>>) dst(%arg8 : memref<128x128xf32, #tpu.memory_space<vmem>>)
      "tpu.region"() ({
        %run_scoped3A_132 = tpu.sem_alloc : memref<!tpu.dma_semaphore, #tpu.memory_space<semaphore_mem>>
        %dma_start3A_133 = arith.constant 0 : i32
        %dma_start3A_134 = arith.constant 0 : i32
        %dma_start3A_135 = tpu.memref_slice %arg7[%dma_start3A_133, %dma_start3A_134] : memref<10000x128xf32, #tpu.memory_space<vmem_shared>> -> memref<10000x128xf32, #tpu.memory_space<vmem_shared>>
        tpu.enqueue_indirect_dma source(%arg8 : memref<128x128xf32, #tpu.memory_space<vmem>>) target(%dma_start3A_135 : memref<10000x128xf32, #tpu.memory_space<vmem_shared>>) offsets(%arg10 : memref<128xi32, #tpu.memory_space<vmem>>) semaphore(%run_scoped3A_132 : memref<!tpu.dma_semaphore, #tpu.memory_space<semaphore_mem>>) {add = true}
        %dma_wait3A_136 = arith.constant 0 : i32
        %dma_wait3A_137 = arith.constant 0 : i32
        %dma_wait3A_138 = tpu.memref_slice %arg7[%dma_wait3A_136, %dma_wait3A_137] : memref<10000x128xf32, #tpu.memory_space<vmem_shared>> -> memref<10000x128xf32, #tpu.memory_space<vmem_shared>>
        tpu.wait_indirect_dma semaphore(%run_scoped3A_132 : memref<!tpu.dma_semaphore, #tpu.memory_space<semaphore_mem>>) src(%arg8 : memref<128x128xf32, #tpu.memory_space<vmem>>) dst(%dma_wait3A_138 : memref<10000x128xf32, #tpu.memory_space<vmem_shared>>)
        tpu.yield
      }) : () -> ()
      %while3A_131 = arith.constant 0 : i32
      scf.yield %while3A_131 : i32
    }
    %barrier3A_102 = arith.constant 0 : index
    tpu.barrier barrier_id(%barrier3A_102)
    %run_scoped3A_103 = arith.constant 3 : i32
    "tpu.region"() ({
      %run_scoped3A_110 = tpu.sem_alloc : memref<!tpu.dma_semaphore, #tpu.memory_space<semaphore_mem>>
      %dma_start3A = arith.constant 0 : i32
      %dma_start3A_111 = tpu.memref_slice %arg6[%arg0, %run_scoped3A_103, %mul3A_0, %dma_start3A] : memref<2x4x10000x128xf32, #tpu.memory_space<hbm>> -> memref<1x1x624x128xf32, #tpu.memory_space<hbm>>
      %dma_start3A_112 = tpu.memref_squeeze %dma_start3A_111 : memref<1x1x624x128xf32, #tpu.memory_space<hbm>> -> memref<624x128xf32, #tpu.memory_space<hbm>>
      %dma_start3A_113 = arith.constant 0 : i32
      %dma_start3A_114 = tpu.memref_slice %arg7[%mul3A_0, %dma_start3A_113] : memref<10000x128xf32, #tpu.memory_space<vmem_shared>> -> memref<624x128xf32, #tpu.memory_space<vmem_shared>>
      tpu.enqueue_dma source(%dma_start3A_114 : memref<624x128xf32, #tpu.memory_space<vmem_shared>>) target(%dma_start3A_112 : memref<624x128xf32, #tpu.memory_space<hbm>>) target_semaphore(%run_scoped3A_110 : memref<!tpu.dma_semaphore, #tpu.memory_space<semaphore_mem>>)
      %dma_wait3A = arith.constant 0 : i32
      %dma_wait3A_115 = tpu.memref_slice %arg6[%arg0, %run_scoped3A_103, %mul3A_0, %dma_wait3A] : memref<2x4x10000x128xf32, #tpu.memory_space<hbm>> -> memref<1x1x624x128xf32, #tpu.memory_space<hbm>>
      %dma_wait3A_116 = tpu.memref_squeeze %dma_wait3A_115 : memref<1x1x624x128xf32, #tpu.memory_space<hbm>> -> memref<624x128xf32, #tpu.memory_space<hbm>>
      %dma_wait3A_117 = arith.constant 0 : i32
      %dma_wait3A_118 = tpu.memref_slice %arg7[%mul3A_0, %dma_wait3A_117] : memref<10000x128xf32, #tpu.memory_space<vmem_shared>> -> memref<624x128xf32, #tpu.memory_space<vmem_shared>>
      tpu.wait_dma2 semaphore(%run_scoped3A_110 : memref<!tpu.dma_semaphore, #tpu.memory_space<semaphore_mem>>) src(%dma_wait3A_118 : memref<624x128xf32, #tpu.memory_space<vmem_shared>>) dst(%dma_wait3A_116 : memref<624x128xf32, #tpu.memory_space<hbm>>)
      tpu.yield
    }) : () -> ()
    %eq3A_104 = arith.constant 15 : i32
    %eq3A_105 = arith.cmpi eq, %arg1, %eq3A_104 : i32
    %convert_element_type3A_106 = arith.extui %eq3A_105 : i1 to i32
    %cond3A_107 = arith.constant 0 : i32
    %cond3A_108 = arith.cmpi ne, %convert_element_type3A_106, %cond3A_107 : i32
    scf.if %cond3A_108 {
      %run_scoped3A_110 = arith.constant 3 : i32
      "tpu.region"() ({
        %run_scoped3A_111 = tpu.sem_alloc : memref<!tpu.dma_semaphore, #tpu.memory_space<semaphore_mem>>
        %dma_start3A = arith.constant 9984 : i32
        %dma_start3A_112 = arith.constant 0 : i32
        %dma_start3A_113 = tpu.memref_slice %arg6[%arg0, %run_scoped3A_110, %dma_start3A, %dma_start3A_112] : memref<2x4x10000x128xf32, #tpu.memory_space<hbm>> -> memref<1x1x16x128xf32, #tpu.memory_space<hbm>>
        %dma_start3A_114 = tpu.memref_squeeze %dma_start3A_113 : memref<1x1x16x128xf32, #tpu.memory_space<hbm>> -> memref<16x128xf32, #tpu.memory_space<hbm>>
        %dma_start3A_115 = arith.constant 9984 : i32
        %dma_start3A_116 = arith.constant 0 : i32
        %dma_start3A_117 = tpu.memref_slice %arg7[%dma_start3A_115, %dma_start3A_116] : memref<10000x128xf32, #tpu.memory_space<vmem_shared>> -> memref<16x128xf32, #tpu.memory_space<vmem_shared>>
        tpu.enqueue_dma source(%dma_start3A_117 : memref<16x128xf32, #tpu.memory_space<vmem_shared>>) target(%dma_start3A_114 : memref<16x128xf32, #tpu.memory_space<hbm>>) target_semaphore(%run_scoped3A_111 : memref<!tpu.dma_semaphore, #tpu.memory_space<semaphore_mem>>)
        %dma_wait3A = arith.constant 9984 : i32
        %dma_wait3A_118 = arith.constant 0 : i32
        %dma_wait3A_119 = tpu.memref_slice %arg6[%arg0, %run_scoped3A_110, %dma_wait3A, %dma_wait3A_118] : memref<2x4x10000x128xf32, #tpu.memory_space<hbm>> -> memref<1x1x16x128xf32, #tpu.memory_space<hbm>>
        %dma_wait3A_120 = tpu.memref_squeeze %dma_wait3A_119 : memref<1x1x16x128xf32, #tpu.memory_space<hbm>> -> memref<16x128xf32, #tpu.memory_space<hbm>>
        %dma_wait3A_121 = arith.constant 9984 : i32
        %dma_wait3A_122 = arith.constant 0 : i32
        %dma_wait3A_123 = tpu.memref_slice %arg7[%dma_wait3A_121, %dma_wait3A_122] : memref<10000x128xf32, #tpu.memory_space<vmem_shared>> -> memref<16x128xf32, #tpu.memory_space<vmem_shared>>
        tpu.wait_dma2 semaphore(%run_scoped3A_111 : memref<!tpu.dma_semaphore, #tpu.memory_space<semaphore_mem>>) src(%dma_wait3A_123 : memref<16x128xf32, #tpu.memory_space<vmem_shared>>) dst(%dma_wait3A_120 : memref<16x128xf32, #tpu.memory_space<hbm>>)
        tpu.yield
      }) : () -> ()
    } else {
    }
    %barrier3A_109 = arith.constant 0 : index
    tpu.barrier barrier_id(%barrier3A_109)
    return
  }
}

#map = affine_map<(d0, d1) -> (0)>
#map1 = affine_map<(d0, d1) -> (0, 0)>
#map2 = affine_map<(d0, d1) -> (0, 0, 0)>
module attributes {stable_mosaic.version = 14 : i64} {
  func.func @_deg_body(%arg0: i32, %arg1: i32, %arg2: memref<640000xi32, #tpu.memory_space<hbm>>, %arg3: memref<128x16xf32, #tpu.memory_space<hbm>>, %arg4: memref<10000x16xf32, #tpu.memory_space<hbm>>, %arg5: memref<4x10000x16xf32, #tpu.memory_space<hbm>>, %arg6: memref<10000x16xf32, #tpu.memory_space<vmem_shared>>, %arg7: memref<128x16xf32, #tpu.memory_space<vmem>>, %arg8: memref<128xi32, #tpu.memory_space<vmem>>) attributes {dimension_semantics = [#tpu.dimension_semantics<core_parallel>, #tpu.dimension_semantics<subcore_parallel>], iteration_bounds = array<i64: 2, 16>, scalar_prefetch = 0 : i64, scratch_operands = 3 : i64, tpu.core_type = #tpu.core_type<sc_vector_subcore>, window_params = [{transform_indices = #map}, {transform_indices = #map1}, {transform_indices = #map1}, {transform_indices = #map2}]} {
    %mul3A = arith.constant 624 : i32
    %mul3A_0 = arith.muli %arg1, %mul3A : i32
    "tpu.region"() ({
      %run_scoped3A = tpu.sem_alloc : memref<!tpu.dma_semaphore, #tpu.memory_space<semaphore_mem>>
      tpu.enqueue_dma source(%arg3 : memref<128x16xf32, #tpu.memory_space<hbm>>) target(%arg7 : memref<128x16xf32, #tpu.memory_space<vmem>>) target_semaphore(%run_scoped3A : memref<!tpu.dma_semaphore, #tpu.memory_space<semaphore_mem>>)
      tpu.wait_dma2 semaphore(%run_scoped3A : memref<!tpu.dma_semaphore, #tpu.memory_space<semaphore_mem>>) src(%arg3 : memref<128x16xf32, #tpu.memory_space<hbm>>) dst(%arg7 : memref<128x16xf32, #tpu.memory_space<vmem>>)
      tpu.yield
    }) : () -> ()
    %lt3A = arith.constant 2 : i32
    %lt3A_1 = arith.cmpi slt, %arg1, %lt3A : i32
    %jit3A = arith.constant 79 : i32
    %jit3A_2 = arith.constant 78 : i32
    %select_n3A = arith.select %lt3A_1, %jit3A, %jit3A_2 : i32
    %lt3A_3 = arith.constant 2 : i32
    %lt3A_4 = arith.cmpi slt, %arg1, %lt3A_3 : i32
    %mul3A_5 = arith.constant 79 : i32
    %mul3A_6 = arith.muli %mul3A_5, %arg1 : i32
    %sub3A = arith.constant 2 : i32
    %sub3A_7 = arith.subi %arg1, %sub3A : i32
    %mul3A_8 = arith.constant 78 : i32
    %mul3A_9 = arith.muli %mul3A_8, %sub3A_7 : i32
    %add3A = arith.constant 158 : i32
    %add3A_10 = arith.addi %add3A, %mul3A_9 : i32
    %select_n3A_11 = arith.select %lt3A_4, %mul3A_6, %add3A_10 : i32
    %mul3A_12 = arith.constant 2 : i32
    %mul3A_13 = arith.muli %arg0, %mul3A_12 : i32
    %add3A_14 = arith.constant 0 : i32
    %add3A_15 = arith.addi %mul3A_13, %add3A_14 : i32
    "tpu.region"() ({
      %run_scoped3A = tpu.sem_alloc : memref<!tpu.dma_semaphore, #tpu.memory_space<semaphore_mem>>
      %dma_start3A = arith.constant 0 : i32
      %dma_start3A_65 = tpu.memref_slice %arg6[%mul3A_0, %dma_start3A] : memref<10000x16xf32, #tpu.memory_space<vmem_shared>> -> memref<624x16xf32, #tpu.memory_space<vmem_shared>>
      %dma_start3A_66 = arith.constant 0 : i32
      %dma_start3A_67 = tpu.memref_slice %arg4[%mul3A_0, %dma_start3A_66] : memref<10000x16xf32, #tpu.memory_space<hbm>> -> memref<624x16xf32, #tpu.memory_space<hbm>>
      tpu.enqueue_dma source(%dma_start3A_67 : memref<624x16xf32, #tpu.memory_space<hbm>>) target(%dma_start3A_65 : memref<624x16xf32, #tpu.memory_space<vmem_shared>>) target_semaphore(%run_scoped3A : memref<!tpu.dma_semaphore, #tpu.memory_space<semaphore_mem>>)
      %dma_wait3A = arith.constant 0 : i32
      %dma_wait3A_68 = tpu.memref_slice %arg6[%mul3A_0, %dma_wait3A] : memref<10000x16xf32, #tpu.memory_space<vmem_shared>> -> memref<624x16xf32, #tpu.memory_space<vmem_shared>>
      %dma_wait3A_69 = arith.constant 0 : i32
      %dma_wait3A_70 = tpu.memref_slice %arg4[%mul3A_0, %dma_wait3A_69] : memref<10000x16xf32, #tpu.memory_space<hbm>> -> memref<624x16xf32, #tpu.memory_space<hbm>>
      tpu.wait_dma2 semaphore(%run_scoped3A : memref<!tpu.dma_semaphore, #tpu.memory_space<semaphore_mem>>) src(%dma_wait3A_70 : memref<624x16xf32, #tpu.memory_space<hbm>>) dst(%dma_wait3A_68 : memref<624x16xf32, #tpu.memory_space<vmem_shared>>)
      tpu.yield
    }) : () -> ()
    %eq3A = arith.constant 15 : i32
    %eq3A_16 = arith.cmpi eq, %arg1, %eq3A : i32
    %convert_element_type3A = arith.extui %eq3A_16 : i1 to i32
    %cond3A = arith.constant 0 : i32
    %cond3A_17 = arith.cmpi ne, %convert_element_type3A, %cond3A : i32
    scf.if %cond3A_17 {
      "tpu.region"() ({
        %run_scoped3A = tpu.sem_alloc : memref<!tpu.dma_semaphore, #tpu.memory_space<semaphore_mem>>
        %dma_start3A = arith.constant 9984 : i32
        %dma_start3A_65 = arith.constant 0 : i32
        %dma_start3A_66 = tpu.memref_slice %arg6[%dma_start3A, %dma_start3A_65] : memref<10000x16xf32, #tpu.memory_space<vmem_shared>> -> memref<16x16xf32, #tpu.memory_space<vmem_shared>>
        %dma_start3A_67 = arith.constant 9984 : i32
        %dma_start3A_68 = arith.constant 0 : i32
        %dma_start3A_69 = tpu.memref_slice %arg4[%dma_start3A_67, %dma_start3A_68] : memref<10000x16xf32, #tpu.memory_space<hbm>> -> memref<16x16xf32, #tpu.memory_space<hbm>>
        tpu.enqueue_dma source(%dma_start3A_69 : memref<16x16xf32, #tpu.memory_space<hbm>>) target(%dma_start3A_66 : memref<16x16xf32, #tpu.memory_space<vmem_shared>>) target_semaphore(%run_scoped3A : memref<!tpu.dma_semaphore, #tpu.memory_space<semaphore_mem>>)
        %dma_wait3A = arith.constant 9984 : i32
        %dma_wait3A_70 = arith.constant 0 : i32
        %dma_wait3A_71 = tpu.memref_slice %arg6[%dma_wait3A, %dma_wait3A_70] : memref<10000x16xf32, #tpu.memory_space<vmem_shared>> -> memref<16x16xf32, #tpu.memory_space<vmem_shared>>
        %dma_wait3A_72 = arith.constant 9984 : i32
        %dma_wait3A_73 = arith.constant 0 : i32
        %dma_wait3A_74 = tpu.memref_slice %arg4[%dma_wait3A_72, %dma_wait3A_73] : memref<10000x16xf32, #tpu.memory_space<hbm>> -> memref<16x16xf32, #tpu.memory_space<hbm>>
        tpu.wait_dma2 semaphore(%run_scoped3A : memref<!tpu.dma_semaphore, #tpu.memory_space<semaphore_mem>>) src(%dma_wait3A_74 : memref<16x16xf32, #tpu.memory_space<hbm>>) dst(%dma_wait3A_71 : memref<16x16xf32, #tpu.memory_space<vmem_shared>>)
        tpu.yield
      }) : () -> ()
    } else {
    }
    %barrier3A = arith.constant 0 : index
    tpu.barrier barrier_id(%barrier3A)
    %while3A = arith.constant 0 : i32
    %while3A_18 = arith.constant 0 : i32
    %while3A_19 = arith.subi %select_n3A, %while3A : i32
    %while3A_20 = arith.addi %while3A, %while3A_19 : i32
    %while3A_21 = arith.constant 1 : i32
    %while3A_22 = arith.divsi %while3A_19, %while3A_21 : i32
    %while3A_23 = arith.muli %while3A_22, %while3A_21 : i32
    %while3A_24 = arith.addi %while3A, %while3A_23 : i32
    %while3A_25 = arith.constant 1 : i32
    %while3A_26 = scf.for %while3A_65 = %while3A to %while3A_24 step %while3A_25 iter_args(%while3A_66 = %while3A_18) -> (i32)  : i32 {
      %mul3A_67 = arith.constant 160000 : i32
      %mul3A_68 = arith.muli %add3A_15, %mul3A_67 : i32
      %add3A_69 = arith.addi %select_n3A_11, %while3A_65 : i32
      %mul3A_70 = arith.constant 128 : i32
      %mul3A_71 = arith.muli %add3A_69, %mul3A_70 : i32
      %add3A_72 = arith.addi %mul3A_68, %mul3A_71 : i32
      "tpu.region"() ({
        %run_scoped3A = tpu.sem_alloc : memref<!tpu.dma_semaphore, #tpu.memory_space<semaphore_mem>>
        %dma_start3A = tpu.memref_slice %arg2[%add3A_72] : memref<640000xi32, #tpu.memory_space<hbm>> -> memref<128xi32, #tpu.memory_space<hbm>>
        %dma_start3A_74 = tpu.memref_slice %arg2[%add3A_72] : memref<640000xi32, #tpu.memory_space<hbm>> -> memref<128xi32, #tpu.memory_space<hbm>>
        tpu.enqueue_dma source(%dma_start3A_74 : memref<128xi32, #tpu.memory_space<hbm>>) target(%arg8 : memref<128xi32, #tpu.memory_space<vmem>>) target_semaphore(%run_scoped3A : memref<!tpu.dma_semaphore, #tpu.memory_space<semaphore_mem>>)
        %dma_wait3A = tpu.memref_slice %arg2[%add3A_72] : memref<640000xi32, #tpu.memory_space<hbm>> -> memref<128xi32, #tpu.memory_space<hbm>>
        %dma_wait3A_75 = tpu.memref_slice %arg2[%add3A_72] : memref<640000xi32, #tpu.memory_space<hbm>> -> memref<128xi32, #tpu.memory_space<hbm>>
        tpu.wait_dma2 semaphore(%run_scoped3A : memref<!tpu.dma_semaphore, #tpu.memory_space<semaphore_mem>>) src(%dma_wait3A_75 : memref<128xi32, #tpu.memory_space<hbm>>) dst(%arg8 : memref<128xi32, #tpu.memory_space<vmem>>)
        tpu.yield
      }) : () -> ()
      "tpu.region"() ({
        %run_scoped3A = tpu.sem_alloc : memref<!tpu.dma_semaphore, #tpu.memory_space<semaphore_mem>>
        %dma_start3A = arith.constant 0 : i32
        %dma_start3A_74 = arith.constant 0 : i32
        %dma_start3A_75 = tpu.memref_slice %arg6[%dma_start3A, %dma_start3A_74] : memref<10000x16xf32, #tpu.memory_space<vmem_shared>> -> memref<10000x16xf32, #tpu.memory_space<vmem_shared>>
        tpu.enqueue_indirect_dma source(%arg7 : memref<128x16xf32, #tpu.memory_space<vmem>>) target(%dma_start3A_75 : memref<10000x16xf32, #tpu.memory_space<vmem_shared>>) offsets(%arg8 : memref<128xi32, #tpu.memory_space<vmem>>) semaphore(%run_scoped3A : memref<!tpu.dma_semaphore, #tpu.memory_space<semaphore_mem>>) {add = true}
        %dma_wait3A = arith.constant 0 : i32
        %dma_wait3A_76 = arith.constant 0 : i32
        %dma_wait3A_77 = tpu.memref_slice %arg6[%dma_wait3A, %dma_wait3A_76] : memref<10000x16xf32, #tpu.memory_space<vmem_shared>> -> memref<10000x16xf32, #tpu.memory_space<vmem_shared>>
        tpu.wait_indirect_dma semaphore(%run_scoped3A : memref<!tpu.dma_semaphore, #tpu.memory_space<semaphore_mem>>) src(%arg7 : memref<128x16xf32, #tpu.memory_space<vmem>>) dst(%dma_wait3A_77 : memref<10000x16xf32, #tpu.memory_space<vmem_shared>>)
        tpu.yield
      }) : () -> ()
      %while3A_73 = arith.constant 0 : i32
      scf.yield %while3A_73 : i32
    }
    %while3A_27 = arith.constant 1 : i32
    %while3A_28 = scf.for %while3A_65 = %while3A_24 to %while3A_20 step %while3A_27 iter_args(%while3A_66 = %while3A_26) -> (i32)  : i32 {
      %mul3A_67 = arith.constant 160000 : i32
      %mul3A_68 = arith.muli %add3A_15, %mul3A_67 : i32
      %add3A_69 = arith.addi %select_n3A_11, %while3A_65 : i32
      %mul3A_70 = arith.constant 128 : i32
      %mul3A_71 = arith.muli %add3A_69, %mul3A_70 : i32
      %add3A_72 = arith.addi %mul3A_68, %mul3A_71 : i32
      "tpu.region"() ({
        %run_scoped3A = tpu.sem_alloc : memref<!tpu.dma_semaphore, #tpu.memory_space<semaphore_mem>>
        %dma_start3A = tpu.memref_slice %arg2[%add3A_72] : memref<640000xi32, #tpu.memory_space<hbm>> -> memref<128xi32, #tpu.memory_space<hbm>>
        %dma_start3A_74 = tpu.memref_slice %arg2[%add3A_72] : memref<640000xi32, #tpu.memory_space<hbm>> -> memref<128xi32, #tpu.memory_space<hbm>>
        tpu.enqueue_dma source(%dma_start3A_74 : memref<128xi32, #tpu.memory_space<hbm>>) target(%arg8 : memref<128xi32, #tpu.memory_space<vmem>>) target_semaphore(%run_scoped3A : memref<!tpu.dma_semaphore, #tpu.memory_space<semaphore_mem>>)
        %dma_wait3A = tpu.memref_slice %arg2[%add3A_72] : memref<640000xi32, #tpu.memory_space<hbm>> -> memref<128xi32, #tpu.memory_space<hbm>>
        %dma_wait3A_75 = tpu.memref_slice %arg2[%add3A_72] : memref<640000xi32, #tpu.memory_space<hbm>> -> memref<128xi32, #tpu.memory_space<hbm>>
        tpu.wait_dma2 semaphore(%run_scoped3A : memref<!tpu.dma_semaphore, #tpu.memory_space<semaphore_mem>>) src(%dma_wait3A_75 : memref<128xi32, #tpu.memory_space<hbm>>) dst(%arg8 : memref<128xi32, #tpu.memory_space<vmem>>)
        tpu.yield
      }) : () -> ()
      "tpu.region"() ({
        %run_scoped3A = tpu.sem_alloc : memref<!tpu.dma_semaphore, #tpu.memory_space<semaphore_mem>>
        %dma_start3A = arith.constant 0 : i32
        %dma_start3A_74 = arith.constant 0 : i32
        %dma_start3A_75 = tpu.memref_slice %arg6[%dma_start3A, %dma_start3A_74] : memref<10000x16xf32, #tpu.memory_space<vmem_shared>> -> memref<10000x16xf32, #tpu.memory_space<vmem_shared>>
        tpu.enqueue_indirect_dma source(%arg7 : memref<128x16xf32, #tpu.memory_space<vmem>>) target(%dma_start3A_75 : memref<10000x16xf32, #tpu.memory_space<vmem_shared>>) offsets(%arg8 : memref<128xi32, #tpu.memory_space<vmem>>) semaphore(%run_scoped3A : memref<!tpu.dma_semaphore, #tpu.memory_space<semaphore_mem>>) {add = true}
        %dma_wait3A = arith.constant 0 : i32
        %dma_wait3A_76 = arith.constant 0 : i32
        %dma_wait3A_77 = tpu.memref_slice %arg6[%dma_wait3A, %dma_wait3A_76] : memref<10000x16xf32, #tpu.memory_space<vmem_shared>> -> memref<10000x16xf32, #tpu.memory_space<vmem_shared>>
        tpu.wait_indirect_dma semaphore(%run_scoped3A : memref<!tpu.dma_semaphore, #tpu.memory_space<semaphore_mem>>) src(%arg7 : memref<128x16xf32, #tpu.memory_space<vmem>>) dst(%dma_wait3A_77 : memref<10000x16xf32, #tpu.memory_space<vmem_shared>>)
        tpu.yield
      }) : () -> ()
      %while3A_73 = arith.constant 0 : i32
      scf.yield %while3A_73 : i32
    }
    %barrier3A_29 = arith.constant 0 : index
    tpu.barrier barrier_id(%barrier3A_29)
    "tpu.region"() ({
      %run_scoped3A = tpu.sem_alloc : memref<!tpu.dma_semaphore, #tpu.memory_space<semaphore_mem>>
      %dma_start3A = arith.constant 0 : i32
      %dma_start3A_65 = tpu.memref_slice %arg5[%add3A_15, %mul3A_0, %dma_start3A] : memref<4x10000x16xf32, #tpu.memory_space<hbm>> -> memref<1x624x16xf32, #tpu.memory_space<hbm>>
      %dma_start3A_66 = tpu.memref_squeeze %dma_start3A_65 : memref<1x624x16xf32, #tpu.memory_space<hbm>> -> memref<624x16xf32, #tpu.memory_space<hbm>>
      %dma_start3A_67 = arith.constant 0 : i32
      %dma_start3A_68 = tpu.memref_slice %arg6[%mul3A_0, %dma_start3A_67] : memref<10000x16xf32, #tpu.memory_space<vmem_shared>> -> memref<624x16xf32, #tpu.memory_space<vmem_shared>>
      tpu.enqueue_dma source(%dma_start3A_68 : memref<624x16xf32, #tpu.memory_space<vmem_shared>>) target(%dma_start3A_66 : memref<624x16xf32, #tpu.memory_space<hbm>>) target_semaphore(%run_scoped3A : memref<!tpu.dma_semaphore, #tpu.memory_space<semaphore_mem>>)
      %dma_wait3A = arith.constant 0 : i32
      %dma_wait3A_69 = tpu.memref_slice %arg5[%add3A_15, %mul3A_0, %dma_wait3A] : memref<4x10000x16xf32, #tpu.memory_space<hbm>> -> memref<1x624x16xf32, #tpu.memory_space<hbm>>
      %dma_wait3A_70 = tpu.memref_squeeze %dma_wait3A_69 : memref<1x624x16xf32, #tpu.memory_space<hbm>> -> memref<624x16xf32, #tpu.memory_space<hbm>>
      %dma_wait3A_71 = arith.constant 0 : i32
      %dma_wait3A_72 = tpu.memref_slice %arg6[%mul3A_0, %dma_wait3A_71] : memref<10000x16xf32, #tpu.memory_space<vmem_shared>> -> memref<624x16xf32, #tpu.memory_space<vmem_shared>>
      tpu.wait_dma2 semaphore(%run_scoped3A : memref<!tpu.dma_semaphore, #tpu.memory_space<semaphore_mem>>) src(%dma_wait3A_72 : memref<624x16xf32, #tpu.memory_space<vmem_shared>>) dst(%dma_wait3A_70 : memref<624x16xf32, #tpu.memory_space<hbm>>)
      tpu.yield
    }) : () -> ()
    %eq3A_30 = arith.constant 15 : i32
    %eq3A_31 = arith.cmpi eq, %arg1, %eq3A_30 : i32
    %convert_element_type3A_32 = arith.extui %eq3A_31 : i1 to i32
    %cond3A_33 = arith.constant 0 : i32
    %cond3A_34 = arith.cmpi ne, %convert_element_type3A_32, %cond3A_33 : i32
    scf.if %cond3A_34 {
      "tpu.region"() ({
        %run_scoped3A = tpu.sem_alloc : memref<!tpu.dma_semaphore, #tpu.memory_space<semaphore_mem>>
        %dma_start3A = arith.constant 9984 : i32
        %dma_start3A_65 = arith.constant 0 : i32
        %dma_start3A_66 = tpu.memref_slice %arg5[%add3A_15, %dma_start3A, %dma_start3A_65] : memref<4x10000x16xf32, #tpu.memory_space<hbm>> -> memref<1x16x16xf32, #tpu.memory_space<hbm>>
        %dma_start3A_67 = tpu.memref_squeeze %dma_start3A_66 : memref<1x16x16xf32, #tpu.memory_space<hbm>> -> memref<16x16xf32, #tpu.memory_space<hbm>>
        %dma_start3A_68 = arith.constant 9984 : i32
        %dma_start3A_69 = arith.constant 0 : i32
        %dma_start3A_70 = tpu.memref_slice %arg6[%dma_start3A_68, %dma_start3A_69] : memref<10000x16xf32, #tpu.memory_space<vmem_shared>> -> memref<16x16xf32, #tpu.memory_space<vmem_shared>>
        tpu.enqueue_dma source(%dma_start3A_70 : memref<16x16xf32, #tpu.memory_space<vmem_shared>>) target(%dma_start3A_67 : memref<16x16xf32, #tpu.memory_space<hbm>>) target_semaphore(%run_scoped3A : memref<!tpu.dma_semaphore, #tpu.memory_space<semaphore_mem>>)
        %dma_wait3A = arith.constant 9984 : i32
        %dma_wait3A_71 = arith.constant 0 : i32
        %dma_wait3A_72 = tpu.memref_slice %arg5[%add3A_15, %dma_wait3A, %dma_wait3A_71] : memref<4x10000x16xf32, #tpu.memory_space<hbm>> -> memref<1x16x16xf32, #tpu.memory_space<hbm>>
        %dma_wait3A_73 = tpu.memref_squeeze %dma_wait3A_72 : memref<1x16x16xf32, #tpu.memory_space<hbm>> -> memref<16x16xf32, #tpu.memory_space<hbm>>
        %dma_wait3A_74 = arith.constant 9984 : i32
        %dma_wait3A_75 = arith.constant 0 : i32
        %dma_wait3A_76 = tpu.memref_slice %arg6[%dma_wait3A_74, %dma_wait3A_75] : memref<10000x16xf32, #tpu.memory_space<vmem_shared>> -> memref<16x16xf32, #tpu.memory_space<vmem_shared>>
        tpu.wait_dma2 semaphore(%run_scoped3A : memref<!tpu.dma_semaphore, #tpu.memory_space<semaphore_mem>>) src(%dma_wait3A_76 : memref<16x16xf32, #tpu.memory_space<vmem_shared>>) dst(%dma_wait3A_73 : memref<16x16xf32, #tpu.memory_space<hbm>>)
        tpu.yield
      }) : () -> ()
    } else {
    }
    %barrier3A_35 = arith.constant 0 : index
    tpu.barrier barrier_id(%barrier3A_35)
    %mul3A_36 = arith.constant 2 : i32
    %mul3A_37 = arith.muli %arg0, %mul3A_36 : i32
    %add3A_38 = arith.constant 1 : i32
    %add3A_39 = arith.addi %mul3A_37, %add3A_38 : i32
    "tpu.region"() ({
      %run_scoped3A = tpu.sem_alloc : memref<!tpu.dma_semaphore, #tpu.memory_space<semaphore_mem>>
      %dma_start3A = arith.constant 0 : i32
      %dma_start3A_65 = tpu.memref_slice %arg6[%mul3A_0, %dma_start3A] : memref<10000x16xf32, #tpu.memory_space<vmem_shared>> -> memref<624x16xf32, #tpu.memory_space<vmem_shared>>
      %dma_start3A_66 = arith.constant 0 : i32
      %dma_start3A_67 = tpu.memref_slice %arg4[%mul3A_0, %dma_start3A_66] : memref<10000x16xf32, #tpu.memory_space<hbm>> -> memref<624x16xf32, #tpu.memory_space<hbm>>
      tpu.enqueue_dma source(%dma_start3A_67 : memref<624x16xf32, #tpu.memory_space<hbm>>) target(%dma_start3A_65 : memref<624x16xf32, #tpu.memory_space<vmem_shared>>) target_semaphore(%run_scoped3A : memref<!tpu.dma_semaphore, #tpu.memory_space<semaphore_mem>>)
      %dma_wait3A = arith.constant 0 : i32
      %dma_wait3A_68 = tpu.memref_slice %arg6[%mul3A_0, %dma_wait3A] : memref<10000x16xf32, #tpu.memory_space<vmem_shared>> -> memref<624x16xf32, #tpu.memory_space<vmem_shared>>
      %dma_wait3A_69 = arith.constant 0 : i32
      %dma_wait3A_70 = tpu.memref_slice %arg4[%mul3A_0, %dma_wait3A_69] : memref<10000x16xf32, #tpu.memory_space<hbm>> -> memref<624x16xf32, #tpu.memory_space<hbm>>
      tpu.wait_dma2 semaphore(%run_scoped3A : memref<!tpu.dma_semaphore, #tpu.memory_space<semaphore_mem>>) src(%dma_wait3A_70 : memref<624x16xf32, #tpu.memory_space<hbm>>) dst(%dma_wait3A_68 : memref<624x16xf32, #tpu.memory_space<vmem_shared>>)
      tpu.yield
    }) : () -> ()
    %eq3A_40 = arith.constant 15 : i32
    %eq3A_41 = arith.cmpi eq, %arg1, %eq3A_40 : i32
    %convert_element_type3A_42 = arith.extui %eq3A_41 : i1 to i32
    %cond3A_43 = arith.constant 0 : i32
    %cond3A_44 = arith.cmpi ne, %convert_element_type3A_42, %cond3A_43 : i32
    scf.if %cond3A_44 {
      "tpu.region"() ({
        %run_scoped3A = tpu.sem_alloc : memref<!tpu.dma_semaphore, #tpu.memory_space<semaphore_mem>>
        %dma_start3A = arith.constant 9984 : i32
        %dma_start3A_65 = arith.constant 0 : i32
        %dma_start3A_66 = tpu.memref_slice %arg6[%dma_start3A, %dma_start3A_65] : memref<10000x16xf32, #tpu.memory_space<vmem_shared>> -> memref<16x16xf32, #tpu.memory_space<vmem_shared>>
        %dma_start3A_67 = arith.constant 9984 : i32
        %dma_start3A_68 = arith.constant 0 : i32
        %dma_start3A_69 = tpu.memref_slice %arg4[%dma_start3A_67, %dma_start3A_68] : memref<10000x16xf32, #tpu.memory_space<hbm>> -> memref<16x16xf32, #tpu.memory_space<hbm>>
        tpu.enqueue_dma source(%dma_start3A_69 : memref<16x16xf32, #tpu.memory_space<hbm>>) target(%dma_start3A_66 : memref<16x16xf32, #tpu.memory_space<vmem_shared>>) target_semaphore(%run_scoped3A : memref<!tpu.dma_semaphore, #tpu.memory_space<semaphore_mem>>)
        %dma_wait3A = arith.constant 9984 : i32
        %dma_wait3A_70 = arith.constant 0 : i32
        %dma_wait3A_71 = tpu.memref_slice %arg6[%dma_wait3A, %dma_wait3A_70] : memref<10000x16xf32, #tpu.memory_space<vmem_shared>> -> memref<16x16xf32, #tpu.memory_space<vmem_shared>>
        %dma_wait3A_72 = arith.constant 9984 : i32
        %dma_wait3A_73 = arith.constant 0 : i32
        %dma_wait3A_74 = tpu.memref_slice %arg4[%dma_wait3A_72, %dma_wait3A_73] : memref<10000x16xf32, #tpu.memory_space<hbm>> -> memref<16x16xf32, #tpu.memory_space<hbm>>
        tpu.wait_dma2 semaphore(%run_scoped3A : memref<!tpu.dma_semaphore, #tpu.memory_space<semaphore_mem>>) src(%dma_wait3A_74 : memref<16x16xf32, #tpu.memory_space<hbm>>) dst(%dma_wait3A_71 : memref<16x16xf32, #tpu.memory_space<vmem_shared>>)
        tpu.yield
      }) : () -> ()
    } else {
    }
    %barrier3A_45 = arith.constant 0 : index
    tpu.barrier barrier_id(%barrier3A_45)
    %while3A_46 = arith.constant 0 : i32
    %while3A_47 = arith.constant 0 : i32
    %while3A_48 = arith.subi %select_n3A, %while3A_46 : i32
    %while3A_49 = arith.addi %while3A_46, %while3A_48 : i32
    %while3A_50 = arith.constant 1 : i32
    %while3A_51 = arith.divsi %while3A_48, %while3A_50 : i32
    %while3A_52 = arith.muli %while3A_51, %while3A_50 : i32
    %while3A_53 = arith.addi %while3A_46, %while3A_52 : i32
    %while3A_54 = arith.constant 1 : i32
    %while3A_55 = scf.for %while3A_65 = %while3A_46 to %while3A_53 step %while3A_54 iter_args(%while3A_66 = %while3A_47) -> (i32)  : i32 {
      %mul3A_67 = arith.constant 160000 : i32
      %mul3A_68 = arith.muli %add3A_39, %mul3A_67 : i32
      %add3A_69 = arith.addi %select_n3A_11, %while3A_65 : i32
      %mul3A_70 = arith.constant 128 : i32
      %mul3A_71 = arith.muli %add3A_69, %mul3A_70 : i32
      %add3A_72 = arith.addi %mul3A_68, %mul3A_71 : i32
      "tpu.region"() ({
        %run_scoped3A = tpu.sem_alloc : memref<!tpu.dma_semaphore, #tpu.memory_space<semaphore_mem>>
        %dma_start3A = tpu.memref_slice %arg2[%add3A_72] : memref<640000xi32, #tpu.memory_space<hbm>> -> memref<128xi32, #tpu.memory_space<hbm>>
        %dma_start3A_74 = tpu.memref_slice %arg2[%add3A_72] : memref<640000xi32, #tpu.memory_space<hbm>> -> memref<128xi32, #tpu.memory_space<hbm>>
        tpu.enqueue_dma source(%dma_start3A_74 : memref<128xi32, #tpu.memory_space<hbm>>) target(%arg8 : memref<128xi32, #tpu.memory_space<vmem>>) target_semaphore(%run_scoped3A : memref<!tpu.dma_semaphore, #tpu.memory_space<semaphore_mem>>)
        %dma_wait3A = tpu.memref_slice %arg2[%add3A_72] : memref<640000xi32, #tpu.memory_space<hbm>> -> memref<128xi32, #tpu.memory_space<hbm>>
        %dma_wait3A_75 = tpu.memref_slice %arg2[%add3A_72] : memref<640000xi32, #tpu.memory_space<hbm>> -> memref<128xi32, #tpu.memory_space<hbm>>
        tpu.wait_dma2 semaphore(%run_scoped3A : memref<!tpu.dma_semaphore, #tpu.memory_space<semaphore_mem>>) src(%dma_wait3A_75 : memref<128xi32, #tpu.memory_space<hbm>>) dst(%arg8 : memref<128xi32, #tpu.memory_space<vmem>>)
        tpu.yield
      }) : () -> ()
      "tpu.region"() ({
        %run_scoped3A = tpu.sem_alloc : memref<!tpu.dma_semaphore, #tpu.memory_space<semaphore_mem>>
        %dma_start3A = arith.constant 0 : i32
        %dma_start3A_74 = arith.constant 0 : i32
        %dma_start3A_75 = tpu.memref_slice %arg6[%dma_start3A, %dma_start3A_74] : memref<10000x16xf32, #tpu.memory_space<vmem_shared>> -> memref<10000x16xf32, #tpu.memory_space<vmem_shared>>
        tpu.enqueue_indirect_dma source(%arg7 : memref<128x16xf32, #tpu.memory_space<vmem>>) target(%dma_start3A_75 : memref<10000x16xf32, #tpu.memory_space<vmem_shared>>) offsets(%arg8 : memref<128xi32, #tpu.memory_space<vmem>>) semaphore(%run_scoped3A : memref<!tpu.dma_semaphore, #tpu.memory_space<semaphore_mem>>) {add = true}
        %dma_wait3A = arith.constant 0 : i32
        %dma_wait3A_76 = arith.constant 0 : i32
        %dma_wait3A_77 = tpu.memref_slice %arg6[%dma_wait3A, %dma_wait3A_76] : memref<10000x16xf32, #tpu.memory_space<vmem_shared>> -> memref<10000x16xf32, #tpu.memory_space<vmem_shared>>
        tpu.wait_indirect_dma semaphore(%run_scoped3A : memref<!tpu.dma_semaphore, #tpu.memory_space<semaphore_mem>>) src(%arg7 : memref<128x16xf32, #tpu.memory_space<vmem>>) dst(%dma_wait3A_77 : memref<10000x16xf32, #tpu.memory_space<vmem_shared>>)
        tpu.yield
      }) : () -> ()
      %while3A_73 = arith.constant 0 : i32
      scf.yield %while3A_73 : i32
    }
    %while3A_56 = arith.constant 1 : i32
    %while3A_57 = scf.for %while3A_65 = %while3A_53 to %while3A_49 step %while3A_56 iter_args(%while3A_66 = %while3A_55) -> (i32)  : i32 {
      %mul3A_67 = arith.constant 160000 : i32
      %mul3A_68 = arith.muli %add3A_39, %mul3A_67 : i32
      %add3A_69 = arith.addi %select_n3A_11, %while3A_65 : i32
      %mul3A_70 = arith.constant 128 : i32
      %mul3A_71 = arith.muli %add3A_69, %mul3A_70 : i32
      %add3A_72 = arith.addi %mul3A_68, %mul3A_71 : i32
      "tpu.region"() ({
        %run_scoped3A = tpu.sem_alloc : memref<!tpu.dma_semaphore, #tpu.memory_space<semaphore_mem>>
        %dma_start3A = tpu.memref_slice %arg2[%add3A_72] : memref<640000xi32, #tpu.memory_space<hbm>> -> memref<128xi32, #tpu.memory_space<hbm>>
        %dma_start3A_74 = tpu.memref_slice %arg2[%add3A_72] : memref<640000xi32, #tpu.memory_space<hbm>> -> memref<128xi32, #tpu.memory_space<hbm>>
        tpu.enqueue_dma source(%dma_start3A_74 : memref<128xi32, #tpu.memory_space<hbm>>) target(%arg8 : memref<128xi32, #tpu.memory_space<vmem>>) target_semaphore(%run_scoped3A : memref<!tpu.dma_semaphore, #tpu.memory_space<semaphore_mem>>)
        %dma_wait3A = tpu.memref_slice %arg2[%add3A_72] : memref<640000xi32, #tpu.memory_space<hbm>> -> memref<128xi32, #tpu.memory_space<hbm>>
        %dma_wait3A_75 = tpu.memref_slice %arg2[%add3A_72] : memref<640000xi32, #tpu.memory_space<hbm>> -> memref<128xi32, #tpu.memory_space<hbm>>
        tpu.wait_dma2 semaphore(%run_scoped3A : memref<!tpu.dma_semaphore, #tpu.memory_space<semaphore_mem>>) src(%dma_wait3A_75 : memref<128xi32, #tpu.memory_space<hbm>>) dst(%arg8 : memref<128xi32, #tpu.memory_space<vmem>>)
        tpu.yield
      }) : () -> ()
      "tpu.region"() ({
        %run_scoped3A = tpu.sem_alloc : memref<!tpu.dma_semaphore, #tpu.memory_space<semaphore_mem>>
        %dma_start3A = arith.constant 0 : i32
        %dma_start3A_74 = arith.constant 0 : i32
        %dma_start3A_75 = tpu.memref_slice %arg6[%dma_start3A, %dma_start3A_74] : memref<10000x16xf32, #tpu.memory_space<vmem_shared>> -> memref<10000x16xf32, #tpu.memory_space<vmem_shared>>
        tpu.enqueue_indirect_dma source(%arg7 : memref<128x16xf32, #tpu.memory_space<vmem>>) target(%dma_start3A_75 : memref<10000x16xf32, #tpu.memory_space<vmem_shared>>) offsets(%arg8 : memref<128xi32, #tpu.memory_space<vmem>>) semaphore(%run_scoped3A : memref<!tpu.dma_semaphore, #tpu.memory_space<semaphore_mem>>) {add = true}
        %dma_wait3A = arith.constant 0 : i32
        %dma_wait3A_76 = arith.constant 0 : i32
        %dma_wait3A_77 = tpu.memref_slice %arg6[%dma_wait3A, %dma_wait3A_76] : memref<10000x16xf32, #tpu.memory_space<vmem_shared>> -> memref<10000x16xf32, #tpu.memory_space<vmem_shared>>
        tpu.wait_indirect_dma semaphore(%run_scoped3A : memref<!tpu.dma_semaphore, #tpu.memory_space<semaphore_mem>>) src(%arg7 : memref<128x16xf32, #tpu.memory_space<vmem>>) dst(%dma_wait3A_77 : memref<10000x16xf32, #tpu.memory_space<vmem_shared>>)
        tpu.yield
      }) : () -> ()
      %while3A_73 = arith.constant 0 : i32
      scf.yield %while3A_73 : i32
    }
    %barrier3A_58 = arith.constant 0 : index
    tpu.barrier barrier_id(%barrier3A_58)
    "tpu.region"() ({
      %run_scoped3A = tpu.sem_alloc : memref<!tpu.dma_semaphore, #tpu.memory_space<semaphore_mem>>
      %dma_start3A = arith.constant 0 : i32
      %dma_start3A_65 = tpu.memref_slice %arg5[%add3A_39, %mul3A_0, %dma_start3A] : memref<4x10000x16xf32, #tpu.memory_space<hbm>> -> memref<1x624x16xf32, #tpu.memory_space<hbm>>
      %dma_start3A_66 = tpu.memref_squeeze %dma_start3A_65 : memref<1x624x16xf32, #tpu.memory_space<hbm>> -> memref<624x16xf32, #tpu.memory_space<hbm>>
      %dma_start3A_67 = arith.constant 0 : i32
      %dma_start3A_68 = tpu.memref_slice %arg6[%mul3A_0, %dma_start3A_67] : memref<10000x16xf32, #tpu.memory_space<vmem_shared>> -> memref<624x16xf32, #tpu.memory_space<vmem_shared>>
      tpu.enqueue_dma source(%dma_start3A_68 : memref<624x16xf32, #tpu.memory_space<vmem_shared>>) target(%dma_start3A_66 : memref<624x16xf32, #tpu.memory_space<hbm>>) target_semaphore(%run_scoped3A : memref<!tpu.dma_semaphore, #tpu.memory_space<semaphore_mem>>)
      %dma_wait3A = arith.constant 0 : i32
      %dma_wait3A_69 = tpu.memref_slice %arg5[%add3A_39, %mul3A_0, %dma_wait3A] : memref<4x10000x16xf32, #tpu.memory_space<hbm>> -> memref<1x624x16xf32, #tpu.memory_space<hbm>>
      %dma_wait3A_70 = tpu.memref_squeeze %dma_wait3A_69 : memref<1x624x16xf32, #tpu.memory_space<hbm>> -> memref<624x16xf32, #tpu.memory_space<hbm>>
      %dma_wait3A_71 = arith.constant 0 : i32
      %dma_wait3A_72 = tpu.memref_slice %arg6[%mul3A_0, %dma_wait3A_71] : memref<10000x16xf32, #tpu.memory_space<vmem_shared>> -> memref<624x16xf32, #tpu.memory_space<vmem_shared>>
      tpu.wait_dma2 semaphore(%run_scoped3A : memref<!tpu.dma_semaphore, #tpu.memory_space<semaphore_mem>>) src(%dma_wait3A_72 : memref<624x16xf32, #tpu.memory_space<vmem_shared>>) dst(%dma_wait3A_70 : memref<624x16xf32, #tpu.memory_space<hbm>>)
      tpu.yield
    }) : () -> ()
    %eq3A_59 = arith.constant 15 : i32
    %eq3A_60 = arith.cmpi eq, %arg1, %eq3A_59 : i32
    %convert_element_type3A_61 = arith.extui %eq3A_60 : i1 to i32
    %cond3A_62 = arith.constant 0 : i32
    %cond3A_63 = arith.cmpi ne, %convert_element_type3A_61, %cond3A_62 : i32
    scf.if %cond3A_63 {
      "tpu.region"() ({
        %run_scoped3A = tpu.sem_alloc : memref<!tpu.dma_semaphore, #tpu.memory_space<semaphore_mem>>
        %dma_start3A = arith.constant 9984 : i32
        %dma_start3A_65 = arith.constant 0 : i32
        %dma_start3A_66 = tpu.memref_slice %arg5[%add3A_39, %dma_start3A, %dma_start3A_65] : memref<4x10000x16xf32, #tpu.memory_space<hbm>> -> memref<1x16x16xf32, #tpu.memory_space<hbm>>
        %dma_start3A_67 = tpu.memref_squeeze %dma_start3A_66 : memref<1x16x16xf32, #tpu.memory_space<hbm>> -> memref<16x16xf32, #tpu.memory_space<hbm>>
        %dma_start3A_68 = arith.constant 9984 : i32
        %dma_start3A_69 = arith.constant 0 : i32
        %dma_start3A_70 = tpu.memref_slice %arg6[%dma_start3A_68, %dma_start3A_69] : memref<10000x16xf32, #tpu.memory_space<vmem_shared>> -> memref<16x16xf32, #tpu.memory_space<vmem_shared>>
        tpu.enqueue_dma source(%dma_start3A_70 : memref<16x16xf32, #tpu.memory_space<vmem_shared>>) target(%dma_start3A_67 : memref<16x16xf32, #tpu.memory_space<hbm>>) target_semaphore(%run_scoped3A : memref<!tpu.dma_semaphore, #tpu.memory_space<semaphore_mem>>)
        %dma_wait3A = arith.constant 9984 : i32
        %dma_wait3A_71 = arith.constant 0 : i32
        %dma_wait3A_72 = tpu.memref_slice %arg5[%add3A_39, %dma_wait3A, %dma_wait3A_71] : memref<4x10000x16xf32, #tpu.memory_space<hbm>> -> memref<1x16x16xf32, #tpu.memory_space<hbm>>
        %dma_wait3A_73 = tpu.memref_squeeze %dma_wait3A_72 : memref<1x16x16xf32, #tpu.memory_space<hbm>> -> memref<16x16xf32, #tpu.memory_space<hbm>>
        %dma_wait3A_74 = arith.constant 9984 : i32
        %dma_wait3A_75 = arith.constant 0 : i32
        %dma_wait3A_76 = tpu.memref_slice %arg6[%dma_wait3A_74, %dma_wait3A_75] : memref<10000x16xf32, #tpu.memory_space<vmem_shared>> -> memref<16x16xf32, #tpu.memory_space<vmem_shared>>
        tpu.wait_dma2 semaphore(%run_scoped3A : memref<!tpu.dma_semaphore, #tpu.memory_space<semaphore_mem>>) src(%dma_wait3A_76 : memref<16x16xf32, #tpu.memory_space<vmem_shared>>) dst(%dma_wait3A_73 : memref<16x16xf32, #tpu.memory_space<hbm>>)
        tpu.yield
      }) : () -> ()
    } else {
    }
    %barrier3A_64 = arith.constant 0 : index
    tpu.barrier barrier_id(%barrier3A_64)
    return
  }
}

#map = affine_map<(d0, d1) -> (0, 0, 0, 0)>
#map1 = affine_map<(d0, d1) -> (0)>
#map2 = affine_map<(d0, d1) -> (0, 0)>
module attributes {stable_mosaic.version = 14 : i64} {
  func.func @_spmm_body(%arg0: i32, %arg1: i32, %arg2: memref<2x4x10000x128xf32, #tpu.memory_space<hbm>>, %arg3: memref<640000xi32, #tpu.memory_space<hbm>>, %arg4: memref<640000xi32, #tpu.memory_space<hbm>>, %arg5: memref<10000x128xf32, #tpu.memory_space<hbm>>, %arg6: memref<2x4x10000x128xf32, #tpu.memory_space<hbm>>, %arg7: memref<10000x128xf32, #tpu.memory_space<vmem_shared>>, %arg8: memref<128x128xf32, #tpu.memory_space<vmem>>, %arg9: memref<128xi32, #tpu.memory_space<vmem>>, %arg10: memref<128xi32, #tpu.memory_space<vmem>>, %arg11: memref<!tpu.dma_semaphore, #tpu.memory_space<semaphore_mem>>) attributes {dimension_semantics = [#tpu.dimension_semantics<core_parallel>, #tpu.dimension_semantics<subcore_parallel>], iteration_bounds = array<i64: 2, 16>, scalar_prefetch = 0 : i64, scratch_operands = 5 : i64, tpu.core_type = #tpu.core_type<sc_vector_subcore>, window_params = [{transform_indices = #map}, {transform_indices = #map1}, {transform_indices = #map1}, {transform_indices = #map2}, {transform_indices = #map}]} {
    %mul3A = arith.constant 624 : i32
    %mul3A_0 = arith.muli %arg1, %mul3A : i32
    %lt3A = arith.constant 2 : i32
    %lt3A_1 = arith.cmpi slt, %arg1, %lt3A : i32
    %jit3A = arith.constant 79 : i32
    %jit3A_2 = arith.constant 78 : i32
    %select_n3A = arith.select %lt3A_1, %jit3A, %jit3A_2 : i32
    %lt3A_3 = arith.constant 2 : i32
    %lt3A_4 = arith.cmpi slt, %arg1, %lt3A_3 : i32
    %mul3A_5 = arith.constant 79 : i32
    %mul3A_6 = arith.muli %mul3A_5, %arg1 : i32
    %sub3A = arith.constant 2 : i32
    %sub3A_7 = arith.subi %arg1, %sub3A : i32
    %mul3A_8 = arith.constant 78 : i32
    %mul3A_9 = arith.muli %mul3A_8, %sub3A_7 : i32
    %add3A = arith.constant 158 : i32
    %add3A_10 = arith.addi %add3A, %mul3A_9 : i32
    %select_n3A_11 = arith.select %lt3A_4, %mul3A_6, %add3A_10 : i32
    "tpu.region"() ({
      %run_scoped3A_110 = tpu.sem_alloc : memref<!tpu.dma_semaphore, #tpu.memory_space<semaphore_mem>>
      %dma_start3A = arith.constant 0 : i32
      %dma_start3A_111 = tpu.memref_slice %arg7[%mul3A_0, %dma_start3A] : memref<10000x128xf32, #tpu.memory_space<vmem_shared>> -> memref<624x128xf32, #tpu.memory_space<vmem_shared>>
      %dma_start3A_112 = arith.constant 0 : i32
      %dma_start3A_113 = tpu.memref_slice %arg5[%mul3A_0, %dma_start3A_112] : memref<10000x128xf32, #tpu.memory_space<hbm>> -> memref<624x128xf32, #tpu.memory_space<hbm>>
      tpu.enqueue_dma source(%dma_start3A_113 : memref<624x128xf32, #tpu.memory_space<hbm>>) target(%dma_start3A_111 : memref<624x128xf32, #tpu.memory_space<vmem_shared>>) target_semaphore(%run_scoped3A_110 : memref<!tpu.dma_semaphore, #tpu.memory_space<semaphore_mem>>)
      %dma_wait3A = arith.constant 0 : i32
      %dma_wait3A_114 = tpu.memref_slice %arg7[%mul3A_0, %dma_wait3A] : memref<10000x128xf32, #tpu.memory_space<vmem_shared>> -> memref<624x128xf32, #tpu.memory_space<vmem_shared>>
      %dma_wait3A_115 = arith.constant 0 : i32
      %dma_wait3A_116 = tpu.memref_slice %arg5[%mul3A_0, %dma_wait3A_115] : memref<10000x128xf32, #tpu.memory_space<hbm>> -> memref<624x128xf32, #tpu.memory_space<hbm>>
      tpu.wait_dma2 semaphore(%run_scoped3A_110 : memref<!tpu.dma_semaphore, #tpu.memory_space<semaphore_mem>>) src(%dma_wait3A_116 : memref<624x128xf32, #tpu.memory_space<hbm>>) dst(%dma_wait3A_114 : memref<624x128xf32, #tpu.memory_space<vmem_shared>>)
      tpu.yield
    }) : () -> ()
    %eq3A = arith.constant 15 : i32
    %eq3A_12 = arith.cmpi eq, %arg1, %eq3A : i32
    %convert_element_type3A = arith.extui %eq3A_12 : i1 to i32
    %cond3A = arith.constant 0 : i32
    %cond3A_13 = arith.cmpi ne, %convert_element_type3A, %cond3A : i32
    scf.if %cond3A_13 {
      "tpu.region"() ({
        %run_scoped3A_110 = tpu.sem_alloc : memref<!tpu.dma_semaphore, #tpu.memory_space<semaphore_mem>>
        %dma_start3A = arith.constant 9984 : i32
        %dma_start3A_111 = arith.constant 0 : i32
        %dma_start3A_112 = tpu.memref_slice %arg7[%dma_start3A, %dma_start3A_111] : memref<10000x128xf32, #tpu.memory_space<vmem_shared>> -> memref<16x128xf32, #tpu.memory_space<vmem_shared>>
        %dma_start3A_113 = arith.constant 9984 : i32
        %dma_start3A_114 = arith.constant 0 : i32
        %dma_start3A_115 = tpu.memref_slice %arg5[%dma_start3A_113, %dma_start3A_114] : memref<10000x128xf32, #tpu.memory_space<hbm>> -> memref<16x128xf32, #tpu.memory_space<hbm>>
        tpu.enqueue_dma source(%dma_start3A_115 : memref<16x128xf32, #tpu.memory_space<hbm>>) target(%dma_start3A_112 : memref<16x128xf32, #tpu.memory_space<vmem_shared>>) target_semaphore(%run_scoped3A_110 : memref<!tpu.dma_semaphore, #tpu.memory_space<semaphore_mem>>)
        %dma_wait3A = arith.constant 9984 : i32
        %dma_wait3A_116 = arith.constant 0 : i32
        %dma_wait3A_117 = tpu.memref_slice %arg7[%dma_wait3A, %dma_wait3A_116] : memref<10000x128xf32, #tpu.memory_space<vmem_shared>> -> memref<16x128xf32, #tpu.memory_space<vmem_shared>>
        %dma_wait3A_118 = arith.constant 9984 : i32
        %dma_wait3A_119 = arith.constant 0 : i32
        %dma_wait3A_120 = tpu.memref_slice %arg5[%dma_wait3A_118, %dma_wait3A_119] : memref<10000x128xf32, #tpu.memory_space<hbm>> -> memref<16x128xf32, #tpu.memory_space<hbm>>
        tpu.wait_dma2 semaphore(%run_scoped3A_110 : memref<!tpu.dma_semaphore, #tpu.memory_space<semaphore_mem>>) src(%dma_wait3A_120 : memref<16x128xf32, #tpu.memory_space<hbm>>) dst(%dma_wait3A_117 : memref<16x128xf32, #tpu.memory_space<vmem_shared>>)
        tpu.yield
      }) : () -> ()
    } else {
    }
    %barrier3A = arith.constant 0 : index
    tpu.barrier barrier_id(%barrier3A)
    %while3A = arith.constant 0 : i32
    %while3A_14 = arith.constant 0 : i32
    %while3A_15 = arith.subi %select_n3A, %while3A : i32
    %while3A_16 = arith.addi %while3A, %while3A_15 : i32
    %while3A_17 = arith.constant 1 : i32
    %while3A_18 = arith.divsi %while3A_15, %while3A_17 : i32
    %while3A_19 = arith.muli %while3A_18, %while3A_17 : i32
    %while3A_20 = arith.addi %while3A, %while3A_19 : i32
    %while3A_21 = arith.constant 1 : i32
    %while3A_22 = scf.for %while3A_110 = %while3A to %while3A_20 step %while3A_21 iter_args(%while3A_111 = %while3A_14) -> (i32)  : i32 {
      %add3A_112 = arith.addi %select_n3A_11, %while3A_110 : i32
      %mul3A_113 = arith.constant 128 : i32
      %mul3A_114 = arith.muli %add3A_112, %mul3A_113 : i32
      %add3A_115 = arith.constant 0 : i32
      %add3A_116 = arith.addi %add3A_115, %mul3A_114 : i32
      "tpu.region"() ({
        %run_scoped3A_132 = tpu.sem_alloc : memref<!tpu.dma_semaphore, #tpu.memory_space<semaphore_mem>>
        %dma_start3A_133 = tpu.memref_slice %arg3[%add3A_116] : memref<640000xi32, #tpu.memory_space<hbm>> -> memref<128xi32, #tpu.memory_space<hbm>>
        %dma_start3A_134 = tpu.memref_slice %arg3[%add3A_116] : memref<640000xi32, #tpu.memory_space<hbm>> -> memref<128xi32, #tpu.memory_space<hbm>>
        tpu.enqueue_dma source(%dma_start3A_134 : memref<128xi32, #tpu.memory_space<hbm>>) target(%arg9 : memref<128xi32, #tpu.memory_space<vmem>>) target_semaphore(%run_scoped3A_132 : memref<!tpu.dma_semaphore, #tpu.memory_space<semaphore_mem>>)
        %dma_wait3A_135 = tpu.memref_slice %arg3[%add3A_116] : memref<640000xi32, #tpu.memory_space<hbm>> -> memref<128xi32, #tpu.memory_space<hbm>>
        %dma_wait3A_136 = tpu.memref_slice %arg3[%add3A_116] : memref<640000xi32, #tpu.memory_space<hbm>> -> memref<128xi32, #tpu.memory_space<hbm>>
        tpu.wait_dma2 semaphore(%run_scoped3A_132 : memref<!tpu.dma_semaphore, #tpu.memory_space<semaphore_mem>>) src(%dma_wait3A_136 : memref<128xi32, #tpu.memory_space<hbm>>) dst(%arg9 : memref<128xi32, #tpu.memory_space<vmem>>)
        tpu.yield
      }) : () -> ()
      "tpu.region"() ({
        %run_scoped3A_132 = tpu.sem_alloc : memref<!tpu.dma_semaphore, #tpu.memory_space<semaphore_mem>>
        %dma_start3A_133 = tpu.memref_slice %arg4[%add3A_116] : memref<640000xi32, #tpu.memory_space<hbm>> -> memref<128xi32, #tpu.memory_space<hbm>>
        %dma_start3A_134 = tpu.memref_slice %arg4[%add3A_116] : memref<640000xi32, #tpu.memory_space<hbm>> -> memref<128xi32, #tpu.memory_space<hbm>>
        tpu.enqueue_dma source(%dma_start3A_134 : memref<128xi32, #tpu.memory_space<hbm>>) target(%arg10 : memref<128xi32, #tpu.memory_space<vmem>>) target_semaphore(%run_scoped3A_132 : memref<!tpu.dma_semaphore, #tpu.memory_space<semaphore_mem>>)
        %dma_wait3A_135 = tpu.memref_slice %arg4[%add3A_116] : memref<640000xi32, #tpu.memory_space<hbm>> -> memref<128xi32, #tpu.memory_space<hbm>>
        %dma_wait3A_136 = tpu.memref_slice %arg4[%add3A_116] : memref<640000xi32, #tpu.memory_space<hbm>> -> memref<128xi32, #tpu.memory_space<hbm>>
        tpu.wait_dma2 semaphore(%run_scoped3A_132 : memref<!tpu.dma_semaphore, #tpu.memory_space<semaphore_mem>>) src(%dma_wait3A_136 : memref<128xi32, #tpu.memory_space<hbm>>) dst(%arg10 : memref<128xi32, #tpu.memory_space<vmem>>)
        tpu.yield
      }) : () -> ()
      %dma_start3A = arith.constant 0 : i32
      %dma_start3A_117 = arith.constant 0 : i32
      %dma_start3A_118 = arith.constant 0 : i32
      %dma_start3A_119 = tpu.memref_slice %arg2[%arg0, %dma_start3A, %dma_start3A_117, %dma_start3A_118] : memref<2x4x10000x128xf32, #tpu.memory_space<hbm>> -> memref<1x1x10000x128xf32, #tpu.memory_space<hbm>>
      %dma_start3A_120 = tpu.memref_squeeze %dma_start3A_119 : memref<1x1x10000x128xf32, #tpu.memory_space<hbm>> -> memref<10000x128xf32, #tpu.memory_space<hbm>>
      %dma_start3A_121 = arith.constant 0 : i32
      %dma_start3A_122 = arith.constant 0 : i32
      %dma_start3A_123 = tpu.memref_slice %dma_start3A_120[%dma_start3A_121, %dma_start3A_122] : memref<10000x128xf32, #tpu.memory_space<hbm>> -> memref<10000x128xf32, #tpu.memory_space<hbm>>
      tpu.enqueue_indirect_dma source(%dma_start3A_123 : memref<10000x128xf32, #tpu.memory_space<hbm>>) target(%arg8 : memref<128x128xf32, #tpu.memory_space<vmem>>) offsets(%arg9 : memref<128xi32, #tpu.memory_space<vmem>>) semaphore(%arg11 : memref<!tpu.dma_semaphore, #tpu.memory_space<semaphore_mem>>)
      %dma_wait3A = arith.constant 0 : i32
      %dma_wait3A_124 = arith.constant 0 : i32
      %dma_wait3A_125 = arith.constant 0 : i32
      %dma_wait3A_126 = tpu.memref_slice %arg2[%arg0, %dma_wait3A, %dma_wait3A_124, %dma_wait3A_125] : memref<2x4x10000x128xf32, #tpu.memory_space<hbm>> -> memref<1x1x10000x128xf32, #tpu.memory_space<hbm>>
      %dma_wait3A_127 = tpu.memref_squeeze %dma_wait3A_126 : memref<1x1x10000x128xf32, #tpu.memory_space<hbm>> -> memref<10000x128xf32, #tpu.memory_space<hbm>>
      %dma_wait3A_128 = arith.constant 0 : i32
      %dma_wait3A_129 = arith.constant 0 : i32
      %dma_wait3A_130 = tpu.memref_slice %dma_wait3A_127[%dma_wait3A_128, %dma_wait3A_129] : memref<10000x128xf32, #tpu.memory_space<hbm>> -> memref<10000x128xf32, #tpu.memory_space<hbm>>
      tpu.wait_indirect_dma semaphore(%arg11 : memref<!tpu.dma_semaphore, #tpu.memory_space<semaphore_mem>>) src(%dma_wait3A_130 : memref<10000x128xf32, #tpu.memory_space<hbm>>) dst(%arg8 : memref<128x128xf32, #tpu.memory_space<vmem>>)
      "tpu.region"() ({
        %run_scoped3A_132 = tpu.sem_alloc : memref<!tpu.dma_semaphore, #tpu.memory_space<semaphore_mem>>
        %dma_start3A_133 = arith.constant 0 : i32
        %dma_start3A_134 = arith.constant 0 : i32
        %dma_start3A_135 = tpu.memref_slice %arg7[%dma_start3A_133, %dma_start3A_134] : memref<10000x128xf32, #tpu.memory_space<vmem_shared>> -> memref<10000x128xf32, #tpu.memory_space<vmem_shared>>
        tpu.enqueue_indirect_dma source(%arg8 : memref<128x128xf32, #tpu.memory_space<vmem>>) target(%dma_start3A_135 : memref<10000x128xf32, #tpu.memory_space<vmem_shared>>) offsets(%arg10 : memref<128xi32, #tpu.memory_space<vmem>>) semaphore(%run_scoped3A_132 : memref<!tpu.dma_semaphore, #tpu.memory_space<semaphore_mem>>) {add = true}
        %dma_wait3A_136 = arith.constant 0 : i32
        %dma_wait3A_137 = arith.constant 0 : i32
        %dma_wait3A_138 = tpu.memref_slice %arg7[%dma_wait3A_136, %dma_wait3A_137] : memref<10000x128xf32, #tpu.memory_space<vmem_shared>> -> memref<10000x128xf32, #tpu.memory_space<vmem_shared>>
        tpu.wait_indirect_dma semaphore(%run_scoped3A_132 : memref<!tpu.dma_semaphore, #tpu.memory_space<semaphore_mem>>) src(%arg8 : memref<128x128xf32, #tpu.memory_space<vmem>>) dst(%dma_wait3A_138 : memref<10000x128xf32, #tpu.memory_space<vmem_shared>>)
        tpu.yield
      }) : () -> ()
      %while3A_131 = arith.constant 0 : i32
      scf.yield %while3A_131 : i32
    }
    %while3A_23 = arith.constant 1 : i32
    %while3A_24 = scf.for %while3A_110 = %while3A_20 to %while3A_16 step %while3A_23 iter_args(%while3A_111 = %while3A_22) -> (i32)  : i32 {
      %add3A_112 = arith.addi %select_n3A_11, %while3A_110 : i32
      %mul3A_113 = arith.constant 128 : i32
      %mul3A_114 = arith.muli %add3A_112, %mul3A_113 : i32
      %add3A_115 = arith.constant 0 : i32
      %add3A_116 = arith.addi %add3A_115, %mul3A_114 : i32
      "tpu.region"() ({
        %run_scoped3A_132 = tpu.sem_alloc : memref<!tpu.dma_semaphore, #tpu.memory_space<semaphore_mem>>
        %dma_start3A_133 = tpu.memref_slice %arg3[%add3A_116] : memref<640000xi32, #tpu.memory_space<hbm>> -> memref<128xi32, #tpu.memory_space<hbm>>
        %dma_start3A_134 = tpu.memref_slice %arg3[%add3A_116] : memref<640000xi32, #tpu.memory_space<hbm>> -> memref<128xi32, #tpu.memory_space<hbm>>
        tpu.enqueue_dma source(%dma_start3A_134 : memref<128xi32, #tpu.memory_space<hbm>>) target(%arg9 : memref<128xi32, #tpu.memory_space<vmem>>) target_semaphore(%run_scoped3A_132 : memref<!tpu.dma_semaphore, #tpu.memory_space<semaphore_mem>>)
        %dma_wait3A_135 = tpu.memref_slice %arg3[%add3A_116] : memref<640000xi32, #tpu.memory_space<hbm>> -> memref<128xi32, #tpu.memory_space<hbm>>
        %dma_wait3A_136 = tpu.memref_slice %arg3[%add3A_116] : memref<640000xi32, #tpu.memory_space<hbm>> -> memref<128xi32, #tpu.memory_space<hbm>>
        tpu.wait_dma2 semaphore(%run_scoped3A_132 : memref<!tpu.dma_semaphore, #tpu.memory_space<semaphore_mem>>) src(%dma_wait3A_136 : memref<128xi32, #tpu.memory_space<hbm>>) dst(%arg9 : memref<128xi32, #tpu.memory_space<vmem>>)
        tpu.yield
      }) : () -> ()
      "tpu.region"() ({
        %run_scoped3A_132 = tpu.sem_alloc : memref<!tpu.dma_semaphore, #tpu.memory_space<semaphore_mem>>
        %dma_start3A_133 = tpu.memref_slice %arg4[%add3A_116] : memref<640000xi32, #tpu.memory_space<hbm>> -> memref<128xi32, #tpu.memory_space<hbm>>
        %dma_start3A_134 = tpu.memref_slice %arg4[%add3A_116] : memref<640000xi32, #tpu.memory_space<hbm>> -> memref<128xi32, #tpu.memory_space<hbm>>
        tpu.enqueue_dma source(%dma_start3A_134 : memref<128xi32, #tpu.memory_space<hbm>>) target(%arg10 : memref<128xi32, #tpu.memory_space<vmem>>) target_semaphore(%run_scoped3A_132 : memref<!tpu.dma_semaphore, #tpu.memory_space<semaphore_mem>>)
        %dma_wait3A_135 = tpu.memref_slice %arg4[%add3A_116] : memref<640000xi32, #tpu.memory_space<hbm>> -> memref<128xi32, #tpu.memory_space<hbm>>
        %dma_wait3A_136 = tpu.memref_slice %arg4[%add3A_116] : memref<640000xi32, #tpu.memory_space<hbm>> -> memref<128xi32, #tpu.memory_space<hbm>>
        tpu.wait_dma2 semaphore(%run_scoped3A_132 : memref<!tpu.dma_semaphore, #tpu.memory_space<semaphore_mem>>) src(%dma_wait3A_136 : memref<128xi32, #tpu.memory_space<hbm>>) dst(%arg10 : memref<128xi32, #tpu.memory_space<vmem>>)
        tpu.yield
      }) : () -> ()
      %dma_start3A = arith.constant 0 : i32
      %dma_start3A_117 = arith.constant 0 : i32
      %dma_start3A_118 = arith.constant 0 : i32
      %dma_start3A_119 = tpu.memref_slice %arg2[%arg0, %dma_start3A, %dma_start3A_117, %dma_start3A_118] : memref<2x4x10000x128xf32, #tpu.memory_space<hbm>> -> memref<1x1x10000x128xf32, #tpu.memory_space<hbm>>
      %dma_start3A_120 = tpu.memref_squeeze %dma_start3A_119 : memref<1x1x10000x128xf32, #tpu.memory_space<hbm>> -> memref<10000x128xf32, #tpu.memory_space<hbm>>
      %dma_start3A_121 = arith.constant 0 : i32
      %dma_start3A_122 = arith.constant 0 : i32
      %dma_start3A_123 = tpu.memref_slice %dma_start3A_120[%dma_start3A_121, %dma_start3A_122] : memref<10000x128xf32, #tpu.memory_space<hbm>> -> memref<10000x128xf32, #tpu.memory_space<hbm>>
      tpu.enqueue_indirect_dma source(%dma_start3A_123 : memref<10000x128xf32, #tpu.memory_space<hbm>>) target(%arg8 : memref<128x128xf32, #tpu.memory_space<vmem>>) offsets(%arg9 : memref<128xi32, #tpu.memory_space<vmem>>) semaphore(%arg11 : memref<!tpu.dma_semaphore, #tpu.memory_space<semaphore_mem>>)
      %dma_wait3A = arith.constant 0 : i32
      %dma_wait3A_124 = arith.constant 0 : i32
      %dma_wait3A_125 = arith.constant 0 : i32
      %dma_wait3A_126 = tpu.memref_slice %arg2[%arg0, %dma_wait3A, %dma_wait3A_124, %dma_wait3A_125] : memref<2x4x10000x128xf32, #tpu.memory_space<hbm>> -> memref<1x1x10000x128xf32, #tpu.memory_space<hbm>>
      %dma_wait3A_127 = tpu.memref_squeeze %dma_wait3A_126 : memref<1x1x10000x128xf32, #tpu.memory_space<hbm>> -> memref<10000x128xf32, #tpu.memory_space<hbm>>
      %dma_wait3A_128 = arith.constant 0 : i32
      %dma_wait3A_129 = arith.constant 0 : i32
      %dma_wait3A_130 = tpu.memref_slice %dma_wait3A_127[%dma_wait3A_128, %dma_wait3A_129] : memref<10000x128xf32, #tpu.memory_space<hbm>> -> memref<10000x128xf32, #tpu.memory_space<hbm>>
      tpu.wait_indirect_dma semaphore(%arg11 : memref<!tpu.dma_semaphore, #tpu.memory_space<semaphore_mem>>) src(%dma_wait3A_130 : memref<10000x128xf32, #tpu.memory_space<hbm>>) dst(%arg8 : memref<128x128xf32, #tpu.memory_space<vmem>>)
      "tpu.region"() ({
        %run_scoped3A_132 = tpu.sem_alloc : memref<!tpu.dma_semaphore, #tpu.memory_space<semaphore_mem>>
        %dma_start3A_133 = arith.constant 0 : i32
        %dma_start3A_134 = arith.constant 0 : i32
        %dma_start3A_135 = tpu.memref_slice %arg7[%dma_start3A_133, %dma_start3A_134] : memref<10000x128xf32, #tpu.memory_space<vmem_shared>> -> memref<10000x128xf32, #tpu.memory_space<vmem_shared>>
        tpu.enqueue_indirect_dma source(%arg8 : memref<128x128xf32, #tpu.memory_space<vmem>>) target(%dma_start3A_135 : memref<10000x128xf32, #tpu.memory_space<vmem_shared>>) offsets(%arg10 : memref<128xi32, #tpu.memory_space<vmem>>) semaphore(%run_scoped3A_132 : memref<!tpu.dma_semaphore, #tpu.memory_space<semaphore_mem>>) {add = true}
        %dma_wait3A_136 = arith.constant 0 : i32
        %dma_wait3A_137 = arith.constant 0 : i32
        %dma_wait3A_138 = tpu.memref_slice %arg7[%dma_wait3A_136, %dma_wait3A_137] : memref<10000x128xf32, #tpu.memory_space<vmem_shared>> -> memref<10000x128xf32, #tpu.memory_space<vmem_shared>>
        tpu.wait_indirect_dma semaphore(%run_scoped3A_132 : memref<!tpu.dma_semaphore, #tpu.memory_space<semaphore_mem>>) src(%arg8 : memref<128x128xf32, #tpu.memory_space<vmem>>) dst(%dma_wait3A_138 : memref<10000x128xf32, #tpu.memory_space<vmem_shared>>)
        tpu.yield
      }) : () -> ()
      %while3A_131 = arith.constant 0 : i32
      scf.yield %while3A_131 : i32
    }
    %barrier3A_25 = arith.constant 0 : index
    tpu.barrier barrier_id(%barrier3A_25)
    %run_scoped3A = arith.constant 0 : i32
    "tpu.region"() ({
      %run_scoped3A_110 = tpu.sem_alloc : memref<!tpu.dma_semaphore, #tpu.memory_space<semaphore_mem>>
      %dma_start3A = arith.constant 0 : i32
      %dma_start3A_111 = tpu.memref_slice %arg6[%arg0, %run_scoped3A, %mul3A_0, %dma_start3A] : memref<2x4x10000x128xf32, #tpu.memory_space<hbm>> -> memref<1x1x624x128xf32, #tpu.memory_space<hbm>>
      %dma_start3A_112 = tpu.memref_squeeze %dma_start3A_111 : memref<1x1x624x128xf32, #tpu.memory_space<hbm>> -> memref<624x128xf32, #tpu.memory_space<hbm>>
      %dma_start3A_113 = arith.constant 0 : i32
      %dma_start3A_114 = tpu.memref_slice %arg7[%mul3A_0, %dma_start3A_113] : memref<10000x128xf32, #tpu.memory_space<vmem_shared>> -> memref<624x128xf32, #tpu.memory_space<vmem_shared>>
      tpu.enqueue_dma source(%dma_start3A_114 : memref<624x128xf32, #tpu.memory_space<vmem_shared>>) target(%dma_start3A_112 : memref<624x128xf32, #tpu.memory_space<hbm>>) target_semaphore(%run_scoped3A_110 : memref<!tpu.dma_semaphore, #tpu.memory_space<semaphore_mem>>)
      %dma_wait3A = arith.constant 0 : i32
      %dma_wait3A_115 = tpu.memref_slice %arg6[%arg0, %run_scoped3A, %mul3A_0, %dma_wait3A] : memref<2x4x10000x128xf32, #tpu.memory_space<hbm>> -> memref<1x1x624x128xf32, #tpu.memory_space<hbm>>
      %dma_wait3A_116 = tpu.memref_squeeze %dma_wait3A_115 : memref<1x1x624x128xf32, #tpu.memory_space<hbm>> -> memref<624x128xf32, #tpu.memory_space<hbm>>
      %dma_wait3A_117 = arith.constant 0 : i32
      %dma_wait3A_118 = tpu.memref_slice %arg7[%mul3A_0, %dma_wait3A_117] : memref<10000x128xf32, #tpu.memory_space<vmem_shared>> -> memref<624x128xf32, #tpu.memory_space<vmem_shared>>
      tpu.wait_dma2 semaphore(%run_scoped3A_110 : memref<!tpu.dma_semaphore, #tpu.memory_space<semaphore_mem>>) src(%dma_wait3A_118 : memref<624x128xf32, #tpu.memory_space<vmem_shared>>) dst(%dma_wait3A_116 : memref<624x128xf32, #tpu.memory_space<hbm>>)
      tpu.yield
    }) : () -> ()
    %eq3A_26 = arith.constant 15 : i32
    %eq3A_27 = arith.cmpi eq, %arg1, %eq3A_26 : i32
    %convert_element_type3A_28 = arith.extui %eq3A_27 : i1 to i32
    %cond3A_29 = arith.constant 0 : i32
    %cond3A_30 = arith.cmpi ne, %convert_element_type3A_28, %cond3A_29 : i32
    scf.if %cond3A_30 {
      %run_scoped3A_110 = arith.constant 0 : i32
      "tpu.region"() ({
        %run_scoped3A_111 = tpu.sem_alloc : memref<!tpu.dma_semaphore, #tpu.memory_space<semaphore_mem>>
        %dma_start3A = arith.constant 9984 : i32
        %dma_start3A_112 = arith.constant 0 : i32
        %dma_start3A_113 = tpu.memref_slice %arg6[%arg0, %run_scoped3A_110, %dma_start3A, %dma_start3A_112] : memref<2x4x10000x128xf32, #tpu.memory_space<hbm>> -> memref<1x1x16x128xf32, #tpu.memory_space<hbm>>
        %dma_start3A_114 = tpu.memref_squeeze %dma_start3A_113 : memref<1x1x16x128xf32, #tpu.memory_space<hbm>> -> memref<16x128xf32, #tpu.memory_space<hbm>>
        %dma_start3A_115 = arith.constant 9984 : i32
        %dma_start3A_116 = arith.constant 0 : i32
        %dma_start3A_117 = tpu.memref_slice %arg7[%dma_start3A_115, %dma_start3A_116] : memref<10000x128xf32, #tpu.memory_space<vmem_shared>> -> memref<16x128xf32, #tpu.memory_space<vmem_shared>>
        tpu.enqueue_dma source(%dma_start3A_117 : memref<16x128xf32, #tpu.memory_space<vmem_shared>>) target(%dma_start3A_114 : memref<16x128xf32, #tpu.memory_space<hbm>>) target_semaphore(%run_scoped3A_111 : memref<!tpu.dma_semaphore, #tpu.memory_space<semaphore_mem>>)
        %dma_wait3A = arith.constant 9984 : i32
        %dma_wait3A_118 = arith.constant 0 : i32
        %dma_wait3A_119 = tpu.memref_slice %arg6[%arg0, %run_scoped3A_110, %dma_wait3A, %dma_wait3A_118] : memref<2x4x10000x128xf32, #tpu.memory_space<hbm>> -> memref<1x1x16x128xf32, #tpu.memory_space<hbm>>
        %dma_wait3A_120 = tpu.memref_squeeze %dma_wait3A_119 : memref<1x1x16x128xf32, #tpu.memory_space<hbm>> -> memref<16x128xf32, #tpu.memory_space<hbm>>
        %dma_wait3A_121 = arith.constant 9984 : i32
        %dma_wait3A_122 = arith.constant 0 : i32
        %dma_wait3A_123 = tpu.memref_slice %arg7[%dma_wait3A_121, %dma_wait3A_122] : memref<10000x128xf32, #tpu.memory_space<vmem_shared>> -> memref<16x128xf32, #tpu.memory_space<vmem_shared>>
        tpu.wait_dma2 semaphore(%run_scoped3A_111 : memref<!tpu.dma_semaphore, #tpu.memory_space<semaphore_mem>>) src(%dma_wait3A_123 : memref<16x128xf32, #tpu.memory_space<vmem_shared>>) dst(%dma_wait3A_120 : memref<16x128xf32, #tpu.memory_space<hbm>>)
        tpu.yield
      }) : () -> ()
    } else {
    }
    %barrier3A_31 = arith.constant 0 : index
    tpu.barrier barrier_id(%barrier3A_31)
    "tpu.region"() ({
      %run_scoped3A_110 = tpu.sem_alloc : memref<!tpu.dma_semaphore, #tpu.memory_space<semaphore_mem>>
      %dma_start3A = arith.constant 0 : i32
      %dma_start3A_111 = tpu.memref_slice %arg7[%mul3A_0, %dma_start3A] : memref<10000x128xf32, #tpu.memory_space<vmem_shared>> -> memref<624x128xf32, #tpu.memory_space<vmem_shared>>
      %dma_start3A_112 = arith.constant 0 : i32
      %dma_start3A_113 = tpu.memref_slice %arg5[%mul3A_0, %dma_start3A_112] : memref<10000x128xf32, #tpu.memory_space<hbm>> -> memref<624x128xf32, #tpu.memory_space<hbm>>
      tpu.enqueue_dma source(%dma_start3A_113 : memref<624x128xf32, #tpu.memory_space<hbm>>) target(%dma_start3A_111 : memref<624x128xf32, #tpu.memory_space<vmem_shared>>) target_semaphore(%run_scoped3A_110 : memref<!tpu.dma_semaphore, #tpu.memory_space<semaphore_mem>>)
      %dma_wait3A = arith.constant 0 : i32
      %dma_wait3A_114 = tpu.memref_slice %arg7[%mul3A_0, %dma_wait3A] : memref<10000x128xf32, #tpu.memory_space<vmem_shared>> -> memref<624x128xf32, #tpu.memory_space<vmem_shared>>
      %dma_wait3A_115 = arith.constant 0 : i32
      %dma_wait3A_116 = tpu.memref_slice %arg5[%mul3A_0, %dma_wait3A_115] : memref<10000x128xf32, #tpu.memory_space<hbm>> -> memref<624x128xf32, #tpu.memory_space<hbm>>
      tpu.wait_dma2 semaphore(%run_scoped3A_110 : memref<!tpu.dma_semaphore, #tpu.memory_space<semaphore_mem>>) src(%dma_wait3A_116 : memref<624x128xf32, #tpu.memory_space<hbm>>) dst(%dma_wait3A_114 : memref<624x128xf32, #tpu.memory_space<vmem_shared>>)
      tpu.yield
    }) : () -> ()
    %eq3A_32 = arith.constant 15 : i32
    %eq3A_33 = arith.cmpi eq, %arg1, %eq3A_32 : i32
    %convert_element_type3A_34 = arith.extui %eq3A_33 : i1 to i32
    %cond3A_35 = arith.constant 0 : i32
    %cond3A_36 = arith.cmpi ne, %convert_element_type3A_34, %cond3A_35 : i32
    scf.if %cond3A_36 {
      "tpu.region"() ({
        %run_scoped3A_110 = tpu.sem_alloc : memref<!tpu.dma_semaphore, #tpu.memory_space<semaphore_mem>>
        %dma_start3A = arith.constant 9984 : i32
        %dma_start3A_111 = arith.constant 0 : i32
        %dma_start3A_112 = tpu.memref_slice %arg7[%dma_start3A, %dma_start3A_111] : memref<10000x128xf32, #tpu.memory_space<vmem_shared>> -> memref<16x128xf32, #tpu.memory_space<vmem_shared>>
        %dma_start3A_113 = arith.constant 9984 : i32
        %dma_start3A_114 = arith.constant 0 : i32
        %dma_start3A_115 = tpu.memref_slice %arg5[%dma_start3A_113, %dma_start3A_114] : memref<10000x128xf32, #tpu.memory_space<hbm>> -> memref<16x128xf32, #tpu.memory_space<hbm>>
        tpu.enqueue_dma source(%dma_start3A_115 : memref<16x128xf32, #tpu.memory_space<hbm>>) target(%dma_start3A_112 : memref<16x128xf32, #tpu.memory_space<vmem_shared>>) target_semaphore(%run_scoped3A_110 : memref<!tpu.dma_semaphore, #tpu.memory_space<semaphore_mem>>)
        %dma_wait3A = arith.constant 9984 : i32
        %dma_wait3A_116 = arith.constant 0 : i32
        %dma_wait3A_117 = tpu.memref_slice %arg7[%dma_wait3A, %dma_wait3A_116] : memref<10000x128xf32, #tpu.memory_space<vmem_shared>> -> memref<16x128xf32, #tpu.memory_space<vmem_shared>>
        %dma_wait3A_118 = arith.constant 9984 : i32
        %dma_wait3A_119 = arith.constant 0 : i32
        %dma_wait3A_120 = tpu.memref_slice %arg5[%dma_wait3A_118, %dma_wait3A_119] : memref<10000x128xf32, #tpu.memory_space<hbm>> -> memref<16x128xf32, #tpu.memory_space<hbm>>
        tpu.wait_dma2 semaphore(%run_scoped3A_110 : memref<!tpu.dma_semaphore, #tpu.memory_space<semaphore_mem>>) src(%dma_wait3A_120 : memref<16x128xf32, #tpu.memory_space<hbm>>) dst(%dma_wait3A_117 : memref<16x128xf32, #tpu.memory_space<vmem_shared>>)
        tpu.yield
      }) : () -> ()
    } else {
    }
    %barrier3A_37 = arith.constant 0 : index
    tpu.barrier barrier_id(%barrier3A_37)
    %while3A_38 = arith.constant 0 : i32
    %while3A_39 = arith.constant 0 : i32
    %while3A_40 = arith.subi %select_n3A, %while3A_38 : i32
    %while3A_41 = arith.addi %while3A_38, %while3A_40 : i32
    %while3A_42 = arith.constant 1 : i32
    %while3A_43 = arith.divsi %while3A_40, %while3A_42 : i32
    %while3A_44 = arith.muli %while3A_43, %while3A_42 : i32
    %while3A_45 = arith.addi %while3A_38, %while3A_44 : i32
    %while3A_46 = arith.constant 1 : i32
    %while3A_47 = scf.for %while3A_110 = %while3A_38 to %while3A_45 step %while3A_46 iter_args(%while3A_111 = %while3A_39) -> (i32)  : i32 {
      %add3A_112 = arith.addi %select_n3A_11, %while3A_110 : i32
      %mul3A_113 = arith.constant 128 : i32
      %mul3A_114 = arith.muli %add3A_112, %mul3A_113 : i32
      %add3A_115 = arith.constant 160000 : i32
      %add3A_116 = arith.addi %add3A_115, %mul3A_114 : i32
      "tpu.region"() ({
        %run_scoped3A_132 = tpu.sem_alloc : memref<!tpu.dma_semaphore, #tpu.memory_space<semaphore_mem>>
        %dma_start3A_133 = tpu.memref_slice %arg3[%add3A_116] : memref<640000xi32, #tpu.memory_space<hbm>> -> memref<128xi32, #tpu.memory_space<hbm>>
        %dma_start3A_134 = tpu.memref_slice %arg3[%add3A_116] : memref<640000xi32, #tpu.memory_space<hbm>> -> memref<128xi32, #tpu.memory_space<hbm>>
        tpu.enqueue_dma source(%dma_start3A_134 : memref<128xi32, #tpu.memory_space<hbm>>) target(%arg9 : memref<128xi32, #tpu.memory_space<vmem>>) target_semaphore(%run_scoped3A_132 : memref<!tpu.dma_semaphore, #tpu.memory_space<semaphore_mem>>)
        %dma_wait3A_135 = tpu.memref_slice %arg3[%add3A_116] : memref<640000xi32, #tpu.memory_space<hbm>> -> memref<128xi32, #tpu.memory_space<hbm>>
        %dma_wait3A_136 = tpu.memref_slice %arg3[%add3A_116] : memref<640000xi32, #tpu.memory_space<hbm>> -> memref<128xi32, #tpu.memory_space<hbm>>
        tpu.wait_dma2 semaphore(%run_scoped3A_132 : memref<!tpu.dma_semaphore, #tpu.memory_space<semaphore_mem>>) src(%dma_wait3A_136 : memref<128xi32, #tpu.memory_space<hbm>>) dst(%arg9 : memref<128xi32, #tpu.memory_space<vmem>>)
        tpu.yield
      }) : () -> ()
      "tpu.region"() ({
        %run_scoped3A_132 = tpu.sem_alloc : memref<!tpu.dma_semaphore, #tpu.memory_space<semaphore_mem>>
        %dma_start3A_133 = tpu.memref_slice %arg4[%add3A_116] : memref<640000xi32, #tpu.memory_space<hbm>> -> memref<128xi32, #tpu.memory_space<hbm>>
        %dma_start3A_134 = tpu.memref_slice %arg4[%add3A_116] : memref<640000xi32, #tpu.memory_space<hbm>> -> memref<128xi32, #tpu.memory_space<hbm>>
        tpu.enqueue_dma source(%dma_start3A_134 : memref<128xi32, #tpu.memory_space<hbm>>) target(%arg10 : memref<128xi32, #tpu.memory_space<vmem>>) target_semaphore(%run_scoped3A_132 : memref<!tpu.dma_semaphore, #tpu.memory_space<semaphore_mem>>)
        %dma_wait3A_135 = tpu.memref_slice %arg4[%add3A_116] : memref<640000xi32, #tpu.memory_space<hbm>> -> memref<128xi32, #tpu.memory_space<hbm>>
        %dma_wait3A_136 = tpu.memref_slice %arg4[%add3A_116] : memref<640000xi32, #tpu.memory_space<hbm>> -> memref<128xi32, #tpu.memory_space<hbm>>
        tpu.wait_dma2 semaphore(%run_scoped3A_132 : memref<!tpu.dma_semaphore, #tpu.memory_space<semaphore_mem>>) src(%dma_wait3A_136 : memref<128xi32, #tpu.memory_space<hbm>>) dst(%arg10 : memref<128xi32, #tpu.memory_space<vmem>>)
        tpu.yield
      }) : () -> ()
      %dma_start3A = arith.constant 1 : i32
      %dma_start3A_117 = arith.constant 0 : i32
      %dma_start3A_118 = arith.constant 0 : i32
      %dma_start3A_119 = tpu.memref_slice %arg2[%arg0, %dma_start3A, %dma_start3A_117, %dma_start3A_118] : memref<2x4x10000x128xf32, #tpu.memory_space<hbm>> -> memref<1x1x10000x128xf32, #tpu.memory_space<hbm>>
      %dma_start3A_120 = tpu.memref_squeeze %dma_start3A_119 : memref<1x1x10000x128xf32, #tpu.memory_space<hbm>> -> memref<10000x128xf32, #tpu.memory_space<hbm>>
      %dma_start3A_121 = arith.constant 0 : i32
      %dma_start3A_122 = arith.constant 0 : i32
      %dma_start3A_123 = tpu.memref_slice %dma_start3A_120[%dma_start3A_121, %dma_start3A_122] : memref<10000x128xf32, #tpu.memory_space<hbm>> -> memref<10000x128xf32, #tpu.memory_space<hbm>>
      tpu.enqueue_indirect_dma source(%dma_start3A_123 : memref<10000x128xf32, #tpu.memory_space<hbm>>) target(%arg8 : memref<128x128xf32, #tpu.memory_space<vmem>>) offsets(%arg9 : memref<128xi32, #tpu.memory_space<vmem>>) semaphore(%arg11 : memref<!tpu.dma_semaphore, #tpu.memory_space<semaphore_mem>>)
      %dma_wait3A = arith.constant 1 : i32
      %dma_wait3A_124 = arith.constant 0 : i32
      %dma_wait3A_125 = arith.constant 0 : i32
      %dma_wait3A_126 = tpu.memref_slice %arg2[%arg0, %dma_wait3A, %dma_wait3A_124, %dma_wait3A_125] : memref<2x4x10000x128xf32, #tpu.memory_space<hbm>> -> memref<1x1x10000x128xf32, #tpu.memory_space<hbm>>
      %dma_wait3A_127 = tpu.memref_squeeze %dma_wait3A_126 : memref<1x1x10000x128xf32, #tpu.memory_space<hbm>> -> memref<10000x128xf32, #tpu.memory_space<hbm>>
      %dma_wait3A_128 = arith.constant 0 : i32
      %dma_wait3A_129 = arith.constant 0 : i32
      %dma_wait3A_130 = tpu.memref_slice %dma_wait3A_127[%dma_wait3A_128, %dma_wait3A_129] : memref<10000x128xf32, #tpu.memory_space<hbm>> -> memref<10000x128xf32, #tpu.memory_space<hbm>>
      tpu.wait_indirect_dma semaphore(%arg11 : memref<!tpu.dma_semaphore, #tpu.memory_space<semaphore_mem>>) src(%dma_wait3A_130 : memref<10000x128xf32, #tpu.memory_space<hbm>>) dst(%arg8 : memref<128x128xf32, #tpu.memory_space<vmem>>)
      "tpu.region"() ({
        %run_scoped3A_132 = tpu.sem_alloc : memref<!tpu.dma_semaphore, #tpu.memory_space<semaphore_mem>>
        %dma_start3A_133 = arith.constant 0 : i32
        %dma_start3A_134 = arith.constant 0 : i32
        %dma_start3A_135 = tpu.memref_slice %arg7[%dma_start3A_133, %dma_start3A_134] : memref<10000x128xf32, #tpu.memory_space<vmem_shared>> -> memref<10000x128xf32, #tpu.memory_space<vmem_shared>>
        tpu.enqueue_indirect_dma source(%arg8 : memref<128x128xf32, #tpu.memory_space<vmem>>) target(%dma_start3A_135 : memref<10000x128xf32, #tpu.memory_space<vmem_shared>>) offsets(%arg10 : memref<128xi32, #tpu.memory_space<vmem>>) semaphore(%run_scoped3A_132 : memref<!tpu.dma_semaphore, #tpu.memory_space<semaphore_mem>>) {add = true}
        %dma_wait3A_136 = arith.constant 0 : i32
        %dma_wait3A_137 = arith.constant 0 : i32
        %dma_wait3A_138 = tpu.memref_slice %arg7[%dma_wait3A_136, %dma_wait3A_137] : memref<10000x128xf32, #tpu.memory_space<vmem_shared>> -> memref<10000x128xf32, #tpu.memory_space<vmem_shared>>
        tpu.wait_indirect_dma semaphore(%run_scoped3A_132 : memref<!tpu.dma_semaphore, #tpu.memory_space<semaphore_mem>>) src(%arg8 : memref<128x128xf32, #tpu.memory_space<vmem>>) dst(%dma_wait3A_138 : memref<10000x128xf32, #tpu.memory_space<vmem_shared>>)
        tpu.yield
      }) : () -> ()
      %while3A_131 = arith.constant 0 : i32
      scf.yield %while3A_131 : i32
    }
    %while3A_48 = arith.constant 1 : i32
    %while3A_49 = scf.for %while3A_110 = %while3A_45 to %while3A_41 step %while3A_48 iter_args(%while3A_111 = %while3A_47) -> (i32)  : i32 {
      %add3A_112 = arith.addi %select_n3A_11, %while3A_110 : i32
      %mul3A_113 = arith.constant 128 : i32
      %mul3A_114 = arith.muli %add3A_112, %mul3A_113 : i32
      %add3A_115 = arith.constant 160000 : i32
      %add3A_116 = arith.addi %add3A_115, %mul3A_114 : i32
      "tpu.region"() ({
        %run_scoped3A_132 = tpu.sem_alloc : memref<!tpu.dma_semaphore, #tpu.memory_space<semaphore_mem>>
        %dma_start3A_133 = tpu.memref_slice %arg3[%add3A_116] : memref<640000xi32, #tpu.memory_space<hbm>> -> memref<128xi32, #tpu.memory_space<hbm>>
        %dma_start3A_134 = tpu.memref_slice %arg3[%add3A_116] : memref<640000xi32, #tpu.memory_space<hbm>> -> memref<128xi32, #tpu.memory_space<hbm>>
        tpu.enqueue_dma source(%dma_start3A_134 : memref<128xi32, #tpu.memory_space<hbm>>) target(%arg9 : memref<128xi32, #tpu.memory_space<vmem>>) target_semaphore(%run_scoped3A_132 : memref<!tpu.dma_semaphore, #tpu.memory_space<semaphore_mem>>)
        %dma_wait3A_135 = tpu.memref_slice %arg3[%add3A_116] : memref<640000xi32, #tpu.memory_space<hbm>> -> memref<128xi32, #tpu.memory_space<hbm>>
        %dma_wait3A_136 = tpu.memref_slice %arg3[%add3A_116] : memref<640000xi32, #tpu.memory_space<hbm>> -> memref<128xi32, #tpu.memory_space<hbm>>
        tpu.wait_dma2 semaphore(%run_scoped3A_132 : memref<!tpu.dma_semaphore, #tpu.memory_space<semaphore_mem>>) src(%dma_wait3A_136 : memref<128xi32, #tpu.memory_space<hbm>>) dst(%arg9 : memref<128xi32, #tpu.memory_space<vmem>>)
        tpu.yield
      }) : () -> ()
      "tpu.region"() ({
        %run_scoped3A_132 = tpu.sem_alloc : memref<!tpu.dma_semaphore, #tpu.memory_space<semaphore_mem>>
        %dma_start3A_133 = tpu.memref_slice %arg4[%add3A_116] : memref<640000xi32, #tpu.memory_space<hbm>> -> memref<128xi32, #tpu.memory_space<hbm>>
        %dma_start3A_134 = tpu.memref_slice %arg4[%add3A_116] : memref<640000xi32, #tpu.memory_space<hbm>> -> memref<128xi32, #tpu.memory_space<hbm>>
        tpu.enqueue_dma source(%dma_start3A_134 : memref<128xi32, #tpu.memory_space<hbm>>) target(%arg10 : memref<128xi32, #tpu.memory_space<vmem>>) target_semaphore(%run_scoped3A_132 : memref<!tpu.dma_semaphore, #tpu.memory_space<semaphore_mem>>)
        %dma_wait3A_135 = tpu.memref_slice %arg4[%add3A_116] : memref<640000xi32, #tpu.memory_space<hbm>> -> memref<128xi32, #tpu.memory_space<hbm>>
        %dma_wait3A_136 = tpu.memref_slice %arg4[%add3A_116] : memref<640000xi32, #tpu.memory_space<hbm>> -> memref<128xi32, #tpu.memory_space<hbm>>
        tpu.wait_dma2 semaphore(%run_scoped3A_132 : memref<!tpu.dma_semaphore, #tpu.memory_space<semaphore_mem>>) src(%dma_wait3A_136 : memref<128xi32, #tpu.memory_space<hbm>>) dst(%arg10 : memref<128xi32, #tpu.memory_space<vmem>>)
        tpu.yield
      }) : () -> ()
      %dma_start3A = arith.constant 1 : i32
      %dma_start3A_117 = arith.constant 0 : i32
      %dma_start3A_118 = arith.constant 0 : i32
      %dma_start3A_119 = tpu.memref_slice %arg2[%arg0, %dma_start3A, %dma_start3A_117, %dma_start3A_118] : memref<2x4x10000x128xf32, #tpu.memory_space<hbm>> -> memref<1x1x10000x128xf32, #tpu.memory_space<hbm>>
      %dma_start3A_120 = tpu.memref_squeeze %dma_start3A_119 : memref<1x1x10000x128xf32, #tpu.memory_space<hbm>> -> memref<10000x128xf32, #tpu.memory_space<hbm>>
      %dma_start3A_121 = arith.constant 0 : i32
      %dma_start3A_122 = arith.constant 0 : i32
      %dma_start3A_123 = tpu.memref_slice %dma_start3A_120[%dma_start3A_121, %dma_start3A_122] : memref<10000x128xf32, #tpu.memory_space<hbm>> -> memref<10000x128xf32, #tpu.memory_space<hbm>>
      tpu.enqueue_indirect_dma source(%dma_start3A_123 : memref<10000x128xf32, #tpu.memory_space<hbm>>) target(%arg8 : memref<128x128xf32, #tpu.memory_space<vmem>>) offsets(%arg9 : memref<128xi32, #tpu.memory_space<vmem>>) semaphore(%arg11 : memref<!tpu.dma_semaphore, #tpu.memory_space<semaphore_mem>>)
      %dma_wait3A = arith.constant 1 : i32
      %dma_wait3A_124 = arith.constant 0 : i32
      %dma_wait3A_125 = arith.constant 0 : i32
      %dma_wait3A_126 = tpu.memref_slice %arg2[%arg0, %dma_wait3A, %dma_wait3A_124, %dma_wait3A_125] : memref<2x4x10000x128xf32, #tpu.memory_space<hbm>> -> memref<1x1x10000x128xf32, #tpu.memory_space<hbm>>
      %dma_wait3A_127 = tpu.memref_squeeze %dma_wait3A_126 : memref<1x1x10000x128xf32, #tpu.memory_space<hbm>> -> memref<10000x128xf32, #tpu.memory_space<hbm>>
      %dma_wait3A_128 = arith.constant 0 : i32
      %dma_wait3A_129 = arith.constant 0 : i32
      %dma_wait3A_130 = tpu.memref_slice %dma_wait3A_127[%dma_wait3A_128, %dma_wait3A_129] : memref<10000x128xf32, #tpu.memory_space<hbm>> -> memref<10000x128xf32, #tpu.memory_space<hbm>>
      tpu.wait_indirect_dma semaphore(%arg11 : memref<!tpu.dma_semaphore, #tpu.memory_space<semaphore_mem>>) src(%dma_wait3A_130 : memref<10000x128xf32, #tpu.memory_space<hbm>>) dst(%arg8 : memref<128x128xf32, #tpu.memory_space<vmem>>)
      "tpu.region"() ({
        %run_scoped3A_132 = tpu.sem_alloc : memref<!tpu.dma_semaphore, #tpu.memory_space<semaphore_mem>>
        %dma_start3A_133 = arith.constant 0 : i32
        %dma_start3A_134 = arith.constant 0 : i32
        %dma_start3A_135 = tpu.memref_slice %arg7[%dma_start3A_133, %dma_start3A_134] : memref<10000x128xf32, #tpu.memory_space<vmem_shared>> -> memref<10000x128xf32, #tpu.memory_space<vmem_shared>>
        tpu.enqueue_indirect_dma source(%arg8 : memref<128x128xf32, #tpu.memory_space<vmem>>) target(%dma_start3A_135 : memref<10000x128xf32, #tpu.memory_space<vmem_shared>>) offsets(%arg10 : memref<128xi32, #tpu.memory_space<vmem>>) semaphore(%run_scoped3A_132 : memref<!tpu.dma_semaphore, #tpu.memory_space<semaphore_mem>>) {add = true}
        %dma_wait3A_136 = arith.constant 0 : i32
        %dma_wait3A_137 = arith.constant 0 : i32
        %dma_wait3A_138 = tpu.memref_slice %arg7[%dma_wait3A_136, %dma_wait3A_137] : memref<10000x128xf32, #tpu.memory_space<vmem_shared>> -> memref<10000x128xf32, #tpu.memory_space<vmem_shared>>
        tpu.wait_indirect_dma semaphore(%run_scoped3A_132 : memref<!tpu.dma_semaphore, #tpu.memory_space<semaphore_mem>>) src(%arg8 : memref<128x128xf32, #tpu.memory_space<vmem>>) dst(%dma_wait3A_138 : memref<10000x128xf32, #tpu.memory_space<vmem_shared>>)
        tpu.yield
      }) : () -> ()
      %while3A_131 = arith.constant 0 : i32
      scf.yield %while3A_131 : i32
    }
    %barrier3A_50 = arith.constant 0 : index
    tpu.barrier barrier_id(%barrier3A_50)
    %run_scoped3A_51 = arith.constant 1 : i32
    "tpu.region"() ({
      %run_scoped3A_110 = tpu.sem_alloc : memref<!tpu.dma_semaphore, #tpu.memory_space<semaphore_mem>>
      %dma_start3A = arith.constant 0 : i32
      %dma_start3A_111 = tpu.memref_slice %arg6[%arg0, %run_scoped3A_51, %mul3A_0, %dma_start3A] : memref<2x4x10000x128xf32, #tpu.memory_space<hbm>> -> memref<1x1x624x128xf32, #tpu.memory_space<hbm>>
      %dma_start3A_112 = tpu.memref_squeeze %dma_start3A_111 : memref<1x1x624x128xf32, #tpu.memory_space<hbm>> -> memref<624x128xf32, #tpu.memory_space<hbm>>
      %dma_start3A_113 = arith.constant 0 : i32
      %dma_start3A_114 = tpu.memref_slice %arg7[%mul3A_0, %dma_start3A_113] : memref<10000x128xf32, #tpu.memory_space<vmem_shared>> -> memref<624x128xf32, #tpu.memory_space<vmem_shared>>
      tpu.enqueue_dma source(%dma_start3A_114 : memref<624x128xf32, #tpu.memory_space<vmem_shared>>) target(%dma_start3A_112 : memref<624x128xf32, #tpu.memory_space<hbm>>) target_semaphore(%run_scoped3A_110 : memref<!tpu.dma_semaphore, #tpu.memory_space<semaphore_mem>>)
      %dma_wait3A = arith.constant 0 : i32
      %dma_wait3A_115 = tpu.memref_slice %arg6[%arg0, %run_scoped3A_51, %mul3A_0, %dma_wait3A] : memref<2x4x10000x128xf32, #tpu.memory_space<hbm>> -> memref<1x1x624x128xf32, #tpu.memory_space<hbm>>
      %dma_wait3A_116 = tpu.memref_squeeze %dma_wait3A_115 : memref<1x1x624x128xf32, #tpu.memory_space<hbm>> -> memref<624x128xf32, #tpu.memory_space<hbm>>
      %dma_wait3A_117 = arith.constant 0 : i32
      %dma_wait3A_118 = tpu.memref_slice %arg7[%mul3A_0, %dma_wait3A_117] : memref<10000x128xf32, #tpu.memory_space<vmem_shared>> -> memref<624x128xf32, #tpu.memory_space<vmem_shared>>
      tpu.wait_dma2 semaphore(%run_scoped3A_110 : memref<!tpu.dma_semaphore, #tpu.memory_space<semaphore_mem>>) src(%dma_wait3A_118 : memref<624x128xf32, #tpu.memory_space<vmem_shared>>) dst(%dma_wait3A_116 : memref<624x128xf32, #tpu.memory_space<hbm>>)
      tpu.yield
    }) : () -> ()
    %eq3A_52 = arith.constant 15 : i32
    %eq3A_53 = arith.cmpi eq, %arg1, %eq3A_52 : i32
    %convert_element_type3A_54 = arith.extui %eq3A_53 : i1 to i32
    %cond3A_55 = arith.constant 0 : i32
    %cond3A_56 = arith.cmpi ne, %convert_element_type3A_54, %cond3A_55 : i32
    scf.if %cond3A_56 {
      %run_scoped3A_110 = arith.constant 1 : i32
      "tpu.region"() ({
        %run_scoped3A_111 = tpu.sem_alloc : memref<!tpu.dma_semaphore, #tpu.memory_space<semaphore_mem>>
        %dma_start3A = arith.constant 9984 : i32
        %dma_start3A_112 = arith.constant 0 : i32
        %dma_start3A_113 = tpu.memref_slice %arg6[%arg0, %run_scoped3A_110, %dma_start3A, %dma_start3A_112] : memref<2x4x10000x128xf32, #tpu.memory_space<hbm>> -> memref<1x1x16x128xf32, #tpu.memory_space<hbm>>
        %dma_start3A_114 = tpu.memref_squeeze %dma_start3A_113 : memref<1x1x16x128xf32, #tpu.memory_space<hbm>> -> memref<16x128xf32, #tpu.memory_space<hbm>>
        %dma_start3A_115 = arith.constant 9984 : i32
        %dma_start3A_116 = arith.constant 0 : i32
        %dma_start3A_117 = tpu.memref_slice %arg7[%dma_start3A_115, %dma_start3A_116] : memref<10000x128xf32, #tpu.memory_space<vmem_shared>> -> memref<16x128xf32, #tpu.memory_space<vmem_shared>>
        tpu.enqueue_dma source(%dma_start3A_117 : memref<16x128xf32, #tpu.memory_space<vmem_shared>>) target(%dma_start3A_114 : memref<16x128xf32, #tpu.memory_space<hbm>>) target_semaphore(%run_scoped3A_111 : memref<!tpu.dma_semaphore, #tpu.memory_space<semaphore_mem>>)
        %dma_wait3A = arith.constant 9984 : i32
        %dma_wait3A_118 = arith.constant 0 : i32
        %dma_wait3A_119 = tpu.memref_slice %arg6[%arg0, %run_scoped3A_110, %dma_wait3A, %dma_wait3A_118] : memref<2x4x10000x128xf32, #tpu.memory_space<hbm>> -> memref<1x1x16x128xf32, #tpu.memory_space<hbm>>
        %dma_wait3A_120 = tpu.memref_squeeze %dma_wait3A_119 : memref<1x1x16x128xf32, #tpu.memory_space<hbm>> -> memref<16x128xf32, #tpu.memory_space<hbm>>
        %dma_wait3A_121 = arith.constant 9984 : i32
        %dma_wait3A_122 = arith.constant 0 : i32
        %dma_wait3A_123 = tpu.memref_slice %arg7[%dma_wait3A_121, %dma_wait3A_122] : memref<10000x128xf32, #tpu.memory_space<vmem_shared>> -> memref<16x128xf32, #tpu.memory_space<vmem_shared>>
        tpu.wait_dma2 semaphore(%run_scoped3A_111 : memref<!tpu.dma_semaphore, #tpu.memory_space<semaphore_mem>>) src(%dma_wait3A_123 : memref<16x128xf32, #tpu.memory_space<vmem_shared>>) dst(%dma_wait3A_120 : memref<16x128xf32, #tpu.memory_space<hbm>>)
        tpu.yield
      }) : () -> ()
    } else {
    }
    %barrier3A_57 = arith.constant 0 : index
    tpu.barrier barrier_id(%barrier3A_57)
    "tpu.region"() ({
      %run_scoped3A_110 = tpu.sem_alloc : memref<!tpu.dma_semaphore, #tpu.memory_space<semaphore_mem>>
      %dma_start3A = arith.constant 0 : i32
      %dma_start3A_111 = tpu.memref_slice %arg7[%mul3A_0, %dma_start3A] : memref<10000x128xf32, #tpu.memory_space<vmem_shared>> -> memref<624x128xf32, #tpu.memory_space<vmem_shared>>
      %dma_start3A_112 = arith.constant 0 : i32
      %dma_start3A_113 = tpu.memref_slice %arg5[%mul3A_0, %dma_start3A_112] : memref<10000x128xf32, #tpu.memory_space<hbm>> -> memref<624x128xf32, #tpu.memory_space<hbm>>
      tpu.enqueue_dma source(%dma_start3A_113 : memref<624x128xf32, #tpu.memory_space<hbm>>) target(%dma_start3A_111 : memref<624x128xf32, #tpu.memory_space<vmem_shared>>) target_semaphore(%run_scoped3A_110 : memref<!tpu.dma_semaphore, #tpu.memory_space<semaphore_mem>>)
      %dma_wait3A = arith.constant 0 : i32
      %dma_wait3A_114 = tpu.memref_slice %arg7[%mul3A_0, %dma_wait3A] : memref<10000x128xf32, #tpu.memory_space<vmem_shared>> -> memref<624x128xf32, #tpu.memory_space<vmem_shared>>
      %dma_wait3A_115 = arith.constant 0 : i32
      %dma_wait3A_116 = tpu.memref_slice %arg5[%mul3A_0, %dma_wait3A_115] : memref<10000x128xf32, #tpu.memory_space<hbm>> -> memref<624x128xf32, #tpu.memory_space<hbm>>
      tpu.wait_dma2 semaphore(%run_scoped3A_110 : memref<!tpu.dma_semaphore, #tpu.memory_space<semaphore_mem>>) src(%dma_wait3A_116 : memref<624x128xf32, #tpu.memory_space<hbm>>) dst(%dma_wait3A_114 : memref<624x128xf32, #tpu.memory_space<vmem_shared>>)
      tpu.yield
    }) : () -> ()
    %eq3A_58 = arith.constant 15 : i32
    %eq3A_59 = arith.cmpi eq, %arg1, %eq3A_58 : i32
    %convert_element_type3A_60 = arith.extui %eq3A_59 : i1 to i32
    %cond3A_61 = arith.constant 0 : i32
    %cond3A_62 = arith.cmpi ne, %convert_element_type3A_60, %cond3A_61 : i32
    scf.if %cond3A_62 {
      "tpu.region"() ({
        %run_scoped3A_110 = tpu.sem_alloc : memref<!tpu.dma_semaphore, #tpu.memory_space<semaphore_mem>>
        %dma_start3A = arith.constant 9984 : i32
        %dma_start3A_111 = arith.constant 0 : i32
        %dma_start3A_112 = tpu.memref_slice %arg7[%dma_start3A, %dma_start3A_111] : memref<10000x128xf32, #tpu.memory_space<vmem_shared>> -> memref<16x128xf32, #tpu.memory_space<vmem_shared>>
        %dma_start3A_113 = arith.constant 9984 : i32
        %dma_start3A_114 = arith.constant 0 : i32
        %dma_start3A_115 = tpu.memref_slice %arg5[%dma_start3A_113, %dma_start3A_114] : memref<10000x128xf32, #tpu.memory_space<hbm>> -> memref<16x128xf32, #tpu.memory_space<hbm>>
        tpu.enqueue_dma source(%dma_start3A_115 : memref<16x128xf32, #tpu.memory_space<hbm>>) target(%dma_start3A_112 : memref<16x128xf32, #tpu.memory_space<vmem_shared>>) target_semaphore(%run_scoped3A_110 : memref<!tpu.dma_semaphore, #tpu.memory_space<semaphore_mem>>)
        %dma_wait3A = arith.constant 9984 : i32
        %dma_wait3A_116 = arith.constant 0 : i32
        %dma_wait3A_117 = tpu.memref_slice %arg7[%dma_wait3A, %dma_wait3A_116] : memref<10000x128xf32, #tpu.memory_space<vmem_shared>> -> memref<16x128xf32, #tpu.memory_space<vmem_shared>>
        %dma_wait3A_118 = arith.constant 9984 : i32
        %dma_wait3A_119 = arith.constant 0 : i32
        %dma_wait3A_120 = tpu.memref_slice %arg5[%dma_wait3A_118, %dma_wait3A_119] : memref<10000x128xf32, #tpu.memory_space<hbm>> -> memref<16x128xf32, #tpu.memory_space<hbm>>
        tpu.wait_dma2 semaphore(%run_scoped3A_110 : memref<!tpu.dma_semaphore, #tpu.memory_space<semaphore_mem>>) src(%dma_wait3A_120 : memref<16x128xf32, #tpu.memory_space<hbm>>) dst(%dma_wait3A_117 : memref<16x128xf32, #tpu.memory_space<vmem_shared>>)
        tpu.yield
      }) : () -> ()
    } else {
    }
    %barrier3A_63 = arith.constant 0 : index
    tpu.barrier barrier_id(%barrier3A_63)
    %while3A_64 = arith.constant 0 : i32
    %while3A_65 = arith.constant 0 : i32
    %while3A_66 = arith.subi %select_n3A, %while3A_64 : i32
    %while3A_67 = arith.addi %while3A_64, %while3A_66 : i32
    %while3A_68 = arith.constant 1 : i32
    %while3A_69 = arith.divsi %while3A_66, %while3A_68 : i32
    %while3A_70 = arith.muli %while3A_69, %while3A_68 : i32
    %while3A_71 = arith.addi %while3A_64, %while3A_70 : i32
    %while3A_72 = arith.constant 1 : i32
    %while3A_73 = scf.for %while3A_110 = %while3A_64 to %while3A_71 step %while3A_72 iter_args(%while3A_111 = %while3A_65) -> (i32)  : i32 {
      %add3A_112 = arith.addi %select_n3A_11, %while3A_110 : i32
      %mul3A_113 = arith.constant 128 : i32
      %mul3A_114 = arith.muli %add3A_112, %mul3A_113 : i32
      %add3A_115 = arith.constant 320000 : i32
      %add3A_116 = arith.addi %add3A_115, %mul3A_114 : i32
      "tpu.region"() ({
        %run_scoped3A_132 = tpu.sem_alloc : memref<!tpu.dma_semaphore, #tpu.memory_space<semaphore_mem>>
        %dma_start3A_133 = tpu.memref_slice %arg3[%add3A_116] : memref<640000xi32, #tpu.memory_space<hbm>> -> memref<128xi32, #tpu.memory_space<hbm>>
        %dma_start3A_134 = tpu.memref_slice %arg3[%add3A_116] : memref<640000xi32, #tpu.memory_space<hbm>> -> memref<128xi32, #tpu.memory_space<hbm>>
        tpu.enqueue_dma source(%dma_start3A_134 : memref<128xi32, #tpu.memory_space<hbm>>) target(%arg9 : memref<128xi32, #tpu.memory_space<vmem>>) target_semaphore(%run_scoped3A_132 : memref<!tpu.dma_semaphore, #tpu.memory_space<semaphore_mem>>)
        %dma_wait3A_135 = tpu.memref_slice %arg3[%add3A_116] : memref<640000xi32, #tpu.memory_space<hbm>> -> memref<128xi32, #tpu.memory_space<hbm>>
        %dma_wait3A_136 = tpu.memref_slice %arg3[%add3A_116] : memref<640000xi32, #tpu.memory_space<hbm>> -> memref<128xi32, #tpu.memory_space<hbm>>
        tpu.wait_dma2 semaphore(%run_scoped3A_132 : memref<!tpu.dma_semaphore, #tpu.memory_space<semaphore_mem>>) src(%dma_wait3A_136 : memref<128xi32, #tpu.memory_space<hbm>>) dst(%arg9 : memref<128xi32, #tpu.memory_space<vmem>>)
        tpu.yield
      }) : () -> ()
      "tpu.region"() ({
        %run_scoped3A_132 = tpu.sem_alloc : memref<!tpu.dma_semaphore, #tpu.memory_space<semaphore_mem>>
        %dma_start3A_133 = tpu.memref_slice %arg4[%add3A_116] : memref<640000xi32, #tpu.memory_space<hbm>> -> memref<128xi32, #tpu.memory_space<hbm>>
        %dma_start3A_134 = tpu.memref_slice %arg4[%add3A_116] : memref<640000xi32, #tpu.memory_space<hbm>> -> memref<128xi32, #tpu.memory_space<hbm>>
        tpu.enqueue_dma source(%dma_start3A_134 : memref<128xi32, #tpu.memory_space<hbm>>) target(%arg10 : memref<128xi32, #tpu.memory_space<vmem>>) target_semaphore(%run_scoped3A_132 : memref<!tpu.dma_semaphore, #tpu.memory_space<semaphore_mem>>)
        %dma_wait3A_135 = tpu.memref_slice %arg4[%add3A_116] : memref<640000xi32, #tpu.memory_space<hbm>> -> memref<128xi32, #tpu.memory_space<hbm>>
        %dma_wait3A_136 = tpu.memref_slice %arg4[%add3A_116] : memref<640000xi32, #tpu.memory_space<hbm>> -> memref<128xi32, #tpu.memory_space<hbm>>
        tpu.wait_dma2 semaphore(%run_scoped3A_132 : memref<!tpu.dma_semaphore, #tpu.memory_space<semaphore_mem>>) src(%dma_wait3A_136 : memref<128xi32, #tpu.memory_space<hbm>>) dst(%arg10 : memref<128xi32, #tpu.memory_space<vmem>>)
        tpu.yield
      }) : () -> ()
      %dma_start3A = arith.constant 2 : i32
      %dma_start3A_117 = arith.constant 0 : i32
      %dma_start3A_118 = arith.constant 0 : i32
      %dma_start3A_119 = tpu.memref_slice %arg2[%arg0, %dma_start3A, %dma_start3A_117, %dma_start3A_118] : memref<2x4x10000x128xf32, #tpu.memory_space<hbm>> -> memref<1x1x10000x128xf32, #tpu.memory_space<hbm>>
      %dma_start3A_120 = tpu.memref_squeeze %dma_start3A_119 : memref<1x1x10000x128xf32, #tpu.memory_space<hbm>> -> memref<10000x128xf32, #tpu.memory_space<hbm>>
      %dma_start3A_121 = arith.constant 0 : i32
      %dma_start3A_122 = arith.constant 0 : i32
      %dma_start3A_123 = tpu.memref_slice %dma_start3A_120[%dma_start3A_121, %dma_start3A_122] : memref<10000x128xf32, #tpu.memory_space<hbm>> -> memref<10000x128xf32, #tpu.memory_space<hbm>>
      tpu.enqueue_indirect_dma source(%dma_start3A_123 : memref<10000x128xf32, #tpu.memory_space<hbm>>) target(%arg8 : memref<128x128xf32, #tpu.memory_space<vmem>>) offsets(%arg9 : memref<128xi32, #tpu.memory_space<vmem>>) semaphore(%arg11 : memref<!tpu.dma_semaphore, #tpu.memory_space<semaphore_mem>>)
      %dma_wait3A = arith.constant 2 : i32
      %dma_wait3A_124 = arith.constant 0 : i32
      %dma_wait3A_125 = arith.constant 0 : i32
      %dma_wait3A_126 = tpu.memref_slice %arg2[%arg0, %dma_wait3A, %dma_wait3A_124, %dma_wait3A_125] : memref<2x4x10000x128xf32, #tpu.memory_space<hbm>> -> memref<1x1x10000x128xf32, #tpu.memory_space<hbm>>
      %dma_wait3A_127 = tpu.memref_squeeze %dma_wait3A_126 : memref<1x1x10000x128xf32, #tpu.memory_space<hbm>> -> memref<10000x128xf32, #tpu.memory_space<hbm>>
      %dma_wait3A_128 = arith.constant 0 : i32
      %dma_wait3A_129 = arith.constant 0 : i32
      %dma_wait3A_130 = tpu.memref_slice %dma_wait3A_127[%dma_wait3A_128, %dma_wait3A_129] : memref<10000x128xf32, #tpu.memory_space<hbm>> -> memref<10000x128xf32, #tpu.memory_space<hbm>>
      tpu.wait_indirect_dma semaphore(%arg11 : memref<!tpu.dma_semaphore, #tpu.memory_space<semaphore_mem>>) src(%dma_wait3A_130 : memref<10000x128xf32, #tpu.memory_space<hbm>>) dst(%arg8 : memref<128x128xf32, #tpu.memory_space<vmem>>)
      "tpu.region"() ({
        %run_scoped3A_132 = tpu.sem_alloc : memref<!tpu.dma_semaphore, #tpu.memory_space<semaphore_mem>>
        %dma_start3A_133 = arith.constant 0 : i32
        %dma_start3A_134 = arith.constant 0 : i32
        %dma_start3A_135 = tpu.memref_slice %arg7[%dma_start3A_133, %dma_start3A_134] : memref<10000x128xf32, #tpu.memory_space<vmem_shared>> -> memref<10000x128xf32, #tpu.memory_space<vmem_shared>>
        tpu.enqueue_indirect_dma source(%arg8 : memref<128x128xf32, #tpu.memory_space<vmem>>) target(%dma_start3A_135 : memref<10000x128xf32, #tpu.memory_space<vmem_shared>>) offsets(%arg10 : memref<128xi32, #tpu.memory_space<vmem>>) semaphore(%run_scoped3A_132 : memref<!tpu.dma_semaphore, #tpu.memory_space<semaphore_mem>>) {add = true}
        %dma_wait3A_136 = arith.constant 0 : i32
        %dma_wait3A_137 = arith.constant 0 : i32
        %dma_wait3A_138 = tpu.memref_slice %arg7[%dma_wait3A_136, %dma_wait3A_137] : memref<10000x128xf32, #tpu.memory_space<vmem_shared>> -> memref<10000x128xf32, #tpu.memory_space<vmem_shared>>
        tpu.wait_indirect_dma semaphore(%run_scoped3A_132 : memref<!tpu.dma_semaphore, #tpu.memory_space<semaphore_mem>>) src(%arg8 : memref<128x128xf32, #tpu.memory_space<vmem>>) dst(%dma_wait3A_138 : memref<10000x128xf32, #tpu.memory_space<vmem_shared>>)
        tpu.yield
      }) : () -> ()
      %while3A_131 = arith.constant 0 : i32
      scf.yield %while3A_131 : i32
    }
    %while3A_74 = arith.constant 1 : i32
    %while3A_75 = scf.for %while3A_110 = %while3A_71 to %while3A_67 step %while3A_74 iter_args(%while3A_111 = %while3A_73) -> (i32)  : i32 {
      %add3A_112 = arith.addi %select_n3A_11, %while3A_110 : i32
      %mul3A_113 = arith.constant 128 : i32
      %mul3A_114 = arith.muli %add3A_112, %mul3A_113 : i32
      %add3A_115 = arith.constant 320000 : i32
      %add3A_116 = arith.addi %add3A_115, %mul3A_114 : i32
      "tpu.region"() ({
        %run_scoped3A_132 = tpu.sem_alloc : memref<!tpu.dma_semaphore, #tpu.memory_space<semaphore_mem>>
        %dma_start3A_133 = tpu.memref_slice %arg3[%add3A_116] : memref<640000xi32, #tpu.memory_space<hbm>> -> memref<128xi32, #tpu.memory_space<hbm>>
        %dma_start3A_134 = tpu.memref_slice %arg3[%add3A_116] : memref<640000xi32, #tpu.memory_space<hbm>> -> memref<128xi32, #tpu.memory_space<hbm>>
        tpu.enqueue_dma source(%dma_start3A_134 : memref<128xi32, #tpu.memory_space<hbm>>) target(%arg9 : memref<128xi32, #tpu.memory_space<vmem>>) target_semaphore(%run_scoped3A_132 : memref<!tpu.dma_semaphore, #tpu.memory_space<semaphore_mem>>)
        %dma_wait3A_135 = tpu.memref_slice %arg3[%add3A_116] : memref<640000xi32, #tpu.memory_space<hbm>> -> memref<128xi32, #tpu.memory_space<hbm>>
        %dma_wait3A_136 = tpu.memref_slice %arg3[%add3A_116] : memref<640000xi32, #tpu.memory_space<hbm>> -> memref<128xi32, #tpu.memory_space<hbm>>
        tpu.wait_dma2 semaphore(%run_scoped3A_132 : memref<!tpu.dma_semaphore, #tpu.memory_space<semaphore_mem>>) src(%dma_wait3A_136 : memref<128xi32, #tpu.memory_space<hbm>>) dst(%arg9 : memref<128xi32, #tpu.memory_space<vmem>>)
        tpu.yield
      }) : () -> ()
      "tpu.region"() ({
        %run_scoped3A_132 = tpu.sem_alloc : memref<!tpu.dma_semaphore, #tpu.memory_space<semaphore_mem>>
        %dma_start3A_133 = tpu.memref_slice %arg4[%add3A_116] : memref<640000xi32, #tpu.memory_space<hbm>> -> memref<128xi32, #tpu.memory_space<hbm>>
        %dma_start3A_134 = tpu.memref_slice %arg4[%add3A_116] : memref<640000xi32, #tpu.memory_space<hbm>> -> memref<128xi32, #tpu.memory_space<hbm>>
        tpu.enqueue_dma source(%dma_start3A_134 : memref<128xi32, #tpu.memory_space<hbm>>) target(%arg10 : memref<128xi32, #tpu.memory_space<vmem>>) target_semaphore(%run_scoped3A_132 : memref<!tpu.dma_semaphore, #tpu.memory_space<semaphore_mem>>)
        %dma_wait3A_135 = tpu.memref_slice %arg4[%add3A_116] : memref<640000xi32, #tpu.memory_space<hbm>> -> memref<128xi32, #tpu.memory_space<hbm>>
        %dma_wait3A_136 = tpu.memref_slice %arg4[%add3A_116] : memref<640000xi32, #tpu.memory_space<hbm>> -> memref<128xi32, #tpu.memory_space<hbm>>
        tpu.wait_dma2 semaphore(%run_scoped3A_132 : memref<!tpu.dma_semaphore, #tpu.memory_space<semaphore_mem>>) src(%dma_wait3A_136 : memref<128xi32, #tpu.memory_space<hbm>>) dst(%arg10 : memref<128xi32, #tpu.memory_space<vmem>>)
        tpu.yield
      }) : () -> ()
      %dma_start3A = arith.constant 2 : i32
      %dma_start3A_117 = arith.constant 0 : i32
      %dma_start3A_118 = arith.constant 0 : i32
      %dma_start3A_119 = tpu.memref_slice %arg2[%arg0, %dma_start3A, %dma_start3A_117, %dma_start3A_118] : memref<2x4x10000x128xf32, #tpu.memory_space<hbm>> -> memref<1x1x10000x128xf32, #tpu.memory_space<hbm>>
      %dma_start3A_120 = tpu.memref_squeeze %dma_start3A_119 : memref<1x1x10000x128xf32, #tpu.memory_space<hbm>> -> memref<10000x128xf32, #tpu.memory_space<hbm>>
      %dma_start3A_121 = arith.constant 0 : i32
      %dma_start3A_122 = arith.constant 0 : i32
      %dma_start3A_123 = tpu.memref_slice %dma_start3A_120[%dma_start3A_121, %dma_start3A_122] : memref<10000x128xf32, #tpu.memory_space<hbm>> -> memref<10000x128xf32, #tpu.memory_space<hbm>>
      tpu.enqueue_indirect_dma source(%dma_start3A_123 : memref<10000x128xf32, #tpu.memory_space<hbm>>) target(%arg8 : memref<128x128xf32, #tpu.memory_space<vmem>>) offsets(%arg9 : memref<128xi32, #tpu.memory_space<vmem>>) semaphore(%arg11 : memref<!tpu.dma_semaphore, #tpu.memory_space<semaphore_mem>>)
      %dma_wait3A = arith.constant 2 : i32
      %dma_wait3A_124 = arith.constant 0 : i32
      %dma_wait3A_125 = arith.constant 0 : i32
      %dma_wait3A_126 = tpu.memref_slice %arg2[%arg0, %dma_wait3A, %dma_wait3A_124, %dma_wait3A_125] : memref<2x4x10000x128xf32, #tpu.memory_space<hbm>> -> memref<1x1x10000x128xf32, #tpu.memory_space<hbm>>
      %dma_wait3A_127 = tpu.memref_squeeze %dma_wait3A_126 : memref<1x1x10000x128xf32, #tpu.memory_space<hbm>> -> memref<10000x128xf32, #tpu.memory_space<hbm>>
      %dma_wait3A_128 = arith.constant 0 : i32
      %dma_wait3A_129 = arith.constant 0 : i32
      %dma_wait3A_130 = tpu.memref_slice %dma_wait3A_127[%dma_wait3A_128, %dma_wait3A_129] : memref<10000x128xf32, #tpu.memory_space<hbm>> -> memref<10000x128xf32, #tpu.memory_space<hbm>>
      tpu.wait_indirect_dma semaphore(%arg11 : memref<!tpu.dma_semaphore, #tpu.memory_space<semaphore_mem>>) src(%dma_wait3A_130 : memref<10000x128xf32, #tpu.memory_space<hbm>>) dst(%arg8 : memref<128x128xf32, #tpu.memory_space<vmem>>)
      "tpu.region"() ({
        %run_scoped3A_132 = tpu.sem_alloc : memref<!tpu.dma_semaphore, #tpu.memory_space<semaphore_mem>>
        %dma_start3A_133 = arith.constant 0 : i32
        %dma_start3A_134 = arith.constant 0 : i32
        %dma_start3A_135 = tpu.memref_slice %arg7[%dma_start3A_133, %dma_start3A_134] : memref<10000x128xf32, #tpu.memory_space<vmem_shared>> -> memref<10000x128xf32, #tpu.memory_space<vmem_shared>>
        tpu.enqueue_indirect_dma source(%arg8 : memref<128x128xf32, #tpu.memory_space<vmem>>) target(%dma_start3A_135 : memref<10000x128xf32, #tpu.memory_space<vmem_shared>>) offsets(%arg10 : memref<128xi32, #tpu.memory_space<vmem>>) semaphore(%run_scoped3A_132 : memref<!tpu.dma_semaphore, #tpu.memory_space<semaphore_mem>>) {add = true}
        %dma_wait3A_136 = arith.constant 0 : i32
        %dma_wait3A_137 = arith.constant 0 : i32
        %dma_wait3A_138 = tpu.memref_slice %arg7[%dma_wait3A_136, %dma_wait3A_137] : memref<10000x128xf32, #tpu.memory_space<vmem_shared>> -> memref<10000x128xf32, #tpu.memory_space<vmem_shared>>
        tpu.wait_indirect_dma semaphore(%run_scoped3A_132 : memref<!tpu.dma_semaphore, #tpu.memory_space<semaphore_mem>>) src(%arg8 : memref<128x128xf32, #tpu.memory_space<vmem>>) dst(%dma_wait3A_138 : memref<10000x128xf32, #tpu.memory_space<vmem_shared>>)
        tpu.yield
      }) : () -> ()
      %while3A_131 = arith.constant 0 : i32
      scf.yield %while3A_131 : i32
    }
    %barrier3A_76 = arith.constant 0 : index
    tpu.barrier barrier_id(%barrier3A_76)
    %run_scoped3A_77 = arith.constant 2 : i32
    "tpu.region"() ({
      %run_scoped3A_110 = tpu.sem_alloc : memref<!tpu.dma_semaphore, #tpu.memory_space<semaphore_mem>>
      %dma_start3A = arith.constant 0 : i32
      %dma_start3A_111 = tpu.memref_slice %arg6[%arg0, %run_scoped3A_77, %mul3A_0, %dma_start3A] : memref<2x4x10000x128xf32, #tpu.memory_space<hbm>> -> memref<1x1x624x128xf32, #tpu.memory_space<hbm>>
      %dma_start3A_112 = tpu.memref_squeeze %dma_start3A_111 : memref<1x1x624x128xf32, #tpu.memory_space<hbm>> -> memref<624x128xf32, #tpu.memory_space<hbm>>
      %dma_start3A_113 = arith.constant 0 : i32
      %dma_start3A_114 = tpu.memref_slice %arg7[%mul3A_0, %dma_start3A_113] : memref<10000x128xf32, #tpu.memory_space<vmem_shared>> -> memref<624x128xf32, #tpu.memory_space<vmem_shared>>
      tpu.enqueue_dma source(%dma_start3A_114 : memref<624x128xf32, #tpu.memory_space<vmem_shared>>) target(%dma_start3A_112 : memref<624x128xf32, #tpu.memory_space<hbm>>) target_semaphore(%run_scoped3A_110 : memref<!tpu.dma_semaphore, #tpu.memory_space<semaphore_mem>>)
      %dma_wait3A = arith.constant 0 : i32
      %dma_wait3A_115 = tpu.memref_slice %arg6[%arg0, %run_scoped3A_77, %mul3A_0, %dma_wait3A] : memref<2x4x10000x128xf32, #tpu.memory_space<hbm>> -> memref<1x1x624x128xf32, #tpu.memory_space<hbm>>
      %dma_wait3A_116 = tpu.memref_squeeze %dma_wait3A_115 : memref<1x1x624x128xf32, #tpu.memory_space<hbm>> -> memref<624x128xf32, #tpu.memory_space<hbm>>
      %dma_wait3A_117 = arith.constant 0 : i32
      %dma_wait3A_118 = tpu.memref_slice %arg7[%mul3A_0, %dma_wait3A_117] : memref<10000x128xf32, #tpu.memory_space<vmem_shared>> -> memref<624x128xf32, #tpu.memory_space<vmem_shared>>
      tpu.wait_dma2 semaphore(%run_scoped3A_110 : memref<!tpu.dma_semaphore, #tpu.memory_space<semaphore_mem>>) src(%dma_wait3A_118 : memref<624x128xf32, #tpu.memory_space<vmem_shared>>) dst(%dma_wait3A_116 : memref<624x128xf32, #tpu.memory_space<hbm>>)
      tpu.yield
    }) : () -> ()
    %eq3A_78 = arith.constant 15 : i32
    %eq3A_79 = arith.cmpi eq, %arg1, %eq3A_78 : i32
    %convert_element_type3A_80 = arith.extui %eq3A_79 : i1 to i32
    %cond3A_81 = arith.constant 0 : i32
    %cond3A_82 = arith.cmpi ne, %convert_element_type3A_80, %cond3A_81 : i32
    scf.if %cond3A_82 {
      %run_scoped3A_110 = arith.constant 2 : i32
      "tpu.region"() ({
        %run_scoped3A_111 = tpu.sem_alloc : memref<!tpu.dma_semaphore, #tpu.memory_space<semaphore_mem>>
        %dma_start3A = arith.constant 9984 : i32
        %dma_start3A_112 = arith.constant 0 : i32
        %dma_start3A_113 = tpu.memref_slice %arg6[%arg0, %run_scoped3A_110, %dma_start3A, %dma_start3A_112] : memref<2x4x10000x128xf32, #tpu.memory_space<hbm>> -> memref<1x1x16x128xf32, #tpu.memory_space<hbm>>
        %dma_start3A_114 = tpu.memref_squeeze %dma_start3A_113 : memref<1x1x16x128xf32, #tpu.memory_space<hbm>> -> memref<16x128xf32, #tpu.memory_space<hbm>>
        %dma_start3A_115 = arith.constant 9984 : i32
        %dma_start3A_116 = arith.constant 0 : i32
        %dma_start3A_117 = tpu.memref_slice %arg7[%dma_start3A_115, %dma_start3A_116] : memref<10000x128xf32, #tpu.memory_space<vmem_shared>> -> memref<16x128xf32, #tpu.memory_space<vmem_shared>>
        tpu.enqueue_dma source(%dma_start3A_117 : memref<16x128xf32, #tpu.memory_space<vmem_shared>>) target(%dma_start3A_114 : memref<16x128xf32, #tpu.memory_space<hbm>>) target_semaphore(%run_scoped3A_111 : memref<!tpu.dma_semaphore, #tpu.memory_space<semaphore_mem>>)
        %dma_wait3A = arith.constant 9984 : i32
        %dma_wait3A_118 = arith.constant 0 : i32
        %dma_wait3A_119 = tpu.memref_slice %arg6[%arg0, %run_scoped3A_110, %dma_wait3A, %dma_wait3A_118] : memref<2x4x10000x128xf32, #tpu.memory_space<hbm>> -> memref<1x1x16x128xf32, #tpu.memory_space<hbm>>
        %dma_wait3A_120 = tpu.memref_squeeze %dma_wait3A_119 : memref<1x1x16x128xf32, #tpu.memory_space<hbm>> -> memref<16x128xf32, #tpu.memory_space<hbm>>
        %dma_wait3A_121 = arith.constant 9984 : i32
        %dma_wait3A_122 = arith.constant 0 : i32
        %dma_wait3A_123 = tpu.memref_slice %arg7[%dma_wait3A_121, %dma_wait3A_122] : memref<10000x128xf32, #tpu.memory_space<vmem_shared>> -> memref<16x128xf32, #tpu.memory_space<vmem_shared>>
        tpu.wait_dma2 semaphore(%run_scoped3A_111 : memref<!tpu.dma_semaphore, #tpu.memory_space<semaphore_mem>>) src(%dma_wait3A_123 : memref<16x128xf32, #tpu.memory_space<vmem_shared>>) dst(%dma_wait3A_120 : memref<16x128xf32, #tpu.memory_space<hbm>>)
        tpu.yield
      }) : () -> ()
    } else {
    }
    %barrier3A_83 = arith.constant 0 : index
    tpu.barrier barrier_id(%barrier3A_83)
    "tpu.region"() ({
      %run_scoped3A_110 = tpu.sem_alloc : memref<!tpu.dma_semaphore, #tpu.memory_space<semaphore_mem>>
      %dma_start3A = arith.constant 0 : i32
      %dma_start3A_111 = tpu.memref_slice %arg7[%mul3A_0, %dma_start3A] : memref<10000x128xf32, #tpu.memory_space<vmem_shared>> -> memref<624x128xf32, #tpu.memory_space<vmem_shared>>
      %dma_start3A_112 = arith.constant 0 : i32
      %dma_start3A_113 = tpu.memref_slice %arg5[%mul3A_0, %dma_start3A_112] : memref<10000x128xf32, #tpu.memory_space<hbm>> -> memref<624x128xf32, #tpu.memory_space<hbm>>
      tpu.enqueue_dma source(%dma_start3A_113 : memref<624x128xf32, #tpu.memory_space<hbm>>) target(%dma_start3A_111 : memref<624x128xf32, #tpu.memory_space<vmem_shared>>) target_semaphore(%run_scoped3A_110 : memref<!tpu.dma_semaphore, #tpu.memory_space<semaphore_mem>>)
      %dma_wait3A = arith.constant 0 : i32
      %dma_wait3A_114 = tpu.memref_slice %arg7[%mul3A_0, %dma_wait3A] : memref<10000x128xf32, #tpu.memory_space<vmem_shared>> -> memref<624x128xf32, #tpu.memory_space<vmem_shared>>
      %dma_wait3A_115 = arith.constant 0 : i32
      %dma_wait3A_116 = tpu.memref_slice %arg5[%mul3A_0, %dma_wait3A_115] : memref<10000x128xf32, #tpu.memory_space<hbm>> -> memref<624x128xf32, #tpu.memory_space<hbm>>
      tpu.wait_dma2 semaphore(%run_scoped3A_110 : memref<!tpu.dma_semaphore, #tpu.memory_space<semaphore_mem>>) src(%dma_wait3A_116 : memref<624x128xf32, #tpu.memory_space<hbm>>) dst(%dma_wait3A_114 : memref<624x128xf32, #tpu.memory_space<vmem_shared>>)
      tpu.yield
    }) : () -> ()
    %eq3A_84 = arith.constant 15 : i32
    %eq3A_85 = arith.cmpi eq, %arg1, %eq3A_84 : i32
    %convert_element_type3A_86 = arith.extui %eq3A_85 : i1 to i32
    %cond3A_87 = arith.constant 0 : i32
    %cond3A_88 = arith.cmpi ne, %convert_element_type3A_86, %cond3A_87 : i32
    scf.if %cond3A_88 {
      "tpu.region"() ({
        %run_scoped3A_110 = tpu.sem_alloc : memref<!tpu.dma_semaphore, #tpu.memory_space<semaphore_mem>>
        %dma_start3A = arith.constant 9984 : i32
        %dma_start3A_111 = arith.constant 0 : i32
        %dma_start3A_112 = tpu.memref_slice %arg7[%dma_start3A, %dma_start3A_111] : memref<10000x128xf32, #tpu.memory_space<vmem_shared>> -> memref<16x128xf32, #tpu.memory_space<vmem_shared>>
        %dma_start3A_113 = arith.constant 9984 : i32
        %dma_start3A_114 = arith.constant 0 : i32
        %dma_start3A_115 = tpu.memref_slice %arg5[%dma_start3A_113, %dma_start3A_114] : memref<10000x128xf32, #tpu.memory_space<hbm>> -> memref<16x128xf32, #tpu.memory_space<hbm>>
        tpu.enqueue_dma source(%dma_start3A_115 : memref<16x128xf32, #tpu.memory_space<hbm>>) target(%dma_start3A_112 : memref<16x128xf32, #tpu.memory_space<vmem_shared>>) target_semaphore(%run_scoped3A_110 : memref<!tpu.dma_semaphore, #tpu.memory_space<semaphore_mem>>)
        %dma_wait3A = arith.constant 9984 : i32
        %dma_wait3A_116 = arith.constant 0 : i32
        %dma_wait3A_117 = tpu.memref_slice %arg7[%dma_wait3A, %dma_wait3A_116] : memref<10000x128xf32, #tpu.memory_space<vmem_shared>> -> memref<16x128xf32, #tpu.memory_space<vmem_shared>>
        %dma_wait3A_118 = arith.constant 9984 : i32
        %dma_wait3A_119 = arith.constant 0 : i32
        %dma_wait3A_120 = tpu.memref_slice %arg5[%dma_wait3A_118, %dma_wait3A_119] : memref<10000x128xf32, #tpu.memory_space<hbm>> -> memref<16x128xf32, #tpu.memory_space<hbm>>
        tpu.wait_dma2 semaphore(%run_scoped3A_110 : memref<!tpu.dma_semaphore, #tpu.memory_space<semaphore_mem>>) src(%dma_wait3A_120 : memref<16x128xf32, #tpu.memory_space<hbm>>) dst(%dma_wait3A_117 : memref<16x128xf32, #tpu.memory_space<vmem_shared>>)
        tpu.yield
      }) : () -> ()
    } else {
    }
    %barrier3A_89 = arith.constant 0 : index
    tpu.barrier barrier_id(%barrier3A_89)
    %while3A_90 = arith.constant 0 : i32
    %while3A_91 = arith.constant 0 : i32
    %while3A_92 = arith.subi %select_n3A, %while3A_90 : i32
    %while3A_93 = arith.addi %while3A_90, %while3A_92 : i32
    %while3A_94 = arith.constant 1 : i32
    %while3A_95 = arith.divsi %while3A_92, %while3A_94 : i32
    %while3A_96 = arith.muli %while3A_95, %while3A_94 : i32
    %while3A_97 = arith.addi %while3A_90, %while3A_96 : i32
    %while3A_98 = arith.constant 1 : i32
    %while3A_99 = scf.for %while3A_110 = %while3A_90 to %while3A_97 step %while3A_98 iter_args(%while3A_111 = %while3A_91) -> (i32)  : i32 {
      %add3A_112 = arith.addi %select_n3A_11, %while3A_110 : i32
      %mul3A_113 = arith.constant 128 : i32
      %mul3A_114 = arith.muli %add3A_112, %mul3A_113 : i32
      %add3A_115 = arith.constant 480000 : i32
      %add3A_116 = arith.addi %add3A_115, %mul3A_114 : i32
      "tpu.region"() ({
        %run_scoped3A_132 = tpu.sem_alloc : memref<!tpu.dma_semaphore, #tpu.memory_space<semaphore_mem>>
        %dma_start3A_133 = tpu.memref_slice %arg3[%add3A_116] : memref<640000xi32, #tpu.memory_space<hbm>> -> memref<128xi32, #tpu.memory_space<hbm>>
        %dma_start3A_134 = tpu.memref_slice %arg3[%add3A_116] : memref<640000xi32, #tpu.memory_space<hbm>> -> memref<128xi32, #tpu.memory_space<hbm>>
        tpu.enqueue_dma source(%dma_start3A_134 : memref<128xi32, #tpu.memory_space<hbm>>) target(%arg9 : memref<128xi32, #tpu.memory_space<vmem>>) target_semaphore(%run_scoped3A_132 : memref<!tpu.dma_semaphore, #tpu.memory_space<semaphore_mem>>)
        %dma_wait3A_135 = tpu.memref_slice %arg3[%add3A_116] : memref<640000xi32, #tpu.memory_space<hbm>> -> memref<128xi32, #tpu.memory_space<hbm>>
        %dma_wait3A_136 = tpu.memref_slice %arg3[%add3A_116] : memref<640000xi32, #tpu.memory_space<hbm>> -> memref<128xi32, #tpu.memory_space<hbm>>
        tpu.wait_dma2 semaphore(%run_scoped3A_132 : memref<!tpu.dma_semaphore, #tpu.memory_space<semaphore_mem>>) src(%dma_wait3A_136 : memref<128xi32, #tpu.memory_space<hbm>>) dst(%arg9 : memref<128xi32, #tpu.memory_space<vmem>>)
        tpu.yield
      }) : () -> ()
      "tpu.region"() ({
        %run_scoped3A_132 = tpu.sem_alloc : memref<!tpu.dma_semaphore, #tpu.memory_space<semaphore_mem>>
        %dma_start3A_133 = tpu.memref_slice %arg4[%add3A_116] : memref<640000xi32, #tpu.memory_space<hbm>> -> memref<128xi32, #tpu.memory_space<hbm>>
        %dma_start3A_134 = tpu.memref_slice %arg4[%add3A_116] : memref<640000xi32, #tpu.memory_space<hbm>> -> memref<128xi32, #tpu.memory_space<hbm>>
        tpu.enqueue_dma source(%dma_start3A_134 : memref<128xi32, #tpu.memory_space<hbm>>) target(%arg10 : memref<128xi32, #tpu.memory_space<vmem>>) target_semaphore(%run_scoped3A_132 : memref<!tpu.dma_semaphore, #tpu.memory_space<semaphore_mem>>)
        %dma_wait3A_135 = tpu.memref_slice %arg4[%add3A_116] : memref<640000xi32, #tpu.memory_space<hbm>> -> memref<128xi32, #tpu.memory_space<hbm>>
        %dma_wait3A_136 = tpu.memref_slice %arg4[%add3A_116] : memref<640000xi32, #tpu.memory_space<hbm>> -> memref<128xi32, #tpu.memory_space<hbm>>
        tpu.wait_dma2 semaphore(%run_scoped3A_132 : memref<!tpu.dma_semaphore, #tpu.memory_space<semaphore_mem>>) src(%dma_wait3A_136 : memref<128xi32, #tpu.memory_space<hbm>>) dst(%arg10 : memref<128xi32, #tpu.memory_space<vmem>>)
        tpu.yield
      }) : () -> ()
      %dma_start3A = arith.constant 3 : i32
      %dma_start3A_117 = arith.constant 0 : i32
      %dma_start3A_118 = arith.constant 0 : i32
      %dma_start3A_119 = tpu.memref_slice %arg2[%arg0, %dma_start3A, %dma_start3A_117, %dma_start3A_118] : memref<2x4x10000x128xf32, #tpu.memory_space<hbm>> -> memref<1x1x10000x128xf32, #tpu.memory_space<hbm>>
      %dma_start3A_120 = tpu.memref_squeeze %dma_start3A_119 : memref<1x1x10000x128xf32, #tpu.memory_space<hbm>> -> memref<10000x128xf32, #tpu.memory_space<hbm>>
      %dma_start3A_121 = arith.constant 0 : i32
      %dma_start3A_122 = arith.constant 0 : i32
      %dma_start3A_123 = tpu.memref_slice %dma_start3A_120[%dma_start3A_121, %dma_start3A_122] : memref<10000x128xf32, #tpu.memory_space<hbm>> -> memref<10000x128xf32, #tpu.memory_space<hbm>>
      tpu.enqueue_indirect_dma source(%dma_start3A_123 : memref<10000x128xf32, #tpu.memory_space<hbm>>) target(%arg8 : memref<128x128xf32, #tpu.memory_space<vmem>>) offsets(%arg9 : memref<128xi32, #tpu.memory_space<vmem>>) semaphore(%arg11 : memref<!tpu.dma_semaphore, #tpu.memory_space<semaphore_mem>>)
      %dma_wait3A = arith.constant 3 : i32
      %dma_wait3A_124 = arith.constant 0 : i32
      %dma_wait3A_125 = arith.constant 0 : i32
      %dma_wait3A_126 = tpu.memref_slice %arg2[%arg0, %dma_wait3A, %dma_wait3A_124, %dma_wait3A_125] : memref<2x4x10000x128xf32, #tpu.memory_space<hbm>> -> memref<1x1x10000x128xf32, #tpu.memory_space<hbm>>
      %dma_wait3A_127 = tpu.memref_squeeze %dma_wait3A_126 : memref<1x1x10000x128xf32, #tpu.memory_space<hbm>> -> memref<10000x128xf32, #tpu.memory_space<hbm>>
      %dma_wait3A_128 = arith.constant 0 : i32
      %dma_wait3A_129 = arith.constant 0 : i32
      %dma_wait3A_130 = tpu.memref_slice %dma_wait3A_127[%dma_wait3A_128, %dma_wait3A_129] : memref<10000x128xf32, #tpu.memory_space<hbm>> -> memref<10000x128xf32, #tpu.memory_space<hbm>>
      tpu.wait_indirect_dma semaphore(%arg11 : memref<!tpu.dma_semaphore, #tpu.memory_space<semaphore_mem>>) src(%dma_wait3A_130 : memref<10000x128xf32, #tpu.memory_space<hbm>>) dst(%arg8 : memref<128x128xf32, #tpu.memory_space<vmem>>)
      "tpu.region"() ({
        %run_scoped3A_132 = tpu.sem_alloc : memref<!tpu.dma_semaphore, #tpu.memory_space<semaphore_mem>>
        %dma_start3A_133 = arith.constant 0 : i32
        %dma_start3A_134 = arith.constant 0 : i32
        %dma_start3A_135 = tpu.memref_slice %arg7[%dma_start3A_133, %dma_start3A_134] : memref<10000x128xf32, #tpu.memory_space<vmem_shared>> -> memref<10000x128xf32, #tpu.memory_space<vmem_shared>>
        tpu.enqueue_indirect_dma source(%arg8 : memref<128x128xf32, #tpu.memory_space<vmem>>) target(%dma_start3A_135 : memref<10000x128xf32, #tpu.memory_space<vmem_shared>>) offsets(%arg10 : memref<128xi32, #tpu.memory_space<vmem>>) semaphore(%run_scoped3A_132 : memref<!tpu.dma_semaphore, #tpu.memory_space<semaphore_mem>>) {add = true}
        %dma_wait3A_136 = arith.constant 0 : i32
        %dma_wait3A_137 = arith.constant 0 : i32
        %dma_wait3A_138 = tpu.memref_slice %arg7[%dma_wait3A_136, %dma_wait3A_137] : memref<10000x128xf32, #tpu.memory_space<vmem_shared>> -> memref<10000x128xf32, #tpu.memory_space<vmem_shared>>
        tpu.wait_indirect_dma semaphore(%run_scoped3A_132 : memref<!tpu.dma_semaphore, #tpu.memory_space<semaphore_mem>>) src(%arg8 : memref<128x128xf32, #tpu.memory_space<vmem>>) dst(%dma_wait3A_138 : memref<10000x128xf32, #tpu.memory_space<vmem_shared>>)
        tpu.yield
      }) : () -> ()
      %while3A_131 = arith.constant 0 : i32
      scf.yield %while3A_131 : i32
    }
    %while3A_100 = arith.constant 1 : i32
    %while3A_101 = scf.for %while3A_110 = %while3A_97 to %while3A_93 step %while3A_100 iter_args(%while3A_111 = %while3A_99) -> (i32)  : i32 {
      %add3A_112 = arith.addi %select_n3A_11, %while3A_110 : i32
      %mul3A_113 = arith.constant 128 : i32
      %mul3A_114 = arith.muli %add3A_112, %mul3A_113 : i32
      %add3A_115 = arith.constant 480000 : i32
      %add3A_116 = arith.addi %add3A_115, %mul3A_114 : i32
      "tpu.region"() ({
        %run_scoped3A_132 = tpu.sem_alloc : memref<!tpu.dma_semaphore, #tpu.memory_space<semaphore_mem>>
        %dma_start3A_133 = tpu.memref_slice %arg3[%add3A_116] : memref<640000xi32, #tpu.memory_space<hbm>> -> memref<128xi32, #tpu.memory_space<hbm>>
        %dma_start3A_134 = tpu.memref_slice %arg3[%add3A_116] : memref<640000xi32, #tpu.memory_space<hbm>> -> memref<128xi32, #tpu.memory_space<hbm>>
        tpu.enqueue_dma source(%dma_start3A_134 : memref<128xi32, #tpu.memory_space<hbm>>) target(%arg9 : memref<128xi32, #tpu.memory_space<vmem>>) target_semaphore(%run_scoped3A_132 : memref<!tpu.dma_semaphore, #tpu.memory_space<semaphore_mem>>)
        %dma_wait3A_135 = tpu.memref_slice %arg3[%add3A_116] : memref<640000xi32, #tpu.memory_space<hbm>> -> memref<128xi32, #tpu.memory_space<hbm>>
        %dma_wait3A_136 = tpu.memref_slice %arg3[%add3A_116] : memref<640000xi32, #tpu.memory_space<hbm>> -> memref<128xi32, #tpu.memory_space<hbm>>
        tpu.wait_dma2 semaphore(%run_scoped3A_132 : memref<!tpu.dma_semaphore, #tpu.memory_space<semaphore_mem>>) src(%dma_wait3A_136 : memref<128xi32, #tpu.memory_space<hbm>>) dst(%arg9 : memref<128xi32, #tpu.memory_space<vmem>>)
        tpu.yield
      }) : () -> ()
      "tpu.region"() ({
        %run_scoped3A_132 = tpu.sem_alloc : memref<!tpu.dma_semaphore, #tpu.memory_space<semaphore_mem>>
        %dma_start3A_133 = tpu.memref_slice %arg4[%add3A_116] : memref<640000xi32, #tpu.memory_space<hbm>> -> memref<128xi32, #tpu.memory_space<hbm>>
        %dma_start3A_134 = tpu.memref_slice %arg4[%add3A_116] : memref<640000xi32, #tpu.memory_space<hbm>> -> memref<128xi32, #tpu.memory_space<hbm>>
        tpu.enqueue_dma source(%dma_start3A_134 : memref<128xi32, #tpu.memory_space<hbm>>) target(%arg10 : memref<128xi32, #tpu.memory_space<vmem>>) target_semaphore(%run_scoped3A_132 : memref<!tpu.dma_semaphore, #tpu.memory_space<semaphore_mem>>)
        %dma_wait3A_135 = tpu.memref_slice %arg4[%add3A_116] : memref<640000xi32, #tpu.memory_space<hbm>> -> memref<128xi32, #tpu.memory_space<hbm>>
        %dma_wait3A_136 = tpu.memref_slice %arg4[%add3A_116] : memref<640000xi32, #tpu.memory_space<hbm>> -> memref<128xi32, #tpu.memory_space<hbm>>
        tpu.wait_dma2 semaphore(%run_scoped3A_132 : memref<!tpu.dma_semaphore, #tpu.memory_space<semaphore_mem>>) src(%dma_wait3A_136 : memref<128xi32, #tpu.memory_space<hbm>>) dst(%arg10 : memref<128xi32, #tpu.memory_space<vmem>>)
        tpu.yield
      }) : () -> ()
      %dma_start3A = arith.constant 3 : i32
      %dma_start3A_117 = arith.constant 0 : i32
      %dma_start3A_118 = arith.constant 0 : i32
      %dma_start3A_119 = tpu.memref_slice %arg2[%arg0, %dma_start3A, %dma_start3A_117, %dma_start3A_118] : memref<2x4x10000x128xf32, #tpu.memory_space<hbm>> -> memref<1x1x10000x128xf32, #tpu.memory_space<hbm>>
      %dma_start3A_120 = tpu.memref_squeeze %dma_start3A_119 : memref<1x1x10000x128xf32, #tpu.memory_space<hbm>> -> memref<10000x128xf32, #tpu.memory_space<hbm>>
      %dma_start3A_121 = arith.constant 0 : i32
      %dma_start3A_122 = arith.constant 0 : i32
      %dma_start3A_123 = tpu.memref_slice %dma_start3A_120[%dma_start3A_121, %dma_start3A_122] : memref<10000x128xf32, #tpu.memory_space<hbm>> -> memref<10000x128xf32, #tpu.memory_space<hbm>>
      tpu.enqueue_indirect_dma source(%dma_start3A_123 : memref<10000x128xf32, #tpu.memory_space<hbm>>) target(%arg8 : memref<128x128xf32, #tpu.memory_space<vmem>>) offsets(%arg9 : memref<128xi32, #tpu.memory_space<vmem>>) semaphore(%arg11 : memref<!tpu.dma_semaphore, #tpu.memory_space<semaphore_mem>>)
      %dma_wait3A = arith.constant 3 : i32
      %dma_wait3A_124 = arith.constant 0 : i32
      %dma_wait3A_125 = arith.constant 0 : i32
      %dma_wait3A_126 = tpu.memref_slice %arg2[%arg0, %dma_wait3A, %dma_wait3A_124, %dma_wait3A_125] : memref<2x4x10000x128xf32, #tpu.memory_space<hbm>> -> memref<1x1x10000x128xf32, #tpu.memory_space<hbm>>
      %dma_wait3A_127 = tpu.memref_squeeze %dma_wait3A_126 : memref<1x1x10000x128xf32, #tpu.memory_space<hbm>> -> memref<10000x128xf32, #tpu.memory_space<hbm>>
      %dma_wait3A_128 = arith.constant 0 : i32
      %dma_wait3A_129 = arith.constant 0 : i32
      %dma_wait3A_130 = tpu.memref_slice %dma_wait3A_127[%dma_wait3A_128, %dma_wait3A_129] : memref<10000x128xf32, #tpu.memory_space<hbm>> -> memref<10000x128xf32, #tpu.memory_space<hbm>>
      tpu.wait_indirect_dma semaphore(%arg11 : memref<!tpu.dma_semaphore, #tpu.memory_space<semaphore_mem>>) src(%dma_wait3A_130 : memref<10000x128xf32, #tpu.memory_space<hbm>>) dst(%arg8 : memref<128x128xf32, #tpu.memory_space<vmem>>)
      "tpu.region"() ({
        %run_scoped3A_132 = tpu.sem_alloc : memref<!tpu.dma_semaphore, #tpu.memory_space<semaphore_mem>>
        %dma_start3A_133 = arith.constant 0 : i32
        %dma_start3A_134 = arith.constant 0 : i32
        %dma_start3A_135 = tpu.memref_slice %arg7[%dma_start3A_133, %dma_start3A_134] : memref<10000x128xf32, #tpu.memory_space<vmem_shared>> -> memref<10000x128xf32, #tpu.memory_space<vmem_shared>>
        tpu.enqueue_indirect_dma source(%arg8 : memref<128x128xf32, #tpu.memory_space<vmem>>) target(%dma_start3A_135 : memref<10000x128xf32, #tpu.memory_space<vmem_shared>>) offsets(%arg10 : memref<128xi32, #tpu.memory_space<vmem>>) semaphore(%run_scoped3A_132 : memref<!tpu.dma_semaphore, #tpu.memory_space<semaphore_mem>>) {add = true}
        %dma_wait3A_136 = arith.constant 0 : i32
        %dma_wait3A_137 = arith.constant 0 : i32
        %dma_wait3A_138 = tpu.memref_slice %arg7[%dma_wait3A_136, %dma_wait3A_137] : memref<10000x128xf32, #tpu.memory_space<vmem_shared>> -> memref<10000x128xf32, #tpu.memory_space<vmem_shared>>
        tpu.wait_indirect_dma semaphore(%run_scoped3A_132 : memref<!tpu.dma_semaphore, #tpu.memory_space<semaphore_mem>>) src(%arg8 : memref<128x128xf32, #tpu.memory_space<vmem>>) dst(%dma_wait3A_138 : memref<10000x128xf32, #tpu.memory_space<vmem_shared>>)
        tpu.yield
      }) : () -> ()
      %while3A_131 = arith.constant 0 : i32
      scf.yield %while3A_131 : i32
    }
    %barrier3A_102 = arith.constant 0 : index
    tpu.barrier barrier_id(%barrier3A_102)
    %run_scoped3A_103 = arith.constant 3 : i32
    "tpu.region"() ({
      %run_scoped3A_110 = tpu.sem_alloc : memref<!tpu.dma_semaphore, #tpu.memory_space<semaphore_mem>>
      %dma_start3A = arith.constant 0 : i32
      %dma_start3A_111 = tpu.memref_slice %arg6[%arg0, %run_scoped3A_103, %mul3A_0, %dma_start3A] : memref<2x4x10000x128xf32, #tpu.memory_space<hbm>> -> memref<1x1x624x128xf32, #tpu.memory_space<hbm>>
      %dma_start3A_112 = tpu.memref_squeeze %dma_start3A_111 : memref<1x1x624x128xf32, #tpu.memory_space<hbm>> -> memref<624x128xf32, #tpu.memory_space<hbm>>
      %dma_start3A_113 = arith.constant 0 : i32
      %dma_start3A_114 = tpu.memref_slice %arg7[%mul3A_0, %dma_start3A_113] : memref<10000x128xf32, #tpu.memory_space<vmem_shared>> -> memref<624x128xf32, #tpu.memory_space<vmem_shared>>
      tpu.enqueue_dma source(%dma_start3A_114 : memref<624x128xf32, #tpu.memory_space<vmem_shared>>) target(%dma_start3A_112 : memref<624x128xf32, #tpu.memory_space<hbm>>) target_semaphore(%run_scoped3A_110 : memref<!tpu.dma_semaphore, #tpu.memory_space<semaphore_mem>>)
      %dma_wait3A = arith.constant 0 : i32
      %dma_wait3A_115 = tpu.memref_slice %arg6[%arg0, %run_scoped3A_103, %mul3A_0, %dma_wait3A] : memref<2x4x10000x128xf32, #tpu.memory_space<hbm>> -> memref<1x1x624x128xf32, #tpu.memory_space<hbm>>
      %dma_wait3A_116 = tpu.memref_squeeze %dma_wait3A_115 : memref<1x1x624x128xf32, #tpu.memory_space<hbm>> -> memref<624x128xf32, #tpu.memory_space<hbm>>
      %dma_wait3A_117 = arith.constant 0 : i32
      %dma_wait3A_118 = tpu.memref_slice %arg7[%mul3A_0, %dma_wait3A_117] : memref<10000x128xf32, #tpu.memory_space<vmem_shared>> -> memref<624x128xf32, #tpu.memory_space<vmem_shared>>
      tpu.wait_dma2 semaphore(%run_scoped3A_110 : memref<!tpu.dma_semaphore, #tpu.memory_space<semaphore_mem>>) src(%dma_wait3A_118 : memref<624x128xf32, #tpu.memory_space<vmem_shared>>) dst(%dma_wait3A_116 : memref<624x128xf32, #tpu.memory_space<hbm>>)
      tpu.yield
    }) : () -> ()
    %eq3A_104 = arith.constant 15 : i32
    %eq3A_105 = arith.cmpi eq, %arg1, %eq3A_104 : i32
    %convert_element_type3A_106 = arith.extui %eq3A_105 : i1 to i32
    %cond3A_107 = arith.constant 0 : i32
    %cond3A_108 = arith.cmpi ne, %convert_element_type3A_106, %cond3A_107 : i32
    scf.if %cond3A_108 {
      %run_scoped3A_110 = arith.constant 3 : i32
      "tpu.region"() ({
        %run_scoped3A_111 = tpu.sem_alloc : memref<!tpu.dma_semaphore, #tpu.memory_space<semaphore_mem>>
        %dma_start3A = arith.constant 9984 : i32
        %dma_start3A_112 = arith.constant 0 : i32
        %dma_start3A_113 = tpu.memref_slice %arg6[%arg0, %run_scoped3A_110, %dma_start3A, %dma_start3A_112] : memref<2x4x10000x128xf32, #tpu.memory_space<hbm>> -> memref<1x1x16x128xf32, #tpu.memory_space<hbm>>
        %dma_start3A_114 = tpu.memref_squeeze %dma_start3A_113 : memref<1x1x16x128xf32, #tpu.memory_space<hbm>> -> memref<16x128xf32, #tpu.memory_space<hbm>>
        %dma_start3A_115 = arith.constant 9984 : i32
        %dma_start3A_116 = arith.constant 0 : i32
        %dma_start3A_117 = tpu.memref_slice %arg7[%dma_start3A_115, %dma_start3A_116] : memref<10000x128xf32, #tpu.memory_space<vmem_shared>> -> memref<16x128xf32, #tpu.memory_space<vmem_shared>>
        tpu.enqueue_dma source(%dma_start3A_117 : memref<16x128xf32, #tpu.memory_space<vmem_shared>>) target(%dma_start3A_114 : memref<16x128xf32, #tpu.memory_space<hbm>>) target_semaphore(%run_scoped3A_111 : memref<!tpu.dma_semaphore, #tpu.memory_space<semaphore_mem>>)
        %dma_wait3A = arith.constant 9984 : i32
        %dma_wait3A_118 = arith.constant 0 : i32
        %dma_wait3A_119 = tpu.memref_slice %arg6[%arg0, %run_scoped3A_110, %dma_wait3A, %dma_wait3A_118] : memref<2x4x10000x128xf32, #tpu.memory_space<hbm>> -> memref<1x1x16x128xf32, #tpu.memory_space<hbm>>
        %dma_wait3A_120 = tpu.memref_squeeze %dma_wait3A_119 : memref<1x1x16x128xf32, #tpu.memory_space<hbm>> -> memref<16x128xf32, #tpu.memory_space<hbm>>
        %dma_wait3A_121 = arith.constant 9984 : i32
        %dma_wait3A_122 = arith.constant 0 : i32
        %dma_wait3A_123 = tpu.memref_slice %arg7[%dma_wait3A_121, %dma_wait3A_122] : memref<10000x128xf32, #tpu.memory_space<vmem_shared>> -> memref<16x128xf32, #tpu.memory_space<vmem_shared>>
        tpu.wait_dma2 semaphore(%run_scoped3A_111 : memref<!tpu.dma_semaphore, #tpu.memory_space<semaphore_mem>>) src(%dma_wait3A_123 : memref<16x128xf32, #tpu.memory_space<vmem_shared>>) dst(%dma_wait3A_120 : memref<16x128xf32, #tpu.memory_space<hbm>>)
        tpu.yield
      }) : () -> ()
    } else {
    }
    %barrier3A_109 = arith.constant 0 : index
    tpu.barrier barrier_id(%barrier3A_109)
    return
  }
}

#map = affine_map<(d0, d1) -> (0, 0, 0, 0)>
#map1 = affine_map<(d0, d1) -> (0)>
#map2 = affine_map<(d0, d1) -> (0, 0)>
module attributes {stable_mosaic.version = 14 : i64} {
  func.func @_spmm_body(%arg0: i32, %arg1: i32, %arg2: memref<2x4x10000x128xf32, #tpu.memory_space<hbm>>, %arg3: memref<640000xi32, #tpu.memory_space<hbm>>, %arg4: memref<640000xi32, #tpu.memory_space<hbm>>, %arg5: memref<10000x128xf32, #tpu.memory_space<hbm>>, %arg6: memref<2x4x10000x128xf32, #tpu.memory_space<hbm>>, %arg7: memref<10000x128xf32, #tpu.memory_space<vmem_shared>>, %arg8: memref<128x128xf32, #tpu.memory_space<vmem>>, %arg9: memref<128xi32, #tpu.memory_space<vmem>>, %arg10: memref<128xi32, #tpu.memory_space<vmem>>, %arg11: memref<!tpu.dma_semaphore, #tpu.memory_space<semaphore_mem>>) attributes {dimension_semantics = [#tpu.dimension_semantics<core_parallel>, #tpu.dimension_semantics<subcore_parallel>], iteration_bounds = array<i64: 2, 16>, scalar_prefetch = 0 : i64, scratch_operands = 5 : i64, tpu.core_type = #tpu.core_type<sc_vector_subcore>, window_params = [{transform_indices = #map}, {transform_indices = #map1}, {transform_indices = #map1}, {transform_indices = #map2}, {transform_indices = #map}]} {
    %mul3A = arith.constant 624 : i32
    %mul3A_0 = arith.muli %arg1, %mul3A : i32
    %lt3A = arith.constant 2 : i32
    %lt3A_1 = arith.cmpi slt, %arg1, %lt3A : i32
    %jit3A = arith.constant 79 : i32
    %jit3A_2 = arith.constant 78 : i32
    %select_n3A = arith.select %lt3A_1, %jit3A, %jit3A_2 : i32
    %lt3A_3 = arith.constant 2 : i32
    %lt3A_4 = arith.cmpi slt, %arg1, %lt3A_3 : i32
    %mul3A_5 = arith.constant 79 : i32
    %mul3A_6 = arith.muli %mul3A_5, %arg1 : i32
    %sub3A = arith.constant 2 : i32
    %sub3A_7 = arith.subi %arg1, %sub3A : i32
    %mul3A_8 = arith.constant 78 : i32
    %mul3A_9 = arith.muli %mul3A_8, %sub3A_7 : i32
    %add3A = arith.constant 158 : i32
    %add3A_10 = arith.addi %add3A, %mul3A_9 : i32
    %select_n3A_11 = arith.select %lt3A_4, %mul3A_6, %add3A_10 : i32
    "tpu.region"() ({
      %run_scoped3A_110 = tpu.sem_alloc : memref<!tpu.dma_semaphore, #tpu.memory_space<semaphore_mem>>
      %dma_start3A = arith.constant 0 : i32
      %dma_start3A_111 = tpu.memref_slice %arg7[%mul3A_0, %dma_start3A] : memref<10000x128xf32, #tpu.memory_space<vmem_shared>> -> memref<624x128xf32, #tpu.memory_space<vmem_shared>>
      %dma_start3A_112 = arith.constant 0 : i32
      %dma_start3A_113 = tpu.memref_slice %arg5[%mul3A_0, %dma_start3A_112] : memref<10000x128xf32, #tpu.memory_space<hbm>> -> memref<624x128xf32, #tpu.memory_space<hbm>>
      tpu.enqueue_dma source(%dma_start3A_113 : memref<624x128xf32, #tpu.memory_space<hbm>>) target(%dma_start3A_111 : memref<624x128xf32, #tpu.memory_space<vmem_shared>>) target_semaphore(%run_scoped3A_110 : memref<!tpu.dma_semaphore, #tpu.memory_space<semaphore_mem>>)
      %dma_wait3A = arith.constant 0 : i32
      %dma_wait3A_114 = tpu.memref_slice %arg7[%mul3A_0, %dma_wait3A] : memref<10000x128xf32, #tpu.memory_space<vmem_shared>> -> memref<624x128xf32, #tpu.memory_space<vmem_shared>>
      %dma_wait3A_115 = arith.constant 0 : i32
      %dma_wait3A_116 = tpu.memref_slice %arg5[%mul3A_0, %dma_wait3A_115] : memref<10000x128xf32, #tpu.memory_space<hbm>> -> memref<624x128xf32, #tpu.memory_space<hbm>>
      tpu.wait_dma2 semaphore(%run_scoped3A_110 : memref<!tpu.dma_semaphore, #tpu.memory_space<semaphore_mem>>) src(%dma_wait3A_116 : memref<624x128xf32, #tpu.memory_space<hbm>>) dst(%dma_wait3A_114 : memref<624x128xf32, #tpu.memory_space<vmem_shared>>)
      tpu.yield
    }) : () -> ()
    %eq3A = arith.constant 15 : i32
    %eq3A_12 = arith.cmpi eq, %arg1, %eq3A : i32
    %convert_element_type3A = arith.extui %eq3A_12 : i1 to i32
    %cond3A = arith.constant 0 : i32
    %cond3A_13 = arith.cmpi ne, %convert_element_type3A, %cond3A : i32
    scf.if %cond3A_13 {
      "tpu.region"() ({
        %run_scoped3A_110 = tpu.sem_alloc : memref<!tpu.dma_semaphore, #tpu.memory_space<semaphore_mem>>
        %dma_start3A = arith.constant 9984 : i32
        %dma_start3A_111 = arith.constant 0 : i32
        %dma_start3A_112 = tpu.memref_slice %arg7[%dma_start3A, %dma_start3A_111] : memref<10000x128xf32, #tpu.memory_space<vmem_shared>> -> memref<16x128xf32, #tpu.memory_space<vmem_shared>>
        %dma_start3A_113 = arith.constant 9984 : i32
        %dma_start3A_114 = arith.constant 0 : i32
        %dma_start3A_115 = tpu.memref_slice %arg5[%dma_start3A_113, %dma_start3A_114] : memref<10000x128xf32, #tpu.memory_space<hbm>> -> memref<16x128xf32, #tpu.memory_space<hbm>>
        tpu.enqueue_dma source(%dma_start3A_115 : memref<16x128xf32, #tpu.memory_space<hbm>>) target(%dma_start3A_112 : memref<16x128xf32, #tpu.memory_space<vmem_shared>>) target_semaphore(%run_scoped3A_110 : memref<!tpu.dma_semaphore, #tpu.memory_space<semaphore_mem>>)
        %dma_wait3A = arith.constant 9984 : i32
        %dma_wait3A_116 = arith.constant 0 : i32
        %dma_wait3A_117 = tpu.memref_slice %arg7[%dma_wait3A, %dma_wait3A_116] : memref<10000x128xf32, #tpu.memory_space<vmem_shared>> -> memref<16x128xf32, #tpu.memory_space<vmem_shared>>
        %dma_wait3A_118 = arith.constant 9984 : i32
        %dma_wait3A_119 = arith.constant 0 : i32
        %dma_wait3A_120 = tpu.memref_slice %arg5[%dma_wait3A_118, %dma_wait3A_119] : memref<10000x128xf32, #tpu.memory_space<hbm>> -> memref<16x128xf32, #tpu.memory_space<hbm>>
        tpu.wait_dma2 semaphore(%run_scoped3A_110 : memref<!tpu.dma_semaphore, #tpu.memory_space<semaphore_mem>>) src(%dma_wait3A_120 : memref<16x128xf32, #tpu.memory_space<hbm>>) dst(%dma_wait3A_117 : memref<16x128xf32, #tpu.memory_space<vmem_shared>>)
        tpu.yield
      }) : () -> ()
    } else {
    }
    %barrier3A = arith.constant 0 : index
    tpu.barrier barrier_id(%barrier3A)
    %while3A = arith.constant 0 : i32
    %while3A_14 = arith.constant 0 : i32
    %while3A_15 = arith.subi %select_n3A, %while3A : i32
    %while3A_16 = arith.addi %while3A, %while3A_15 : i32
    %while3A_17 = arith.constant 1 : i32
    %while3A_18 = arith.divsi %while3A_15, %while3A_17 : i32
    %while3A_19 = arith.muli %while3A_18, %while3A_17 : i32
    %while3A_20 = arith.addi %while3A, %while3A_19 : i32
    %while3A_21 = arith.constant 1 : i32
    %while3A_22 = scf.for %while3A_110 = %while3A to %while3A_20 step %while3A_21 iter_args(%while3A_111 = %while3A_14) -> (i32)  : i32 {
      %add3A_112 = arith.addi %select_n3A_11, %while3A_110 : i32
      %mul3A_113 = arith.constant 128 : i32
      %mul3A_114 = arith.muli %add3A_112, %mul3A_113 : i32
      %add3A_115 = arith.constant 0 : i32
      %add3A_116 = arith.addi %add3A_115, %mul3A_114 : i32
      "tpu.region"() ({
        %run_scoped3A_132 = tpu.sem_alloc : memref<!tpu.dma_semaphore, #tpu.memory_space<semaphore_mem>>
        %dma_start3A_133 = tpu.memref_slice %arg3[%add3A_116] : memref<640000xi32, #tpu.memory_space<hbm>> -> memref<128xi32, #tpu.memory_space<hbm>>
        %dma_start3A_134 = tpu.memref_slice %arg3[%add3A_116] : memref<640000xi32, #tpu.memory_space<hbm>> -> memref<128xi32, #tpu.memory_space<hbm>>
        tpu.enqueue_dma source(%dma_start3A_134 : memref<128xi32, #tpu.memory_space<hbm>>) target(%arg9 : memref<128xi32, #tpu.memory_space<vmem>>) target_semaphore(%run_scoped3A_132 : memref<!tpu.dma_semaphore, #tpu.memory_space<semaphore_mem>>)
        %dma_wait3A_135 = tpu.memref_slice %arg3[%add3A_116] : memref<640000xi32, #tpu.memory_space<hbm>> -> memref<128xi32, #tpu.memory_space<hbm>>
        %dma_wait3A_136 = tpu.memref_slice %arg3[%add3A_116] : memref<640000xi32, #tpu.memory_space<hbm>> -> memref<128xi32, #tpu.memory_space<hbm>>
        tpu.wait_dma2 semaphore(%run_scoped3A_132 : memref<!tpu.dma_semaphore, #tpu.memory_space<semaphore_mem>>) src(%dma_wait3A_136 : memref<128xi32, #tpu.memory_space<hbm>>) dst(%arg9 : memref<128xi32, #tpu.memory_space<vmem>>)
        tpu.yield
      }) : () -> ()
      "tpu.region"() ({
        %run_scoped3A_132 = tpu.sem_alloc : memref<!tpu.dma_semaphore, #tpu.memory_space<semaphore_mem>>
        %dma_start3A_133 = tpu.memref_slice %arg4[%add3A_116] : memref<640000xi32, #tpu.memory_space<hbm>> -> memref<128xi32, #tpu.memory_space<hbm>>
        %dma_start3A_134 = tpu.memref_slice %arg4[%add3A_116] : memref<640000xi32, #tpu.memory_space<hbm>> -> memref<128xi32, #tpu.memory_space<hbm>>
        tpu.enqueue_dma source(%dma_start3A_134 : memref<128xi32, #tpu.memory_space<hbm>>) target(%arg10 : memref<128xi32, #tpu.memory_space<vmem>>) target_semaphore(%run_scoped3A_132 : memref<!tpu.dma_semaphore, #tpu.memory_space<semaphore_mem>>)
        %dma_wait3A_135 = tpu.memref_slice %arg4[%add3A_116] : memref<640000xi32, #tpu.memory_space<hbm>> -> memref<128xi32, #tpu.memory_space<hbm>>
        %dma_wait3A_136 = tpu.memref_slice %arg4[%add3A_116] : memref<640000xi32, #tpu.memory_space<hbm>> -> memref<128xi32, #tpu.memory_space<hbm>>
        tpu.wait_dma2 semaphore(%run_scoped3A_132 : memref<!tpu.dma_semaphore, #tpu.memory_space<semaphore_mem>>) src(%dma_wait3A_136 : memref<128xi32, #tpu.memory_space<hbm>>) dst(%arg10 : memref<128xi32, #tpu.memory_space<vmem>>)
        tpu.yield
      }) : () -> ()
      %dma_start3A = arith.constant 0 : i32
      %dma_start3A_117 = arith.constant 0 : i32
      %dma_start3A_118 = arith.constant 0 : i32
      %dma_start3A_119 = tpu.memref_slice %arg2[%arg0, %dma_start3A, %dma_start3A_117, %dma_start3A_118] : memref<2x4x10000x128xf32, #tpu.memory_space<hbm>> -> memref<1x1x10000x128xf32, #tpu.memory_space<hbm>>
      %dma_start3A_120 = tpu.memref_squeeze %dma_start3A_119 : memref<1x1x10000x128xf32, #tpu.memory_space<hbm>> -> memref<10000x128xf32, #tpu.memory_space<hbm>>
      %dma_start3A_121 = arith.constant 0 : i32
      %dma_start3A_122 = arith.constant 0 : i32
      %dma_start3A_123 = tpu.memref_slice %dma_start3A_120[%dma_start3A_121, %dma_start3A_122] : memref<10000x128xf32, #tpu.memory_space<hbm>> -> memref<10000x128xf32, #tpu.memory_space<hbm>>
      tpu.enqueue_indirect_dma source(%dma_start3A_123 : memref<10000x128xf32, #tpu.memory_space<hbm>>) target(%arg8 : memref<128x128xf32, #tpu.memory_space<vmem>>) offsets(%arg9 : memref<128xi32, #tpu.memory_space<vmem>>) semaphore(%arg11 : memref<!tpu.dma_semaphore, #tpu.memory_space<semaphore_mem>>)
      %dma_wait3A = arith.constant 0 : i32
      %dma_wait3A_124 = arith.constant 0 : i32
      %dma_wait3A_125 = arith.constant 0 : i32
      %dma_wait3A_126 = tpu.memref_slice %arg2[%arg0, %dma_wait3A, %dma_wait3A_124, %dma_wait3A_125] : memref<2x4x10000x128xf32, #tpu.memory_space<hbm>> -> memref<1x1x10000x128xf32, #tpu.memory_space<hbm>>
      %dma_wait3A_127 = tpu.memref_squeeze %dma_wait3A_126 : memref<1x1x10000x128xf32, #tpu.memory_space<hbm>> -> memref<10000x128xf32, #tpu.memory_space<hbm>>
      %dma_wait3A_128 = arith.constant 0 : i32
      %dma_wait3A_129 = arith.constant 0 : i32
      %dma_wait3A_130 = tpu.memref_slice %dma_wait3A_127[%dma_wait3A_128, %dma_wait3A_129] : memref<10000x128xf32, #tpu.memory_space<hbm>> -> memref<10000x128xf32, #tpu.memory_space<hbm>>
      tpu.wait_indirect_dma semaphore(%arg11 : memref<!tpu.dma_semaphore, #tpu.memory_space<semaphore_mem>>) src(%dma_wait3A_130 : memref<10000x128xf32, #tpu.memory_space<hbm>>) dst(%arg8 : memref<128x128xf32, #tpu.memory_space<vmem>>)
      "tpu.region"() ({
        %run_scoped3A_132 = tpu.sem_alloc : memref<!tpu.dma_semaphore, #tpu.memory_space<semaphore_mem>>
        %dma_start3A_133 = arith.constant 0 : i32
        %dma_start3A_134 = arith.constant 0 : i32
        %dma_start3A_135 = tpu.memref_slice %arg7[%dma_start3A_133, %dma_start3A_134] : memref<10000x128xf32, #tpu.memory_space<vmem_shared>> -> memref<10000x128xf32, #tpu.memory_space<vmem_shared>>
        tpu.enqueue_indirect_dma source(%arg8 : memref<128x128xf32, #tpu.memory_space<vmem>>) target(%dma_start3A_135 : memref<10000x128xf32, #tpu.memory_space<vmem_shared>>) offsets(%arg10 : memref<128xi32, #tpu.memory_space<vmem>>) semaphore(%run_scoped3A_132 : memref<!tpu.dma_semaphore, #tpu.memory_space<semaphore_mem>>) {add = true}
        %dma_wait3A_136 = arith.constant 0 : i32
        %dma_wait3A_137 = arith.constant 0 : i32
        %dma_wait3A_138 = tpu.memref_slice %arg7[%dma_wait3A_136, %dma_wait3A_137] : memref<10000x128xf32, #tpu.memory_space<vmem_shared>> -> memref<10000x128xf32, #tpu.memory_space<vmem_shared>>
        tpu.wait_indirect_dma semaphore(%run_scoped3A_132 : memref<!tpu.dma_semaphore, #tpu.memory_space<semaphore_mem>>) src(%arg8 : memref<128x128xf32, #tpu.memory_space<vmem>>) dst(%dma_wait3A_138 : memref<10000x128xf32, #tpu.memory_space<vmem_shared>>)
        tpu.yield
      }) : () -> ()
      %while3A_131 = arith.constant 0 : i32
      scf.yield %while3A_131 : i32
    }
    %while3A_23 = arith.constant 1 : i32
    %while3A_24 = scf.for %while3A_110 = %while3A_20 to %while3A_16 step %while3A_23 iter_args(%while3A_111 = %while3A_22) -> (i32)  : i32 {
      %add3A_112 = arith.addi %select_n3A_11, %while3A_110 : i32
      %mul3A_113 = arith.constant 128 : i32
      %mul3A_114 = arith.muli %add3A_112, %mul3A_113 : i32
      %add3A_115 = arith.constant 0 : i32
      %add3A_116 = arith.addi %add3A_115, %mul3A_114 : i32
      "tpu.region"() ({
        %run_scoped3A_132 = tpu.sem_alloc : memref<!tpu.dma_semaphore, #tpu.memory_space<semaphore_mem>>
        %dma_start3A_133 = tpu.memref_slice %arg3[%add3A_116] : memref<640000xi32, #tpu.memory_space<hbm>> -> memref<128xi32, #tpu.memory_space<hbm>>
        %dma_start3A_134 = tpu.memref_slice %arg3[%add3A_116] : memref<640000xi32, #tpu.memory_space<hbm>> -> memref<128xi32, #tpu.memory_space<hbm>>
        tpu.enqueue_dma source(%dma_start3A_134 : memref<128xi32, #tpu.memory_space<hbm>>) target(%arg9 : memref<128xi32, #tpu.memory_space<vmem>>) target_semaphore(%run_scoped3A_132 : memref<!tpu.dma_semaphore, #tpu.memory_space<semaphore_mem>>)
        %dma_wait3A_135 = tpu.memref_slice %arg3[%add3A_116] : memref<640000xi32, #tpu.memory_space<hbm>> -> memref<128xi32, #tpu.memory_space<hbm>>
        %dma_wait3A_136 = tpu.memref_slice %arg3[%add3A_116] : memref<640000xi32, #tpu.memory_space<hbm>> -> memref<128xi32, #tpu.memory_space<hbm>>
        tpu.wait_dma2 semaphore(%run_scoped3A_132 : memref<!tpu.dma_semaphore, #tpu.memory_space<semaphore_mem>>) src(%dma_wait3A_136 : memref<128xi32, #tpu.memory_space<hbm>>) dst(%arg9 : memref<128xi32, #tpu.memory_space<vmem>>)
        tpu.yield
      }) : () -> ()
      "tpu.region"() ({
        %run_scoped3A_132 = tpu.sem_alloc : memref<!tpu.dma_semaphore, #tpu.memory_space<semaphore_mem>>
        %dma_start3A_133 = tpu.memref_slice %arg4[%add3A_116] : memref<640000xi32, #tpu.memory_space<hbm>> -> memref<128xi32, #tpu.memory_space<hbm>>
        %dma_start3A_134 = tpu.memref_slice %arg4[%add3A_116] : memref<640000xi32, #tpu.memory_space<hbm>> -> memref<128xi32, #tpu.memory_space<hbm>>
        tpu.enqueue_dma source(%dma_start3A_134 : memref<128xi32, #tpu.memory_space<hbm>>) target(%arg10 : memref<128xi32, #tpu.memory_space<vmem>>) target_semaphore(%run_scoped3A_132 : memref<!tpu.dma_semaphore, #tpu.memory_space<semaphore_mem>>)
        %dma_wait3A_135 = tpu.memref_slice %arg4[%add3A_116] : memref<640000xi32, #tpu.memory_space<hbm>> -> memref<128xi32, #tpu.memory_space<hbm>>
        %dma_wait3A_136 = tpu.memref_slice %arg4[%add3A_116] : memref<640000xi32, #tpu.memory_space<hbm>> -> memref<128xi32, #tpu.memory_space<hbm>>
        tpu.wait_dma2 semaphore(%run_scoped3A_132 : memref<!tpu.dma_semaphore, #tpu.memory_space<semaphore_mem>>) src(%dma_wait3A_136 : memref<128xi32, #tpu.memory_space<hbm>>) dst(%arg10 : memref<128xi32, #tpu.memory_space<vmem>>)
        tpu.yield
      }) : () -> ()
      %dma_start3A = arith.constant 0 : i32
      %dma_start3A_117 = arith.constant 0 : i32
      %dma_start3A_118 = arith.constant 0 : i32
      %dma_start3A_119 = tpu.memref_slice %arg2[%arg0, %dma_start3A, %dma_start3A_117, %dma_start3A_118] : memref<2x4x10000x128xf32, #tpu.memory_space<hbm>> -> memref<1x1x10000x128xf32, #tpu.memory_space<hbm>>
      %dma_start3A_120 = tpu.memref_squeeze %dma_start3A_119 : memref<1x1x10000x128xf32, #tpu.memory_space<hbm>> -> memref<10000x128xf32, #tpu.memory_space<hbm>>
      %dma_start3A_121 = arith.constant 0 : i32
      %dma_start3A_122 = arith.constant 0 : i32
      %dma_start3A_123 = tpu.memref_slice %dma_start3A_120[%dma_start3A_121, %dma_start3A_122] : memref<10000x128xf32, #tpu.memory_space<hbm>> -> memref<10000x128xf32, #tpu.memory_space<hbm>>
      tpu.enqueue_indirect_dma source(%dma_start3A_123 : memref<10000x128xf32, #tpu.memory_space<hbm>>) target(%arg8 : memref<128x128xf32, #tpu.memory_space<vmem>>) offsets(%arg9 : memref<128xi32, #tpu.memory_space<vmem>>) semaphore(%arg11 : memref<!tpu.dma_semaphore, #tpu.memory_space<semaphore_mem>>)
      %dma_wait3A = arith.constant 0 : i32
      %dma_wait3A_124 = arith.constant 0 : i32
      %dma_wait3A_125 = arith.constant 0 : i32
      %dma_wait3A_126 = tpu.memref_slice %arg2[%arg0, %dma_wait3A, %dma_wait3A_124, %dma_wait3A_125] : memref<2x4x10000x128xf32, #tpu.memory_space<hbm>> -> memref<1x1x10000x128xf32, #tpu.memory_space<hbm>>
      %dma_wait3A_127 = tpu.memref_squeeze %dma_wait3A_126 : memref<1x1x10000x128xf32, #tpu.memory_space<hbm>> -> memref<10000x128xf32, #tpu.memory_space<hbm>>
      %dma_wait3A_128 = arith.constant 0 : i32
      %dma_wait3A_129 = arith.constant 0 : i32
      %dma_wait3A_130 = tpu.memref_slice %dma_wait3A_127[%dma_wait3A_128, %dma_wait3A_129] : memref<10000x128xf32, #tpu.memory_space<hbm>> -> memref<10000x128xf32, #tpu.memory_space<hbm>>
      tpu.wait_indirect_dma semaphore(%arg11 : memref<!tpu.dma_semaphore, #tpu.memory_space<semaphore_mem>>) src(%dma_wait3A_130 : memref<10000x128xf32, #tpu.memory_space<hbm>>) dst(%arg8 : memref<128x128xf32, #tpu.memory_space<vmem>>)
      "tpu.region"() ({
        %run_scoped3A_132 = tpu.sem_alloc : memref<!tpu.dma_semaphore, #tpu.memory_space<semaphore_mem>>
        %dma_start3A_133 = arith.constant 0 : i32
        %dma_start3A_134 = arith.constant 0 : i32
        %dma_start3A_135 = tpu.memref_slice %arg7[%dma_start3A_133, %dma_start3A_134] : memref<10000x128xf32, #tpu.memory_space<vmem_shared>> -> memref<10000x128xf32, #tpu.memory_space<vmem_shared>>
        tpu.enqueue_indirect_dma source(%arg8 : memref<128x128xf32, #tpu.memory_space<vmem>>) target(%dma_start3A_135 : memref<10000x128xf32, #tpu.memory_space<vmem_shared>>) offsets(%arg10 : memref<128xi32, #tpu.memory_space<vmem>>) semaphore(%run_scoped3A_132 : memref<!tpu.dma_semaphore, #tpu.memory_space<semaphore_mem>>) {add = true}
        %dma_wait3A_136 = arith.constant 0 : i32
        %dma_wait3A_137 = arith.constant 0 : i32
        %dma_wait3A_138 = tpu.memref_slice %arg7[%dma_wait3A_136, %dma_wait3A_137] : memref<10000x128xf32, #tpu.memory_space<vmem_shared>> -> memref<10000x128xf32, #tpu.memory_space<vmem_shared>>
        tpu.wait_indirect_dma semaphore(%run_scoped3A_132 : memref<!tpu.dma_semaphore, #tpu.memory_space<semaphore_mem>>) src(%arg8 : memref<128x128xf32, #tpu.memory_space<vmem>>) dst(%dma_wait3A_138 : memref<10000x128xf32, #tpu.memory_space<vmem_shared>>)
        tpu.yield
      }) : () -> ()
      %while3A_131 = arith.constant 0 : i32
      scf.yield %while3A_131 : i32
    }
    %barrier3A_25 = arith.constant 0 : index
    tpu.barrier barrier_id(%barrier3A_25)
    %run_scoped3A = arith.constant 0 : i32
    "tpu.region"() ({
      %run_scoped3A_110 = tpu.sem_alloc : memref<!tpu.dma_semaphore, #tpu.memory_space<semaphore_mem>>
      %dma_start3A = arith.constant 0 : i32
      %dma_start3A_111 = tpu.memref_slice %arg6[%arg0, %run_scoped3A, %mul3A_0, %dma_start3A] : memref<2x4x10000x128xf32, #tpu.memory_space<hbm>> -> memref<1x1x624x128xf32, #tpu.memory_space<hbm>>
      %dma_start3A_112 = tpu.memref_squeeze %dma_start3A_111 : memref<1x1x624x128xf32, #tpu.memory_space<hbm>> -> memref<624x128xf32, #tpu.memory_space<hbm>>
      %dma_start3A_113 = arith.constant 0 : i32
      %dma_start3A_114 = tpu.memref_slice %arg7[%mul3A_0, %dma_start3A_113] : memref<10000x128xf32, #tpu.memory_space<vmem_shared>> -> memref<624x128xf32, #tpu.memory_space<vmem_shared>>
      tpu.enqueue_dma source(%dma_start3A_114 : memref<624x128xf32, #tpu.memory_space<vmem_shared>>) target(%dma_start3A_112 : memref<624x128xf32, #tpu.memory_space<hbm>>) target_semaphore(%run_scoped3A_110 : memref<!tpu.dma_semaphore, #tpu.memory_space<semaphore_mem>>)
      %dma_wait3A = arith.constant 0 : i32
      %dma_wait3A_115 = tpu.memref_slice %arg6[%arg0, %run_scoped3A, %mul3A_0, %dma_wait3A] : memref<2x4x10000x128xf32, #tpu.memory_space<hbm>> -> memref<1x1x624x128xf32, #tpu.memory_space<hbm>>
      %dma_wait3A_116 = tpu.memref_squeeze %dma_wait3A_115 : memref<1x1x624x128xf32, #tpu.memory_space<hbm>> -> memref<624x128xf32, #tpu.memory_space<hbm>>
      %dma_wait3A_117 = arith.constant 0 : i32
      %dma_wait3A_118 = tpu.memref_slice %arg7[%mul3A_0, %dma_wait3A_117] : memref<10000x128xf32, #tpu.memory_space<vmem_shared>> -> memref<624x128xf32, #tpu.memory_space<vmem_shared>>
      tpu.wait_dma2 semaphore(%run_scoped3A_110 : memref<!tpu.dma_semaphore, #tpu.memory_space<semaphore_mem>>) src(%dma_wait3A_118 : memref<624x128xf32, #tpu.memory_space<vmem_shared>>) dst(%dma_wait3A_116 : memref<624x128xf32, #tpu.memory_space<hbm>>)
      tpu.yield
    }) : () -> ()
    %eq3A_26 = arith.constant 15 : i32
    %eq3A_27 = arith.cmpi eq, %arg1, %eq3A_26 : i32
    %convert_element_type3A_28 = arith.extui %eq3A_27 : i1 to i32
    %cond3A_29 = arith.constant 0 : i32
    %cond3A_30 = arith.cmpi ne, %convert_element_type3A_28, %cond3A_29 : i32
    scf.if %cond3A_30 {
      %run_scoped3A_110 = arith.constant 0 : i32
      "tpu.region"() ({
        %run_scoped3A_111 = tpu.sem_alloc : memref<!tpu.dma_semaphore, #tpu.memory_space<semaphore_mem>>
        %dma_start3A = arith.constant 9984 : i32
        %dma_start3A_112 = arith.constant 0 : i32
        %dma_start3A_113 = tpu.memref_slice %arg6[%arg0, %run_scoped3A_110, %dma_start3A, %dma_start3A_112] : memref<2x4x10000x128xf32, #tpu.memory_space<hbm>> -> memref<1x1x16x128xf32, #tpu.memory_space<hbm>>
        %dma_start3A_114 = tpu.memref_squeeze %dma_start3A_113 : memref<1x1x16x128xf32, #tpu.memory_space<hbm>> -> memref<16x128xf32, #tpu.memory_space<hbm>>
        %dma_start3A_115 = arith.constant 9984 : i32
        %dma_start3A_116 = arith.constant 0 : i32
        %dma_start3A_117 = tpu.memref_slice %arg7[%dma_start3A_115, %dma_start3A_116] : memref<10000x128xf32, #tpu.memory_space<vmem_shared>> -> memref<16x128xf32, #tpu.memory_space<vmem_shared>>
        tpu.enqueue_dma source(%dma_start3A_117 : memref<16x128xf32, #tpu.memory_space<vmem_shared>>) target(%dma_start3A_114 : memref<16x128xf32, #tpu.memory_space<hbm>>) target_semaphore(%run_scoped3A_111 : memref<!tpu.dma_semaphore, #tpu.memory_space<semaphore_mem>>)
        %dma_wait3A = arith.constant 9984 : i32
        %dma_wait3A_118 = arith.constant 0 : i32
        %dma_wait3A_119 = tpu.memref_slice %arg6[%arg0, %run_scoped3A_110, %dma_wait3A, %dma_wait3A_118] : memref<2x4x10000x128xf32, #tpu.memory_space<hbm>> -> memref<1x1x16x128xf32, #tpu.memory_space<hbm>>
        %dma_wait3A_120 = tpu.memref_squeeze %dma_wait3A_119 : memref<1x1x16x128xf32, #tpu.memory_space<hbm>> -> memref<16x128xf32, #tpu.memory_space<hbm>>
        %dma_wait3A_121 = arith.constant 9984 : i32
        %dma_wait3A_122 = arith.constant 0 : i32
        %dma_wait3A_123 = tpu.memref_slice %arg7[%dma_wait3A_121, %dma_wait3A_122] : memref<10000x128xf32, #tpu.memory_space<vmem_shared>> -> memref<16x128xf32, #tpu.memory_space<vmem_shared>>
        tpu.wait_dma2 semaphore(%run_scoped3A_111 : memref<!tpu.dma_semaphore, #tpu.memory_space<semaphore_mem>>) src(%dma_wait3A_123 : memref<16x128xf32, #tpu.memory_space<vmem_shared>>) dst(%dma_wait3A_120 : memref<16x128xf32, #tpu.memory_space<hbm>>)
        tpu.yield
      }) : () -> ()
    } else {
    }
    %barrier3A_31 = arith.constant 0 : index
    tpu.barrier barrier_id(%barrier3A_31)
    "tpu.region"() ({
      %run_scoped3A_110 = tpu.sem_alloc : memref<!tpu.dma_semaphore, #tpu.memory_space<semaphore_mem>>
      %dma_start3A = arith.constant 0 : i32
      %dma_start3A_111 = tpu.memref_slice %arg7[%mul3A_0, %dma_start3A] : memref<10000x128xf32, #tpu.memory_space<vmem_shared>> -> memref<624x128xf32, #tpu.memory_space<vmem_shared>>
      %dma_start3A_112 = arith.constant 0 : i32
      %dma_start3A_113 = tpu.memref_slice %arg5[%mul3A_0, %dma_start3A_112] : memref<10000x128xf32, #tpu.memory_space<hbm>> -> memref<624x128xf32, #tpu.memory_space<hbm>>
      tpu.enqueue_dma source(%dma_start3A_113 : memref<624x128xf32, #tpu.memory_space<hbm>>) target(%dma_start3A_111 : memref<624x128xf32, #tpu.memory_space<vmem_shared>>) target_semaphore(%run_scoped3A_110 : memref<!tpu.dma_semaphore, #tpu.memory_space<semaphore_mem>>)
      %dma_wait3A = arith.constant 0 : i32
      %dma_wait3A_114 = tpu.memref_slice %arg7[%mul3A_0, %dma_wait3A] : memref<10000x128xf32, #tpu.memory_space<vmem_shared>> -> memref<624x128xf32, #tpu.memory_space<vmem_shared>>
      %dma_wait3A_115 = arith.constant 0 : i32
      %dma_wait3A_116 = tpu.memref_slice %arg5[%mul3A_0, %dma_wait3A_115] : memref<10000x128xf32, #tpu.memory_space<hbm>> -> memref<624x128xf32, #tpu.memory_space<hbm>>
      tpu.wait_dma2 semaphore(%run_scoped3A_110 : memref<!tpu.dma_semaphore, #tpu.memory_space<semaphore_mem>>) src(%dma_wait3A_116 : memref<624x128xf32, #tpu.memory_space<hbm>>) dst(%dma_wait3A_114 : memref<624x128xf32, #tpu.memory_space<vmem_shared>>)
      tpu.yield
    }) : () -> ()
    %eq3A_32 = arith.constant 15 : i32
    %eq3A_33 = arith.cmpi eq, %arg1, %eq3A_32 : i32
    %convert_element_type3A_34 = arith.extui %eq3A_33 : i1 to i32
    %cond3A_35 = arith.constant 0 : i32
    %cond3A_36 = arith.cmpi ne, %convert_element_type3A_34, %cond3A_35 : i32
    scf.if %cond3A_36 {
      "tpu.region"() ({
        %run_scoped3A_110 = tpu.sem_alloc : memref<!tpu.dma_semaphore, #tpu.memory_space<semaphore_mem>>
        %dma_start3A = arith.constant 9984 : i32
        %dma_start3A_111 = arith.constant 0 : i32
        %dma_start3A_112 = tpu.memref_slice %arg7[%dma_start3A, %dma_start3A_111] : memref<10000x128xf32, #tpu.memory_space<vmem_shared>> -> memref<16x128xf32, #tpu.memory_space<vmem_shared>>
        %dma_start3A_113 = arith.constant 9984 : i32
        %dma_start3A_114 = arith.constant 0 : i32
        %dma_start3A_115 = tpu.memref_slice %arg5[%dma_start3A_113, %dma_start3A_114] : memref<10000x128xf32, #tpu.memory_space<hbm>> -> memref<16x128xf32, #tpu.memory_space<hbm>>
        tpu.enqueue_dma source(%dma_start3A_115 : memref<16x128xf32, #tpu.memory_space<hbm>>) target(%dma_start3A_112 : memref<16x128xf32, #tpu.memory_space<vmem_shared>>) target_semaphore(%run_scoped3A_110 : memref<!tpu.dma_semaphore, #tpu.memory_space<semaphore_mem>>)
        %dma_wait3A = arith.constant 9984 : i32
        %dma_wait3A_116 = arith.constant 0 : i32
        %dma_wait3A_117 = tpu.memref_slice %arg7[%dma_wait3A, %dma_wait3A_116] : memref<10000x128xf32, #tpu.memory_space<vmem_shared>> -> memref<16x128xf32, #tpu.memory_space<vmem_shared>>
        %dma_wait3A_118 = arith.constant 9984 : i32
        %dma_wait3A_119 = arith.constant 0 : i32
        %dma_wait3A_120 = tpu.memref_slice %arg5[%dma_wait3A_118, %dma_wait3A_119] : memref<10000x128xf32, #tpu.memory_space<hbm>> -> memref<16x128xf32, #tpu.memory_space<hbm>>
        tpu.wait_dma2 semaphore(%run_scoped3A_110 : memref<!tpu.dma_semaphore, #tpu.memory_space<semaphore_mem>>) src(%dma_wait3A_120 : memref<16x128xf32, #tpu.memory_space<hbm>>) dst(%dma_wait3A_117 : memref<16x128xf32, #tpu.memory_space<vmem_shared>>)
        tpu.yield
      }) : () -> ()
    } else {
    }
    %barrier3A_37 = arith.constant 0 : index
    tpu.barrier barrier_id(%barrier3A_37)
    %while3A_38 = arith.constant 0 : i32
    %while3A_39 = arith.constant 0 : i32
    %while3A_40 = arith.subi %select_n3A, %while3A_38 : i32
    %while3A_41 = arith.addi %while3A_38, %while3A_40 : i32
    %while3A_42 = arith.constant 1 : i32
    %while3A_43 = arith.divsi %while3A_40, %while3A_42 : i32
    %while3A_44 = arith.muli %while3A_43, %while3A_42 : i32
    %while3A_45 = arith.addi %while3A_38, %while3A_44 : i32
    %while3A_46 = arith.constant 1 : i32
    %while3A_47 = scf.for %while3A_110 = %while3A_38 to %while3A_45 step %while3A_46 iter_args(%while3A_111 = %while3A_39) -> (i32)  : i32 {
      %add3A_112 = arith.addi %select_n3A_11, %while3A_110 : i32
      %mul3A_113 = arith.constant 128 : i32
      %mul3A_114 = arith.muli %add3A_112, %mul3A_113 : i32
      %add3A_115 = arith.constant 160000 : i32
      %add3A_116 = arith.addi %add3A_115, %mul3A_114 : i32
      "tpu.region"() ({
        %run_scoped3A_132 = tpu.sem_alloc : memref<!tpu.dma_semaphore, #tpu.memory_space<semaphore_mem>>
        %dma_start3A_133 = tpu.memref_slice %arg3[%add3A_116] : memref<640000xi32, #tpu.memory_space<hbm>> -> memref<128xi32, #tpu.memory_space<hbm>>
        %dma_start3A_134 = tpu.memref_slice %arg3[%add3A_116] : memref<640000xi32, #tpu.memory_space<hbm>> -> memref<128xi32, #tpu.memory_space<hbm>>
        tpu.enqueue_dma source(%dma_start3A_134 : memref<128xi32, #tpu.memory_space<hbm>>) target(%arg9 : memref<128xi32, #tpu.memory_space<vmem>>) target_semaphore(%run_scoped3A_132 : memref<!tpu.dma_semaphore, #tpu.memory_space<semaphore_mem>>)
        %dma_wait3A_135 = tpu.memref_slice %arg3[%add3A_116] : memref<640000xi32, #tpu.memory_space<hbm>> -> memref<128xi32, #tpu.memory_space<hbm>>
        %dma_wait3A_136 = tpu.memref_slice %arg3[%add3A_116] : memref<640000xi32, #tpu.memory_space<hbm>> -> memref<128xi32, #tpu.memory_space<hbm>>
        tpu.wait_dma2 semaphore(%run_scoped3A_132 : memref<!tpu.dma_semaphore, #tpu.memory_space<semaphore_mem>>) src(%dma_wait3A_136 : memref<128xi32, #tpu.memory_space<hbm>>) dst(%arg9 : memref<128xi32, #tpu.memory_space<vmem>>)
        tpu.yield
      }) : () -> ()
      "tpu.region"() ({
        %run_scoped3A_132 = tpu.sem_alloc : memref<!tpu.dma_semaphore, #tpu.memory_space<semaphore_mem>>
        %dma_start3A_133 = tpu.memref_slice %arg4[%add3A_116] : memref<640000xi32, #tpu.memory_space<hbm>> -> memref<128xi32, #tpu.memory_space<hbm>>
        %dma_start3A_134 = tpu.memref_slice %arg4[%add3A_116] : memref<640000xi32, #tpu.memory_space<hbm>> -> memref<128xi32, #tpu.memory_space<hbm>>
        tpu.enqueue_dma source(%dma_start3A_134 : memref<128xi32, #tpu.memory_space<hbm>>) target(%arg10 : memref<128xi32, #tpu.memory_space<vmem>>) target_semaphore(%run_scoped3A_132 : memref<!tpu.dma_semaphore, #tpu.memory_space<semaphore_mem>>)
        %dma_wait3A_135 = tpu.memref_slice %arg4[%add3A_116] : memref<640000xi32, #tpu.memory_space<hbm>> -> memref<128xi32, #tpu.memory_space<hbm>>
        %dma_wait3A_136 = tpu.memref_slice %arg4[%add3A_116] : memref<640000xi32, #tpu.memory_space<hbm>> -> memref<128xi32, #tpu.memory_space<hbm>>
        tpu.wait_dma2 semaphore(%run_scoped3A_132 : memref<!tpu.dma_semaphore, #tpu.memory_space<semaphore_mem>>) src(%dma_wait3A_136 : memref<128xi32, #tpu.memory_space<hbm>>) dst(%arg10 : memref<128xi32, #tpu.memory_space<vmem>>)
        tpu.yield
      }) : () -> ()
      %dma_start3A = arith.constant 1 : i32
      %dma_start3A_117 = arith.constant 0 : i32
      %dma_start3A_118 = arith.constant 0 : i32
      %dma_start3A_119 = tpu.memref_slice %arg2[%arg0, %dma_start3A, %dma_start3A_117, %dma_start3A_118] : memref<2x4x10000x128xf32, #tpu.memory_space<hbm>> -> memref<1x1x10000x128xf32, #tpu.memory_space<hbm>>
      %dma_start3A_120 = tpu.memref_squeeze %dma_start3A_119 : memref<1x1x10000x128xf32, #tpu.memory_space<hbm>> -> memref<10000x128xf32, #tpu.memory_space<hbm>>
      %dma_start3A_121 = arith.constant 0 : i32
      %dma_start3A_122 = arith.constant 0 : i32
      %dma_start3A_123 = tpu.memref_slice %dma_start3A_120[%dma_start3A_121, %dma_start3A_122] : memref<10000x128xf32, #tpu.memory_space<hbm>> -> memref<10000x128xf32, #tpu.memory_space<hbm>>
      tpu.enqueue_indirect_dma source(%dma_start3A_123 : memref<10000x128xf32, #tpu.memory_space<hbm>>) target(%arg8 : memref<128x128xf32, #tpu.memory_space<vmem>>) offsets(%arg9 : memref<128xi32, #tpu.memory_space<vmem>>) semaphore(%arg11 : memref<!tpu.dma_semaphore, #tpu.memory_space<semaphore_mem>>)
      %dma_wait3A = arith.constant 1 : i32
      %dma_wait3A_124 = arith.constant 0 : i32
      %dma_wait3A_125 = arith.constant 0 : i32
      %dma_wait3A_126 = tpu.memref_slice %arg2[%arg0, %dma_wait3A, %dma_wait3A_124, %dma_wait3A_125] : memref<2x4x10000x128xf32, #tpu.memory_space<hbm>> -> memref<1x1x10000x128xf32, #tpu.memory_space<hbm>>
      %dma_wait3A_127 = tpu.memref_squeeze %dma_wait3A_126 : memref<1x1x10000x128xf32, #tpu.memory_space<hbm>> -> memref<10000x128xf32, #tpu.memory_space<hbm>>
      %dma_wait3A_128 = arith.constant 0 : i32
      %dma_wait3A_129 = arith.constant 0 : i32
      %dma_wait3A_130 = tpu.memref_slice %dma_wait3A_127[%dma_wait3A_128, %dma_wait3A_129] : memref<10000x128xf32, #tpu.memory_space<hbm>> -> memref<10000x128xf32, #tpu.memory_space<hbm>>
      tpu.wait_indirect_dma semaphore(%arg11 : memref<!tpu.dma_semaphore, #tpu.memory_space<semaphore_mem>>) src(%dma_wait3A_130 : memref<10000x128xf32, #tpu.memory_space<hbm>>) dst(%arg8 : memref<128x128xf32, #tpu.memory_space<vmem>>)
      "tpu.region"() ({
        %run_scoped3A_132 = tpu.sem_alloc : memref<!tpu.dma_semaphore, #tpu.memory_space<semaphore_mem>>
        %dma_start3A_133 = arith.constant 0 : i32
        %dma_start3A_134 = arith.constant 0 : i32
        %dma_start3A_135 = tpu.memref_slice %arg7[%dma_start3A_133, %dma_start3A_134] : memref<10000x128xf32, #tpu.memory_space<vmem_shared>> -> memref<10000x128xf32, #tpu.memory_space<vmem_shared>>
        tpu.enqueue_indirect_dma source(%arg8 : memref<128x128xf32, #tpu.memory_space<vmem>>) target(%dma_start3A_135 : memref<10000x128xf32, #tpu.memory_space<vmem_shared>>) offsets(%arg10 : memref<128xi32, #tpu.memory_space<vmem>>) semaphore(%run_scoped3A_132 : memref<!tpu.dma_semaphore, #tpu.memory_space<semaphore_mem>>) {add = true}
        %dma_wait3A_136 = arith.constant 0 : i32
        %dma_wait3A_137 = arith.constant 0 : i32
        %dma_wait3A_138 = tpu.memref_slice %arg7[%dma_wait3A_136, %dma_wait3A_137] : memref<10000x128xf32, #tpu.memory_space<vmem_shared>> -> memref<10000x128xf32, #tpu.memory_space<vmem_shared>>
        tpu.wait_indirect_dma semaphore(%run_scoped3A_132 : memref<!tpu.dma_semaphore, #tpu.memory_space<semaphore_mem>>) src(%arg8 : memref<128x128xf32, #tpu.memory_space<vmem>>) dst(%dma_wait3A_138 : memref<10000x128xf32, #tpu.memory_space<vmem_shared>>)
        tpu.yield
      }) : () -> ()
      %while3A_131 = arith.constant 0 : i32
      scf.yield %while3A_131 : i32
    }
    %while3A_48 = arith.constant 1 : i32
    %while3A_49 = scf.for %while3A_110 = %while3A_45 to %while3A_41 step %while3A_48 iter_args(%while3A_111 = %while3A_47) -> (i32)  : i32 {
      %add3A_112 = arith.addi %select_n3A_11, %while3A_110 : i32
      %mul3A_113 = arith.constant 128 : i32
      %mul3A_114 = arith.muli %add3A_112, %mul3A_113 : i32
      %add3A_115 = arith.constant 160000 : i32
      %add3A_116 = arith.addi %add3A_115, %mul3A_114 : i32
      "tpu.region"() ({
        %run_scoped3A_132 = tpu.sem_alloc : memref<!tpu.dma_semaphore, #tpu.memory_space<semaphore_mem>>
        %dma_start3A_133 = tpu.memref_slice %arg3[%add3A_116] : memref<640000xi32, #tpu.memory_space<hbm>> -> memref<128xi32, #tpu.memory_space<hbm>>
        %dma_start3A_134 = tpu.memref_slice %arg3[%add3A_116] : memref<640000xi32, #tpu.memory_space<hbm>> -> memref<128xi32, #tpu.memory_space<hbm>>
        tpu.enqueue_dma source(%dma_start3A_134 : memref<128xi32, #tpu.memory_space<hbm>>) target(%arg9 : memref<128xi32, #tpu.memory_space<vmem>>) target_semaphore(%run_scoped3A_132 : memref<!tpu.dma_semaphore, #tpu.memory_space<semaphore_mem>>)
        %dma_wait3A_135 = tpu.memref_slice %arg3[%add3A_116] : memref<640000xi32, #tpu.memory_space<hbm>> -> memref<128xi32, #tpu.memory_space<hbm>>
        %dma_wait3A_136 = tpu.memref_slice %arg3[%add3A_116] : memref<640000xi32, #tpu.memory_space<hbm>> -> memref<128xi32, #tpu.memory_space<hbm>>
        tpu.wait_dma2 semaphore(%run_scoped3A_132 : memref<!tpu.dma_semaphore, #tpu.memory_space<semaphore_mem>>) src(%dma_wait3A_136 : memref<128xi32, #tpu.memory_space<hbm>>) dst(%arg9 : memref<128xi32, #tpu.memory_space<vmem>>)
        tpu.yield
      }) : () -> ()
      "tpu.region"() ({
        %run_scoped3A_132 = tpu.sem_alloc : memref<!tpu.dma_semaphore, #tpu.memory_space<semaphore_mem>>
        %dma_start3A_133 = tpu.memref_slice %arg4[%add3A_116] : memref<640000xi32, #tpu.memory_space<hbm>> -> memref<128xi32, #tpu.memory_space<hbm>>
        %dma_start3A_134 = tpu.memref_slice %arg4[%add3A_116] : memref<640000xi32, #tpu.memory_space<hbm>> -> memref<128xi32, #tpu.memory_space<hbm>>
        tpu.enqueue_dma source(%dma_start3A_134 : memref<128xi32, #tpu.memory_space<hbm>>) target(%arg10 : memref<128xi32, #tpu.memory_space<vmem>>) target_semaphore(%run_scoped3A_132 : memref<!tpu.dma_semaphore, #tpu.memory_space<semaphore_mem>>)
        %dma_wait3A_135 = tpu.memref_slice %arg4[%add3A_116] : memref<640000xi32, #tpu.memory_space<hbm>> -> memref<128xi32, #tpu.memory_space<hbm>>
        %dma_wait3A_136 = tpu.memref_slice %arg4[%add3A_116] : memref<640000xi32, #tpu.memory_space<hbm>> -> memref<128xi32, #tpu.memory_space<hbm>>
        tpu.wait_dma2 semaphore(%run_scoped3A_132 : memref<!tpu.dma_semaphore, #tpu.memory_space<semaphore_mem>>) src(%dma_wait3A_136 : memref<128xi32, #tpu.memory_space<hbm>>) dst(%arg10 : memref<128xi32, #tpu.memory_space<vmem>>)
        tpu.yield
      }) : () -> ()
      %dma_start3A = arith.constant 1 : i32
      %dma_start3A_117 = arith.constant 0 : i32
      %dma_start3A_118 = arith.constant 0 : i32
      %dma_start3A_119 = tpu.memref_slice %arg2[%arg0, %dma_start3A, %dma_start3A_117, %dma_start3A_118] : memref<2x4x10000x128xf32, #tpu.memory_space<hbm>> -> memref<1x1x10000x128xf32, #tpu.memory_space<hbm>>
      %dma_start3A_120 = tpu.memref_squeeze %dma_start3A_119 : memref<1x1x10000x128xf32, #tpu.memory_space<hbm>> -> memref<10000x128xf32, #tpu.memory_space<hbm>>
      %dma_start3A_121 = arith.constant 0 : i32
      %dma_start3A_122 = arith.constant 0 : i32
      %dma_start3A_123 = tpu.memref_slice %dma_start3A_120[%dma_start3A_121, %dma_start3A_122] : memref<10000x128xf32, #tpu.memory_space<hbm>> -> memref<10000x128xf32, #tpu.memory_space<hbm>>
      tpu.enqueue_indirect_dma source(%dma_start3A_123 : memref<10000x128xf32, #tpu.memory_space<hbm>>) target(%arg8 : memref<128x128xf32, #tpu.memory_space<vmem>>) offsets(%arg9 : memref<128xi32, #tpu.memory_space<vmem>>) semaphore(%arg11 : memref<!tpu.dma_semaphore, #tpu.memory_space<semaphore_mem>>)
      %dma_wait3A = arith.constant 1 : i32
      %dma_wait3A_124 = arith.constant 0 : i32
      %dma_wait3A_125 = arith.constant 0 : i32
      %dma_wait3A_126 = tpu.memref_slice %arg2[%arg0, %dma_wait3A, %dma_wait3A_124, %dma_wait3A_125] : memref<2x4x10000x128xf32, #tpu.memory_space<hbm>> -> memref<1x1x10000x128xf32, #tpu.memory_space<hbm>>
      %dma_wait3A_127 = tpu.memref_squeeze %dma_wait3A_126 : memref<1x1x10000x128xf32, #tpu.memory_space<hbm>> -> memref<10000x128xf32, #tpu.memory_space<hbm>>
      %dma_wait3A_128 = arith.constant 0 : i32
      %dma_wait3A_129 = arith.constant 0 : i32
      %dma_wait3A_130 = tpu.memref_slice %dma_wait3A_127[%dma_wait3A_128, %dma_wait3A_129] : memref<10000x128xf32, #tpu.memory_space<hbm>> -> memref<10000x128xf32, #tpu.memory_space<hbm>>
      tpu.wait_indirect_dma semaphore(%arg11 : memref<!tpu.dma_semaphore, #tpu.memory_space<semaphore_mem>>) src(%dma_wait3A_130 : memref<10000x128xf32, #tpu.memory_space<hbm>>) dst(%arg8 : memref<128x128xf32, #tpu.memory_space<vmem>>)
      "tpu.region"() ({
        %run_scoped3A_132 = tpu.sem_alloc : memref<!tpu.dma_semaphore, #tpu.memory_space<semaphore_mem>>
        %dma_start3A_133 = arith.constant 0 : i32
        %dma_start3A_134 = arith.constant 0 : i32
        %dma_start3A_135 = tpu.memref_slice %arg7[%dma_start3A_133, %dma_start3A_134] : memref<10000x128xf32, #tpu.memory_space<vmem_shared>> -> memref<10000x128xf32, #tpu.memory_space<vmem_shared>>
        tpu.enqueue_indirect_dma source(%arg8 : memref<128x128xf32, #tpu.memory_space<vmem>>) target(%dma_start3A_135 : memref<10000x128xf32, #tpu.memory_space<vmem_shared>>) offsets(%arg10 : memref<128xi32, #tpu.memory_space<vmem>>) semaphore(%run_scoped3A_132 : memref<!tpu.dma_semaphore, #tpu.memory_space<semaphore_mem>>) {add = true}
        %dma_wait3A_136 = arith.constant 0 : i32
        %dma_wait3A_137 = arith.constant 0 : i32
        %dma_wait3A_138 = tpu.memref_slice %arg7[%dma_wait3A_136, %dma_wait3A_137] : memref<10000x128xf32, #tpu.memory_space<vmem_shared>> -> memref<10000x128xf32, #tpu.memory_space<vmem_shared>>
        tpu.wait_indirect_dma semaphore(%run_scoped3A_132 : memref<!tpu.dma_semaphore, #tpu.memory_space<semaphore_mem>>) src(%arg8 : memref<128x128xf32, #tpu.memory_space<vmem>>) dst(%dma_wait3A_138 : memref<10000x128xf32, #tpu.memory_space<vmem_shared>>)
        tpu.yield
      }) : () -> ()
      %while3A_131 = arith.constant 0 : i32
      scf.yield %while3A_131 : i32
    }
    %barrier3A_50 = arith.constant 0 : index
    tpu.barrier barrier_id(%barrier3A_50)
    %run_scoped3A_51 = arith.constant 1 : i32
    "tpu.region"() ({
      %run_scoped3A_110 = tpu.sem_alloc : memref<!tpu.dma_semaphore, #tpu.memory_space<semaphore_mem>>
      %dma_start3A = arith.constant 0 : i32
      %dma_start3A_111 = tpu.memref_slice %arg6[%arg0, %run_scoped3A_51, %mul3A_0, %dma_start3A] : memref<2x4x10000x128xf32, #tpu.memory_space<hbm>> -> memref<1x1x624x128xf32, #tpu.memory_space<hbm>>
      %dma_start3A_112 = tpu.memref_squeeze %dma_start3A_111 : memref<1x1x624x128xf32, #tpu.memory_space<hbm>> -> memref<624x128xf32, #tpu.memory_space<hbm>>
      %dma_start3A_113 = arith.constant 0 : i32
      %dma_start3A_114 = tpu.memref_slice %arg7[%mul3A_0, %dma_start3A_113] : memref<10000x128xf32, #tpu.memory_space<vmem_shared>> -> memref<624x128xf32, #tpu.memory_space<vmem_shared>>
      tpu.enqueue_dma source(%dma_start3A_114 : memref<624x128xf32, #tpu.memory_space<vmem_shared>>) target(%dma_start3A_112 : memref<624x128xf32, #tpu.memory_space<hbm>>) target_semaphore(%run_scoped3A_110 : memref<!tpu.dma_semaphore, #tpu.memory_space<semaphore_mem>>)
      %dma_wait3A = arith.constant 0 : i32
      %dma_wait3A_115 = tpu.memref_slice %arg6[%arg0, %run_scoped3A_51, %mul3A_0, %dma_wait3A] : memref<2x4x10000x128xf32, #tpu.memory_space<hbm>> -> memref<1x1x624x128xf32, #tpu.memory_space<hbm>>
      %dma_wait3A_116 = tpu.memref_squeeze %dma_wait3A_115 : memref<1x1x624x128xf32, #tpu.memory_space<hbm>> -> memref<624x128xf32, #tpu.memory_space<hbm>>
      %dma_wait3A_117 = arith.constant 0 : i32
      %dma_wait3A_118 = tpu.memref_slice %arg7[%mul3A_0, %dma_wait3A_117] : memref<10000x128xf32, #tpu.memory_space<vmem_shared>> -> memref<624x128xf32, #tpu.memory_space<vmem_shared>>
      tpu.wait_dma2 semaphore(%run_scoped3A_110 : memref<!tpu.dma_semaphore, #tpu.memory_space<semaphore_mem>>) src(%dma_wait3A_118 : memref<624x128xf32, #tpu.memory_space<vmem_shared>>) dst(%dma_wait3A_116 : memref<624x128xf32, #tpu.memory_space<hbm>>)
      tpu.yield
    }) : () -> ()
    %eq3A_52 = arith.constant 15 : i32
    %eq3A_53 = arith.cmpi eq, %arg1, %eq3A_52 : i32
    %convert_element_type3A_54 = arith.extui %eq3A_53 : i1 to i32
    %cond3A_55 = arith.constant 0 : i32
    %cond3A_56 = arith.cmpi ne, %convert_element_type3A_54, %cond3A_55 : i32
    scf.if %cond3A_56 {
      %run_scoped3A_110 = arith.constant 1 : i32
      "tpu.region"() ({
        %run_scoped3A_111 = tpu.sem_alloc : memref<!tpu.dma_semaphore, #tpu.memory_space<semaphore_mem>>
        %dma_start3A = arith.constant 9984 : i32
        %dma_start3A_112 = arith.constant 0 : i32
        %dma_start3A_113 = tpu.memref_slice %arg6[%arg0, %run_scoped3A_110, %dma_start3A, %dma_start3A_112] : memref<2x4x10000x128xf32, #tpu.memory_space<hbm>> -> memref<1x1x16x128xf32, #tpu.memory_space<hbm>>
        %dma_start3A_114 = tpu.memref_squeeze %dma_start3A_113 : memref<1x1x16x128xf32, #tpu.memory_space<hbm>> -> memref<16x128xf32, #tpu.memory_space<hbm>>
        %dma_start3A_115 = arith.constant 9984 : i32
        %dma_start3A_116 = arith.constant 0 : i32
        %dma_start3A_117 = tpu.memref_slice %arg7[%dma_start3A_115, %dma_start3A_116] : memref<10000x128xf32, #tpu.memory_space<vmem_shared>> -> memref<16x128xf32, #tpu.memory_space<vmem_shared>>
        tpu.enqueue_dma source(%dma_start3A_117 : memref<16x128xf32, #tpu.memory_space<vmem_shared>>) target(%dma_start3A_114 : memref<16x128xf32, #tpu.memory_space<hbm>>) target_semaphore(%run_scoped3A_111 : memref<!tpu.dma_semaphore, #tpu.memory_space<semaphore_mem>>)
        %dma_wait3A = arith.constant 9984 : i32
        %dma_wait3A_118 = arith.constant 0 : i32
        %dma_wait3A_119 = tpu.memref_slice %arg6[%arg0, %run_scoped3A_110, %dma_wait3A, %dma_wait3A_118] : memref<2x4x10000x128xf32, #tpu.memory_space<hbm>> -> memref<1x1x16x128xf32, #tpu.memory_space<hbm>>
        %dma_wait3A_120 = tpu.memref_squeeze %dma_wait3A_119 : memref<1x1x16x128xf32, #tpu.memory_space<hbm>> -> memref<16x128xf32, #tpu.memory_space<hbm>>
        %dma_wait3A_121 = arith.constant 9984 : i32
        %dma_wait3A_122 = arith.constant 0 : i32
        %dma_wait3A_123 = tpu.memref_slice %arg7[%dma_wait3A_121, %dma_wait3A_122] : memref<10000x128xf32, #tpu.memory_space<vmem_shared>> -> memref<16x128xf32, #tpu.memory_space<vmem_shared>>
        tpu.wait_dma2 semaphore(%run_scoped3A_111 : memref<!tpu.dma_semaphore, #tpu.memory_space<semaphore_mem>>) src(%dma_wait3A_123 : memref<16x128xf32, #tpu.memory_space<vmem_shared>>) dst(%dma_wait3A_120 : memref<16x128xf32, #tpu.memory_space<hbm>>)
        tpu.yield
      }) : () -> ()
    } else {
    }
    %barrier3A_57 = arith.constant 0 : index
    tpu.barrier barrier_id(%barrier3A_57)
    "tpu.region"() ({
      %run_scoped3A_110 = tpu.sem_alloc : memref<!tpu.dma_semaphore, #tpu.memory_space<semaphore_mem>>
      %dma_start3A = arith.constant 0 : i32
      %dma_start3A_111 = tpu.memref_slice %arg7[%mul3A_0, %dma_start3A] : memref<10000x128xf32, #tpu.memory_space<vmem_shared>> -> memref<624x128xf32, #tpu.memory_space<vmem_shared>>
      %dma_start3A_112 = arith.constant 0 : i32
      %dma_start3A_113 = tpu.memref_slice %arg5[%mul3A_0, %dma_start3A_112] : memref<10000x128xf32, #tpu.memory_space<hbm>> -> memref<624x128xf32, #tpu.memory_space<hbm>>
      tpu.enqueue_dma source(%dma_start3A_113 : memref<624x128xf32, #tpu.memory_space<hbm>>) target(%dma_start3A_111 : memref<624x128xf32, #tpu.memory_space<vmem_shared>>) target_semaphore(%run_scoped3A_110 : memref<!tpu.dma_semaphore, #tpu.memory_space<semaphore_mem>>)
      %dma_wait3A = arith.constant 0 : i32
      %dma_wait3A_114 = tpu.memref_slice %arg7[%mul3A_0, %dma_wait3A] : memref<10000x128xf32, #tpu.memory_space<vmem_shared>> -> memref<624x128xf32, #tpu.memory_space<vmem_shared>>
      %dma_wait3A_115 = arith.constant 0 : i32
      %dma_wait3A_116 = tpu.memref_slice %arg5[%mul3A_0, %dma_wait3A_115] : memref<10000x128xf32, #tpu.memory_space<hbm>> -> memref<624x128xf32, #tpu.memory_space<hbm>>
      tpu.wait_dma2 semaphore(%run_scoped3A_110 : memref<!tpu.dma_semaphore, #tpu.memory_space<semaphore_mem>>) src(%dma_wait3A_116 : memref<624x128xf32, #tpu.memory_space<hbm>>) dst(%dma_wait3A_114 : memref<624x128xf32, #tpu.memory_space<vmem_shared>>)
      tpu.yield
    }) : () -> ()
    %eq3A_58 = arith.constant 15 : i32
    %eq3A_59 = arith.cmpi eq, %arg1, %eq3A_58 : i32
    %convert_element_type3A_60 = arith.extui %eq3A_59 : i1 to i32
    %cond3A_61 = arith.constant 0 : i32
    %cond3A_62 = arith.cmpi ne, %convert_element_type3A_60, %cond3A_61 : i32
    scf.if %cond3A_62 {
      "tpu.region"() ({
        %run_scoped3A_110 = tpu.sem_alloc : memref<!tpu.dma_semaphore, #tpu.memory_space<semaphore_mem>>
        %dma_start3A = arith.constant 9984 : i32
        %dma_start3A_111 = arith.constant 0 : i32
        %dma_start3A_112 = tpu.memref_slice %arg7[%dma_start3A, %dma_start3A_111] : memref<10000x128xf32, #tpu.memory_space<vmem_shared>> -> memref<16x128xf32, #tpu.memory_space<vmem_shared>>
        %dma_start3A_113 = arith.constant 9984 : i32
        %dma_start3A_114 = arith.constant 0 : i32
        %dma_start3A_115 = tpu.memref_slice %arg5[%dma_start3A_113, %dma_start3A_114] : memref<10000x128xf32, #tpu.memory_space<hbm>> -> memref<16x128xf32, #tpu.memory_space<hbm>>
        tpu.enqueue_dma source(%dma_start3A_115 : memref<16x128xf32, #tpu.memory_space<hbm>>) target(%dma_start3A_112 : memref<16x128xf32, #tpu.memory_space<vmem_shared>>) target_semaphore(%run_scoped3A_110 : memref<!tpu.dma_semaphore, #tpu.memory_space<semaphore_mem>>)
        %dma_wait3A = arith.constant 9984 : i32
        %dma_wait3A_116 = arith.constant 0 : i32
        %dma_wait3A_117 = tpu.memref_slice %arg7[%dma_wait3A, %dma_wait3A_116] : memref<10000x128xf32, #tpu.memory_space<vmem_shared>> -> memref<16x128xf32, #tpu.memory_space<vmem_shared>>
        %dma_wait3A_118 = arith.constant 9984 : i32
        %dma_wait3A_119 = arith.constant 0 : i32
        %dma_wait3A_120 = tpu.memref_slice %arg5[%dma_wait3A_118, %dma_wait3A_119] : memref<10000x128xf32, #tpu.memory_space<hbm>> -> memref<16x128xf32, #tpu.memory_space<hbm>>
        tpu.wait_dma2 semaphore(%run_scoped3A_110 : memref<!tpu.dma_semaphore, #tpu.memory_space<semaphore_mem>>) src(%dma_wait3A_120 : memref<16x128xf32, #tpu.memory_space<hbm>>) dst(%dma_wait3A_117 : memref<16x128xf32, #tpu.memory_space<vmem_shared>>)
        tpu.yield
      }) : () -> ()
    } else {
    }
    %barrier3A_63 = arith.constant 0 : index
    tpu.barrier barrier_id(%barrier3A_63)
    %while3A_64 = arith.constant 0 : i32
    %while3A_65 = arith.constant 0 : i32
    %while3A_66 = arith.subi %select_n3A, %while3A_64 : i32
    %while3A_67 = arith.addi %while3A_64, %while3A_66 : i32
    %while3A_68 = arith.constant 1 : i32
    %while3A_69 = arith.divsi %while3A_66, %while3A_68 : i32
    %while3A_70 = arith.muli %while3A_69, %while3A_68 : i32
    %while3A_71 = arith.addi %while3A_64, %while3A_70 : i32
    %while3A_72 = arith.constant 1 : i32
    %while3A_73 = scf.for %while3A_110 = %while3A_64 to %while3A_71 step %while3A_72 iter_args(%while3A_111 = %while3A_65) -> (i32)  : i32 {
      %add3A_112 = arith.addi %select_n3A_11, %while3A_110 : i32
      %mul3A_113 = arith.constant 128 : i32
      %mul3A_114 = arith.muli %add3A_112, %mul3A_113 : i32
      %add3A_115 = arith.constant 320000 : i32
      %add3A_116 = arith.addi %add3A_115, %mul3A_114 : i32
      "tpu.region"() ({
        %run_scoped3A_132 = tpu.sem_alloc : memref<!tpu.dma_semaphore, #tpu.memory_space<semaphore_mem>>
        %dma_start3A_133 = tpu.memref_slice %arg3[%add3A_116] : memref<640000xi32, #tpu.memory_space<hbm>> -> memref<128xi32, #tpu.memory_space<hbm>>
        %dma_start3A_134 = tpu.memref_slice %arg3[%add3A_116] : memref<640000xi32, #tpu.memory_space<hbm>> -> memref<128xi32, #tpu.memory_space<hbm>>
        tpu.enqueue_dma source(%dma_start3A_134 : memref<128xi32, #tpu.memory_space<hbm>>) target(%arg9 : memref<128xi32, #tpu.memory_space<vmem>>) target_semaphore(%run_scoped3A_132 : memref<!tpu.dma_semaphore, #tpu.memory_space<semaphore_mem>>)
        %dma_wait3A_135 = tpu.memref_slice %arg3[%add3A_116] : memref<640000xi32, #tpu.memory_space<hbm>> -> memref<128xi32, #tpu.memory_space<hbm>>
        %dma_wait3A_136 = tpu.memref_slice %arg3[%add3A_116] : memref<640000xi32, #tpu.memory_space<hbm>> -> memref<128xi32, #tpu.memory_space<hbm>>
        tpu.wait_dma2 semaphore(%run_scoped3A_132 : memref<!tpu.dma_semaphore, #tpu.memory_space<semaphore_mem>>) src(%dma_wait3A_136 : memref<128xi32, #tpu.memory_space<hbm>>) dst(%arg9 : memref<128xi32, #tpu.memory_space<vmem>>)
        tpu.yield
      }) : () -> ()
      "tpu.region"() ({
        %run_scoped3A_132 = tpu.sem_alloc : memref<!tpu.dma_semaphore, #tpu.memory_space<semaphore_mem>>
        %dma_start3A_133 = tpu.memref_slice %arg4[%add3A_116] : memref<640000xi32, #tpu.memory_space<hbm>> -> memref<128xi32, #tpu.memory_space<hbm>>
        %dma_start3A_134 = tpu.memref_slice %arg4[%add3A_116] : memref<640000xi32, #tpu.memory_space<hbm>> -> memref<128xi32, #tpu.memory_space<hbm>>
        tpu.enqueue_dma source(%dma_start3A_134 : memref<128xi32, #tpu.memory_space<hbm>>) target(%arg10 : memref<128xi32, #tpu.memory_space<vmem>>) target_semaphore(%run_scoped3A_132 : memref<!tpu.dma_semaphore, #tpu.memory_space<semaphore_mem>>)
        %dma_wait3A_135 = tpu.memref_slice %arg4[%add3A_116] : memref<640000xi32, #tpu.memory_space<hbm>> -> memref<128xi32, #tpu.memory_space<hbm>>
        %dma_wait3A_136 = tpu.memref_slice %arg4[%add3A_116] : memref<640000xi32, #tpu.memory_space<hbm>> -> memref<128xi32, #tpu.memory_space<hbm>>
        tpu.wait_dma2 semaphore(%run_scoped3A_132 : memref<!tpu.dma_semaphore, #tpu.memory_space<semaphore_mem>>) src(%dma_wait3A_136 : memref<128xi32, #tpu.memory_space<hbm>>) dst(%arg10 : memref<128xi32, #tpu.memory_space<vmem>>)
        tpu.yield
      }) : () -> ()
      %dma_start3A = arith.constant 2 : i32
      %dma_start3A_117 = arith.constant 0 : i32
      %dma_start3A_118 = arith.constant 0 : i32
      %dma_start3A_119 = tpu.memref_slice %arg2[%arg0, %dma_start3A, %dma_start3A_117, %dma_start3A_118] : memref<2x4x10000x128xf32, #tpu.memory_space<hbm>> -> memref<1x1x10000x128xf32, #tpu.memory_space<hbm>>
      %dma_start3A_120 = tpu.memref_squeeze %dma_start3A_119 : memref<1x1x10000x128xf32, #tpu.memory_space<hbm>> -> memref<10000x128xf32, #tpu.memory_space<hbm>>
      %dma_start3A_121 = arith.constant 0 : i32
      %dma_start3A_122 = arith.constant 0 : i32
      %dma_start3A_123 = tpu.memref_slice %dma_start3A_120[%dma_start3A_121, %dma_start3A_122] : memref<10000x128xf32, #tpu.memory_space<hbm>> -> memref<10000x128xf32, #tpu.memory_space<hbm>>
      tpu.enqueue_indirect_dma source(%dma_start3A_123 : memref<10000x128xf32, #tpu.memory_space<hbm>>) target(%arg8 : memref<128x128xf32, #tpu.memory_space<vmem>>) offsets(%arg9 : memref<128xi32, #tpu.memory_space<vmem>>) semaphore(%arg11 : memref<!tpu.dma_semaphore, #tpu.memory_space<semaphore_mem>>)
      %dma_wait3A = arith.constant 2 : i32
      %dma_wait3A_124 = arith.constant 0 : i32
      %dma_wait3A_125 = arith.constant 0 : i32
      %dma_wait3A_126 = tpu.memref_slice %arg2[%arg0, %dma_wait3A, %dma_wait3A_124, %dma_wait3A_125] : memref<2x4x10000x128xf32, #tpu.memory_space<hbm>> -> memref<1x1x10000x128xf32, #tpu.memory_space<hbm>>
      %dma_wait3A_127 = tpu.memref_squeeze %dma_wait3A_126 : memref<1x1x10000x128xf32, #tpu.memory_space<hbm>> -> memref<10000x128xf32, #tpu.memory_space<hbm>>
      %dma_wait3A_128 = arith.constant 0 : i32
      %dma_wait3A_129 = arith.constant 0 : i32
      %dma_wait3A_130 = tpu.memref_slice %dma_wait3A_127[%dma_wait3A_128, %dma_wait3A_129] : memref<10000x128xf32, #tpu.memory_space<hbm>> -> memref<10000x128xf32, #tpu.memory_space<hbm>>
      tpu.wait_indirect_dma semaphore(%arg11 : memref<!tpu.dma_semaphore, #tpu.memory_space<semaphore_mem>>) src(%dma_wait3A_130 : memref<10000x128xf32, #tpu.memory_space<hbm>>) dst(%arg8 : memref<128x128xf32, #tpu.memory_space<vmem>>)
      "tpu.region"() ({
        %run_scoped3A_132 = tpu.sem_alloc : memref<!tpu.dma_semaphore, #tpu.memory_space<semaphore_mem>>
        %dma_start3A_133 = arith.constant 0 : i32
        %dma_start3A_134 = arith.constant 0 : i32
        %dma_start3A_135 = tpu.memref_slice %arg7[%dma_start3A_133, %dma_start3A_134] : memref<10000x128xf32, #tpu.memory_space<vmem_shared>> -> memref<10000x128xf32, #tpu.memory_space<vmem_shared>>
        tpu.enqueue_indirect_dma source(%arg8 : memref<128x128xf32, #tpu.memory_space<vmem>>) target(%dma_start3A_135 : memref<10000x128xf32, #tpu.memory_space<vmem_shared>>) offsets(%arg10 : memref<128xi32, #tpu.memory_space<vmem>>) semaphore(%run_scoped3A_132 : memref<!tpu.dma_semaphore, #tpu.memory_space<semaphore_mem>>) {add = true}
        %dma_wait3A_136 = arith.constant 0 : i32
        %dma_wait3A_137 = arith.constant 0 : i32
        %dma_wait3A_138 = tpu.memref_slice %arg7[%dma_wait3A_136, %dma_wait3A_137] : memref<10000x128xf32, #tpu.memory_space<vmem_shared>> -> memref<10000x128xf32, #tpu.memory_space<vmem_shared>>
        tpu.wait_indirect_dma semaphore(%run_scoped3A_132 : memref<!tpu.dma_semaphore, #tpu.memory_space<semaphore_mem>>) src(%arg8 : memref<128x128xf32, #tpu.memory_space<vmem>>) dst(%dma_wait3A_138 : memref<10000x128xf32, #tpu.memory_space<vmem_shared>>)
        tpu.yield
      }) : () -> ()
      %while3A_131 = arith.constant 0 : i32
      scf.yield %while3A_131 : i32
    }
    %while3A_74 = arith.constant 1 : i32
    %while3A_75 = scf.for %while3A_110 = %while3A_71 to %while3A_67 step %while3A_74 iter_args(%while3A_111 = %while3A_73) -> (i32)  : i32 {
      %add3A_112 = arith.addi %select_n3A_11, %while3A_110 : i32
      %mul3A_113 = arith.constant 128 : i32
      %mul3A_114 = arith.muli %add3A_112, %mul3A_113 : i32
      %add3A_115 = arith.constant 320000 : i32
      %add3A_116 = arith.addi %add3A_115, %mul3A_114 : i32
      "tpu.region"() ({
        %run_scoped3A_132 = tpu.sem_alloc : memref<!tpu.dma_semaphore, #tpu.memory_space<semaphore_mem>>
        %dma_start3A_133 = tpu.memref_slice %arg3[%add3A_116] : memref<640000xi32, #tpu.memory_space<hbm>> -> memref<128xi32, #tpu.memory_space<hbm>>
        %dma_start3A_134 = tpu.memref_slice %arg3[%add3A_116] : memref<640000xi32, #tpu.memory_space<hbm>> -> memref<128xi32, #tpu.memory_space<hbm>>
        tpu.enqueue_dma source(%dma_start3A_134 : memref<128xi32, #tpu.memory_space<hbm>>) target(%arg9 : memref<128xi32, #tpu.memory_space<vmem>>) target_semaphore(%run_scoped3A_132 : memref<!tpu.dma_semaphore, #tpu.memory_space<semaphore_mem>>)
        %dma_wait3A_135 = tpu.memref_slice %arg3[%add3A_116] : memref<640000xi32, #tpu.memory_space<hbm>> -> memref<128xi32, #tpu.memory_space<hbm>>
        %dma_wait3A_136 = tpu.memref_slice %arg3[%add3A_116] : memref<640000xi32, #tpu.memory_space<hbm>> -> memref<128xi32, #tpu.memory_space<hbm>>
        tpu.wait_dma2 semaphore(%run_scoped3A_132 : memref<!tpu.dma_semaphore, #tpu.memory_space<semaphore_mem>>) src(%dma_wait3A_136 : memref<128xi32, #tpu.memory_space<hbm>>) dst(%arg9 : memref<128xi32, #tpu.memory_space<vmem>>)
        tpu.yield
      }) : () -> ()
      "tpu.region"() ({
        %run_scoped3A_132 = tpu.sem_alloc : memref<!tpu.dma_semaphore, #tpu.memory_space<semaphore_mem>>
        %dma_start3A_133 = tpu.memref_slice %arg4[%add3A_116] : memref<640000xi32, #tpu.memory_space<hbm>> -> memref<128xi32, #tpu.memory_space<hbm>>
        %dma_start3A_134 = tpu.memref_slice %arg4[%add3A_116] : memref<640000xi32, #tpu.memory_space<hbm>> -> memref<128xi32, #tpu.memory_space<hbm>>
        tpu.enqueue_dma source(%dma_start3A_134 : memref<128xi32, #tpu.memory_space<hbm>>) target(%arg10 : memref<128xi32, #tpu.memory_space<vmem>>) target_semaphore(%run_scoped3A_132 : memref<!tpu.dma_semaphore, #tpu.memory_space<semaphore_mem>>)
        %dma_wait3A_135 = tpu.memref_slice %arg4[%add3A_116] : memref<640000xi32, #tpu.memory_space<hbm>> -> memref<128xi32, #tpu.memory_space<hbm>>
        %dma_wait3A_136 = tpu.memref_slice %arg4[%add3A_116] : memref<640000xi32, #tpu.memory_space<hbm>> -> memref<128xi32, #tpu.memory_space<hbm>>
        tpu.wait_dma2 semaphore(%run_scoped3A_132 : memref<!tpu.dma_semaphore, #tpu.memory_space<semaphore_mem>>) src(%dma_wait3A_136 : memref<128xi32, #tpu.memory_space<hbm>>) dst(%arg10 : memref<128xi32, #tpu.memory_space<vmem>>)
        tpu.yield
      }) : () -> ()
      %dma_start3A = arith.constant 2 : i32
      %dma_start3A_117 = arith.constant 0 : i32
      %dma_start3A_118 = arith.constant 0 : i32
      %dma_start3A_119 = tpu.memref_slice %arg2[%arg0, %dma_start3A, %dma_start3A_117, %dma_start3A_118] : memref<2x4x10000x128xf32, #tpu.memory_space<hbm>> -> memref<1x1x10000x128xf32, #tpu.memory_space<hbm>>
      %dma_start3A_120 = tpu.memref_squeeze %dma_start3A_119 : memref<1x1x10000x128xf32, #tpu.memory_space<hbm>> -> memref<10000x128xf32, #tpu.memory_space<hbm>>
      %dma_start3A_121 = arith.constant 0 : i32
      %dma_start3A_122 = arith.constant 0 : i32
      %dma_start3A_123 = tpu.memref_slice %dma_start3A_120[%dma_start3A_121, %dma_start3A_122] : memref<10000x128xf32, #tpu.memory_space<hbm>> -> memref<10000x128xf32, #tpu.memory_space<hbm>>
      tpu.enqueue_indirect_dma source(%dma_start3A_123 : memref<10000x128xf32, #tpu.memory_space<hbm>>) target(%arg8 : memref<128x128xf32, #tpu.memory_space<vmem>>) offsets(%arg9 : memref<128xi32, #tpu.memory_space<vmem>>) semaphore(%arg11 : memref<!tpu.dma_semaphore, #tpu.memory_space<semaphore_mem>>)
      %dma_wait3A = arith.constant 2 : i32
      %dma_wait3A_124 = arith.constant 0 : i32
      %dma_wait3A_125 = arith.constant 0 : i32
      %dma_wait3A_126 = tpu.memref_slice %arg2[%arg0, %dma_wait3A, %dma_wait3A_124, %dma_wait3A_125] : memref<2x4x10000x128xf32, #tpu.memory_space<hbm>> -> memref<1x1x10000x128xf32, #tpu.memory_space<hbm>>
      %dma_wait3A_127 = tpu.memref_squeeze %dma_wait3A_126 : memref<1x1x10000x128xf32, #tpu.memory_space<hbm>> -> memref<10000x128xf32, #tpu.memory_space<hbm>>
      %dma_wait3A_128 = arith.constant 0 : i32
      %dma_wait3A_129 = arith.constant 0 : i32
      %dma_wait3A_130 = tpu.memref_slice %dma_wait3A_127[%dma_wait3A_128, %dma_wait3A_129] : memref<10000x128xf32, #tpu.memory_space<hbm>> -> memref<10000x128xf32, #tpu.memory_space<hbm>>
      tpu.wait_indirect_dma semaphore(%arg11 : memref<!tpu.dma_semaphore, #tpu.memory_space<semaphore_mem>>) src(%dma_wait3A_130 : memref<10000x128xf32, #tpu.memory_space<hbm>>) dst(%arg8 : memref<128x128xf32, #tpu.memory_space<vmem>>)
      "tpu.region"() ({
        %run_scoped3A_132 = tpu.sem_alloc : memref<!tpu.dma_semaphore, #tpu.memory_space<semaphore_mem>>
        %dma_start3A_133 = arith.constant 0 : i32
        %dma_start3A_134 = arith.constant 0 : i32
        %dma_start3A_135 = tpu.memref_slice %arg7[%dma_start3A_133, %dma_start3A_134] : memref<10000x128xf32, #tpu.memory_space<vmem_shared>> -> memref<10000x128xf32, #tpu.memory_space<vmem_shared>>
        tpu.enqueue_indirect_dma source(%arg8 : memref<128x128xf32, #tpu.memory_space<vmem>>) target(%dma_start3A_135 : memref<10000x128xf32, #tpu.memory_space<vmem_shared>>) offsets(%arg10 : memref<128xi32, #tpu.memory_space<vmem>>) semaphore(%run_scoped3A_132 : memref<!tpu.dma_semaphore, #tpu.memory_space<semaphore_mem>>) {add = true}
        %dma_wait3A_136 = arith.constant 0 : i32
        %dma_wait3A_137 = arith.constant 0 : i32
        %dma_wait3A_138 = tpu.memref_slice %arg7[%dma_wait3A_136, %dma_wait3A_137] : memref<10000x128xf32, #tpu.memory_space<vmem_shared>> -> memref<10000x128xf32, #tpu.memory_space<vmem_shared>>
        tpu.wait_indirect_dma semaphore(%run_scoped3A_132 : memref<!tpu.dma_semaphore, #tpu.memory_space<semaphore_mem>>) src(%arg8 : memref<128x128xf32, #tpu.memory_space<vmem>>) dst(%dma_wait3A_138 : memref<10000x128xf32, #tpu.memory_space<vmem_shared>>)
        tpu.yield
      }) : () -> ()
      %while3A_131 = arith.constant 0 : i32
      scf.yield %while3A_131 : i32
    }
    %barrier3A_76 = arith.constant 0 : index
    tpu.barrier barrier_id(%barrier3A_76)
    %run_scoped3A_77 = arith.constant 2 : i32
    "tpu.region"() ({
      %run_scoped3A_110 = tpu.sem_alloc : memref<!tpu.dma_semaphore, #tpu.memory_space<semaphore_mem>>
      %dma_start3A = arith.constant 0 : i32
      %dma_start3A_111 = tpu.memref_slice %arg6[%arg0, %run_scoped3A_77, %mul3A_0, %dma_start3A] : memref<2x4x10000x128xf32, #tpu.memory_space<hbm>> -> memref<1x1x624x128xf32, #tpu.memory_space<hbm>>
      %dma_start3A_112 = tpu.memref_squeeze %dma_start3A_111 : memref<1x1x624x128xf32, #tpu.memory_space<hbm>> -> memref<624x128xf32, #tpu.memory_space<hbm>>
      %dma_start3A_113 = arith.constant 0 : i32
      %dma_start3A_114 = tpu.memref_slice %arg7[%mul3A_0, %dma_start3A_113] : memref<10000x128xf32, #tpu.memory_space<vmem_shared>> -> memref<624x128xf32, #tpu.memory_space<vmem_shared>>
      tpu.enqueue_dma source(%dma_start3A_114 : memref<624x128xf32, #tpu.memory_space<vmem_shared>>) target(%dma_start3A_112 : memref<624x128xf32, #tpu.memory_space<hbm>>) target_semaphore(%run_scoped3A_110 : memref<!tpu.dma_semaphore, #tpu.memory_space<semaphore_mem>>)
      %dma_wait3A = arith.constant 0 : i32
      %dma_wait3A_115 = tpu.memref_slice %arg6[%arg0, %run_scoped3A_77, %mul3A_0, %dma_wait3A] : memref<2x4x10000x128xf32, #tpu.memory_space<hbm>> -> memref<1x1x624x128xf32, #tpu.memory_space<hbm>>
      %dma_wait3A_116 = tpu.memref_squeeze %dma_wait3A_115 : memref<1x1x624x128xf32, #tpu.memory_space<hbm>> -> memref<624x128xf32, #tpu.memory_space<hbm>>
      %dma_wait3A_117 = arith.constant 0 : i32
      %dma_wait3A_118 = tpu.memref_slice %arg7[%mul3A_0, %dma_wait3A_117] : memref<10000x128xf32, #tpu.memory_space<vmem_shared>> -> memref<624x128xf32, #tpu.memory_space<vmem_shared>>
      tpu.wait_dma2 semaphore(%run_scoped3A_110 : memref<!tpu.dma_semaphore, #tpu.memory_space<semaphore_mem>>) src(%dma_wait3A_118 : memref<624x128xf32, #tpu.memory_space<vmem_shared>>) dst(%dma_wait3A_116 : memref<624x128xf32, #tpu.memory_space<hbm>>)
      tpu.yield
    }) : () -> ()
    %eq3A_78 = arith.constant 15 : i32
    %eq3A_79 = arith.cmpi eq, %arg1, %eq3A_78 : i32
    %convert_element_type3A_80 = arith.extui %eq3A_79 : i1 to i32
    %cond3A_81 = arith.constant 0 : i32
    %cond3A_82 = arith.cmpi ne, %convert_element_type3A_80, %cond3A_81 : i32
    scf.if %cond3A_82 {
      %run_scoped3A_110 = arith.constant 2 : i32
      "tpu.region"() ({
        %run_scoped3A_111 = tpu.sem_alloc : memref<!tpu.dma_semaphore, #tpu.memory_space<semaphore_mem>>
        %dma_start3A = arith.constant 9984 : i32
        %dma_start3A_112 = arith.constant 0 : i32
        %dma_start3A_113 = tpu.memref_slice %arg6[%arg0, %run_scoped3A_110, %dma_start3A, %dma_start3A_112] : memref<2x4x10000x128xf32, #tpu.memory_space<hbm>> -> memref<1x1x16x128xf32, #tpu.memory_space<hbm>>
        %dma_start3A_114 = tpu.memref_squeeze %dma_start3A_113 : memref<1x1x16x128xf32, #tpu.memory_space<hbm>> -> memref<16x128xf32, #tpu.memory_space<hbm>>
        %dma_start3A_115 = arith.constant 9984 : i32
        %dma_start3A_116 = arith.constant 0 : i32
        %dma_start3A_117 = tpu.memref_slice %arg7[%dma_start3A_115, %dma_start3A_116] : memref<10000x128xf32, #tpu.memory_space<vmem_shared>> -> memref<16x128xf32, #tpu.memory_space<vmem_shared>>
        tpu.enqueue_dma source(%dma_start3A_117 : memref<16x128xf32, #tpu.memory_space<vmem_shared>>) target(%dma_start3A_114 : memref<16x128xf32, #tpu.memory_space<hbm>>) target_semaphore(%run_scoped3A_111 : memref<!tpu.dma_semaphore, #tpu.memory_space<semaphore_mem>>)
        %dma_wait3A = arith.constant 9984 : i32
        %dma_wait3A_118 = arith.constant 0 : i32
        %dma_wait3A_119 = tpu.memref_slice %arg6[%arg0, %run_scoped3A_110, %dma_wait3A, %dma_wait3A_118] : memref<2x4x10000x128xf32, #tpu.memory_space<hbm>> -> memref<1x1x16x128xf32, #tpu.memory_space<hbm>>
        %dma_wait3A_120 = tpu.memref_squeeze %dma_wait3A_119 : memref<1x1x16x128xf32, #tpu.memory_space<hbm>> -> memref<16x128xf32, #tpu.memory_space<hbm>>
        %dma_wait3A_121 = arith.constant 9984 : i32
        %dma_wait3A_122 = arith.constant 0 : i32
        %dma_wait3A_123 = tpu.memref_slice %arg7[%dma_wait3A_121, %dma_wait3A_122] : memref<10000x128xf32, #tpu.memory_space<vmem_shared>> -> memref<16x128xf32, #tpu.memory_space<vmem_shared>>
        tpu.wait_dma2 semaphore(%run_scoped3A_111 : memref<!tpu.dma_semaphore, #tpu.memory_space<semaphore_mem>>) src(%dma_wait3A_123 : memref<16x128xf32, #tpu.memory_space<vmem_shared>>) dst(%dma_wait3A_120 : memref<16x128xf32, #tpu.memory_space<hbm>>)
        tpu.yield
      }) : () -> ()
    } else {
    }
    %barrier3A_83 = arith.constant 0 : index
    tpu.barrier barrier_id(%barrier3A_83)
    "tpu.region"() ({
      %run_scoped3A_110 = tpu.sem_alloc : memref<!tpu.dma_semaphore, #tpu.memory_space<semaphore_mem>>
      %dma_start3A = arith.constant 0 : i32
      %dma_start3A_111 = tpu.memref_slice %arg7[%mul3A_0, %dma_start3A] : memref<10000x128xf32, #tpu.memory_space<vmem_shared>> -> memref<624x128xf32, #tpu.memory_space<vmem_shared>>
      %dma_start3A_112 = arith.constant 0 : i32
      %dma_start3A_113 = tpu.memref_slice %arg5[%mul3A_0, %dma_start3A_112] : memref<10000x128xf32, #tpu.memory_space<hbm>> -> memref<624x128xf32, #tpu.memory_space<hbm>>
      tpu.enqueue_dma source(%dma_start3A_113 : memref<624x128xf32, #tpu.memory_space<hbm>>) target(%dma_start3A_111 : memref<624x128xf32, #tpu.memory_space<vmem_shared>>) target_semaphore(%run_scoped3A_110 : memref<!tpu.dma_semaphore, #tpu.memory_space<semaphore_mem>>)
      %dma_wait3A = arith.constant 0 : i32
      %dma_wait3A_114 = tpu.memref_slice %arg7[%mul3A_0, %dma_wait3A] : memref<10000x128xf32, #tpu.memory_space<vmem_shared>> -> memref<624x128xf32, #tpu.memory_space<vmem_shared>>
      %dma_wait3A_115 = arith.constant 0 : i32
      %dma_wait3A_116 = tpu.memref_slice %arg5[%mul3A_0, %dma_wait3A_115] : memref<10000x128xf32, #tpu.memory_space<hbm>> -> memref<624x128xf32, #tpu.memory_space<hbm>>
      tpu.wait_dma2 semaphore(%run_scoped3A_110 : memref<!tpu.dma_semaphore, #tpu.memory_space<semaphore_mem>>) src(%dma_wait3A_116 : memref<624x128xf32, #tpu.memory_space<hbm>>) dst(%dma_wait3A_114 : memref<624x128xf32, #tpu.memory_space<vmem_shared>>)
      tpu.yield
    }) : () -> ()
    %eq3A_84 = arith.constant 15 : i32
    %eq3A_85 = arith.cmpi eq, %arg1, %eq3A_84 : i32
    %convert_element_type3A_86 = arith.extui %eq3A_85 : i1 to i32
    %cond3A_87 = arith.constant 0 : i32
    %cond3A_88 = arith.cmpi ne, %convert_element_type3A_86, %cond3A_87 : i32
    scf.if %cond3A_88 {
      "tpu.region"() ({
        %run_scoped3A_110 = tpu.sem_alloc : memref<!tpu.dma_semaphore, #tpu.memory_space<semaphore_mem>>
        %dma_start3A = arith.constant 9984 : i32
        %dma_start3A_111 = arith.constant 0 : i32
        %dma_start3A_112 = tpu.memref_slice %arg7[%dma_start3A, %dma_start3A_111] : memref<10000x128xf32, #tpu.memory_space<vmem_shared>> -> memref<16x128xf32, #tpu.memory_space<vmem_shared>>
        %dma_start3A_113 = arith.constant 9984 : i32
        %dma_start3A_114 = arith.constant 0 : i32
        %dma_start3A_115 = tpu.memref_slice %arg5[%dma_start3A_113, %dma_start3A_114] : memref<10000x128xf32, #tpu.memory_space<hbm>> -> memref<16x128xf32, #tpu.memory_space<hbm>>
        tpu.enqueue_dma source(%dma_start3A_115 : memref<16x128xf32, #tpu.memory_space<hbm>>) target(%dma_start3A_112 : memref<16x128xf32, #tpu.memory_space<vmem_shared>>) target_semaphore(%run_scoped3A_110 : memref<!tpu.dma_semaphore, #tpu.memory_space<semaphore_mem>>)
        %dma_wait3A = arith.constant 9984 : i32
        %dma_wait3A_116 = arith.constant 0 : i32
        %dma_wait3A_117 = tpu.memref_slice %arg7[%dma_wait3A, %dma_wait3A_116] : memref<10000x128xf32, #tpu.memory_space<vmem_shared>> -> memref<16x128xf32, #tpu.memory_space<vmem_shared>>
        %dma_wait3A_118 = arith.constant 9984 : i32
        %dma_wait3A_119 = arith.constant 0 : i32
        %dma_wait3A_120 = tpu.memref_slice %arg5[%dma_wait3A_118, %dma_wait3A_119] : memref<10000x128xf32, #tpu.memory_space<hbm>> -> memref<16x128xf32, #tpu.memory_space<hbm>>
        tpu.wait_dma2 semaphore(%run_scoped3A_110 : memref<!tpu.dma_semaphore, #tpu.memory_space<semaphore_mem>>) src(%dma_wait3A_120 : memref<16x128xf32, #tpu.memory_space<hbm>>) dst(%dma_wait3A_117 : memref<16x128xf32, #tpu.memory_space<vmem_shared>>)
        tpu.yield
      }) : () -> ()
    } else {
    }
    %barrier3A_89 = arith.constant 0 : index
    tpu.barrier barrier_id(%barrier3A_89)
    %while3A_90 = arith.constant 0 : i32
    %while3A_91 = arith.constant 0 : i32
    %while3A_92 = arith.subi %select_n3A, %while3A_90 : i32
    %while3A_93 = arith.addi %while3A_90, %while3A_92 : i32
    %while3A_94 = arith.constant 1 : i32
    %while3A_95 = arith.divsi %while3A_92, %while3A_94 : i32
    %while3A_96 = arith.muli %while3A_95, %while3A_94 : i32
    %while3A_97 = arith.addi %while3A_90, %while3A_96 : i32
    %while3A_98 = arith.constant 1 : i32
    %while3A_99 = scf.for %while3A_110 = %while3A_90 to %while3A_97 step %while3A_98 iter_args(%while3A_111 = %while3A_91) -> (i32)  : i32 {
      %add3A_112 = arith.addi %select_n3A_11, %while3A_110 : i32
      %mul3A_113 = arith.constant 128 : i32
      %mul3A_114 = arith.muli %add3A_112, %mul3A_113 : i32
      %add3A_115 = arith.constant 480000 : i32
      %add3A_116 = arith.addi %add3A_115, %mul3A_114 : i32
      "tpu.region"() ({
        %run_scoped3A_132 = tpu.sem_alloc : memref<!tpu.dma_semaphore, #tpu.memory_space<semaphore_mem>>
        %dma_start3A_133 = tpu.memref_slice %arg3[%add3A_116] : memref<640000xi32, #tpu.memory_space<hbm>> -> memref<128xi32, #tpu.memory_space<hbm>>
        %dma_start3A_134 = tpu.memref_slice %arg3[%add3A_116] : memref<640000xi32, #tpu.memory_space<hbm>> -> memref<128xi32, #tpu.memory_space<hbm>>
        tpu.enqueue_dma source(%dma_start3A_134 : memref<128xi32, #tpu.memory_space<hbm>>) target(%arg9 : memref<128xi32, #tpu.memory_space<vmem>>) target_semaphore(%run_scoped3A_132 : memref<!tpu.dma_semaphore, #tpu.memory_space<semaphore_mem>>)
        %dma_wait3A_135 = tpu.memref_slice %arg3[%add3A_116] : memref<640000xi32, #tpu.memory_space<hbm>> -> memref<128xi32, #tpu.memory_space<hbm>>
        %dma_wait3A_136 = tpu.memref_slice %arg3[%add3A_116] : memref<640000xi32, #tpu.memory_space<hbm>> -> memref<128xi32, #tpu.memory_space<hbm>>
        tpu.wait_dma2 semaphore(%run_scoped3A_132 : memref<!tpu.dma_semaphore, #tpu.memory_space<semaphore_mem>>) src(%dma_wait3A_136 : memref<128xi32, #tpu.memory_space<hbm>>) dst(%arg9 : memref<128xi32, #tpu.memory_space<vmem>>)
        tpu.yield
      }) : () -> ()
      "tpu.region"() ({
        %run_scoped3A_132 = tpu.sem_alloc : memref<!tpu.dma_semaphore, #tpu.memory_space<semaphore_mem>>
        %dma_start3A_133 = tpu.memref_slice %arg4[%add3A_116] : memref<640000xi32, #tpu.memory_space<hbm>> -> memref<128xi32, #tpu.memory_space<hbm>>
        %dma_start3A_134 = tpu.memref_slice %arg4[%add3A_116] : memref<640000xi32, #tpu.memory_space<hbm>> -> memref<128xi32, #tpu.memory_space<hbm>>
        tpu.enqueue_dma source(%dma_start3A_134 : memref<128xi32, #tpu.memory_space<hbm>>) target(%arg10 : memref<128xi32, #tpu.memory_space<vmem>>) target_semaphore(%run_scoped3A_132 : memref<!tpu.dma_semaphore, #tpu.memory_space<semaphore_mem>>)
        %dma_wait3A_135 = tpu.memref_slice %arg4[%add3A_116] : memref<640000xi32, #tpu.memory_space<hbm>> -> memref<128xi32, #tpu.memory_space<hbm>>
        %dma_wait3A_136 = tpu.memref_slice %arg4[%add3A_116] : memref<640000xi32, #tpu.memory_space<hbm>> -> memref<128xi32, #tpu.memory_space<hbm>>
        tpu.wait_dma2 semaphore(%run_scoped3A_132 : memref<!tpu.dma_semaphore, #tpu.memory_space<semaphore_mem>>) src(%dma_wait3A_136 : memref<128xi32, #tpu.memory_space<hbm>>) dst(%arg10 : memref<128xi32, #tpu.memory_space<vmem>>)
        tpu.yield
      }) : () -> ()
      %dma_start3A = arith.constant 3 : i32
      %dma_start3A_117 = arith.constant 0 : i32
      %dma_start3A_118 = arith.constant 0 : i32
      %dma_start3A_119 = tpu.memref_slice %arg2[%arg0, %dma_start3A, %dma_start3A_117, %dma_start3A_118] : memref<2x4x10000x128xf32, #tpu.memory_space<hbm>> -> memref<1x1x10000x128xf32, #tpu.memory_space<hbm>>
      %dma_start3A_120 = tpu.memref_squeeze %dma_start3A_119 : memref<1x1x10000x128xf32, #tpu.memory_space<hbm>> -> memref<10000x128xf32, #tpu.memory_space<hbm>>
      %dma_start3A_121 = arith.constant 0 : i32
      %dma_start3A_122 = arith.constant 0 : i32
      %dma_start3A_123 = tpu.memref_slice %dma_start3A_120[%dma_start3A_121, %dma_start3A_122] : memref<10000x128xf32, #tpu.memory_space<hbm>> -> memref<10000x128xf32, #tpu.memory_space<hbm>>
      tpu.enqueue_indirect_dma source(%dma_start3A_123 : memref<10000x128xf32, #tpu.memory_space<hbm>>) target(%arg8 : memref<128x128xf32, #tpu.memory_space<vmem>>) offsets(%arg9 : memref<128xi32, #tpu.memory_space<vmem>>) semaphore(%arg11 : memref<!tpu.dma_semaphore, #tpu.memory_space<semaphore_mem>>)
      %dma_wait3A = arith.constant 3 : i32
      %dma_wait3A_124 = arith.constant 0 : i32
      %dma_wait3A_125 = arith.constant 0 : i32
      %dma_wait3A_126 = tpu.memref_slice %arg2[%arg0, %dma_wait3A, %dma_wait3A_124, %dma_wait3A_125] : memref<2x4x10000x128xf32, #tpu.memory_space<hbm>> -> memref<1x1x10000x128xf32, #tpu.memory_space<hbm>>
      %dma_wait3A_127 = tpu.memref_squeeze %dma_wait3A_126 : memref<1x1x10000x128xf32, #tpu.memory_space<hbm>> -> memref<10000x128xf32, #tpu.memory_space<hbm>>
      %dma_wait3A_128 = arith.constant 0 : i32
      %dma_wait3A_129 = arith.constant 0 : i32
      %dma_wait3A_130 = tpu.memref_slice %dma_wait3A_127[%dma_wait3A_128, %dma_wait3A_129] : memref<10000x128xf32, #tpu.memory_space<hbm>> -> memref<10000x128xf32, #tpu.memory_space<hbm>>
      tpu.wait_indirect_dma semaphore(%arg11 : memref<!tpu.dma_semaphore, #tpu.memory_space<semaphore_mem>>) src(%dma_wait3A_130 : memref<10000x128xf32, #tpu.memory_space<hbm>>) dst(%arg8 : memref<128x128xf32, #tpu.memory_space<vmem>>)
      "tpu.region"() ({
        %run_scoped3A_132 = tpu.sem_alloc : memref<!tpu.dma_semaphore, #tpu.memory_space<semaphore_mem>>
        %dma_start3A_133 = arith.constant 0 : i32
        %dma_start3A_134 = arith.constant 0 : i32
        %dma_start3A_135 = tpu.memref_slice %arg7[%dma_start3A_133, %dma_start3A_134] : memref<10000x128xf32, #tpu.memory_space<vmem_shared>> -> memref<10000x128xf32, #tpu.memory_space<vmem_shared>>
        tpu.enqueue_indirect_dma source(%arg8 : memref<128x128xf32, #tpu.memory_space<vmem>>) target(%dma_start3A_135 : memref<10000x128xf32, #tpu.memory_space<vmem_shared>>) offsets(%arg10 : memref<128xi32, #tpu.memory_space<vmem>>) semaphore(%run_scoped3A_132 : memref<!tpu.dma_semaphore, #tpu.memory_space<semaphore_mem>>) {add = true}
        %dma_wait3A_136 = arith.constant 0 : i32
        %dma_wait3A_137 = arith.constant 0 : i32
        %dma_wait3A_138 = tpu.memref_slice %arg7[%dma_wait3A_136, %dma_wait3A_137] : memref<10000x128xf32, #tpu.memory_space<vmem_shared>> -> memref<10000x128xf32, #tpu.memory_space<vmem_shared>>
        tpu.wait_indirect_dma semaphore(%run_scoped3A_132 : memref<!tpu.dma_semaphore, #tpu.memory_space<semaphore_mem>>) src(%arg8 : memref<128x128xf32, #tpu.memory_space<vmem>>) dst(%dma_wait3A_138 : memref<10000x128xf32, #tpu.memory_space<vmem_shared>>)
        tpu.yield
      }) : () -> ()
      %while3A_131 = arith.constant 0 : i32
      scf.yield %while3A_131 : i32
    }
    %while3A_100 = arith.constant 1 : i32
    %while3A_101 = scf.for %while3A_110 = %while3A_97 to %while3A_93 step %while3A_100 iter_args(%while3A_111 = %while3A_99) -> (i32)  : i32 {
      %add3A_112 = arith.addi %select_n3A_11, %while3A_110 : i32
      %mul3A_113 = arith.constant 128 : i32
      %mul3A_114 = arith.muli %add3A_112, %mul3A_113 : i32
      %add3A_115 = arith.constant 480000 : i32
      %add3A_116 = arith.addi %add3A_115, %mul3A_114 : i32
      "tpu.region"() ({
        %run_scoped3A_132 = tpu.sem_alloc : memref<!tpu.dma_semaphore, #tpu.memory_space<semaphore_mem>>
        %dma_start3A_133 = tpu.memref_slice %arg3[%add3A_116] : memref<640000xi32, #tpu.memory_space<hbm>> -> memref<128xi32, #tpu.memory_space<hbm>>
        %dma_start3A_134 = tpu.memref_slice %arg3[%add3A_116] : memref<640000xi32, #tpu.memory_space<hbm>> -> memref<128xi32, #tpu.memory_space<hbm>>
        tpu.enqueue_dma source(%dma_start3A_134 : memref<128xi32, #tpu.memory_space<hbm>>) target(%arg9 : memref<128xi32, #tpu.memory_space<vmem>>) target_semaphore(%run_scoped3A_132 : memref<!tpu.dma_semaphore, #tpu.memory_space<semaphore_mem>>)
        %dma_wait3A_135 = tpu.memref_slice %arg3[%add3A_116] : memref<640000xi32, #tpu.memory_space<hbm>> -> memref<128xi32, #tpu.memory_space<hbm>>
        %dma_wait3A_136 = tpu.memref_slice %arg3[%add3A_116] : memref<640000xi32, #tpu.memory_space<hbm>> -> memref<128xi32, #tpu.memory_space<hbm>>
        tpu.wait_dma2 semaphore(%run_scoped3A_132 : memref<!tpu.dma_semaphore, #tpu.memory_space<semaphore_mem>>) src(%dma_wait3A_136 : memref<128xi32, #tpu.memory_space<hbm>>) dst(%arg9 : memref<128xi32, #tpu.memory_space<vmem>>)
        tpu.yield
      }) : () -> ()
      "tpu.region"() ({
        %run_scoped3A_132 = tpu.sem_alloc : memref<!tpu.dma_semaphore, #tpu.memory_space<semaphore_mem>>
        %dma_start3A_133 = tpu.memref_slice %arg4[%add3A_116] : memref<640000xi32, #tpu.memory_space<hbm>> -> memref<128xi32, #tpu.memory_space<hbm>>
        %dma_start3A_134 = tpu.memref_slice %arg4[%add3A_116] : memref<640000xi32, #tpu.memory_space<hbm>> -> memref<128xi32, #tpu.memory_space<hbm>>
        tpu.enqueue_dma source(%dma_start3A_134 : memref<128xi32, #tpu.memory_space<hbm>>) target(%arg10 : memref<128xi32, #tpu.memory_space<vmem>>) target_semaphore(%run_scoped3A_132 : memref<!tpu.dma_semaphore, #tpu.memory_space<semaphore_mem>>)
        %dma_wait3A_135 = tpu.memref_slice %arg4[%add3A_116] : memref<640000xi32, #tpu.memory_space<hbm>> -> memref<128xi32, #tpu.memory_space<hbm>>
        %dma_wait3A_136 = tpu.memref_slice %arg4[%add3A_116] : memref<640000xi32, #tpu.memory_space<hbm>> -> memref<128xi32, #tpu.memory_space<hbm>>
        tpu.wait_dma2 semaphore(%run_scoped3A_132 : memref<!tpu.dma_semaphore, #tpu.memory_space<semaphore_mem>>) src(%dma_wait3A_136 : memref<128xi32, #tpu.memory_space<hbm>>) dst(%arg10 : memref<128xi32, #tpu.memory_space<vmem>>)
        tpu.yield
      }) : () -> ()
      %dma_start3A = arith.constant 3 : i32
      %dma_start3A_117 = arith.constant 0 : i32
      %dma_start3A_118 = arith.constant 0 : i32
      %dma_start3A_119 = tpu.memref_slice %arg2[%arg0, %dma_start3A, %dma_start3A_117, %dma_start3A_118] : memref<2x4x10000x128xf32, #tpu.memory_space<hbm>> -> memref<1x1x10000x128xf32, #tpu.memory_space<hbm>>
      %dma_start3A_120 = tpu.memref_squeeze %dma_start3A_119 : memref<1x1x10000x128xf32, #tpu.memory_space<hbm>> -> memref<10000x128xf32, #tpu.memory_space<hbm>>
      %dma_start3A_121 = arith.constant 0 : i32
      %dma_start3A_122 = arith.constant 0 : i32
      %dma_start3A_123 = tpu.memref_slice %dma_start3A_120[%dma_start3A_121, %dma_start3A_122] : memref<10000x128xf32, #tpu.memory_space<hbm>> -> memref<10000x128xf32, #tpu.memory_space<hbm>>
      tpu.enqueue_indirect_dma source(%dma_start3A_123 : memref<10000x128xf32, #tpu.memory_space<hbm>>) target(%arg8 : memref<128x128xf32, #tpu.memory_space<vmem>>) offsets(%arg9 : memref<128xi32, #tpu.memory_space<vmem>>) semaphore(%arg11 : memref<!tpu.dma_semaphore, #tpu.memory_space<semaphore_mem>>)
      %dma_wait3A = arith.constant 3 : i32
      %dma_wait3A_124 = arith.constant 0 : i32
      %dma_wait3A_125 = arith.constant 0 : i32
      %dma_wait3A_126 = tpu.memref_slice %arg2[%arg0, %dma_wait3A, %dma_wait3A_124, %dma_wait3A_125] : memref<2x4x10000x128xf32, #tpu.memory_space<hbm>> -> memref<1x1x10000x128xf32, #tpu.memory_space<hbm>>
      %dma_wait3A_127 = tpu.memref_squeeze %dma_wait3A_126 : memref<1x1x10000x128xf32, #tpu.memory_space<hbm>> -> memref<10000x128xf32, #tpu.memory_space<hbm>>
      %dma_wait3A_128 = arith.constant 0 : i32
      %dma_wait3A_129 = arith.constant 0 : i32
      %dma_wait3A_130 = tpu.memref_slice %dma_wait3A_127[%dma_wait3A_128, %dma_wait3A_129] : memref<10000x128xf32, #tpu.memory_space<hbm>> -> memref<10000x128xf32, #tpu.memory_space<hbm>>
      tpu.wait_indirect_dma semaphore(%arg11 : memref<!tpu.dma_semaphore, #tpu.memory_space<semaphore_mem>>) src(%dma_wait3A_130 : memref<10000x128xf32, #tpu.memory_space<hbm>>) dst(%arg8 : memref<128x128xf32, #tpu.memory_space<vmem>>)
      "tpu.region"() ({
        %run_scoped3A_132 = tpu.sem_alloc : memref<!tpu.dma_semaphore, #tpu.memory_space<semaphore_mem>>
        %dma_start3A_133 = arith.constant 0 : i32
        %dma_start3A_134 = arith.constant 0 : i32
        %dma_start3A_135 = tpu.memref_slice %arg7[%dma_start3A_133, %dma_start3A_134] : memref<10000x128xf32, #tpu.memory_space<vmem_shared>> -> memref<10000x128xf32, #tpu.memory_space<vmem_shared>>
        tpu.enqueue_indirect_dma source(%arg8 : memref<128x128xf32, #tpu.memory_space<vmem>>) target(%dma_start3A_135 : memref<10000x128xf32, #tpu.memory_space<vmem_shared>>) offsets(%arg10 : memref<128xi32, #tpu.memory_space<vmem>>) semaphore(%run_scoped3A_132 : memref<!tpu.dma_semaphore, #tpu.memory_space<semaphore_mem>>) {add = true}
        %dma_wait3A_136 = arith.constant 0 : i32
        %dma_wait3A_137 = arith.constant 0 : i32
        %dma_wait3A_138 = tpu.memref_slice %arg7[%dma_wait3A_136, %dma_wait3A_137] : memref<10000x128xf32, #tpu.memory_space<vmem_shared>> -> memref<10000x128xf32, #tpu.memory_space<vmem_shared>>
        tpu.wait_indirect_dma semaphore(%run_scoped3A_132 : memref<!tpu.dma_semaphore, #tpu.memory_space<semaphore_mem>>) src(%arg8 : memref<128x128xf32, #tpu.memory_space<vmem>>) dst(%dma_wait3A_138 : memref<10000x128xf32, #tpu.memory_space<vmem_shared>>)
        tpu.yield
      }) : () -> ()
      %while3A_131 = arith.constant 0 : i32
      scf.yield %while3A_131 : i32
    }
    %barrier3A_102 = arith.constant 0 : index
    tpu.barrier barrier_id(%barrier3A_102)
    %run_scoped3A_103 = arith.constant 3 : i32
    "tpu.region"() ({
      %run_scoped3A_110 = tpu.sem_alloc : memref<!tpu.dma_semaphore, #tpu.memory_space<semaphore_mem>>
      %dma_start3A = arith.constant 0 : i32
      %dma_start3A_111 = tpu.memref_slice %arg6[%arg0, %run_scoped3A_103, %mul3A_0, %dma_start3A] : memref<2x4x10000x128xf32, #tpu.memory_space<hbm>> -> memref<1x1x624x128xf32, #tpu.memory_space<hbm>>
      %dma_start3A_112 = tpu.memref_squeeze %dma_start3A_111 : memref<1x1x624x128xf32, #tpu.memory_space<hbm>> -> memref<624x128xf32, #tpu.memory_space<hbm>>
      %dma_start3A_113 = arith.constant 0 : i32
      %dma_start3A_114 = tpu.memref_slice %arg7[%mul3A_0, %dma_start3A_113] : memref<10000x128xf32, #tpu.memory_space<vmem_shared>> -> memref<624x128xf32, #tpu.memory_space<vmem_shared>>
      tpu.enqueue_dma source(%dma_start3A_114 : memref<624x128xf32, #tpu.memory_space<vmem_shared>>) target(%dma_start3A_112 : memref<624x128xf32, #tpu.memory_space<hbm>>) target_semaphore(%run_scoped3A_110 : memref<!tpu.dma_semaphore, #tpu.memory_space<semaphore_mem>>)
      %dma_wait3A = arith.constant 0 : i32
      %dma_wait3A_115 = tpu.memref_slice %arg6[%arg0, %run_scoped3A_103, %mul3A_0, %dma_wait3A] : memref<2x4x10000x128xf32, #tpu.memory_space<hbm>> -> memref<1x1x624x128xf32, #tpu.memory_space<hbm>>
      %dma_wait3A_116 = tpu.memref_squeeze %dma_wait3A_115 : memref<1x1x624x128xf32, #tpu.memory_space<hbm>> -> memref<624x128xf32, #tpu.memory_space<hbm>>
      %dma_wait3A_117 = arith.constant 0 : i32
      %dma_wait3A_118 = tpu.memref_slice %arg7[%mul3A_0, %dma_wait3A_117] : memref<10000x128xf32, #tpu.memory_space<vmem_shared>> -> memref<624x128xf32, #tpu.memory_space<vmem_shared>>
      tpu.wait_dma2 semaphore(%run_scoped3A_110 : memref<!tpu.dma_semaphore, #tpu.memory_space<semaphore_mem>>) src(%dma_wait3A_118 : memref<624x128xf32, #tpu.memory_space<vmem_shared>>) dst(%dma_wait3A_116 : memref<624x128xf32, #tpu.memory_space<hbm>>)
      tpu.yield
    }) : () -> ()
    %eq3A_104 = arith.constant 15 : i32
    %eq3A_105 = arith.cmpi eq, %arg1, %eq3A_104 : i32
    %convert_element_type3A_106 = arith.extui %eq3A_105 : i1 to i32
    %cond3A_107 = arith.constant 0 : i32
    %cond3A_108 = arith.cmpi ne, %convert_element_type3A_106, %cond3A_107 : i32
    scf.if %cond3A_108 {
      %run_scoped3A_110 = arith.constant 3 : i32
      "tpu.region"() ({
        %run_scoped3A_111 = tpu.sem_alloc : memref<!tpu.dma_semaphore, #tpu.memory_space<semaphore_mem>>
        %dma_start3A = arith.constant 9984 : i32
        %dma_start3A_112 = arith.constant 0 : i32
        %dma_start3A_113 = tpu.memref_slice %arg6[%arg0, %run_scoped3A_110, %dma_start3A, %dma_start3A_112] : memref<2x4x10000x128xf32, #tpu.memory_space<hbm>> -> memref<1x1x16x128xf32, #tpu.memory_space<hbm>>
        %dma_start3A_114 = tpu.memref_squeeze %dma_start3A_113 : memref<1x1x16x128xf32, #tpu.memory_space<hbm>> -> memref<16x128xf32, #tpu.memory_space<hbm>>
        %dma_start3A_115 = arith.constant 9984 : i32
        %dma_start3A_116 = arith.constant 0 : i32
        %dma_start3A_117 = tpu.memref_slice %arg7[%dma_start3A_115, %dma_start3A_116] : memref<10000x128xf32, #tpu.memory_space<vmem_shared>> -> memref<16x128xf32, #tpu.memory_space<vmem_shared>>
        tpu.enqueue_dma source(%dma_start3A_117 : memref<16x128xf32, #tpu.memory_space<vmem_shared>>) target(%dma_start3A_114 : memref<16x128xf32, #tpu.memory_space<hbm>>) target_semaphore(%run_scoped3A_111 : memref<!tpu.dma_semaphore, #tpu.memory_space<semaphore_mem>>)
        %dma_wait3A = arith.constant 9984 : i32
        %dma_wait3A_118 = arith.constant 0 : i32
        %dma_wait3A_119 = tpu.memref_slice %arg6[%arg0, %run_scoped3A_110, %dma_wait3A, %dma_wait3A_118] : memref<2x4x10000x128xf32, #tpu.memory_space<hbm>> -> memref<1x1x16x128xf32, #tpu.memory_space<hbm>>
        %dma_wait3A_120 = tpu.memref_squeeze %dma_wait3A_119 : memref<1x1x16x128xf32, #tpu.memory_space<hbm>> -> memref<16x128xf32, #tpu.memory_space<hbm>>
        %dma_wait3A_121 = arith.constant 9984 : i32
        %dma_wait3A_122 = arith.constant 0 : i32
        %dma_wait3A_123 = tpu.memref_slice %arg7[%dma_wait3A_121, %dma_wait3A_122] : memref<10000x128xf32, #tpu.memory_space<vmem_shared>> -> memref<16x128xf32, #tpu.memory_space<vmem_shared>>
        tpu.wait_dma2 semaphore(%run_scoped3A_111 : memref<!tpu.dma_semaphore, #tpu.memory_space<semaphore_mem>>) src(%dma_wait3A_123 : memref<16x128xf32, #tpu.memory_space<vmem_shared>>) dst(%dma_wait3A_120 : memref<16x128xf32, #tpu.memory_space<hbm>>)
        tpu.yield
      }) : () -> ()
    } else {
    }
    %barrier3A_109 = arith.constant 0 : index
    tpu.barrier barrier_id(%barrier3A_109)
    return
  }
}

</mosaic_0001>

<sc_bundles>
// kernel: kernel.12.cloned.1.call-start
scs
__scs_entry_jumppad:
0x0: {  	(pc) =	sbr.rel $0x88, $3  }
0x1: {  	(tag) =	ssettag $0x0;
	lr =	simm.s32 $0x1  }
0x2: {  	[smem:$0x3F7F] =	sst lr;
	_ =	strace $0xD0000000  }
0x3: {  	_ = 	snop  }
0x4: {  	_ = 	snop  }
0x5: {  	_ = 	snop  }
0x6: {  	_ = 	snop  }
0x7: {  	_ = 	snop  }
__scs_overlays_trampoline_lowered:
0x8: {  	[smem:$0x3F8E] =	sst s0  }
0x9: {  	[smem:$0x3F8F] =	sst s1  }
0xa: {  	[smem:$0x3F90] =	sst s2  }
0xb: {  	[smem:$0x3F91] =	sst s3  }
0xc: {  	[smem:$0x3F92] =	sst s4  }
0xd: {  	[smem:$0x3F93] =	sst s5  }
0xe: {  	[smem:$0x3F94] =	sst s6  }
0xf: {  	[smem:$0x3F95] =	sst s7  }
0x10: {  	[smem:$0x3F96] =	sst s8  }
0x11: {  	[smem:$0x3F97] =	sst s9;
	s0 =	simm.s32 @!p0 $0x0  }
0x12: {  	s1 =	sld [smem:$0x3F7D];
	s0 =	simm.s32 @p0 $0x1  }
0x13: {  	[smem:$0x3F98] =	sst s0;
	s0 =	simm.s32 @!p1 $0x0  }
0x14: {  	s2 =	sld [smem:$0x3F7C];
	s0 =	simm.s32 @p1 $0x1  }
0x15: {  	[smem:$0x3F99] =	sst s0;
	s0 =	simm.s32 @!p2 $0x0  }
0x16: {  	s3 =	sld [smem:$0x3FDB];
	s0 =	simm.s32 @p2 $0x1  }
0x17: {  	s4 =	simm.s32 $0x1BF5;
	[smem:$0x3F9B] =	sst s0  }
0x18: {  	s0 =	sld [smem:$0x3F7E];
	_ =	swait.ge [sflag:s4], $0x0  }
0x19: {  	s7 =	sld [smem:$0x3F7F]  }
0x1a: {  	s8 =	sadd.s32 $0xFFFFE003, lr  }
0x1b: {  	s9 =	sadd.s32 $0xFFFFFEF7, lr;
	s5 =	simm.s32 $0xFFFFFFFF;
	p2 =	slt.u32 s8, $0xFFFFF086  }
0x1c: {  	p1 =	slt.u32 s9, $0xF7A;
	s5 =	simm.s32 @!p2 $0x0  }
0x1d: {  	s5 =	simm.s32 @p1 $0x1;
	p0 =	seq.s32 s7, s2  }
0x1e: {  	s7 =	smul.u32 @!p0 $0xF7A, s2;
	p2 =	seq.s32 @!p0 s5, $0x0  }
0x1f: {  	s9 =	smul.u32 $0xF7A, s1;
	s8 =	simm.s32 @!p0 $0x1BF5;
	p2 =	por !p2, p0  }
0x20: {  	[sflag:s8] =	ssyncset.s32 @!p0 $0xFFFFF086;
	s6 =	sadd.s32 @!p0 s3, s7;
	s7 =	simm.s32 @!p0 $0x108  }
0x21: {  	s3 =	sadd.s32 s3, s9;
	s6 =	sadd.s32 @!p0 $0x88, s6;
	s7 =	simm.s32 @p2 $0x1082  }
0x22: {  	[simem:s7], [sflag:s8] =	dma.local @!p0 [hbm:s6], $0xF7A  }
0x23: {  	s9 =	sor.u32 $0xD0000000, s2;
	s6 =	simm.s32 $0x108;
	_ =	swait.ge @!p0 [sflag:s8], $0x0  }
0x24: {  	s3 =	sadd.s32 $0x88, s3;
	s6 =	simm.s32 @!p1 $0x1082;
	[sflag:s4] =	ssyncset.s32 $0xFFFFF086  }
0x25: {  	[simem:s6], [sflag:s4] =	dma.local [hbm:s3], $0xF7A  }
0x26: {  	[smem:$0x3F7F] =	sst s1;
	(tag) =	ssettag s2;
	_ =	strace s9  }
0x27: {  	s1 =	sld [smem:$0x3F8F]  }
0x28: {  	s2 =	sld [smem:$0x3F90]  }
0x29: {  	s4 =	sld [smem:$0x3F92]  }
0x2a: {  	p0 =	seq.s32 s5, $0x0;
	s5 =	sld [smem:$0x3F93]  }
0x2b: {  	s6 =	sld [smem:$0x3F94]  }
0x2c: {  	s7 =	sld [smem:$0x3F95]  }
0x2d: {  	s3 =	simm.s32 $0x108;
	s8 =	sld [smem:$0x3F96]  }
0x2e: {  	s3 =	simm.s32 @!p0 $0x1082;
	s9 =	sld [smem:$0x3F97]  }
0x2f: {  	lr =	sadd.s32 s0, s3;
	s0 =	sld [smem:$0x3F8E]  }
0x30: {  	s3 =	sld [smem:$0x3F91]  }
0x31: {  	[smem:$0x3F9A] =	sst s10  }
0x32: {  	s10 =	sld [smem:$0x3F98];
	_ =	sdelay $0x3  }
0x33: {  	p0 =	seq.s32 s10, $0x1;
	s10 =	sld [smem:$0x3F9A];
	_ =	sdelay $0x3  }
0x34: {  	[smem:$0x3F9A] =	sst s10  }
0x35: {  	s10 =	sld [smem:$0x3F99];
	_ =	sdelay $0x3  }
0x36: {  	p1 =	seq.s32 s10, $0x1;
	s10 =	sld [smem:$0x3F9A];
	_ =	sdelay $0x3  }
0x37: {  	[smem:$0x3F9A] =	sst s10  }
0x38: {  	s10 =	sld [smem:$0x3F9B]  }
0x39: {  	_ = 	snop;
	(pc) =	sbr.ind lr, $3  }
0x3a: {  	_ = 	snop  }
0x3b: {  	_ = 	snop  }
0x3c: {  	p2 =	seq.s32 s10, $0x1;
	s10 =	sld [smem:$0x3F9A]  }
0x3d: {  	_ =	shalt  }
0x3e: {  	_ =	shalt  }
0x3f: {  	_ =	shalt  }
0x40: {  	_ =	shalt  }
0x41: {  	_ =	shalt  }
0x42: {  	_ =	shalt  }
0x43: {  	_ =	shalt  }
0x44: {  	_ =	shalt  }
0x45: {  	_ =	shalt  }
0x46: {  	_ =	shalt  }
0x47: {  	_ =	shalt  }
0x48: {  	_ =	shalt  }
0x49: {  	_ =	shalt  }
0x4a: {  	_ =	shalt  }
0x4b: {  	_ =	shalt  }
0x4c: {  	_ =	shalt  }
0x4d: {  	_ =	shalt  }
0x4e: {  	_ =	shalt  }
0x4f: {  	_ =	shalt  }
0x50: {  	_ =	shalt  }
0x51: {  	_ =	shalt  }
0x52: {  	_ =	shalt  }
0x53: {  	_ =	shalt  }
0x54: {  	_ =	shalt  }
0x55: {  	_ =	shalt  }
0x56: {  	_ =	shalt  }
0x57: {  	_ =	shalt  }
0x58: {  	_ =	shalt  }
0x59: {  	_ =	shalt  }
0x5a: {  	_ =	shalt  }
0x5b: {  	_ =	shalt  }
0x5c: {  	_ =	shalt  }
0x5d: {  	_ =	shalt  }
0x5e: {  	_ =	shalt  }
0x5f: {  	_ =	shalt  }
0x60: {  	_ =	shalt  }
0x61: {  	_ =	shalt  }
0x62: {  	_ =	shalt  }
0x63: {  	_ =	shalt  }
0x64: {  	_ =	shalt  }
0x65: {  	_ =	shalt  }
0x66: {  	_ =	shalt  }
0x67: {  	_ =	shalt  }
0x68: {  	_ =	shalt  }
0x69: {  	_ =	shalt  }
0x6a: {  	_ =	shalt  }
0x6b: {  	_ =	shalt  }
0x6c: {  	_ =	shalt  }
0x6d: {  	_ =	shalt  }
0x6e: {  	_ =	shalt  }
0x6f: {  	_ =	shalt  }
0x70: {  	_ =	shalt  }
0x71: {  	_ =	shalt  }
0x72: {  	_ =	shalt  }
0x73: {  	_ =	shalt  }
0x74: {  	_ =	shalt  }
0x75: {  	_ =	shalt  }
0x76: {  	_ =	shalt  }
0x77: {  	_ =	shalt  }
0x78: {  	_ =	shalt  }
0x79: {  	_ =	shalt  }
0x7a: {  	_ =	shalt  }
0x7b: {  	_ =	shalt  }
0x7c: {  	_ =	shalt  }
0x7d: {  	_ =	shalt  }
0x7e: {  	_ =	shalt  }
0x7f: {  	_ =	shalt  }
0x80: {  	_ =	shalt  }
0x81: {  	_ =	shalt  }
0x82: {  	_ =	shalt  }
0x83: {  	_ =	shalt  }
0x84: {  	_ =	shalt  }
0x85: {  	_ =	shalt  }
0x86: {  	_ =	shalt  }
0x87: {  	_ =	shalt  }
.Lfunc_end0:
.L_simem_size_0:
called_computation.2_lowered:
.L_overlay_start_0:
0x88: {  	s2 =	sld [smem:$0x3FD9]  }
0x89: {  	s3 =	sld [smem:$0x3FFE];
	_ =	sdelay $0x1  }
0x8a: {  	s1 =	srdreg.scid  }
0x8b: {  	s0 =	sand.u32 $0x1, s1  }
0x8c: {  	s17 =	sshll.u32 s0, $0xA;
	s2 =	sadd.s32 s3, s2  }
0x8d: {  	s2 =	sadd.s32 s2, s17  }
0x8e: {  	[smem:$0x3FA6] =	sst s2  }
0x8f: {  	_ = 	snop  }
0x90: {  	s2 =	sld [smem:$0x3FD0];
	(tm) =	ssettm $0x1  }
0x91: {  	s18 =	sld [smem:$0x3FFB];
	_ =	sdelay $0x3  }
0x92: {  	_ =	strace s18  }
0x93: {  	s3 =	sld [smem:$0x3FFC];
	_ =	sdelay $0x3  }
0x94: {  	_ =	strace s3  }
0x95: {  	s3 =	sld [smem:$0x3FFD];
	_ =	sdelay $0x3  }
0x96: {  	_ =	strace s3  }
0x97: {  	_ =	strace $0x8FFFFFFF  }
0x98: {  	s19 =	sld [smem:$0x3FDB];
	_ =	sdelay $0x1  }
0x99: {  	s4 =	simm.s32 $_scs_section_size  }
0x9a: {  	s5 =	simm.s32 $_size__tile_overlayer_lowered;
	s6 =	simm.s32 $_tile_overlayer_lowered  }
0x9b: {  	s22 =	simm.s32 $0x1BFF;
	s21 =	sshll.u32 s6, $0x1;
	s3 =	sadd.s32 s4, s19  }
0x9c: {  	s7 =	simm.s32 $0x0;
	s20 =	sshll.u32 s5, $0x1;
	s5 =	sadd.s32 s21, s3  }
0x9d: {  	[timem:s7], [sflag:s22] =	dma.local [hbm:s5], s20  }
0x9e: {  	_ =	swait.ge [sflag:s22], s20  }
0x9f: {  	s4 =	ssub.s32 $0x0, s20;
	[sflag:s22] =	ssyncset.done $0x0  }
0xa0: {  	[sflag:s22] =	ssyncadd.s32 s4;
	_ =	sdelay $0x1  }
0xa1: {  	s23 =	simm.s32 $0x1B8B  }
0xa2: {  	_ =	swait.ge [sflag:s23], $0x1  }
0xa3: {  	[sflag:s23] =	ssyncset.done $0x0  }
0xa4: {  	s25 =	simm.s32 $0x1B8E;
	s24 =	sld [smem:$0x3FFE];
	[sflag:s23] =	ssyncadd.s32 $0xFFFFFFFF  }
0xa5: {  	s26 =	simm.s32 $execute0_lowered;
	[smem:$0x3FD2] =	sst s25  }
0xa6: {  	s5 =	sshll.u32 s26, $0x1;
	_ =	strace $0x8000004C;
	[dreg:$0x1] =	wrdreg $0xFFFFFFFF  }
0xa7: {  	s28 =	simm.s32 $_size_execute0_lowered;
	s3 =	sadd.s32 s3, s5;
	[dreg:$0x0] =	wrdreg $0x0  }
0xa8: {  	s5 =	sshll.u32 s28, $0x1;
	[dreg:$0x2] =	wrdreg s3  }
0xa9: {  	[dreg:$0x3] =	wrdreg s5  }
0xaa: {  	[dreg:$0x4] =	wrdreg $0xC0  }
0xab: {  	_ =	task [dreg:s7], $0x5FFFF  }
0xac: {  	[dreg:$0x1] =	wrdreg $0xFFFFFFFF  }
0xad: {  	[dreg:$0x0] =	wrdreg $0x60  }
0xae: {  	[dreg:$0x2] =	wrdreg s24  }
0xaf: {  	[dreg:$0x3] =	wrdreg s2  }
0xb0: {  	[dreg:$0x4] =	wrdreg $0x0  }
0xb1: {  	[dreg:$0x5] =	wrdreg $0x9  }
0xb2: {  	_ =	task.clear_ibuf [dreg:s7], $0x6FFFF;
	_ =	strace $0x9000004C  }
0xb3: {  	s29 =	simm.s32 $0x9;
	_ =	strace $0x8000004E  }
0xb4: {  	_ =	swait.ge [sflag:s29], $0x1  }
0xb5: {  	[sflag:s29] =	ssyncadd.s32 $0xFFFFFFFF  }
0xb6: {  	_ =	strace $0x9000004E  }
0xb7: {  	_ =	sfence  }
0xb8: {  	s30 =	sld [smem:$0x0];
	_ =	sdelay $0x2  }
0xb9: {  	s31 =	sshll.u32 s1, $0xD;
	s1 =	sshrl.u32 s1, $0x2  }
0xba: {  	s3 =	sand.u32 $0x4000, s31;
	s1 =	sadd.s32 s1, s30  }
0xbb: {  	s0 =	sor.u32 s3, s0;
	s1 =	sshll.u32 s1, $0x11  }
0xbc: {  	s0 =	sor.u32 s1, s0  }
0xbd: {  	s0 =	sadd.s32 $0x8F2B, s0  }
0xbe: {  	[sflag:s0] =	ssyncadd.remote.s32 $0x1  }
0xbf: {  	_ =	sfence.sel $0xFFFF  }
0xc0: {  	[dreg:$0x0] =	wrdreg $0xFFFFFFFF;
	(pc) =	sbr.abs _section_cstart, $3  }
0xc1: {  	[dreg:$0x1] =	wrdreg $0xFFFFFFFF  }
0xc2: {  	_ =	task.clear_ibuf [dreg:s7], $0x2FFFF;
	_ =	strace $0x9FFFFFFF  }
0xc3: {  	(tm) =	ssettm $0x7FFFFFFF  }
tec
execute0_lowered:
.L_overlay_start_1:
0x0: {  	(tag) =	ssettag $0x1  }
0x1: {  	s0 =	rddreg [dreg:$0x0]  }
0x2: {  	s3 =	rddreg [dreg:$0x1]  }
0x3: {  	s1 =	rddreg [dreg:$0x2];
	s2 =	simm.s32 $0x0;
	s4 =	srdreg.scid  }
0x4: {  	s24 =	stileid.u32;
	[smem:$0x7FF] =	sst s2;
	s10 =	sadd.s32 $0x3D8200, s0  }
0x5: {  	s11 =	sadd.s32 $0xB7400, s0;
	s7 =	sand.u32 $0x1, s4;
	s8 =	smul.u32 $0x4E000, s24  }
0x6: {  	s13 =	sadd.s32 $0x6E00, s0;
	s0 =	sadd.s32 $0x510A00, s0;
	s9 =	smul.u32 $0x13800, s24  }
0x7: {  	p0 =	slt.u32 s24, $0x2;
	s4 =	simm.s32 $0x4F;
	s21 =	smul.u32 $0x4E0, s24  }
0x8: {  	s19 =	sshll.u32 s24, $0x6;
	s22 =	smin.u32 s24, $0x2;
	s16 =	smul.u32 $0x2700, s24  }
0x9: {  	_ =	strace $0x8000004D;
	s5 =	ssub.s32 $0x2, s7;
	s12 =	smul.u32 $0x4E2000, s7  }
0xa: {  	s4 =	simm.s32 @!p0 $0x4E;
	s15 =	smul.u32 $0x9C400, s7;
	s7 =	sor.u32 $0x1C02, s19  }
0xb: {  	p0 =	sne.s32 s24, $0xF;
	s24 =	simm.s32 $0x13880;
	s6 =	sshrl.u32 s5, $0x1  }
0xc: {  	s17 =	sshrl.u32 s8, $0x2;
	s18 =	sshrl.u32 s9, $0x3;
	s8 =	sadd.s32 $0x27000, s3  }
0xd: {  	s26 =	sadd.s32 s21, s13;
	s14 =	ssub.s32 s5, s6;
	s5 =	sadd.s32 s17, s1  }
0xe: {  	s6 =	sadd.s32 s3, s18;
	s20 =	sadd.s32 s9, s12;
	s9 =	sadd.s32 s10, s15  }
0xf: {  	s12 =	sshrl.u32 s12, $0x3;
	s17 =	sshll.u32 s22, $0x7;
	s15 =	sshll.u32 s22, $0x4  }
0x10: {  	s3 =	sshrl.u32 s20, $0x3;
	s10 =	sadd.s32 s10, s12;
	s16 =	sadd.s32 s17, s16  }
0x11: {  	s25 =	sadd.s32 s0, s3;
	s0 =	sadd.s32 s0, s12;
	s12 =	sadd.s32 $0x27100, s10  }
0x12: {  	s3 =	sadd.s32 s21, s11;
	s17 =	sadd.s32 $0x27100, s16;
	s30 =	sadd.s32 $0x4E200, s16  }
0x13: {  	s16 =	sadd.s32 $0x75300, s16;
	s22 =	sadd.s32 $0x4E200, s10;
	s23 =	sadd.s32 $0x27000, s0  }
0x14: {  	s18 =	sadd.s32 $0x4E100, s0;
	s3 =	sadd.s32 s15, s3;
	[dreg:$0x4] =	wrdreg s25  }
0x15: {  	s28 =	sshrl.u32 s17, $0x3;
	s31 =	sshrl.u32 s30, $0x3;
	[dreg:$0x5] =	wrdreg s23  }
0x16: {  	s16 =	sshrl.u32 s16, $0x3;
	s17 =	sadd.s32 $0x75200, s0;
	[dreg:$0x6] =	wrdreg s18  }
0x17: {  	s0 =	sadd.s32 $0x9C300, s0;
	s30 =	sadd.s32 $0x4E200, s25;
	[dreg:$0x8] =	wrdreg s3  }
0x18: {  	s18 =	sadd.s32 s15, s26;
	s29 =	sadd.s32 s28, s13;
	[dreg:$0xa] =	wrdreg s17  }
0x19: {  	s15 =	sadd.s32 s28, s11;
	s19 =	sadd.s32 s31, s11;
	[dreg:$0xb] =	wrdreg s0  }
0x1a: {  	s20 =	sadd.s32 s16, s13;
	s21 =	sadd.s32 s16, s11;
	[dreg:$0xf] =	wrdreg s30  }
0x1b: {  	s23 =	sadd.s32 $0x75300, s10;
	s26 =	smax.u32 s14, $0x1;
	[dreg:$0x7] =	wrdreg s18  }
0x1c: {  	s28 =	sadd.s32 $0x138000, s1;
	s0 =	simm.s32 $0x2;
	[dreg:$0x9] =	wrdreg s29  }
0x1d: {  	s3 =	simm.s32 $0x17880;
	s11 =	simm.s32 $0x17900;
	[dreg:$0xc] =	wrdreg s26  }
0x1e: {  	s18 =	sadd.s32 s31, s13;
	[dreg:$0xd] =	wrdreg s28;
	s29 =	sadd.s32 $0x27100, s25  }
0x1f: {  	s31 =	sadd.s32 $0x75300, s25;
	s13 =	simm.s32 $0x80;
	[dreg:$0xe] =	wrdreg s29  }
0x20: {  	s25 =	simm.s32 $0x1;
	s26 =	simm.s32 $0x0;
	[dreg:$0x10] =	wrdreg s31  }
.LBB2_1:
0x21: {  	s28 =	sshrl.u32 s5, $0x3  }
0x22: {  	[spmem:s28], [sflag:s7] =	dma.local [hbm:s6], $0x2700  }
0x23: {  	_ =	swait.ge [sflag:s0], $0x2700  }
0x24: {  	[sflag:s0] =	ssyncset.done $0x0;
	s10 =	rddreg [dreg:$0xd]  }
0x25: {  	s31 =	simm.s32 @!p0 $0x2;
	[sflag:s0] =	ssyncadd.s32 $0xFFFFD900;
	s10 =	sshrl.u32 @!p0 s10, $0x3  }
0x26: {  	[spmem:s10], [sflag:s7] =	dma.local @!p0 [hbm:s8], $0x100  }
0x27: {  	_ =	swait.ge @!p0 [sflag:s31], $0x100  }
0x28: {  	[sflag:s31] =	ssyncset.done @!p0 $0x0  }
0x29: {  	[sflag:s31] =	ssyncadd.s32 @!p0 $0xFFFFFF00  }
0x2a: {  	[bflag:$0x0] =	sbarrier.arrive $0xFFFF  }
0x2b: {  	s16 =	rddreg [dreg:$0x8]  }
0x2c: {  	[tilespmem:s3], [sflag:$0x2] =	stream.linear.gather [hbm4b:s16+s2], $0x80, $0x38;
	[tilespmem:$0x17980] =	vst v63  }
0x2d: {  	_ =	swait.ge [sflag:s0], $0x80  }
0x2e: {  	[sflag:s0] =	ssyncset.done $0x0  }
0x2f: {  	s29 =	rddreg [dreg:$0x7];
	[sflag:s0] =	ssyncadd.s32 $0xFFFFFF80  }
0x30: {  	[tilespmem:s11], [sflag:$0x2] =	stream.linear.gather [hbm4b:s29+s2], $0x80, $0x38;
	[tilespmem:$0x17980] =	vst v63  }
0x31: {  	_ =	swait.ge [sflag:s0], $0x80  }
0x32: {  	[sflag:s0] =	ssyncset.done $0x0  }
0x33: {  	[sflag:s0] =	ssyncadd.s32 $0xFFFFFF80  }
0x34: {  	[tilespmem:s24], [sflag:$0x1] =	stream.indirect.gather [hbm4b:s9+s13], $0x80, s3, s13, $0xb8;
	[tilespmem:$0x17980] =	vst v63  }
0x35: {  	p1 =	sne.s32 s4, $0x1;
	_ =	swait.ge [sflag:s25], $0x4000  }
.Ltmp0:
0x36: {  	[sflag:s25] =	ssyncset.done $0x0;
	(pc) =	sbr.rel @!p1 .LBB2_3-.Ltmp0, $4  }
0x37: {  	[sflag:s25] =	ssyncadd.s32 $0xFFFFC000  }
0x38: {  	[spmem:s1] =	stream.indirect.scatter.add.f32 [tilespmem:s24], [sflag:$0x2], $0x80, s11, s13, $0xb8;
	[tilespmem:$0x17980] =	vst v63  }
0x39: {  	_ =	swait.ge [sflag:s0], $0x4000  }
0x3a: {  	s14 =	sadd.s32 $0xFFFFFFFF, s4;
	[sflag:s0] =	ssyncset.done $0x0  }
.LBB2_2:
0x3b: {  	[sflag:s0] =	ssyncadd.s32 $0xFFFFC000;
	s29 =	sadd.s32 $0x10, s29;
	s16 =	sadd.s32 $0x10, s16  }
0x3c: {  	[tilespmem:s3], [sflag:$0x2] =	stream.linear.gather [hbm4b:s16+s2], $0x80, $0x38;
	[tilespmem:$0x17980] =	vst v63  }
0x3d: {  	p2 =	sne.s32 s14, $0x1;
	s14 =	sadd.s32 $0xFFFFFFFF, s14;
	_ =	swait.ge [sflag:s0], $0x80  }
0x3e: {  	[sflag:s0] =	ssyncset.done $0x0  }
0x3f: {  	[sflag:s0] =	ssyncadd.s32 $0xFFFFFF80  }
0x40: {  	[tilespmem:s11], [sflag:$0x2] =	stream.linear.gather [hbm4b:s29+s2], $0x80, $0x38;
	[tilespmem:$0x17980] =	vst v63  }
0x41: {  	_ =	swait.ge [sflag:s0], $0x80  }
0x42: {  	[sflag:s0] =	ssyncset.done $0x0  }
0x43: {  	[sflag:s0] =	ssyncadd.s32 $0xFFFFFF80  }
0x44: {  	[tilespmem:s24], [sflag:$0x1] =	stream.indirect.gather [hbm4b:s9+s13], $0x80, s3, s13, $0xb8;
	[tilespmem:$0x17980] =	vst v63  }
0x45: {  	_ =	swait.ge [sflag:s25], $0x4000  }
.Ltmp1:
0x46: {  	[sflag:s25] =	ssyncset.done $0x0;
	(pc) =	sbr.rel @p2 .LBB2_2-.Ltmp1, $4  }
0x47: {  	[sflag:s25] =	ssyncadd.s32 $0xFFFFC000  }
0x48: {  	[spmem:s1] =	stream.indirect.scatter.add.f32 [tilespmem:s24], [sflag:$0x2], $0x80, s11, s13, $0xb8;
	[tilespmem:$0x17980] =	vst v63  }
0x49: {  	_ =	swait.ge [sflag:s0], $0x4000  }
0x4a: {  	[sflag:s0] =	ssyncset.done $0x0  }
.LBB2_3:
0x4b: {  	[sflag:s0] =	ssyncadd.s32 $0xFFFFC000  }
0x4c: {  	[bflag:$0x0] =	sbarrier.arrive $0xFFFF  }
0x4d: {  	s14 =	rddreg [dreg:$0x4]  }
0x4e: {  	[hbm:s14], [sflag:s7] =	dma.local [spmem:s28], $0x2700  }
0x4f: {  	_ =	swait.ge [sflag:s0], $0x2700  }
0x50: {  	[sflag:s0] =	ssyncset.done $0x0  }
0x51: {  	[sflag:s0] =	ssyncadd.s32 $0xFFFFD900  }
0x52: {  	s29 =	sshrl.u32 @p0 s5, $0x3;
	s14 =	simm.s32 @p0 $0x2;
	[bflag:$0x0] =	sbarrier.arrive @p0 $0xFFFF  }
0x53: {  	[spmem:s29], [sflag:s7] =	dma.local @p0 [hbm:s6], $0x2700  }
0x54: {  	_ =	swait.ge @p0 [sflag:s14], $0x2700  }
0x55: {  	[sflag:s14] =	ssyncset.done @p0 $0x0  }
0x56: {  	s16 =	rddreg [dreg:$0x5];
	[sflag:s14] =	ssyncadd.s32 @p0 $0xFFFFD900  }
0x57: {  	[hbm:s16], [sflag:s7] =	dma.local @!p0 [spmem:s10], $0x100  }
0x58: {  	_ =	swait.ge @!p0 [sflag:s31], $0x100  }
0x59: {  	[sflag:s31] =	ssyncset.done @!p0 $0x0  }
0x5a: {  	[sflag:s31] =	ssyncadd.s32 @!p0 $0xFFFFFF00  }
0x5b: {  	s30 =	sshrl.u32 @!p0 s5, $0x3;
	[bflag:$0x0] =	sbarrier.arrive @!p0 $0xFFFF  }
0x5c: {  	[spmem:s30], [sflag:s7] =	dma.local @!p0 [hbm:s6], $0x2700  }
0x5d: {  	_ =	swait.ge @!p0 [sflag:s31], $0x2700  }
0x5e: {  	[sflag:s31] =	ssyncset.done @!p0 $0x0  }
0x5f: {  	[sflag:s31] =	ssyncadd.s32 @!p0 $0xFFFFD900  }
0x60: {  	[spmem:s10], [sflag:s7] =	dma.local @!p0 [hbm:s8], $0x100  }
0x61: {  	_ =	swait.ge @!p0 [sflag:s31], $0x100  }
0x62: {  	[sflag:s31] =	ssyncset.done @!p0 $0x0  }
0x63: {  	[sflag:s31] =	ssyncadd.s32 @!p0 $0xFFFFFF00  }
0x64: {  	[bflag:$0x0] =	sbarrier.arrive $0xFFFF  }
0x65: {  	[tilespmem:s3], [sflag:$0x2] =	stream.linear.gather [hbm4b:s15+s2], $0x80, $0x38;
	[tilespmem:$0x17980] =	vst v63  }
0x66: {  	_ =	swait.ge [sflag:s0], $0x80  }
0x67: {  	[sflag:s0] =	ssyncset.done $0x0  }
0x68: {  	s16 =	rddreg [dreg:$0x9];
	[sflag:s0] =	ssyncadd.s32 $0xFFFFFF80  }
0x69: {  	[tilespmem:s11], [sflag:$0x2] =	stream.linear.gather [hbm4b:s16+s2], $0x80, $0x38;
	[tilespmem:$0x17980] =	vst v63  }
0x6a: {  	_ =	swait.ge [sflag:s0], $0x80  }
0x6b: {  	[sflag:s0] =	ssyncset.done $0x0  }
0x6c: {  	[sflag:s0] =	ssyncadd.s32 $0xFFFFFF80  }
0x6d: {  	[tilespmem:s24], [sflag:$0x1] =	stream.indirect.gather [hbm4b:s12+s13], $0x80, s3, s13, $0xb8;
	[tilespmem:$0x17980] =	vst v63  }
0x6e: {  	_ =	swait.ge [sflag:s25], $0x4000  }
.Ltmp2:
0x6f: {  	[sflag:s25] =	ssyncset.done $0x0;
	(pc) =	sbr.rel @!p1 .LBB2_5-.Ltmp2, $4  }
0x70: {  	[sflag:s25] =	ssyncadd.s32 $0xFFFFC000  }
0x71: {  	[spmem:s1] =	stream.indirect.scatter.add.f32 [tilespmem:s24], [sflag:$0x2], $0x80, s11, s13, $0xb8;
	[tilespmem:$0x17980] =	vst v63  }
0x72: {  	_ =	swait.ge [sflag:s0], $0x4000  }
0x73: {  	s17 =	smov.u32 s15;
	s31 =	sadd.s32 $0xFFFFFFFF, s4;
	[sflag:s0] =	ssyncset.done $0x0  }
.LBB2_4:
0x74: {  	[sflag:s0] =	ssyncadd.s32 $0xFFFFC000;
	s16 =	sadd.s32 $0x10, s16;
	s17 =	sadd.s32 $0x10, s17  }
0x75: {  	[tilespmem:s3], [sflag:$0x2] =	stream.linear.gather [hbm4b:s17+s2], $0x80, $0x38;
	[tilespmem:$0x17980] =	vst v63  }
0x76: {  	p2 =	sne.s32 s31, $0x1;
	s31 =	sadd.s32 $0xFFFFFFFF, s31;
	_ =	swait.ge [sflag:s0], $0x80  }
0x77: {  	[sflag:s0] =	ssyncset.done $0x0  }
0x78: {  	[sflag:s0] =	ssyncadd.s32 $0xFFFFFF80  }
0x79: {  	[tilespmem:s11], [sflag:$0x2] =	stream.linear.gather [hbm4b:s16+s2], $0x80, $0x38;
	[tilespmem:$0x17980] =	vst v63  }
0x7a: {  	_ =	swait.ge [sflag:s0], $0x80  }
0x7b: {  	[sflag:s0] =	ssyncset.done $0x0  }
0x7c: {  	[sflag:s0] =	ssyncadd.s32 $0xFFFFFF80  }
0x7d: {  	[tilespmem:s24], [sflag:$0x1] =	stream.indirect.gather [hbm4b:s12+s13], $0x80, s3, s13, $0xb8;
	[tilespmem:$0x17980] =	vst v63  }
0x7e: {  	_ =	swait.ge [sflag:s25], $0x4000  }
.Ltmp3:
0x7f: {  	[sflag:s25] =	ssyncset.done $0x0;
	(pc) =	sbr.rel @p2 .LBB2_4-.Ltmp3, $4  }
0x80: {  	[sflag:s25] =	ssyncadd.s32 $0xFFFFC000  }
0x81: {  	[spmem:s1] =	stream.indirect.scatter.add.f32 [tilespmem:s24], [sflag:$0x2], $0x80, s11, s13, $0xb8;
	[tilespmem:$0x17980] =	vst v63  }
0x82: {  	_ =	swait.ge [sflag:s0], $0x4000  }
0x83: {  	[sflag:s0] =	ssyncset.done $0x0  }
.LBB2_5:
0x84: {  	[sflag:s0] =	ssyncadd.s32 $0xFFFFC000  }
0x85: {  	[bflag:$0x0] =	sbarrier.arrive $0xFFFF  }
0x86: {  	s16 =	rddreg [dreg:$0xe]  }
0x87: {  	[hbm:s16], [sflag:s7] =	dma.local [spmem:s28], $0x2700  }
0x88: {  	_ =	swait.ge [sflag:s0], $0x2700  }
0x89: {  	[sflag:s0] =	ssyncset.done $0x0  }
0x8a: {  	[sflag:s0] =	ssyncadd.s32 $0xFFFFD900  }
0x8b: {  	[bflag:$0x0] =	sbarrier.arrive @p0 $0xFFFF  }
0x8c: {  	[spmem:s29], [sflag:s7] =	dma.local @p0 [hbm:s6], $0x2700  }
0x8d: {  	_ =	swait.ge @p0 [sflag:s14], $0x2700  }
0x8e: {  	[sflag:s14] =	ssyncset.done @p0 $0x0  }
0x8f: {  	s31 =	simm.s32 @!p0 $0x2;
	[sflag:s14] =	ssyncadd.s32 @p0 $0xFFFFD900;
	s14 =	rddreg [dreg:$0x6]  }
0x90: {  	[hbm:s14], [sflag:s7] =	dma.local @!p0 [spmem:s10], $0x100  }
0x91: {  	_ =	swait.ge @!p0 [sflag:s31], $0x100  }
0x92: {  	[sflag:s31] =	ssyncset.done @!p0 $0x0  }
0x93: {  	[sflag:s31] =	ssyncadd.s32 @!p0 $0xFFFFFF00  }
0x94: {  	[bflag:$0x0] =	sbarrier.arrive @!p0 $0xFFFF  }
0x95: {  	[spmem:s30], [sflag:s7] =	dma.local @!p0 [hbm:s6], $0x2700  }
0x96: {  	_ =	swait.ge @!p0 [sflag:s31], $0x2700  }
0x97: {  	[sflag:s31] =	ssyncset.done @!p0 $0x0  }
0x98: {  	[sflag:s31] =	ssyncadd.s32 @!p0 $0xFFFFD900  }
0x99: {  	[spmem:s10], [sflag:s7] =	dma.local @!p0 [hbm:s8], $0x100  }
0x9a: {  	_ =	swait.ge @!p0 [sflag:s31], $0x100  }
0x9b: {  	[sflag:s31] =	ssyncset.done @!p0 $0x0  }
0x9c: {  	[sflag:s31] =	ssyncadd.s32 @!p0 $0xFFFFFF00  }
0x9d: {  	[bflag:$0x0] =	sbarrier.arrive $0xFFFF  }
0x9e: {  	[tilespmem:s3], [sflag:$0x2] =	stream.linear.gather [hbm4b:s19+s2], $0x80, $0x38;
	[tilespmem:$0x17980] =	vst v63  }
0x9f: {  	_ =	swait.ge [sflag:s0], $0x80  }
0xa0: {  	[sflag:s0] =	ssyncset.done $0x0  }
0xa1: {  	[sflag:s0] =	ssyncadd.s32 $0xFFFFFF80  }
0xa2: {  	[tilespmem:s11], [sflag:$0x2] =	stream.linear.gather [hbm4b:s18+s2], $0x80, $0x38;
	[tilespmem:$0x17980] =	vst v63  }
0xa3: {  	_ =	swait.ge [sflag:s0], $0x80  }
0xa4: {  	[sflag:s0] =	ssyncset.done $0x0  }
0xa5: {  	[sflag:s0] =	ssyncadd.s32 $0xFFFFFF80  }
0xa6: {  	[tilespmem:s24], [sflag:$0x1] =	stream.indirect.gather [hbm4b:s22+s13], $0x80, s3, s13, $0xb8;
	[tilespmem:$0x17980] =	vst v63  }
0xa7: {  	_ =	swait.ge [sflag:s25], $0x4000  }
.Ltmp4:
0xa8: {  	[sflag:s25] =	ssyncset.done $0x0;
	(pc) =	sbr.rel @!p1 .LBB2_7-.Ltmp4, $4  }
0xa9: {  	[sflag:s25] =	ssyncadd.s32 $0xFFFFC000  }
0xaa: {  	[spmem:s1] =	stream.indirect.scatter.add.f32 [tilespmem:s24], [sflag:$0x2], $0x80, s11, s13, $0xb8;
	[tilespmem:$0x17980] =	vst v63  }
0xab: {  	s17 =	smov.u32 s19;
	_ =	swait.ge [sflag:s0], $0x4000  }
0xac: {  	s16 =	smov.u32 s18;
	s14 =	sadd.s32 $0xFFFFFFFF, s4;
	[sflag:s0] =	ssyncset.done $0x0  }
.LBB2_6:
0xad: {  	[sflag:s0] =	ssyncadd.s32 $0xFFFFC000;
	s16 =	sadd.s32 $0x10, s16;
	s17 =	sadd.s32 $0x10, s17  }
0xae: {  	[tilespmem:s3], [sflag:$0x2] =	stream.linear.gather [hbm4b:s17+s2], $0x80, $0x38;
	[tilespmem:$0x17980] =	vst v63  }
0xaf: {  	p2 =	sne.s32 s14, $0x1;
	s14 =	sadd.s32 $0xFFFFFFFF, s14;
	_ =	swait.ge [sflag:s0], $0x80  }
0xb0: {  	[sflag:s0] =	ssyncset.done $0x0  }
0xb1: {  	[sflag:s0] =	ssyncadd.s32 $0xFFFFFF80  }
0xb2: {  	[tilespmem:s11], [sflag:$0x2] =	stream.linear.gather [hbm4b:s16+s2], $0x80, $0x38;
	[tilespmem:$0x17980] =	vst v63  }
0xb3: {  	_ =	swait.ge [sflag:s0], $0x80  }
0xb4: {  	[sflag:s0] =	ssyncset.done $0x0  }
0xb5: {  	[sflag:s0] =	ssyncadd.s32 $0xFFFFFF80  }
0xb6: {  	[tilespmem:s24], [sflag:$0x1] =	stream.indirect.gather [hbm4b:s22+s13], $0x80, s3, s13, $0xb8;
	[tilespmem:$0x17980] =	vst v63  }
0xb7: {  	_ =	swait.ge [sflag:s25], $0x4000  }
.Ltmp5:
0xb8: {  	[sflag:s25] =	ssyncset.done $0x0;
	(pc) =	sbr.rel @p2 .LBB2_6-.Ltmp5, $4  }
0xb9: {  	[sflag:s25] =	ssyncadd.s32 $0xFFFFC000  }
0xba: {  	[spmem:s1] =	stream.indirect.scatter.add.f32 [tilespmem:s24], [sflag:$0x2], $0x80, s11, s13, $0xb8;
	[tilespmem:$0x17980] =	vst v63  }
0xbb: {  	_ =	swait.ge [sflag:s0], $0x4000  }
0xbc: {  	[sflag:s0] =	ssyncset.done $0x0  }
.LBB2_7:
0xbd: {  	[sflag:s0] =	ssyncadd.s32 $0xFFFFC000  }
0xbe: {  	[bflag:$0x0] =	sbarrier.arrive $0xFFFF  }
0xbf: {  	s14 =	rddreg [dreg:$0xf]  }
0xc0: {  	[hbm:s14], [sflag:s7] =	dma.local [spmem:s28], $0x2700  }
0xc1: {  	_ =	swait.ge [sflag:s0], $0x2700  }
0xc2: {  	[sflag:s0] =	ssyncset.done $0x0  }
0xc3: {  	[sflag:s0] =	ssyncadd.s32 $0xFFFFD900  }
0xc4: {  	s14 =	simm.s32 @p0 $0x2;
	[bflag:$0x0] =	sbarrier.arrive @p0 $0xFFFF  }
0xc5: {  	[spmem:s29], [sflag:s7] =	dma.local @p0 [hbm:s6], $0x2700  }
0xc6: {  	_ =	swait.ge @p0 [sflag:s14], $0x2700  }
0xc7: {  	[sflag:s14] =	ssyncset.done @p0 $0x0  }
0xc8: {  	[sflag:s14] =	ssyncadd.s32 @p0 $0xFFFFD900;
	s14 =	rddreg [dreg:$0xa]  }
0xc9: {  	[hbm:s14], [sflag:s7] =	dma.local @!p0 [spmem:s10], $0x100  }
0xca: {  	_ =	swait.ge @!p0 [sflag:s31], $0x100  }
0xcb: {  	[sflag:s31] =	ssyncset.done @!p0 $0x0  }
0xcc: {  	[sflag:s31] =	ssyncadd.s32 @!p0 $0xFFFFFF00  }
0xcd: {  	[bflag:$0x0] =	sbarrier.arrive @!p0 $0xFFFF  }
0xce: {  	[spmem:s30], [sflag:s7] =	dma.local @!p0 [hbm:s6], $0x2700  }
0xcf: {  	_ =	swait.ge @!p0 [sflag:s31], $0x2700  }
0xd0: {  	[sflag:s31] =	ssyncset.done @!p0 $0x0  }
0xd1: {  	[sflag:s31] =	ssyncadd.s32 @!p0 $0xFFFFD900  }
0xd2: {  	[spmem:s10], [sflag:s7] =	dma.local @!p0 [hbm:s8], $0x100  }
0xd3: {  	_ =	swait.ge @!p0 [sflag:s31], $0x100  }
0xd4: {  	[sflag:s31] =	ssyncset.done @!p0 $0x0  }
0xd5: {  	[sflag:s31] =	ssyncadd.s32 @!p0 $0xFFFFFF00  }
0xd6: {  	[bflag:$0x0] =	sbarrier.arrive $0xFFFF  }
0xd7: {  	[tilespmem:s3], [sflag:$0x2] =	stream.linear.gather [hbm4b:s21+s2], $0x80, $0x38;
	[tilespmem:$0x17980] =	vst v63  }
0xd8: {  	_ =	swait.ge [sflag:s0], $0x80  }
0xd9: {  	[sflag:s0] =	ssyncset.done $0x0  }
0xda: {  	[sflag:s0] =	ssyncadd.s32 $0xFFFFFF80  }
0xdb: {  	[tilespmem:s11], [sflag:$0x2] =	stream.linear.gather [hbm4b:s20+s2], $0x80, $0x38;
	[tilespmem:$0x17980] =	vst v63  }
0xdc: {  	_ =	swait.ge [sflag:s0], $0x80  }
0xdd: {  	[sflag:s0] =	ssyncset.done $0x0  }
0xde: {  	[sflag:s0] =	ssyncadd.s32 $0xFFFFFF80  }
0xdf: {  	[tilespmem:s24], [sflag:$0x1] =	stream.indirect.gather [hbm4b:s23+s13], $0x80, s3, s13, $0xb8;
	[tilespmem:$0x17980] =	vst v63  }
0xe0: {  	_ =	swait.ge [sflag:s25], $0x4000  }
.Ltmp6:
0xe1: {  	[sflag:s25] =	ssyncset.done $0x0;
	(pc) =	sbr.rel @!p1 .LBB2_9-.Ltmp6, $4  }
0xe2: {  	[sflag:s25] =	ssyncadd.s32 $0xFFFFC000  }
0xe3: {  	[spmem:s1] =	stream.indirect.scatter.add.f32 [tilespmem:s24], [sflag:$0x2], $0x80, s11, s13, $0xb8;
	[tilespmem:$0x17980] =	vst v63  }
0xe4: {  	s16 =	smov.u32 s20;
	_ =	swait.ge [sflag:s0], $0x4000  }
0xe5: {  	s17 =	smov.u32 s21;
	s14 =	sadd.s32 $0xFFFFFFFF, s4;
	[sflag:s0] =	ssyncset.done $0x0  }
.LBB2_8:
0xe6: {  	[sflag:s0] =	ssyncadd.s32 $0xFFFFC000;
	s16 =	sadd.s32 $0x10, s16;
	s17 =	sadd.s32 $0x10, s17  }
0xe7: {  	[tilespmem:s3], [sflag:$0x2] =	stream.linear.gather [hbm4b:s17+s2], $0x80, $0x38;
	[tilespmem:$0x17980] =	vst v63  }
0xe8: {  	p1 =	sne.s32 s14, $0x1;
	s14 =	sadd.s32 $0xFFFFFFFF, s14;
	_ =	swait.ge [sflag:s0], $0x80  }
0xe9: {  	[sflag:s0] =	ssyncset.done $0x0  }
0xea: {  	[sflag:s0] =	ssyncadd.s32 $0xFFFFFF80  }
0xeb: {  	[tilespmem:s11], [sflag:$0x2] =	stream.linear.gather [hbm4b:s16+s2], $0x80, $0x38;
	[tilespmem:$0x17980] =	vst v63  }
0xec: {  	_ =	swait.ge [sflag:s0], $0x80  }
0xed: {  	[sflag:s0] =	ssyncset.done $0x0  }
0xee: {  	[sflag:s0] =	ssyncadd.s32 $0xFFFFFF80  }
0xef: {  	[tilespmem:s24], [sflag:$0x1] =	stream.indirect.gather [hbm4b:s23+s13], $0x80, s3, s13, $0xb8;
	[tilespmem:$0x17980] =	vst v63  }
0xf0: {  	_ =	swait.ge [sflag:s25], $0x4000  }
.Ltmp7:
0xf1: {  	[sflag:s25] =	ssyncset.done $0x0;
	(pc) =	sbr.rel @p1 .LBB2_8-.Ltmp7, $4  }
0xf2: {  	[sflag:s25] =	ssyncadd.s32 $0xFFFFC000  }
0xf3: {  	[spmem:s1] =	stream.indirect.scatter.add.f32 [tilespmem:s24], [sflag:$0x2], $0x80, s11, s13, $0xb8;
	[tilespmem:$0x17980] =	vst v63  }
0xf4: {  	_ =	swait.ge [sflag:s0], $0x4000  }
0xf5: {  	[sflag:s0] =	ssyncset.done $0x0  }
.LBB2_9:
0xf6: {  	[sflag:s0] =	ssyncadd.s32 $0xFFFFC000  }
0xf7: {  	[bflag:$0x0] =	sbarrier.arrive $0xFFFF  }
0xf8: {  	s14 =	rddreg [dreg:$0x10]  }
0xf9: {  	[hbm:s14], [sflag:s7] =	dma.local [spmem:s28], $0x2700  }
0xfa: {  	_ =	swait.ge [sflag:s0], $0x2700  }
0xfb: {  	[sflag:s0] =	ssyncset.done $0x0  }
0xfc: {  	s14 =	rddreg [dreg:$0xb];
	[sflag:s0] =	ssyncadd.s32 $0xFFFFD900  }
0xfd: {  	[hbm:s14], [sflag:s7] =	dma.local @!p0 [spmem:s10], $0x100  }
0xfe: {  	s10 =	simm.s32 @!p0 $0x2  }
0xff: {  	_ =	swait.ge @!p0 [sflag:s10], $0x100  }
0x100: {  	s26 =	sadd.s32 $0x1, s26;
	s31 =	rddreg [dreg:$0xc]  }
0x101: {  	p1 =	sne.s32 s26, s31  }
.Ltmp8:
0x102: {  	_ = 	snop;
	(pc) =	sbr.rel @p1 .LBB2_1-.Ltmp8, $3  }
0x103: {  	[sflag:s10] =	ssyncset.done @!p0 $0x0  }
0x104: {  	[sflag:s10] =	ssyncadd.s32 @!p0 $0xFFFFFF00  }
0x105: {  	[bflag:$0x0] =	sbarrier.arrive $0xFFFF;
	_ =	sdelay $0x1  }
0x106: {  	_ =	sfence.sel $0x180000  }
0x107: {  	[bflag:$0x0] =	sbarrier.arrive $0xFFFF  }
0x108: {  	_ =	strace $0x9000004D  }
0x109: {  	s0 =	stileid.u32;
	[bflag:$0x2] =	sbarrier.arrive $0xFFFF  }
0x10a: {  	p0 =	sne.s32 s0, $0x0;
	s0 =	rddreg [dreg:$0x3]  }
0x10b: {  	s0 =	sadd.s32 @!p0 $0x100000, s0  }
0x10c: {  	[sflag:s0] =	ssyncadd.tile.s32 @!p0 $0x1;
	_ =	shalt  }
.Lfunc_end2:
_tile_overlayer_lowered:
.L_overlay_start_2:
0x10d: {  	(tag) =	ssettag $0x2  }
0x10e: {  	s0 =	rddreg [dreg:$0x0];
	s2 =	stileid.u32  }
0x10f: {  	s1 =	rddreg [dreg:$0x1];
	p0 =	sne.s32 s2, $0x0  }
0x110: {  	s3 =	rddreg [dreg:$0x2];
	[bflag:$0x3] =	sbarrier.arrive $0xFFFF;
	s2 =	simm.s32 @!p0 $0x1C02  }
0x111: {  	[timem:s3], [sflag:s2] =	dma.local @!p0 [hbm:s0], s1  }
0x112: {  	s0 =	simm.s32 @!p0 $0x2  }
0x113: {  	_ =	swait.ge @!p0 [sflag:s0], s1  }
0x114: {  	s1 =	ssub.s32 @!p0 $0x0, s1;
	[sflag:s0] =	ssyncset.done @!p0 $0x0  }
0x115: {  	[sflag:s0] =	ssyncadd.s32 @!p0 s1  }
0x116: {  	[bflag:$0x3] =	sbarrier.arrive $0xFFFF  }
0x117: {  	_ =	shalt  }

// kernel: kernel.15.cloned.1.call-start
scs
__scs_entry_jumppad:
0x0: {  	(pc) =	sbr.rel $0x88, $3  }
0x1: {  	(tag) =	ssettag $0x0;
	lr =	simm.s32 $0x1  }
0x2: {  	[smem:$0x3F7F] =	sst lr;
	_ =	strace $0xD0000000  }
0x3: {  	_ = 	snop  }
0x4: {  	_ = 	snop  }
0x5: {  	_ = 	snop  }
0x6: {  	_ = 	snop  }
0x7: {  	_ = 	snop  }
__scs_overlays_trampoline_lowered:
0x8: {  	[smem:$0x3F8E] =	sst s0  }
0x9: {  	[smem:$0x3F8F] =	sst s1  }
0xa: {  	[smem:$0x3F90] =	sst s2  }
0xb: {  	[smem:$0x3F91] =	sst s3  }
0xc: {  	[smem:$0x3F92] =	sst s4  }
0xd: {  	[smem:$0x3F93] =	sst s5  }
0xe: {  	[smem:$0x3F94] =	sst s6  }
0xf: {  	[smem:$0x3F95] =	sst s7  }
0x10: {  	[smem:$0x3F96] =	sst s8  }
0x11: {  	[smem:$0x3F97] =	sst s9;
	s0 =	simm.s32 @!p0 $0x0  }
0x12: {  	s1 =	sld [smem:$0x3F7D];
	s0 =	simm.s32 @p0 $0x1  }
0x13: {  	[smem:$0x3F98] =	sst s0;
	s0 =	simm.s32 @!p1 $0x0  }
0x14: {  	s2 =	sld [smem:$0x3F7C];
	s0 =	simm.s32 @p1 $0x1  }
0x15: {  	[smem:$0x3F99] =	sst s0;
	s0 =	simm.s32 @!p2 $0x0  }
0x16: {  	s3 =	sld [smem:$0x3FDB];
	s0 =	simm.s32 @p2 $0x1  }
0x17: {  	s4 =	simm.s32 $0x1BF5;
	[smem:$0x3F9B] =	sst s0  }
0x18: {  	s0 =	sld [smem:$0x3F7E];
	_ =	swait.ge [sflag:s4], $0x0  }
0x19: {  	s7 =	sld [smem:$0x3F7F]  }
0x1a: {  	s8 =	sadd.s32 $0xFFFFE003, lr  }
0x1b: {  	s9 =	sadd.s32 $0xFFFFFEF7, lr;
	s5 =	simm.s32 $0xFFFFFFFF;
	p2 =	slt.u32 s8, $0xFFFFF086  }
0x1c: {  	p1 =	slt.u32 s9, $0xF7A;
	s5 =	simm.s32 @!p2 $0x0  }
0x1d: {  	s5 =	simm.s32 @p1 $0x1;
	p0 =	seq.s32 s7, s2  }
0x1e: {  	s7 =	smul.u32 @!p0 $0xF7A, s2;
	p2 =	seq.s32 @!p0 s5, $0x0  }
0x1f: {  	s9 =	smul.u32 $0xF7A, s1;
	s8 =	simm.s32 @!p0 $0x1BF5;
	p2 =	por !p2, p0  }
0x20: {  	[sflag:s8] =	ssyncset.s32 @!p0 $0xFFFFF086;
	s6 =	sadd.s32 @!p0 s3, s7;
	s7 =	simm.s32 @!p0 $0x108  }
0x21: {  	s3 =	sadd.s32 s3, s9;
	s6 =	sadd.s32 @!p0 $0x88, s6;
	s7 =	simm.s32 @p2 $0x1082  }
0x22: {  	[simem:s7], [sflag:s8] =	dma.local @!p0 [hbm:s6], $0xF7A  }
0x23: {  	s9 =	sor.u32 $0xD0000000, s2;
	s6 =	simm.s32 $0x108;
	_ =	swait.ge @!p0 [sflag:s8], $0x0  }
0x24: {  	s3 =	sadd.s32 $0x88, s3;
	s6 =	simm.s32 @!p1 $0x1082;
	[sflag:s4] =	ssyncset.s32 $0xFFFFF086  }
0x25: {  	[simem:s6], [sflag:s4] =	dma.local [hbm:s3], $0xF7A  }
0x26: {  	[smem:$0x3F7F] =	sst s1;
	(tag) =	ssettag s2;
	_ =	strace s9  }
0x27: {  	s1 =	sld [smem:$0x3F8F]  }
0x28: {  	s2 =	sld [smem:$0x3F90]  }
0x29: {  	s4 =	sld [smem:$0x3F92]  }
0x2a: {  	p0 =	seq.s32 s5, $0x0;
	s5 =	sld [smem:$0x3F93]  }
0x2b: {  	s6 =	sld [smem:$0x3F94]  }
0x2c: {  	s7 =	sld [smem:$0x3F95]  }
0x2d: {  	s3 =	simm.s32 $0x108;
	s8 =	sld [smem:$0x3F96]  }
0x2e: {  	s3 =	simm.s32 @!p0 $0x1082;
	s9 =	sld [smem:$0x3F97]  }
0x2f: {  	lr =	sadd.s32 s0, s3;
	s0 =	sld [smem:$0x3F8E]  }
0x30: {  	s3 =	sld [smem:$0x3F91]  }
0x31: {  	[smem:$0x3F9A] =	sst s10  }
0x32: {  	s10 =	sld [smem:$0x3F98];
	_ =	sdelay $0x3  }
0x33: {  	p0 =	seq.s32 s10, $0x1;
	s10 =	sld [smem:$0x3F9A];
	_ =	sdelay $0x3  }
0x34: {  	[smem:$0x3F9A] =	sst s10  }
0x35: {  	s10 =	sld [smem:$0x3F99];
	_ =	sdelay $0x3  }
0x36: {  	p1 =	seq.s32 s10, $0x1;
	s10 =	sld [smem:$0x3F9A];
	_ =	sdelay $0x3  }
0x37: {  	[smem:$0x3F9A] =	sst s10  }
0x38: {  	s10 =	sld [smem:$0x3F9B]  }
0x39: {  	_ = 	snop;
	(pc) =	sbr.ind lr, $3  }
0x3a: {  	_ = 	snop  }
0x3b: {  	_ = 	snop  }
0x3c: {  	p2 =	seq.s32 s10, $0x1;
	s10 =	sld [smem:$0x3F9A]  }
0x3d: {  	_ =	shalt  }
0x3e: {  	_ =	shalt  }
0x3f: {  	_ =	shalt  }
0x40: {  	_ =	shalt  }
0x41: {  	_ =	shalt  }
0x42: {  	_ =	shalt  }
0x43: {  	_ =	shalt  }
0x44: {  	_ =	shalt  }
0x45: {  	_ =	shalt  }
0x46: {  	_ =	shalt  }
0x47: {  	_ =	shalt  }
0x48: {  	_ =	shalt  }
0x49: {  	_ =	shalt  }
0x4a: {  	_ =	shalt  }
0x4b: {  	_ =	shalt  }
0x4c: {  	_ =	shalt  }
0x4d: {  	_ =	shalt  }
0x4e: {  	_ =	shalt  }
0x4f: {  	_ =	shalt  }
0x50: {  	_ =	shalt  }
0x51: {  	_ =	shalt  }
0x52: {  	_ =	shalt  }
0x53: {  	_ =	shalt  }
0x54: {  	_ =	shalt  }
0x55: {  	_ =	shalt  }
0x56: {  	_ =	shalt  }
0x57: {  	_ =	shalt  }
0x58: {  	_ =	shalt  }
0x59: {  	_ =	shalt  }
0x5a: {  	_ =	shalt  }
0x5b: {  	_ =	shalt  }
0x5c: {  	_ =	shalt  }
0x5d: {  	_ =	shalt  }
0x5e: {  	_ =	shalt  }
0x5f: {  	_ =	shalt  }
0x60: {  	_ =	shalt  }
0x61: {  	_ =	shalt  }
0x62: {  	_ =	shalt  }
0x63: {  	_ =	shalt  }
0x64: {  	_ =	shalt  }
0x65: {  	_ =	shalt  }
0x66: {  	_ =	shalt  }
0x67: {  	_ =	shalt  }
0x68: {  	_ =	shalt  }
0x69: {  	_ =	shalt  }
0x6a: {  	_ =	shalt  }
0x6b: {  	_ =	shalt  }
0x6c: {  	_ =	shalt  }
0x6d: {  	_ =	shalt  }
0x6e: {  	_ =	shalt  }
0x6f: {  	_ =	shalt  }
0x70: {  	_ =	shalt  }
0x71: {  	_ =	shalt  }
0x72: {  	_ =	shalt  }
0x73: {  	_ =	shalt  }
0x74: {  	_ =	shalt  }
0x75: {  	_ =	shalt  }
0x76: {  	_ =	shalt  }
0x77: {  	_ =	shalt  }
0x78: {  	_ =	shalt  }
0x79: {  	_ =	shalt  }
0x7a: {  	_ =	shalt  }
0x7b: {  	_ =	shalt  }
0x7c: {  	_ =	shalt  }
0x7d: {  	_ =	shalt  }
0x7e: {  	_ =	shalt  }
0x7f: {  	_ =	shalt  }
0x80: {  	_ =	shalt  }
0x81: {  	_ =	shalt  }
0x82: {  	_ =	shalt  }
0x83: {  	_ =	shalt  }
0x84: {  	_ =	shalt  }
0x85: {  	_ =	shalt  }
0x86: {  	_ =	shalt  }
0x87: {  	_ =	shalt  }
.Lfunc_end0:
.L_simem_size_0:
called_computation.3_lowered:
.L_overlay_start_0:
0x88: {  	s2 =	sld [smem:$0x3FD9]  }
0x89: {  	s3 =	sld [smem:$0x3FFE];
	_ =	sdelay $0x1  }
0x8a: {  	s1 =	srdreg.scid  }
0x8b: {  	s0 =	sand.u32 $0x1, s1  }
0x8c: {  	s17 =	sshll.u32 s0, $0xA;
	s2 =	sadd.s32 s3, s2  }
0x8d: {  	s2 =	sadd.s32 s2, s17  }
0x8e: {  	[smem:$0x3FA6] =	sst s2  }
0x8f: {  	_ = 	snop  }
0x90: {  	s2 =	sld [smem:$0x3FD0];
	(tm) =	ssettm $0x1  }
0x91: {  	s18 =	sld [smem:$0x3FFB];
	_ =	sdelay $0x3  }
0x92: {  	_ =	strace s18  }
0x93: {  	s3 =	sld [smem:$0x3FFC];
	_ =	sdelay $0x3  }
0x94: {  	_ =	strace s3  }
0x95: {  	s3 =	sld [smem:$0x3FFD];
	_ =	sdelay $0x3  }
0x96: {  	_ =	strace s3  }
0x97: {  	_ =	strace $0x8FFFFFFF  }
0x98: {  	s19 =	sld [smem:$0x3FDB];
	_ =	sdelay $0x1  }
0x99: {  	s4 =	simm.s32 $_scs_section_size  }
0x9a: {  	s5 =	simm.s32 $_size__tile_overlayer_lowered;
	s6 =	simm.s32 $_tile_overlayer_lowered  }
0x9b: {  	s22 =	simm.s32 $0x1BFF;
	s21 =	sshll.u32 s6, $0x1;
	s3 =	sadd.s32 s4, s19  }
0x9c: {  	s7 =	simm.s32 $0x0;
	s20 =	sshll.u32 s5, $0x1;
	s5 =	sadd.s32 s21, s3  }
0x9d: {  	[timem:s7], [sflag:s22] =	dma.local [hbm:s5], s20  }
0x9e: {  	_ =	swait.ge [sflag:s22], s20  }
0x9f: {  	s4 =	ssub.s32 $0x0, s20;
	[sflag:s22] =	ssyncset.done $0x0  }
0xa0: {  	[sflag:s22] =	ssyncadd.s32 s4;
	_ =	sdelay $0x1  }
0xa1: {  	s23 =	simm.s32 $0x1B8B  }
0xa2: {  	_ =	swait.ge [sflag:s23], $0x1  }
0xa3: {  	[sflag:s23] =	ssyncset.done $0x0  }
0xa4: {  	s25 =	simm.s32 $0x1B8E;
	s24 =	sld [smem:$0x3FFE];
	[sflag:s23] =	ssyncadd.s32 $0xFFFFFFFF  }
0xa5: {  	s26 =	simm.s32 $execute0_lowered;
	[smem:$0x3FD2] =	sst s25  }
0xa6: {  	s5 =	sshll.u32 s26, $0x1;
	_ =	strace $0x8000004F;
	[dreg:$0x1] =	wrdreg $0xFFFFFFFF  }
0xa7: {  	s28 =	simm.s32 $_size_execute0_lowered;
	s3 =	sadd.s32 s3, s5;
	[dreg:$0x0] =	wrdreg $0x0  }
0xa8: {  	s5 =	sshll.u32 s28, $0x1;
	[dreg:$0x2] =	wrdreg s3  }
0xa9: {  	[dreg:$0x3] =	wrdreg s5  }
0xaa: {  	[dreg:$0x4] =	wrdreg $0xC0  }
0xab: {  	_ =	task [dreg:s7], $0x5FFFF  }
0xac: {  	[dreg:$0x1] =	wrdreg $0xFFFFFFFF  }
0xad: {  	[dreg:$0x0] =	wrdreg $0x60  }
0xae: {  	[dreg:$0x2] =	wrdreg s24  }
0xaf: {  	[dreg:$0x3] =	wrdreg s2  }
0xb0: {  	[dreg:$0x4] =	wrdreg $0x0  }
0xb1: {  	[dreg:$0x5] =	wrdreg $0x9  }
0xb2: {  	_ =	task.clear_ibuf [dreg:s7], $0x6FFFF;
	_ =	strace $0x9000004F  }
0xb3: {  	s29 =	simm.s32 $0x9;
	_ =	strace $0x80000051  }
0xb4: {  	_ =	swait.ge [sflag:s29], $0x1  }
0xb5: {  	[sflag:s29] =	ssyncadd.s32 $0xFFFFFFFF  }
0xb6: {  	_ =	strace $0x90000051  }
0xb7: {  	_ =	sfence  }
0xb8: {  	s30 =	sld [smem:$0x0];
	_ =	sdelay $0x2  }
0xb9: {  	s31 =	sshll.u32 s1, $0xD;
	s1 =	sshrl.u32 s1, $0x2  }
0xba: {  	s3 =	sand.u32 $0x4000, s31;
	s1 =	sadd.s32 s1, s30  }
0xbb: {  	s0 =	sor.u32 s3, s0;
	s1 =	sshll.u32 s1, $0x11  }
0xbc: {  	s0 =	sor.u32 s1, s0  }
0xbd: {  	s0 =	sadd.s32 $0x8F2B, s0  }
0xbe: {  	[sflag:s0] =	ssyncadd.remote.s32 $0x1  }
0xbf: {  	_ =	sfence.sel $0xFFFF  }
0xc0: {  	[dreg:$0x0] =	wrdreg $0xFFFFFFFF;
	(pc) =	sbr.abs _section_cstart, $3  }
0xc1: {  	[dreg:$0x1] =	wrdreg $0xFFFFFFFF  }
0xc2: {  	_ =	task.clear_ibuf [dreg:s7], $0x2FFFF;
	_ =	strace $0x9FFFFFFF  }
0xc3: {  	(tm) =	ssettm $0x7FFFFFFF  }
tec
execute0_lowered:
.L_overlay_start_1:
0x0: {  	(tag) =	ssettag $0x1  }
0x1: {  	s0 =	rddreg [dreg:$0x0]  }
0x2: {  	s3 =	rddreg [dreg:$0x1]  }
0x3: {  	s1 =	rddreg [dreg:$0x2];
	s2 =	simm.s32 $0x0;
	s4 =	srdreg.scid  }
0x4: {  	s24 =	stileid.u32;
	[smem:$0x7FF] =	sst s2;
	s10 =	sadd.s32 $0x167200, s0  }
0x5: {  	s11 =	sadd.s32 $0xB7400, s0;
	s7 =	sand.u32 $0x1, s4;
	s8 =	smul.u32 $0x4E000, s24  }
0x6: {  	s13 =	sadd.s32 $0x6E00, s0;
	s0 =	sadd.s32 $0x474600, s0;
	s9 =	smul.u32 $0x13800, s24  }
0x7: {  	p0 =	slt.u32 s24, $0x2;
	s4 =	simm.s32 $0x4F;
	s21 =	smul.u32 $0x4E0, s24  }
0x8: {  	s19 =	sshll.u32 s24, $0x6;
	s22 =	smin.u32 s24, $0x2;
	s16 =	smul.u32 $0x2700, s24  }
0x9: {  	_ =	strace $0x80000050;
	s5 =	ssub.s32 $0x2, s7;
	s12 =	smul.u32 $0x4E2000, s7  }
0xa: {  	s4 =	simm.s32 @!p0 $0x4E;
	s15 =	smul.u32 $0x9C400, s7;
	s7 =	sor.u32 $0x1C02, s19  }
0xb: {  	p0 =	sne.s32 s24, $0xF;
	s24 =	simm.s32 $0x13880;
	s6 =	sshrl.u32 s5, $0x1  }
0xc: {  	s17 =	sshrl.u32 s8, $0x2;
	s18 =	sshrl.u32 s9, $0x3;
	s8 =	sadd.s32 $0x27000, s3  }
0xd: {  	s26 =	sadd.s32 s21, s13;
	s14 =	ssub.s32 s5, s6;
	s5 =	sadd.s32 s17, s1  }
0xe: {  	s6 =	sadd.s32 s3, s18;
	s20 =	sadd.s32 s9, s12;
	s9 =	sadd.s32 s10, s15  }
0xf: {  	s12 =	sshrl.u32 s12, $0x3;
	s17 =	sshll.u32 s22, $0x7;
	s15 =	sshll.u32 s22, $0x4  }
0x10: {  	s3 =	sshrl.u32 s20, $0x3;
	s10 =	sadd.s32 s10, s12;
	s16 =	sadd.s32 s17, s16  }
0x11: {  	s25 =	sadd.s32 s0, s3;
	s0 =	sadd.s32 s0, s12;
	s12 =	sadd.s32 $0x27100, s10  }
0x12: {  	s3 =	sadd.s32 s21, s11;
	s17 =	sadd.s32 $0x27100, s16;
	s30 =	sadd.s32 $0x4E200, s16  }
0x13: {  	s16 =	sadd.s32 $0x75300, s16;
	s22 =	sadd.s32 $0x4E200, s10;
	s23 =	sadd.s32 $0x27000, s0  }
0x14: {  	s18 =	sadd.s32 $0x4E100, s0;
	s3 =	sadd.s32 s15, s3;
	[dreg:$0x4] =	wrdreg s25  }
0x15: {  	s28 =	sshrl.u32 s17, $0x3;
	s31 =	sshrl.u32 s30, $0x3;
	[dreg:$0x5] =	wrdreg s23  }
0x16: {  	s16 =	sshrl.u32 s16, $0x3;
	s17 =	sadd.s32 $0x75200, s0;
	[dreg:$0x6] =	wrdreg s18  }
0x17: {  	s0 =	sadd.s32 $0x9C300, s0;
	s30 =	sadd.s32 $0x4E200, s25;
	[dreg:$0x8] =	wrdreg s3  }
0x18: {  	s18 =	sadd.s32 s15, s26;
	s29 =	sadd.s32 s28, s13;
	[dreg:$0xa] =	wrdreg s17  }
0x19: {  	s15 =	sadd.s32 s28, s11;
	s19 =	sadd.s32 s31, s11;
	[dreg:$0xb] =	wrdreg s0  }
0x1a: {  	s20 =	sadd.s32 s16, s13;
	s21 =	sadd.s32 s16, s11;
	[dreg:$0xf] =	wrdreg s30  }
0x1b: {  	s23 =	sadd.s32 $0x75300, s10;
	s26 =	smax.u32 s14, $0x1;
	[dreg:$0x7] =	wrdreg s18  }
0x1c: {  	s28 =	sadd.s32 $0x138000, s1;
	s0 =	simm.s32 $0x2;
	[dreg:$0x9] =	wrdreg s29  }
0x1d: {  	s3 =	simm.s32 $0x17880;
	s11 =	simm.s32 $0x17900;
	[dreg:$0xc] =	wrdreg s26  }
0x1e: {  	s18 =	sadd.s32 s31, s13;
	[dreg:$0xd] =	wrdreg s28;
	s29 =	sadd.s32 $0x27100, s25  }
0x1f: {  	s31 =	sadd.s32 $0x75300, s25;
	s13 =	simm.s32 $0x80;
	[dreg:$0xe] =	wrdreg s29  }
0x20: {  	s25 =	simm.s32 $0x1;
	s26 =	simm.s32 $0x0;
	[dreg:$0x10] =	wrdreg s31  }
.LBB2_1:
0x21: {  	s28 =	sshrl.u32 s5, $0x3  }
0x22: {  	[spmem:s28], [sflag:s7] =	dma.local [hbm:s6], $0x2700  }
0x23: {  	_ =	swait.ge [sflag:s0], $0x2700  }
0x24: {  	[sflag:s0] =	ssyncset.done $0x0;
	s10 =	rddreg [dreg:$0xd]  }
0x25: {  	s31 =	simm.s32 @!p0 $0x2;
	[sflag:s0] =	ssyncadd.s32 $0xFFFFD900;
	s10 =	sshrl.u32 @!p0 s10, $0x3  }
0x26: {  	[spmem:s10], [sflag:s7] =	dma.local @!p0 [hbm:s8], $0x100  }
0x27: {  	_ =	swait.ge @!p0 [sflag:s31], $0x100  }
0x28: {  	[sflag:s31] =	ssyncset.done @!p0 $0x0  }
0x29: {  	[sflag:s31] =	ssyncadd.s32 @!p0 $0xFFFFFF00  }
0x2a: {  	[bflag:$0x0] =	sbarrier.arrive $0xFFFF  }
0x2b: {  	s16 =	rddreg [dreg:$0x8]  }
0x2c: {  	[tilespmem:s3], [sflag:$0x2] =	stream.linear.gather [hbm4b:s16+s2], $0x80, $0x38;
	[tilespmem:$0x17980] =	vst v63  }
0x2d: {  	_ =	swait.ge [sflag:s0], $0x80  }
0x2e: {  	[sflag:s0] =	ssyncset.done $0x0  }
0x2f: {  	s29 =	rddreg [dreg:$0x7];
	[sflag:s0] =	ssyncadd.s32 $0xFFFFFF80  }
0x30: {  	[tilespmem:s11], [sflag:$0x2] =	stream.linear.gather [hbm4b:s29+s2], $0x80, $0x38;
	[tilespmem:$0x17980] =	vst v63  }
0x31: {  	_ =	swait.ge [sflag:s0], $0x80  }
0x32: {  	[sflag:s0] =	ssyncset.done $0x0  }
0x33: {  	[sflag:s0] =	ssyncadd.s32 $0xFFFFFF80  }
0x34: {  	[tilespmem:s24], [sflag:$0x1] =	stream.indirect.gather [hbm4b:s9+s13], $0x80, s3, s13, $0xb8;
	[tilespmem:$0x17980] =	vst v63  }
0x35: {  	p1 =	sne.s32 s4, $0x1;
	_ =	swait.ge [sflag:s25], $0x4000  }
.Ltmp0:
0x36: {  	[sflag:s25] =	ssyncset.done $0x0;
	(pc) =	sbr.rel @!p1 .LBB2_3-.Ltmp0, $4  }
0x37: {  	[sflag:s25] =	ssyncadd.s32 $0xFFFFC000  }
0x38: {  	[spmem:s1] =	stream.indirect.scatter.add.f32 [tilespmem:s24], [sflag:$0x2], $0x80, s11, s13, $0xb8;
	[tilespmem:$0x17980] =	vst v63  }
0x39: {  	_ =	swait.ge [sflag:s0], $0x4000  }
0x3a: {  	s14 =	sadd.s32 $0xFFFFFFFF, s4;
	[sflag:s0] =	ssyncset.done $0x0  }
.LBB2_2:
0x3b: {  	[sflag:s0] =	ssyncadd.s32 $0xFFFFC000;
	s29 =	sadd.s32 $0x10, s29;
	s16 =	sadd.s32 $0x10, s16  }
0x3c: {  	[tilespmem:s3], [sflag:$0x2] =	stream.linear.gather [hbm4b:s16+s2], $0x80, $0x38;
	[tilespmem:$0x17980] =	vst v63  }
0x3d: {  	p2 =	sne.s32 s14, $0x1;
	s14 =	sadd.s32 $0xFFFFFFFF, s14;
	_ =	swait.ge [sflag:s0], $0x80  }
0x3e: {  	[sflag:s0] =	ssyncset.done $0x0  }
0x3f: {  	[sflag:s0] =	ssyncadd.s32 $0xFFFFFF80  }
0x40: {  	[tilespmem:s11], [sflag:$0x2] =	stream.linear.gather [hbm4b:s29+s2], $0x80, $0x38;
	[tilespmem:$0x17980] =	vst v63  }
0x41: {  	_ =	swait.ge [sflag:s0], $0x80  }
0x42: {  	[sflag:s0] =	ssyncset.done $0x0  }
0x43: {  	[sflag:s0] =	ssyncadd.s32 $0xFFFFFF80  }
0x44: {  	[tilespmem:s24], [sflag:$0x1] =	stream.indirect.gather [hbm4b:s9+s13], $0x80, s3, s13, $0xb8;
	[tilespmem:$0x17980] =	vst v63  }
0x45: {  	_ =	swait.ge [sflag:s25], $0x4000  }
.Ltmp1:
0x46: {  	[sflag:s25] =	ssyncset.done $0x0;
	(pc) =	sbr.rel @p2 .LBB2_2-.Ltmp1, $4  }
0x47: {  	[sflag:s25] =	ssyncadd.s32 $0xFFFFC000  }
0x48: {  	[spmem:s1] =	stream.indirect.scatter.add.f32 [tilespmem:s24], [sflag:$0x2], $0x80, s11, s13, $0xb8;
	[tilespmem:$0x17980] =	vst v63  }
0x49: {  	_ =	swait.ge [sflag:s0], $0x4000  }
0x4a: {  	[sflag:s0] =	ssyncset.done $0x0  }
.LBB2_3:
0x4b: {  	[sflag:s0] =	ssyncadd.s32 $0xFFFFC000  }
0x4c: {  	[bflag:$0x0] =	sbarrier.arrive $0xFFFF  }
0x4d: {  	s14 =	rddreg [dreg:$0x4]  }
0x4e: {  	[hbm:s14], [sflag:s7] =	dma.local [spmem:s28], $0x2700  }
0x4f: {  	_ =	swait.ge [sflag:s0], $0x2700  }
0x50: {  	[sflag:s0] =	ssyncset.done $0x0  }
0x51: {  	[sflag:s0] =	ssyncadd.s32 $0xFFFFD900  }
0x52: {  	s29 =	sshrl.u32 @p0 s5, $0x3;
	s14 =	simm.s32 @p0 $0x2;
	[bflag:$0x0] =	sbarrier.arrive @p0 $0xFFFF  }
0x53: {  	[spmem:s29], [sflag:s7] =	dma.local @p0 [hbm:s6], $0x2700  }
0x54: {  	_ =	swait.ge @p0 [sflag:s14], $0x2700  }
0x55: {  	[sflag:s14] =	ssyncset.done @p0 $0x0  }
0x56: {  	s16 =	rddreg [dreg:$0x5];
	[sflag:s14] =	ssyncadd.s32 @p0 $0xFFFFD900  }
0x57: {  	[hbm:s16], [sflag:s7] =	dma.local @!p0 [spmem:s10], $0x100  }
0x58: {  	_ =	swait.ge @!p0 [sflag:s31], $0x100  }
0x59: {  	[sflag:s31] =	ssyncset.done @!p0 $0x0  }
0x5a: {  	[sflag:s31] =	ssyncadd.s32 @!p0 $0xFFFFFF00  }
0x5b: {  	s30 =	sshrl.u32 @!p0 s5, $0x3;
	[bflag:$0x0] =	sbarrier.arrive @!p0 $0xFFFF  }
0x5c: {  	[spmem:s30], [sflag:s7] =	dma.local @!p0 [hbm:s6], $0x2700  }
0x5d: {  	_ =	swait.ge @!p0 [sflag:s31], $0x2700  }
0x5e: {  	[sflag:s31] =	ssyncset.done @!p0 $0x0  }
0x5f: {  	[sflag:s31] =	ssyncadd.s32 @!p0 $0xFFFFD900  }
0x60: {  	[spmem:s10], [sflag:s7] =	dma.local @!p0 [hbm:s8], $0x100  }
0x61: {  	_ =	swait.ge @!p0 [sflag:s31], $0x100  }
0x62: {  	[sflag:s31] =	ssyncset.done @!p0 $0x0  }
0x63: {  	[sflag:s31] =	ssyncadd.s32 @!p0 $0xFFFFFF00  }
0x64: {  	[bflag:$0x0] =	sbarrier.arrive $0xFFFF  }
0x65: {  	[tilespmem:s3], [sflag:$0x2] =	stream.linear.gather [hbm4b:s15+s2], $0x80, $0x38;
	[tilespmem:$0x17980] =	vst v63  }
0x66: {  	_ =	swait.ge [sflag:s0], $0x80  }
0x67: {  	[sflag:s0] =	ssyncset.done $0x0  }
0x68: {  	s16 =	rddreg [dreg:$0x9];
	[sflag:s0] =	ssyncadd.s32 $0xFFFFFF80  }
0x69: {  	[tilespmem:s11], [sflag:$0x2] =	stream.linear.gather [hbm4b:s16+s2], $0x80, $0x38;
	[tilespmem:$0x17980] =	vst v63  }
0x6a: {  	_ =	swait.ge [sflag:s0], $0x80  }
0x6b: {  	[sflag:s0] =	ssyncset.done $0x0  }
0x6c: {  	[sflag:s0] =	ssyncadd.s32 $0xFFFFFF80  }
0x6d: {  	[tilespmem:s24], [sflag:$0x1] =	stream.indirect.gather [hbm4b:s12+s13], $0x80, s3, s13, $0xb8;
	[tilespmem:$0x17980] =	vst v63  }
0x6e: {  	_ =	swait.ge [sflag:s25], $0x4000  }
.Ltmp2:
0x6f: {  	[sflag:s25] =	ssyncset.done $0x0;
	(pc) =	sbr.rel @!p1 .LBB2_5-.Ltmp2, $4  }
0x70: {  	[sflag:s25] =	ssyncadd.s32 $0xFFFFC000  }
0x71: {  	[spmem:s1] =	stream.indirect.scatter.add.f32 [tilespmem:s24], [sflag:$0x2], $0x80, s11, s13, $0xb8;
	[tilespmem:$0x17980] =	vst v63  }
0x72: {  	_ =	swait.ge [sflag:s0], $0x4000  }
0x73: {  	s17 =	smov.u32 s15;
	s31 =	sadd.s32 $0xFFFFFFFF, s4;
	[sflag:s0] =	ssyncset.done $0x0  }
.LBB2_4:
0x74: {  	[sflag:s0] =	ssyncadd.s32 $0xFFFFC000;
	s16 =	sadd.s32 $0x10, s16;
	s17 =	sadd.s32 $0x10, s17  }
0x75: {  	[tilespmem:s3], [sflag:$0x2] =	stream.linear.gather [hbm4b:s17+s2], $0x80, $0x38;
	[tilespmem:$0x17980] =	vst v63  }
0x76: {  	p2 =	sne.s32 s31, $0x1;
	s31 =	sadd.s32 $0xFFFFFFFF, s31;
	_ =	swait.ge [sflag:s0], $0x80  }
0x77: {  	[sflag:s0] =	ssyncset.done $0x0  }
0x78: {  	[sflag:s0] =	ssyncadd.s32 $0xFFFFFF80  }
0x79: {  	[tilespmem:s11], [sflag:$0x2] =	stream.linear.gather [hbm4b:s16+s2], $0x80, $0x38;
	[tilespmem:$0x17980] =	vst v63  }
0x7a: {  	_ =	swait.ge [sflag:s0], $0x80  }
0x7b: {  	[sflag:s0] =	ssyncset.done $0x0  }
0x7c: {  	[sflag:s0] =	ssyncadd.s32 $0xFFFFFF80  }
0x7d: {  	[tilespmem:s24], [sflag:$0x1] =	stream.indirect.gather [hbm4b:s12+s13], $0x80, s3, s13, $0xb8;
	[tilespmem:$0x17980] =	vst v63  }
0x7e: {  	_ =	swait.ge [sflag:s25], $0x4000  }
.Ltmp3:
0x7f: {  	[sflag:s25] =	ssyncset.done $0x0;
	(pc) =	sbr.rel @p2 .LBB2_4-.Ltmp3, $4  }
0x80: {  	[sflag:s25] =	ssyncadd.s32 $0xFFFFC000  }
0x81: {  	[spmem:s1] =	stream.indirect.scatter.add.f32 [tilespmem:s24], [sflag:$0x2], $0x80, s11, s13, $0xb8;
	[tilespmem:$0x17980] =	vst v63  }
0x82: {  	_ =	swait.ge [sflag:s0], $0x4000  }
0x83: {  	[sflag:s0] =	ssyncset.done $0x0  }
.LBB2_5:
0x84: {  	[sflag:s0] =	ssyncadd.s32 $0xFFFFC000  }
0x85: {  	[bflag:$0x0] =	sbarrier.arrive $0xFFFF  }
0x86: {  	s16 =	rddreg [dreg:$0xe]  }
0x87: {  	[hbm:s16], [sflag:s7] =	dma.local [spmem:s28], $0x2700  }
0x88: {  	_ =	swait.ge [sflag:s0], $0x2700  }
0x89: {  	[sflag:s0] =	ssyncset.done $0x0  }
0x8a: {  	[sflag:s0] =	ssyncadd.s32 $0xFFFFD900  }
0x8b: {  	[bflag:$0x0] =	sbarrier.arrive @p0 $0xFFFF  }
0x8c: {  	[spmem:s29], [sflag:s7] =	dma.local @p0 [hbm:s6], $0x2700  }
0x8d: {  	_ =	swait.ge @p0 [sflag:s14], $0x2700  }
0x8e: {  	[sflag:s14] =	ssyncset.done @p0 $0x0  }
0x8f: {  	s31 =	simm.s32 @!p0 $0x2;
	[sflag:s14] =	ssyncadd.s32 @p0 $0xFFFFD900;
	s14 =	rddreg [dreg:$0x6]  }
0x90: {  	[hbm:s14], [sflag:s7] =	dma.local @!p0 [spmem:s10], $0x100  }
0x91: {  	_ =	swait.ge @!p0 [sflag:s31], $0x100  }
0x92: {  	[sflag:s31] =	ssyncset.done @!p0 $0x0  }
0x93: {  	[sflag:s31] =	ssyncadd.s32 @!p0 $0xFFFFFF00  }
0x94: {  	[bflag:$0x0] =	sbarrier.arrive @!p0 $0xFFFF  }
0x95: {  	[spmem:s30], [sflag:s7] =	dma.local @!p0 [hbm:s6], $0x2700  }
0x96: {  	_ =	swait.ge @!p0 [sflag:s31], $0x2700  }
0x97: {  	[sflag:s31] =	ssyncset.done @!p0 $0x0  }
0x98: {  	[sflag:s31] =	ssyncadd.s32 @!p0 $0xFFFFD900  }
0x99: {  	[spmem:s10], [sflag:s7] =	dma.local @!p0 [hbm:s8], $0x100  }
0x9a: {  	_ =	swait.ge @!p0 [sflag:s31], $0x100  }
0x9b: {  	[sflag:s31] =	ssyncset.done @!p0 $0x0  }
0x9c: {  	[sflag:s31] =	ssyncadd.s32 @!p0 $0xFFFFFF00  }
0x9d: {  	[bflag:$0x0] =	sbarrier.arrive $0xFFFF  }
0x9e: {  	[tilespmem:s3], [sflag:$0x2] =	stream.linear.gather [hbm4b:s19+s2], $0x80, $0x38;
	[tilespmem:$0x17980] =	vst v63  }
0x9f: {  	_ =	swait.ge [sflag:s0], $0x80  }
0xa0: {  	[sflag:s0] =	ssyncset.done $0x0  }
0xa1: {  	[sflag:s0] =	ssyncadd.s32 $0xFFFFFF80  }
0xa2: {  	[tilespmem:s11], [sflag:$0x2] =	stream.linear.gather [hbm4b:s18+s2], $0x80, $0x38;
	[tilespmem:$0x17980] =	vst v63  }
0xa3: {  	_ =	swait.ge [sflag:s0], $0x80  }
0xa4: {  	[sflag:s0] =	ssyncset.done $0x0  }
0xa5: {  	[sflag:s0] =	ssyncadd.s32 $0xFFFFFF80  }
0xa6: {  	[tilespmem:s24], [sflag:$0x1] =	stream.indirect.gather [hbm4b:s22+s13], $0x80, s3, s13, $0xb8;
	[tilespmem:$0x17980] =	vst v63  }
0xa7: {  	_ =	swait.ge [sflag:s25], $0x4000  }
.Ltmp4:
0xa8: {  	[sflag:s25] =	ssyncset.done $0x0;
	(pc) =	sbr.rel @!p1 .LBB2_7-.Ltmp4, $4  }
0xa9: {  	[sflag:s25] =	ssyncadd.s32 $0xFFFFC000  }
0xaa: {  	[spmem:s1] =	stream.indirect.scatter.add.f32 [tilespmem:s24], [sflag:$0x2], $0x80, s11, s13, $0xb8;
	[tilespmem:$0x17980] =	vst v63  }
0xab: {  	s17 =	smov.u32 s19;
	_ =	swait.ge [sflag:s0], $0x4000  }
0xac: {  	s16 =	smov.u32 s18;
	s14 =	sadd.s32 $0xFFFFFFFF, s4;
	[sflag:s0] =	ssyncset.done $0x0  }
.LBB2_6:
0xad: {  	[sflag:s0] =	ssyncadd.s32 $0xFFFFC000;
	s16 =	sadd.s32 $0x10, s16;
	s17 =	sadd.s32 $0x10, s17  }
0xae: {  	[tilespmem:s3], [sflag:$0x2] =	stream.linear.gather [hbm4b:s17+s2], $0x80, $0x38;
	[tilespmem:$0x17980] =	vst v63  }
0xaf: {  	p2 =	sne.s32 s14, $0x1;
	s14 =	sadd.s32 $0xFFFFFFFF, s14;
	_ =	swait.ge [sflag:s0], $0x80  }
0xb0: {  	[sflag:s0] =	ssyncset.done $0x0  }
0xb1: {  	[sflag:s0] =	ssyncadd.s32 $0xFFFFFF80  }
0xb2: {  	[tilespmem:s11], [sflag:$0x2] =	stream.linear.gather [hbm4b:s16+s2], $0x80, $0x38;
	[tilespmem:$0x17980] =	vst v63  }
0xb3: {  	_ =	swait.ge [sflag:s0], $0x80  }
0xb4: {  	[sflag:s0] =	ssyncset.done $0x0  }
0xb5: {  	[sflag:s0] =	ssyncadd.s32 $0xFFFFFF80  }
0xb6: {  	[tilespmem:s24], [sflag:$0x1] =	stream.indirect.gather [hbm4b:s22+s13], $0x80, s3, s13, $0xb8;
	[tilespmem:$0x17980] =	vst v63  }
0xb7: {  	_ =	swait.ge [sflag:s25], $0x4000  }
.Ltmp5:
0xb8: {  	[sflag:s25] =	ssyncset.done $0x0;
	(pc) =	sbr.rel @p2 .LBB2_6-.Ltmp5, $4  }
0xb9: {  	[sflag:s25] =	ssyncadd.s32 $0xFFFFC000  }
0xba: {  	[spmem:s1] =	stream.indirect.scatter.add.f32 [tilespmem:s24], [sflag:$0x2], $0x80, s11, s13, $0xb8;
	[tilespmem:$0x17980] =	vst v63  }
0xbb: {  	_ =	swait.ge [sflag:s0], $0x4000  }
0xbc: {  	[sflag:s0] =	ssyncset.done $0x0  }
.LBB2_7:
0xbd: {  	[sflag:s0] =	ssyncadd.s32 $0xFFFFC000  }
0xbe: {  	[bflag:$0x0] =	sbarrier.arrive $0xFFFF  }
0xbf: {  	s14 =	rddreg [dreg:$0xf]  }
0xc0: {  	[hbm:s14], [sflag:s7] =	dma.local [spmem:s28], $0x2700  }
0xc1: {  	_ =	swait.ge [sflag:s0], $0x2700  }
0xc2: {  	[sflag:s0] =	ssyncset.done $0x0  }
0xc3: {  	[sflag:s0] =	ssyncadd.s32 $0xFFFFD900  }
0xc4: {  	s14 =	simm.s32 @p0 $0x2;
	[bflag:$0x0] =	sbarrier.arrive @p0 $0xFFFF  }
0xc5: {  	[spmem:s29], [sflag:s7] =	dma.local @p0 [hbm:s6], $0x2700  }
0xc6: {  	_ =	swait.ge @p0 [sflag:s14], $0x2700  }
0xc7: {  	[sflag:s14] =	ssyncset.done @p0 $0x0  }
0xc8: {  	[sflag:s14] =	ssyncadd.s32 @p0 $0xFFFFD900;
	s14 =	rddreg [dreg:$0xa]  }
0xc9: {  	[hbm:s14], [sflag:s7] =	dma.local @!p0 [spmem:s10], $0x100  }
0xca: {  	_ =	swait.ge @!p0 [sflag:s31], $0x100  }
0xcb: {  	[sflag:s31] =	ssyncset.done @!p0 $0x0  }
0xcc: {  	[sflag:s31] =	ssyncadd.s32 @!p0 $0xFFFFFF00  }
0xcd: {  	[bflag:$0x0] =	sbarrier.arrive @!p0 $0xFFFF  }
0xce: {  	[spmem:s30], [sflag:s7] =	dma.local @!p0 [hbm:s6], $0x2700  }
0xcf: {  	_ =	swait.ge @!p0 [sflag:s31], $0x2700  }
0xd0: {  	[sflag:s31] =	ssyncset.done @!p0 $0x0  }
0xd1: {  	[sflag:s31] =	ssyncadd.s32 @!p0 $0xFFFFD900  }
0xd2: {  	[spmem:s10], [sflag:s7] =	dma.local @!p0 [hbm:s8], $0x100  }
0xd3: {  	_ =	swait.ge @!p0 [sflag:s31], $0x100  }
0xd4: {  	[sflag:s31] =	ssyncset.done @!p0 $0x0  }
0xd5: {  	[sflag:s31] =	ssyncadd.s32 @!p0 $0xFFFFFF00  }
0xd6: {  	[bflag:$0x0] =	sbarrier.arrive $0xFFFF  }
0xd7: {  	[tilespmem:s3], [sflag:$0x2] =	stream.linear.gather [hbm4b:s21+s2], $0x80, $0x38;
	[tilespmem:$0x17980] =	vst v63  }
0xd8: {  	_ =	swait.ge [sflag:s0], $0x80  }
0xd9: {  	[sflag:s0] =	ssyncset.done $0x0  }
0xda: {  	[sflag:s0] =	ssyncadd.s32 $0xFFFFFF80  }
0xdb: {  	[tilespmem:s11], [sflag:$0x2] =	stream.linear.gather [hbm4b:s20+s2], $0x80, $0x38;
	[tilespmem:$0x17980] =	vst v63  }
0xdc: {  	_ =	swait.ge [sflag:s0], $0x80  }
0xdd: {  	[sflag:s0] =	ssyncset.done $0x0  }
0xde: {  	[sflag:s0] =	ssyncadd.s32 $0xFFFFFF80  }
0xdf: {  	[tilespmem:s24], [sflag:$0x1] =	stream.indirect.gather [hbm4b:s23+s13], $0x80, s3, s13, $0xb8;
	[tilespmem:$0x17980] =	vst v63  }
0xe0: {  	_ =	swait.ge [sflag:s25], $0x4000  }
.Ltmp6:
0xe1: {  	[sflag:s25] =	ssyncset.done $0x0;
	(pc) =	sbr.rel @!p1 .LBB2_9-.Ltmp6, $4  }
0xe2: {  	[sflag:s25] =	ssyncadd.s32 $0xFFFFC000  }
0xe3: {  	[spmem:s1] =	stream.indirect.scatter.add.f32 [tilespmem:s24], [sflag:$0x2], $0x80, s11, s13, $0xb8;
	[tilespmem:$0x17980] =	vst v63  }
0xe4: {  	s16 =	smov.u32 s20;
	_ =	swait.ge [sflag:s0], $0x4000  }
0xe5: {  	s17 =	smov.u32 s21;
	s14 =	sadd.s32 $0xFFFFFFFF, s4;
	[sflag:s0] =	ssyncset.done $0x0  }
.LBB2_8:
0xe6: {  	[sflag:s0] =	ssyncadd.s32 $0xFFFFC000;
	s16 =	sadd.s32 $0x10, s16;
	s17 =	sadd.s32 $0x10, s17  }
0xe7: {  	[tilespmem:s3], [sflag:$0x2] =	stream.linear.gather [hbm4b:s17+s2], $0x80, $0x38;
	[tilespmem:$0x17980] =	vst v63  }
0xe8: {  	p1 =	sne.s32 s14, $0x1;
	s14 =	sadd.s32 $0xFFFFFFFF, s14;
	_ =	swait.ge [sflag:s0], $0x80  }
0xe9: {  	[sflag:s0] =	ssyncset.done $0x0  }
0xea: {  	[sflag:s0] =	ssyncadd.s32 $0xFFFFFF80  }
0xeb: {  	[tilespmem:s11], [sflag:$0x2] =	stream.linear.gather [hbm4b:s16+s2], $0x80, $0x38;
	[tilespmem:$0x17980] =	vst v63  }
0xec: {  	_ =	swait.ge [sflag:s0], $0x80  }
0xed: {  	[sflag:s0] =	ssyncset.done $0x0  }
0xee: {  	[sflag:s0] =	ssyncadd.s32 $0xFFFFFF80  }
0xef: {  	[tilespmem:s24], [sflag:$0x1] =	stream.indirect.gather [hbm4b:s23+s13], $0x80, s3, s13, $0xb8;
	[tilespmem:$0x17980] =	vst v63  }
0xf0: {  	_ =	swait.ge [sflag:s25], $0x4000  }
.Ltmp7:
0xf1: {  	[sflag:s25] =	ssyncset.done $0x0;
	(pc) =	sbr.rel @p1 .LBB2_8-.Ltmp7, $4  }
0xf2: {  	[sflag:s25] =	ssyncadd.s32 $0xFFFFC000  }
0xf3: {  	[spmem:s1] =	stream.indirect.scatter.add.f32 [tilespmem:s24], [sflag:$0x2], $0x80, s11, s13, $0xb8;
	[tilespmem:$0x17980] =	vst v63  }
0xf4: {  	_ =	swait.ge [sflag:s0], $0x4000  }
0xf5: {  	[sflag:s0] =	ssyncset.done $0x0  }
.LBB2_9:
0xf6: {  	[sflag:s0] =	ssyncadd.s32 $0xFFFFC000  }
0xf7: {  	[bflag:$0x0] =	sbarrier.arrive $0xFFFF  }
0xf8: {  	s14 =	rddreg [dreg:$0x10]  }
0xf9: {  	[hbm:s14], [sflag:s7] =	dma.local [spmem:s28], $0x2700  }
0xfa: {  	_ =	swait.ge [sflag:s0], $0x2700  }
0xfb: {  	[sflag:s0] =	ssyncset.done $0x0  }
0xfc: {  	s14 =	rddreg [dreg:$0xb];
	[sflag:s0] =	ssyncadd.s32 $0xFFFFD900  }
0xfd: {  	[hbm:s14], [sflag:s7] =	dma.local @!p0 [spmem:s10], $0x100  }
0xfe: {  	s10 =	simm.s32 @!p0 $0x2  }
0xff: {  	_ =	swait.ge @!p0 [sflag:s10], $0x100  }
0x100: {  	s26 =	sadd.s32 $0x1, s26;
	s31 =	rddreg [dreg:$0xc]  }
0x101: {  	p1 =	sne.s32 s26, s31  }
.Ltmp8:
0x102: {  	_ = 	snop;
	(pc) =	sbr.rel @p1 .LBB2_1-.Ltmp8, $3  }
0x103: {  	[sflag:s10] =	ssyncset.done @!p0 $0x0  }
0x104: {  	[sflag:s10] =	ssyncadd.s32 @!p0 $0xFFFFFF00  }
0x105: {  	[bflag:$0x0] =	sbarrier.arrive $0xFFFF;
	_ =	sdelay $0x1  }
0x106: {  	_ =	sfence.sel $0x180000  }
0x107: {  	[bflag:$0x0] =	sbarrier.arrive $0xFFFF  }
0x108: {  	_ =	strace $0x90000050  }
0x109: {  	s0 =	stileid.u32;
	[bflag:$0x2] =	sbarrier.arrive $0xFFFF  }
0x10a: {  	p0 =	sne.s32 s0, $0x0;
	s0 =	rddreg [dreg:$0x3]  }
0x10b: {  	s0 =	sadd.s32 @!p0 $0x100000, s0  }
0x10c: {  	[sflag:s0] =	ssyncadd.tile.s32 @!p0 $0x1;
	_ =	shalt  }
.Lfunc_end2:
_tile_overlayer_lowered:
.L_overlay_start_2:
0x10d: {  	(tag) =	ssettag $0x2  }
0x10e: {  	s0 =	rddreg [dreg:$0x0];
	s2 =	stileid.u32  }
0x10f: {  	s1 =	rddreg [dreg:$0x1];
	p0 =	sne.s32 s2, $0x0  }
0x110: {  	s3 =	rddreg [dreg:$0x2];
	[bflag:$0x3] =	sbarrier.arrive $0xFFFF;
	s2 =	simm.s32 @!p0 $0x1C02  }
0x111: {  	[timem:s3], [sflag:s2] =	dma.local @!p0 [hbm:s0], s1  }
0x112: {  	s0 =	simm.s32 @!p0 $0x2  }
0x113: {  	_ =	swait.ge @!p0 [sflag:s0], s1  }
0x114: {  	s1 =	ssub.s32 @!p0 $0x0, s1;
	[sflag:s0] =	ssyncset.done @!p0 $0x0  }
0x115: {  	[sflag:s0] =	ssyncadd.s32 @!p0 s1  }
0x116: {  	[bflag:$0x3] =	sbarrier.arrive $0xFFFF  }
0x117: {  	_ =	shalt  }

// kernel: kernel.6.cloned.1.call-start
scs
__scs_entry_jumppad:
0x0: {  	(pc) =	sbr.rel $0x88, $3  }
0x1: {  	(tag) =	ssettag $0x0;
	lr =	simm.s32 $0x1  }
0x2: {  	[smem:$0x3F7F] =	sst lr;
	_ =	strace $0xD0000000  }
0x3: {  	_ = 	snop  }
0x4: {  	_ = 	snop  }
0x5: {  	_ = 	snop  }
0x6: {  	_ = 	snop  }
0x7: {  	_ = 	snop  }
__scs_overlays_trampoline_lowered:
0x8: {  	[smem:$0x3F8E] =	sst s0  }
0x9: {  	[smem:$0x3F8F] =	sst s1  }
0xa: {  	[smem:$0x3F90] =	sst s2  }
0xb: {  	[smem:$0x3F91] =	sst s3  }
0xc: {  	[smem:$0x3F92] =	sst s4  }
0xd: {  	[smem:$0x3F93] =	sst s5  }
0xe: {  	[smem:$0x3F94] =	sst s6  }
0xf: {  	[smem:$0x3F95] =	sst s7  }
0x10: {  	[smem:$0x3F96] =	sst s8  }
0x11: {  	[smem:$0x3F97] =	sst s9;
	s0 =	simm.s32 @!p0 $0x0  }
0x12: {  	s1 =	sld [smem:$0x3F7D];
	s0 =	simm.s32 @p0 $0x1  }
0x13: {  	[smem:$0x3F98] =	sst s0;
	s0 =	simm.s32 @!p1 $0x0  }
0x14: {  	s2 =	sld [smem:$0x3F7C];
	s0 =	simm.s32 @p1 $0x1  }
0x15: {  	[smem:$0x3F99] =	sst s0;
	s0 =	simm.s32 @!p2 $0x0  }
0x16: {  	s3 =	sld [smem:$0x3FDB];
	s0 =	simm.s32 @p2 $0x1  }
0x17: {  	s4 =	simm.s32 $0x1BF5;
	[smem:$0x3F9B] =	sst s0  }
0x18: {  	s0 =	sld [smem:$0x3F7E];
	_ =	swait.ge [sflag:s4], $0x0  }
0x19: {  	s7 =	sld [smem:$0x3F7F]  }
0x1a: {  	s8 =	sadd.s32 $0xFFFFE003, lr  }
0x1b: {  	s9 =	sadd.s32 $0xFFFFFEF7, lr;
	s5 =	simm.s32 $0xFFFFFFFF;
	p2 =	slt.u32 s8, $0xFFFFF086  }
0x1c: {  	p1 =	slt.u32 s9, $0xF7A;
	s5 =	simm.s32 @!p2 $0x0  }
0x1d: {  	s5 =	simm.s32 @p1 $0x1;
	p0 =	seq.s32 s7, s2  }
0x1e: {  	s7 =	smul.u32 @!p0 $0xF7A, s2;
	p2 =	seq.s32 @!p0 s5, $0x0  }
0x1f: {  	s9 =	smul.u32 $0xF7A, s1;
	s8 =	simm.s32 @!p0 $0x1BF5;
	p2 =	por !p2, p0  }
0x20: {  	[sflag:s8] =	ssyncset.s32 @!p0 $0xFFFFF086;
	s6 =	sadd.s32 @!p0 s3, s7;
	s7 =	simm.s32 @!p0 $0x108  }
0x21: {  	s3 =	sadd.s32 s3, s9;
	s6 =	sadd.s32 @!p0 $0x88, s6;
	s7 =	simm.s32 @p2 $0x1082  }
0x22: {  	[simem:s7], [sflag:s8] =	dma.local @!p0 [hbm:s6], $0xF7A  }
0x23: {  	s9 =	sor.u32 $0xD0000000, s2;
	s6 =	simm.s32 $0x108;
	_ =	swait.ge @!p0 [sflag:s8], $0x0  }
0x24: {  	s3 =	sadd.s32 $0x88, s3;
	s6 =	simm.s32 @!p1 $0x1082;
	[sflag:s4] =	ssyncset.s32 $0xFFFFF086  }
0x25: {  	[simem:s6], [sflag:s4] =	dma.local [hbm:s3], $0xF7A  }
0x26: {  	[smem:$0x3F7F] =	sst s1;
	(tag) =	ssettag s2;
	_ =	strace s9  }
0x27: {  	s1 =	sld [smem:$0x3F8F]  }
0x28: {  	s2 =	sld [smem:$0x3F90]  }
0x29: {  	s4 =	sld [smem:$0x3F92]  }
0x2a: {  	p0 =	seq.s32 s5, $0x0;
	s5 =	sld [smem:$0x3F93]  }
0x2b: {  	s6 =	sld [smem:$0x3F94]  }
0x2c: {  	s7 =	sld [smem:$0x3F95]  }
0x2d: {  	s3 =	simm.s32 $0x108;
	s8 =	sld [smem:$0x3F96]  }
0x2e: {  	s3 =	simm.s32 @!p0 $0x1082;
	s9 =	sld [smem:$0x3F97]  }
0x2f: {  	lr =	sadd.s32 s0, s3;
	s0 =	sld [smem:$0x3F8E]  }
0x30: {  	s3 =	sld [smem:$0x3F91]  }
0x31: {  	[smem:$0x3F9A] =	sst s10  }
0x32: {  	s10 =	sld [smem:$0x3F98];
	_ =	sdelay $0x3  }
0x33: {  	p0 =	seq.s32 s10, $0x1;
	s10 =	sld [smem:$0x3F9A];
	_ =	sdelay $0x3  }
0x34: {  	[smem:$0x3F9A] =	sst s10  }
0x35: {  	s10 =	sld [smem:$0x3F99];
	_ =	sdelay $0x3  }
0x36: {  	p1 =	seq.s32 s10, $0x1;
	s10 =	sld [smem:$0x3F9A];
	_ =	sdelay $0x3  }
0x37: {  	[smem:$0x3F9A] =	sst s10  }
0x38: {  	s10 =	sld [smem:$0x3F9B]  }
0x39: {  	_ = 	snop;
	(pc) =	sbr.ind lr, $3  }
0x3a: {  	_ = 	snop  }
0x3b: {  	_ = 	snop  }
0x3c: {  	p2 =	seq.s32 s10, $0x1;
	s10 =	sld [smem:$0x3F9A]  }
0x3d: {  	_ =	shalt  }
0x3e: {  	_ =	shalt  }
0x3f: {  	_ =	shalt  }
0x40: {  	_ =	shalt  }
0x41: {  	_ =	shalt  }
0x42: {  	_ =	shalt  }
0x43: {  	_ =	shalt  }
0x44: {  	_ =	shalt  }
0x45: {  	_ =	shalt  }
0x46: {  	_ =	shalt  }
0x47: {  	_ =	shalt  }
0x48: {  	_ =	shalt  }
0x49: {  	_ =	shalt  }
0x4a: {  	_ =	shalt  }
0x4b: {  	_ =	shalt  }
0x4c: {  	_ =	shalt  }
0x4d: {  	_ =	shalt  }
0x4e: {  	_ =	shalt  }
0x4f: {  	_ =	shalt  }
0x50: {  	_ =	shalt  }
0x51: {  	_ =	shalt  }
0x52: {  	_ =	shalt  }
0x53: {  	_ =	shalt  }
0x54: {  	_ =	shalt  }
0x55: {  	_ =	shalt  }
0x56: {  	_ =	shalt  }
0x57: {  	_ =	shalt  }
0x58: {  	_ =	shalt  }
0x59: {  	_ =	shalt  }
0x5a: {  	_ =	shalt  }
0x5b: {  	_ =	shalt  }
0x5c: {  	_ =	shalt  }
0x5d: {  	_ =	shalt  }
0x5e: {  	_ =	shalt  }
0x5f: {  	_ =	shalt  }
0x60: {  	_ =	shalt  }
0x61: {  	_ =	shalt  }
0x62: {  	_ =	shalt  }
0x63: {  	_ =	shalt  }
0x64: {  	_ =	shalt  }
0x65: {  	_ =	shalt  }
0x66: {  	_ =	shalt  }
0x67: {  	_ =	shalt  }
0x68: {  	_ =	shalt  }
0x69: {  	_ =	shalt  }
0x6a: {  	_ =	shalt  }
0x6b: {  	_ =	shalt  }
0x6c: {  	_ =	shalt  }
0x6d: {  	_ =	shalt  }
0x6e: {  	_ =	shalt  }
0x6f: {  	_ =	shalt  }
0x70: {  	_ =	shalt  }
0x71: {  	_ =	shalt  }
0x72: {  	_ =	shalt  }
0x73: {  	_ =	shalt  }
0x74: {  	_ =	shalt  }
0x75: {  	_ =	shalt  }
0x76: {  	_ =	shalt  }
0x77: {  	_ =	shalt  }
0x78: {  	_ =	shalt  }
0x79: {  	_ =	shalt  }
0x7a: {  	_ =	shalt  }
0x7b: {  	_ =	shalt  }
0x7c: {  	_ =	shalt  }
0x7d: {  	_ =	shalt  }
0x7e: {  	_ =	shalt  }
0x7f: {  	_ =	shalt  }
0x80: {  	_ =	shalt  }
0x81: {  	_ =	shalt  }
0x82: {  	_ =	shalt  }
0x83: {  	_ =	shalt  }
0x84: {  	_ =	shalt  }
0x85: {  	_ =	shalt  }
0x86: {  	_ =	shalt  }
0x87: {  	_ =	shalt  }
.Lfunc_end0:
.L_simem_size_0:
called_computation_lowered:
.L_overlay_start_0:
0x88: {  	s2 =	sld [smem:$0x3FD9]  }
0x89: {  	s3 =	sld [smem:$0x3FFE];
	_ =	sdelay $0x1  }
0x8a: {  	s1 =	srdreg.scid  }
0x8b: {  	s0 =	sand.u32 $0x1, s1  }
0x8c: {  	s17 =	sshll.u32 s0, $0xA;
	s2 =	sadd.s32 s3, s2  }
0x8d: {  	s2 =	sadd.s32 s2, s17  }
0x8e: {  	[smem:$0x3FA6] =	sst s2  }
0x8f: {  	_ = 	snop  }
0x90: {  	s2 =	sld [smem:$0x3FD0];
	(tm) =	ssettm $0x1  }
0x91: {  	s18 =	sld [smem:$0x3FFB];
	_ =	sdelay $0x3  }
0x92: {  	_ =	strace s18  }
0x93: {  	s3 =	sld [smem:$0x3FFC];
	_ =	sdelay $0x3  }
0x94: {  	_ =	strace s3  }
0x95: {  	s3 =	sld [smem:$0x3FFD];
	_ =	sdelay $0x3  }
0x96: {  	_ =	strace s3  }
0x97: {  	_ =	strace $0x8FFFFFFF  }
0x98: {  	s19 =	sld [smem:$0x3FDB];
	_ =	sdelay $0x1  }
0x99: {  	s4 =	simm.s32 $_scs_section_size  }
0x9a: {  	s5 =	simm.s32 $_size__tile_overlayer_lowered;
	s6 =	simm.s32 $_tile_overlayer_lowered  }
0x9b: {  	s22 =	simm.s32 $0x1BFF;
	s21 =	sshll.u32 s6, $0x1;
	s3 =	sadd.s32 s4, s19  }
0x9c: {  	s7 =	simm.s32 $0x0;
	s20 =	sshll.u32 s5, $0x1;
	s5 =	sadd.s32 s21, s3  }
0x9d: {  	[timem:s7], [sflag:s22] =	dma.local [hbm:s5], s20  }
0x9e: {  	_ =	swait.ge [sflag:s22], s20  }
0x9f: {  	s4 =	ssub.s32 $0x0, s20;
	[sflag:s22] =	ssyncset.done $0x0  }
0xa0: {  	[sflag:s22] =	ssyncadd.s32 s4;
	_ =	sdelay $0x1  }
0xa1: {  	s23 =	simm.s32 $0x1B8B  }
0xa2: {  	_ =	swait.ge [sflag:s23], $0x1  }
0xa3: {  	[sflag:s23] =	ssyncset.done $0x0  }
0xa4: {  	s25 =	simm.s32 $0x1B8E;
	s24 =	sld [smem:$0x3FFE];
	[sflag:s23] =	ssyncadd.s32 $0xFFFFFFFF  }
0xa5: {  	s26 =	simm.s32 $execute0_lowered;
	[smem:$0x3FD2] =	sst s25  }
0xa6: {  	s5 =	sshll.u32 s26, $0x1;
	_ =	strace $0x80000046;
	[dreg:$0x1] =	wrdreg $0xFFFFFFFF  }
0xa7: {  	s28 =	simm.s32 $_size_execute0_lowered;
	s3 =	sadd.s32 s3, s5;
	[dreg:$0x0] =	wrdreg $0x0  }
0xa8: {  	s5 =	sshll.u32 s28, $0x1;
	[dreg:$0x2] =	wrdreg s3  }
0xa9: {  	[dreg:$0x3] =	wrdreg s5  }
0xaa: {  	[dreg:$0x4] =	wrdreg $0xC0  }
0xab: {  	_ =	task [dreg:s7], $0x5FFFF  }
0xac: {  	[dreg:$0x1] =	wrdreg $0xFFFFFFFF  }
0xad: {  	[dreg:$0x0] =	wrdreg $0x60  }
0xae: {  	[dreg:$0x2] =	wrdreg s24  }
0xaf: {  	[dreg:$0x3] =	wrdreg s2  }
0xb0: {  	[dreg:$0x4] =	wrdreg $0x0  }
0xb1: {  	[dreg:$0x5] =	wrdreg $0x9  }
0xb2: {  	_ =	task.clear_ibuf [dreg:s7], $0x6FFFF;
	_ =	strace $0x90000046  }
0xb3: {  	s29 =	simm.s32 $0x9;
	_ =	strace $0x80000048  }
0xb4: {  	_ =	swait.ge [sflag:s29], $0x1  }
0xb5: {  	[sflag:s29] =	ssyncadd.s32 $0xFFFFFFFF  }
0xb6: {  	_ =	strace $0x90000048  }
0xb7: {  	_ =	sfence  }
0xb8: {  	s30 =	sld [smem:$0x0];
	_ =	sdelay $0x2  }
0xb9: {  	s31 =	sshll.u32 s1, $0xD;
	s1 =	sshrl.u32 s1, $0x2  }
0xba: {  	s3 =	sand.u32 $0x4000, s31;
	s1 =	sadd.s32 s1, s30  }
0xbb: {  	s0 =	sor.u32 s3, s0;
	s1 =	sshll.u32 s1, $0x11  }
0xbc: {  	s0 =	sor.u32 s1, s0  }
0xbd: {  	s0 =	sadd.s32 $0x8F2B, s0  }
0xbe: {  	[sflag:s0] =	ssyncadd.remote.s32 $0x1  }
0xbf: {  	_ =	sfence.sel $0xFFFF  }
0xc0: {  	[dreg:$0x0] =	wrdreg $0xFFFFFFFF;
	(pc) =	sbr.abs _section_cstart, $3  }
0xc1: {  	[dreg:$0x1] =	wrdreg $0xFFFFFFFF  }
0xc2: {  	_ =	task.clear_ibuf [dreg:s7], $0x2FFFF;
	_ =	strace $0x9FFFFFFF  }
0xc3: {  	(tm) =	ssettm $0x7FFFFFFF  }
tec
execute0_lowered:
.L_overlay_start_1:
0x0: {  	(tag) =	ssettag $0x1  }
0x1: {  	s5 =	rddreg [dreg:$0x0]  }
0x2: {  	s8 =	rddreg [dreg:$0x1]  }
0x3: {  	s0 =	srdreg.scid;
	s2 =	rddreg [dreg:$0x2]  }
0x4: {  	s1 =	rddreg [dreg:$0x3];
	s3 =	simm.s32 $0x0;
	s17 =	simm.s32 $0x1  }
0x5: {  	s21 =	simm.s32 $0x6710;
	s9 =	sand.u32 $0x1, s0;
	s0 =	stileid.u32  }
0x6: {  	s22 =	simm.s32 $0x80;
	[smem:$0x7FF] =	sst s3;
	s4 =	smul.u32 $0x9C4, s9  }
0x7: {  	s11 =	sadd.s32 $0x1B000, s5;
	s20 =	sadd.s32 $0x138000, s2;
	s6 =	smul.u32 $0x4E, s0  }
0x8: {  	s23 =	smin.u32 s0, $0x2;
	_ =	strace $0x80000047;
	s7 =	smul.u32 $0x4E000, s0  }
0x9: {  	s24 =	ssub.s32 $0x2, s9;
	p0 =	slt.u32 s0, $0x2;
	s10 =	smul.u32 $0x13800, s0  }
0xa: {  	s12 =	smul.u32 $0x271000, s9;
	s9 =	sshllo.u32 s9, $0x1;
	s18 =	sshll.u32 s0, $0x6  }
0xb: {  	s25 =	sshrl.u32 s24, $0x1;
	s16 =	smul.u32 $0x138800, s9;
	s18 =	sor.u32 $0x1C01, s18  }
0xc: {  	s4 =	sadd.s32 s6, s4;
	s13 =	ssub.s32 s24, s25;
	s26 =	sshrl.u32 s7, $0x2  }
0xd: {  	s28 =	sshrl.u32 s10, $0x3;
	s14 =	sadd.s32 s10, s12;
	s12 =	sshrl.u32 s12, $0x3  }
0xe: {  	s4 =	sadd.s32 s23, s4;
	s6 =	sadd.s32 s26, s2;
	s7 =	sadd.s32 s8, s28  }
0xf: {  	s14 =	sshrl.u32 s14, $0x3;
	s8 =	sadd.s32 $0x27000, s8;
	s12 =	sadd.s32 s11, s12  }
0x10: {  	s29 =	sadd.s32 s10, s16;
	s16 =	sshrl.u32 s16, $0x3;
	s13 =	smax.u32 s13, $0x1  }
0x11: {  	s23 =	simm.s32 $0x0;
	s4 =	sshll.u32 s4, $0x4;
	s9 =	sadd.s32 s11, s14  }
0x12: {  	s10 =	sadd.s32 $0x27000, s12;
	s30 =	sshrl.u32 s29, $0x3;
	s31 =	sadd.s32 s11, s16  }
0x13: {  	s16 =	simm.s32 $0x2710;
	s19 =	sshrl.u32 s6, $0x3;
	s15 =	sadd.s32 s4, s5  }
0x14: {  	s4 =	sadd.s32 $0x1A800, s5;
	s5 =	simm.s32 $0x4F;
	s11 =	sadd.s32 s11, s30  }
0x15: {  	s12 =	sadd.s32 $0x27000, s31;
	s5 =	simm.s32 @!p0 $0x4E;
	p0 =	sne.s32 s0, $0xF  }
0x16: {  	s14 =	sadd.s32 $0x6E00, s15;
	s15 =	sadd.s32 $0xBC20, s15;
	s20 =	sshrl.u32 @!p0 s20, $0x3  }
.LBB2_1:
0x17: {  	[tilespmem:s16], [sflag:$0x1] =	stream.linear.gather [hbm4b:s4+s3], $0x4000, $0x38;
	[tilespmem:$0x6790] =	vst v63  }
0x18: {  	_ =	swait.ge [sflag:s17], $0x4000  }
0x19: {  	[sflag:s17] =	ssyncset.done $0x0  }
0x1a: {  	[sflag:s17] =	ssyncadd.s32 $0xFFFFC000  }
0x1b: {  	[spmem:s19], [sflag:s18] =	dma.local [hbm:s7], $0x2700  }
0x1c: {  	_ =	swait.ge [sflag:s17], $0x2700  }
0x1d: {  	[sflag:s17] =	ssyncset.done $0x0  }
0x1e: {  	s24 =	simm.s32 @!p0 $0x1;
	[sflag:s17] =	ssyncadd.s32 $0xFFFFD900  }
0x1f: {  	[spmem:s20], [sflag:s18] =	dma.local @!p0 [hbm:s8], $0x100  }
0x20: {  	_ =	swait.ge @!p0 [sflag:s24], $0x100  }
0x21: {  	[sflag:s24] =	ssyncset.done @!p0 $0x0  }
0x22: {  	[sflag:s24] =	ssyncadd.s32 @!p0 $0xFFFFFF00  }
0x23: {  	[bflag:$0x0] =	sbarrier.arrive $0xFFFF  }
0x24: {  	[tilespmem:s21], [sflag:$0x1] =	stream.linear.gather [hbm4b:s14+s3], $0x80, $0x38;
	[tilespmem:$0x6790] =	vst v63  }
0x25: {  	p1 =	sne.s32 s5, $0x1;
	_ =	swait.ge [sflag:s17], $0x80  }
.Ltmp0:
0x26: {  	[sflag:s17] =	ssyncset.done $0x0;
	(pc) =	sbr.rel @!p1 .LBB2_3-.Ltmp0, $4  }
0x27: {  	[sflag:s17] =	ssyncadd.s32 $0xFFFFFF80  }
0x28: {  	[spmem:s2] =	stream.indirect.scatter.add.f32 [tilespmem:s16], [sflag:$0x1], $0x10, s21, s22, $0xb8;
	[tilespmem:$0x6790] =	vst v63  }
0x29: {  	_ =	swait.ge [sflag:s17], $0x800  }
0x2a: {  	s25 =	sadd.s32 $0xFFFFFFFF, s5;
	s26 =	smov.u32 s14;
	[sflag:s17] =	ssyncset.done $0x0  }
.LBB2_2:
0x2b: {  	p2 =	sne.s32 s25, $0x1;
	[sflag:s17] =	ssyncadd.s32 $0xFFFFF800;
	s26 =	sadd.s32 $0x10, s26  }
0x2c: {  	[tilespmem:s21], [sflag:$0x1] =	stream.linear.gather [hbm4b:s26+s3], $0x80, $0x38;
	[tilespmem:$0x6790] =	vst v63  }
0x2d: {  	s25 =	sadd.s32 $0xFFFFFFFF, s25;
	_ =	swait.ge [sflag:s17], $0x80  }
.Ltmp1:
0x2e: {  	[sflag:s17] =	ssyncset.done $0x0;
	(pc) =	sbr.rel @p2 .LBB2_2-.Ltmp1, $4  }
0x2f: {  	[sflag:s17] =	ssyncadd.s32 $0xFFFFFF80  }
0x30: {  	[spmem:s2] =	stream.indirect.scatter.add.f32 [tilespmem:s16], [sflag:$0x1], $0x10, s21, s22, $0xb8;
	[tilespmem:$0x6790] =	vst v63  }
0x31: {  	_ =	swait.ge [sflag:s17], $0x800  }
0x32: {  	[sflag:s17] =	ssyncset.done $0x0  }
.LBB2_3:
0x33: {  	[sflag:s17] =	ssyncadd.s32 $0xFFFFF800  }
0x34: {  	[bflag:$0x0] =	sbarrier.arrive $0xFFFF  }
0x35: {  	[hbm:s9], [sflag:s18] =	dma.local [spmem:s19], $0x2700  }
0x36: {  	_ =	swait.ge [sflag:s17], $0x2700  }
0x37: {  	[sflag:s17] =	ssyncset.done $0x0  }
0x38: {  	[sflag:s17] =	ssyncadd.s32 $0xFFFFD900  }
0x39: {  	s25 =	sshrl.u32 @p0 s6, $0x3;
	[bflag:$0x0] =	sbarrier.arrive @p0 $0xFFFF  }
0x3a: {  	[spmem:s25], [sflag:s18] =	dma.local @p0 [hbm:s7], $0x2700  }
0x3b: {  	s25 =	simm.s32 @p0 $0x1  }
0x3c: {  	_ =	swait.ge @p0 [sflag:s25], $0x2700  }
0x3d: {  	[sflag:s25] =	ssyncset.done @p0 $0x0  }
0x3e: {  	[sflag:s25] =	ssyncadd.s32 @p0 $0xFFFFD900  }
0x3f: {  	[hbm:s10], [sflag:s18] =	dma.local @!p0 [spmem:s20], $0x100  }
0x40: {  	_ =	swait.ge @!p0 [sflag:s24], $0x100  }
0x41: {  	[sflag:s24] =	ssyncset.done @!p0 $0x0  }
0x42: {  	[sflag:s24] =	ssyncadd.s32 @!p0 $0xFFFFFF00  }
0x43: {  	s25 =	sshrl.u32 @!p0 s6, $0x3;
	[bflag:$0x0] =	sbarrier.arrive @!p0 $0xFFFF  }
0x44: {  	[spmem:s25], [sflag:s18] =	dma.local @!p0 [hbm:s7], $0x2700  }
0x45: {  	_ =	swait.ge @!p0 [sflag:s24], $0x2700  }
0x46: {  	[sflag:s24] =	ssyncset.done @!p0 $0x0  }
0x47: {  	[sflag:s24] =	ssyncadd.s32 @!p0 $0xFFFFD900  }
0x48: {  	[spmem:s20], [sflag:s18] =	dma.local @!p0 [hbm:s8], $0x100  }
0x49: {  	_ =	swait.ge @!p0 [sflag:s24], $0x100  }
0x4a: {  	[sflag:s24] =	ssyncset.done @!p0 $0x0  }
0x4b: {  	[sflag:s24] =	ssyncadd.s32 @!p0 $0xFFFFFF00  }
0x4c: {  	[bflag:$0x0] =	sbarrier.arrive $0xFFFF  }
0x4d: {  	[tilespmem:s21], [sflag:$0x1] =	stream.linear.gather [hbm4b:s15+s3], $0x80, $0x38;
	[tilespmem:$0x6790] =	vst v63  }
0x4e: {  	_ =	swait.ge [sflag:s17], $0x80  }
.Ltmp2:
0x4f: {  	[sflag:s17] =	ssyncset.done $0x0;
	(pc) =	sbr.rel @!p1 .LBB2_5-.Ltmp2, $4  }
0x50: {  	[sflag:s17] =	ssyncadd.s32 $0xFFFFFF80  }
0x51: {  	[spmem:s2] =	stream.indirect.scatter.add.f32 [tilespmem:s16], [sflag:$0x1], $0x10, s21, s22, $0xb8;
	[tilespmem:$0x6790] =	vst v63  }
0x52: {  	_ =	swait.ge [sflag:s17], $0x800  }
0x53: {  	s25 =	smov.u32 s15;
	s24 =	sadd.s32 $0xFFFFFFFF, s5;
	[sflag:s17] =	ssyncset.done $0x0  }
.LBB2_4:
0x54: {  	p1 =	sne.s32 s24, $0x1;
	[sflag:s17] =	ssyncadd.s32 $0xFFFFF800;
	s25 =	sadd.s32 $0x10, s25  }
0x55: {  	[tilespmem:s21], [sflag:$0x1] =	stream.linear.gather [hbm4b:s25+s3], $0x80, $0x38;
	[tilespmem:$0x6790] =	vst v63  }
0x56: {  	s24 =	sadd.s32 $0xFFFFFFFF, s24;
	_ =	swait.ge [sflag:s17], $0x80  }
.Ltmp3:
0x57: {  	[sflag:s17] =	ssyncset.done $0x0;
	(pc) =	sbr.rel @p1 .LBB2_4-.Ltmp3, $4  }
0x58: {  	[sflag:s17] =	ssyncadd.s32 $0xFFFFFF80  }
0x59: {  	[spmem:s2] =	stream.indirect.scatter.add.f32 [tilespmem:s16], [sflag:$0x1], $0x10, s21, s22, $0xb8;
	[tilespmem:$0x6790] =	vst v63  }
0x5a: {  	_ =	swait.ge [sflag:s17], $0x800  }
0x5b: {  	[sflag:s17] =	ssyncset.done $0x0  }
.LBB2_5:
0x5c: {  	[sflag:s17] =	ssyncadd.s32 $0xFFFFF800  }
0x5d: {  	[bflag:$0x0] =	sbarrier.arrive $0xFFFF  }
0x5e: {  	[hbm:s11], [sflag:s18] =	dma.local [spmem:s19], $0x2700  }
0x5f: {  	_ =	swait.ge [sflag:s17], $0x2700  }
0x60: {  	s23 =	sadd.s32 $0x1, s23;
	[sflag:s17] =	ssyncset.done $0x0  }
0x61: {  	s24 =	simm.s32 @!p0 $0x1;
	p1 =	sne.s32 s23, s13;
	[sflag:s17] =	ssyncadd.s32 $0xFFFFD900  }
0x62: {  	[hbm:s12], [sflag:s18] =	dma.local @!p0 [spmem:s20], $0x100  }
.Ltmp4:
0x63: {  	_ =	swait.ge @!p0 [sflag:s24], $0x100;
	(pc) =	sbr.rel @p1 .LBB2_1-.Ltmp4, $3  }
0x64: {  	[sflag:s24] =	ssyncset.done @!p0 $0x0  }
0x65: {  	[sflag:s24] =	ssyncadd.s32 @!p0 $0xFFFFFF00  }
0x66: {  	[bflag:$0x0] =	sbarrier.arrive $0xFFFF;
	_ =	sdelay $0x1  }
0x67: {  	_ =	sfence.sel $0x180000  }
0x68: {  	[bflag:$0x0] =	sbarrier.arrive $0xFFFF  }
0x69: {  	p0 =	sne.s32 s0, $0x0;
	_ =	strace $0x90000047  }
0x6a: {  	s0 =	sadd.s32 @!p0 $0x100000, s1;
	[bflag:$0x2] =	sbarrier.arrive $0xFFFF  }
0x6b: {  	[sflag:s0] =	ssyncadd.tile.s32 @!p0 $0x1;
	_ =	shalt  }
.Lfunc_end2:
_tile_overlayer_lowered:
.L_overlay_start_2:
0x6c: {  	(tag) =	ssettag $0x2  }
0x6d: {  	s0 =	rddreg [dreg:$0x0];
	s2 =	stileid.u32  }
0x6e: {  	s1 =	rddreg [dreg:$0x1];
	p0 =	sne.s32 s2, $0x0  }
0x6f: {  	s3 =	rddreg [dreg:$0x2];
	[bflag:$0x3] =	sbarrier.arrive $0xFFFF;
	s2 =	simm.s32 @!p0 $0x1C01  }
0x70: {  	[timem:s3], [sflag:s2] =	dma.local @!p0 [hbm:s0], s1  }
0x71: {  	s0 =	simm.s32 @!p0 $0x1  }
0x72: {  	_ =	swait.ge @!p0 [sflag:s0], s1  }
0x73: {  	s1 =	ssub.s32 @!p0 $0x0, s1;
	[sflag:s0] =	ssyncset.done @!p0 $0x0  }
0x74: {  	[sflag:s0] =	ssyncadd.s32 @!p0 s1  }
0x75: {  	[bflag:$0x3] =	sbarrier.arrive $0xFFFF  }
0x76: {  	_ =	shalt  }

// kernel: kernel.9.cloned.1.call-start
scs
__scs_entry_jumppad:
0x0: {  	(pc) =	sbr.rel $0x88, $3  }
0x1: {  	(tag) =	ssettag $0x0;
	lr =	simm.s32 $0x1  }
0x2: {  	[smem:$0x3F7F] =	sst lr;
	_ =	strace $0xD0000000  }
0x3: {  	_ = 	snop  }
0x4: {  	_ = 	snop  }
0x5: {  	_ = 	snop  }
0x6: {  	_ = 	snop  }
0x7: {  	_ = 	snop  }
__scs_overlays_trampoline_lowered:
0x8: {  	[smem:$0x3F8E] =	sst s0  }
0x9: {  	[smem:$0x3F8F] =	sst s1  }
0xa: {  	[smem:$0x3F90] =	sst s2  }
0xb: {  	[smem:$0x3F91] =	sst s3  }
0xc: {  	[smem:$0x3F92] =	sst s4  }
0xd: {  	[smem:$0x3F93] =	sst s5  }
0xe: {  	[smem:$0x3F94] =	sst s6  }
0xf: {  	[smem:$0x3F95] =	sst s7  }
0x10: {  	[smem:$0x3F96] =	sst s8  }
0x11: {  	[smem:$0x3F97] =	sst s9;
	s0 =	simm.s32 @!p0 $0x0  }
0x12: {  	s1 =	sld [smem:$0x3F7D];
	s0 =	simm.s32 @p0 $0x1  }
0x13: {  	[smem:$0x3F98] =	sst s0;
	s0 =	simm.s32 @!p1 $0x0  }
0x14: {  	s2 =	sld [smem:$0x3F7C];
	s0 =	simm.s32 @p1 $0x1  }
0x15: {  	[smem:$0x3F99] =	sst s0;
	s0 =	simm.s32 @!p2 $0x0  }
0x16: {  	s3 =	sld [smem:$0x3FDB];
	s0 =	simm.s32 @p2 $0x1  }
0x17: {  	s4 =	simm.s32 $0x1BF5;
	[smem:$0x3F9B] =	sst s0  }
0x18: {  	s0 =	sld [smem:$0x3F7E];
	_ =	swait.ge [sflag:s4], $0x0  }
0x19: {  	s7 =	sld [smem:$0x3F7F]  }
0x1a: {  	s8 =	sadd.s32 $0xFFFFE003, lr  }
0x1b: {  	s9 =	sadd.s32 $0xFFFFFEF7, lr;
	s5 =	simm.s32 $0xFFFFFFFF;
	p2 =	slt.u32 s8, $0xFFFFF086  }
0x1c: {  	p1 =	slt.u32 s9, $0xF7A;
	s5 =	simm.s32 @!p2 $0x0  }
0x1d: {  	s5 =	simm.s32 @p1 $0x1;
	p0 =	seq.s32 s7, s2  }
0x1e: {  	s7 =	smul.u32 @!p0 $0xF7A, s2;
	p2 =	seq.s32 @!p0 s5, $0x0  }
0x1f: {  	s9 =	smul.u32 $0xF7A, s1;
	s8 =	simm.s32 @!p0 $0x1BF5;
	p2 =	por !p2, p0  }
0x20: {  	[sflag:s8] =	ssyncset.s32 @!p0 $0xFFFFF086;
	s6 =	sadd.s32 @!p0 s3, s7;
	s7 =	simm.s32 @!p0 $0x108  }
0x21: {  	s3 =	sadd.s32 s3, s9;
	s6 =	sadd.s32 @!p0 $0x88, s6;
	s7 =	simm.s32 @p2 $0x1082  }
0x22: {  	[simem:s7], [sflag:s8] =	dma.local @!p0 [hbm:s6], $0xF7A  }
0x23: {  	s9 =	sor.u32 $0xD0000000, s2;
	s6 =	simm.s32 $0x108;
	_ =	swait.ge @!p0 [sflag:s8], $0x0  }
0x24: {  	s3 =	sadd.s32 $0x88, s3;
	s6 =	simm.s32 @!p1 $0x1082;
	[sflag:s4] =	ssyncset.s32 $0xFFFFF086  }
0x25: {  	[simem:s6], [sflag:s4] =	dma.local [hbm:s3], $0xF7A  }
0x26: {  	[smem:$0x3F7F] =	sst s1;
	(tag) =	ssettag s2;
	_ =	strace s9  }
0x27: {  	s1 =	sld [smem:$0x3F8F]  }
0x28: {  	s2 =	sld [smem:$0x3F90]  }
0x29: {  	s4 =	sld [smem:$0x3F92]  }
0x2a: {  	p0 =	seq.s32 s5, $0x0;
	s5 =	sld [smem:$0x3F93]  }
0x2b: {  	s6 =	sld [smem:$0x3F94]  }
0x2c: {  	s7 =	sld [smem:$0x3F95]  }
0x2d: {  	s3 =	simm.s32 $0x108;
	s8 =	sld [smem:$0x3F96]  }
0x2e: {  	s3 =	simm.s32 @!p0 $0x1082;
	s9 =	sld [smem:$0x3F97]  }
0x2f: {  	lr =	sadd.s32 s0, s3;
	s0 =	sld [smem:$0x3F8E]  }
0x30: {  	s3 =	sld [smem:$0x3F91]  }
0x31: {  	[smem:$0x3F9A] =	sst s10  }
0x32: {  	s10 =	sld [smem:$0x3F98];
	_ =	sdelay $0x3  }
0x33: {  	p0 =	seq.s32 s10, $0x1;
	s10 =	sld [smem:$0x3F9A];
	_ =	sdelay $0x3  }
0x34: {  	[smem:$0x3F9A] =	sst s10  }
0x35: {  	s10 =	sld [smem:$0x3F99];
	_ =	sdelay $0x3  }
0x36: {  	p1 =	seq.s32 s10, $0x1;
	s10 =	sld [smem:$0x3F9A];
	_ =	sdelay $0x3  }
0x37: {  	[smem:$0x3F9A] =	sst s10  }
0x38: {  	s10 =	sld [smem:$0x3F9B]  }
0x39: {  	_ = 	snop;
	(pc) =	sbr.ind lr, $3  }
0x3a: {  	_ = 	snop  }
0x3b: {  	_ = 	snop  }
0x3c: {  	p2 =	seq.s32 s10, $0x1;
	s10 =	sld [smem:$0x3F9A]  }
0x3d: {  	_ =	shalt  }
0x3e: {  	_ =	shalt  }
0x3f: {  	_ =	shalt  }
0x40: {  	_ =	shalt  }
0x41: {  	_ =	shalt  }
0x42: {  	_ =	shalt  }
0x43: {  	_ =	shalt  }
0x44: {  	_ =	shalt  }
0x45: {  	_ =	shalt  }
0x46: {  	_ =	shalt  }
0x47: {  	_ =	shalt  }
0x48: {  	_ =	shalt  }
0x49: {  	_ =	shalt  }
0x4a: {  	_ =	shalt  }
0x4b: {  	_ =	shalt  }
0x4c: {  	_ =	shalt  }
0x4d: {  	_ =	shalt  }
0x4e: {  	_ =	shalt  }
0x4f: {  	_ =	shalt  }
0x50: {  	_ =	shalt  }
0x51: {  	_ =	shalt  }
0x52: {  	_ =	shalt  }
0x53: {  	_ =	shalt  }
0x54: {  	_ =	shalt  }
0x55: {  	_ =	shalt  }
0x56: {  	_ =	shalt  }
0x57: {  	_ =	shalt  }
0x58: {  	_ =	shalt  }
0x59: {  	_ =	shalt  }
0x5a: {  	_ =	shalt  }
0x5b: {  	_ =	shalt  }
0x5c: {  	_ =	shalt  }
0x5d: {  	_ =	shalt  }
0x5e: {  	_ =	shalt  }
0x5f: {  	_ =	shalt  }
0x60: {  	_ =	shalt  }
0x61: {  	_ =	shalt  }
0x62: {  	_ =	shalt  }
0x63: {  	_ =	shalt  }
0x64: {  	_ =	shalt  }
0x65: {  	_ =	shalt  }
0x66: {  	_ =	shalt  }
0x67: {  	_ =	shalt  }
0x68: {  	_ =	shalt  }
0x69: {  	_ =	shalt  }
0x6a: {  	_ =	shalt  }
0x6b: {  	_ =	shalt  }
0x6c: {  	_ =	shalt  }
0x6d: {  	_ =	shalt  }
0x6e: {  	_ =	shalt  }
0x6f: {  	_ =	shalt  }
0x70: {  	_ =	shalt  }
0x71: {  	_ =	shalt  }
0x72: {  	_ =	shalt  }
0x73: {  	_ =	shalt  }
0x74: {  	_ =	shalt  }
0x75: {  	_ =	shalt  }
0x76: {  	_ =	shalt  }
0x77: {  	_ =	shalt  }
0x78: {  	_ =	shalt  }
0x79: {  	_ =	shalt  }
0x7a: {  	_ =	shalt  }
0x7b: {  	_ =	shalt  }
0x7c: {  	_ =	shalt  }
0x7d: {  	_ =	shalt  }
0x7e: {  	_ =	shalt  }
0x7f: {  	_ =	shalt  }
0x80: {  	_ =	shalt  }
0x81: {  	_ =	shalt  }
0x82: {  	_ =	shalt  }
0x83: {  	_ =	shalt  }
0x84: {  	_ =	shalt  }
0x85: {  	_ =	shalt  }
0x86: {  	_ =	shalt  }
0x87: {  	_ =	shalt  }
.Lfunc_end0:
.L_simem_size_0:
called_computation.1_lowered:
.L_overlay_start_0:
0x88: {  	s2 =	sld [smem:$0x3FD9]  }
0x89: {  	s3 =	sld [smem:$0x3FFE];
	_ =	sdelay $0x1  }
0x8a: {  	s1 =	srdreg.scid  }
0x8b: {  	s0 =	sand.u32 $0x1, s1  }
0x8c: {  	s17 =	sshll.u32 s0, $0xA;
	s2 =	sadd.s32 s3, s2  }
0x8d: {  	s2 =	sadd.s32 s2, s17  }
0x8e: {  	[smem:$0x3FA6] =	sst s2  }
0x8f: {  	_ = 	snop  }
0x90: {  	s2 =	sld [smem:$0x3FD0];
	(tm) =	ssettm $0x1  }
0x91: {  	s18 =	sld [smem:$0x3FFB];
	_ =	sdelay $0x3  }
0x92: {  	_ =	strace s18  }
0x93: {  	s3 =	sld [smem:$0x3FFC];
	_ =	sdelay $0x3  }
0x94: {  	_ =	strace s3  }
0x95: {  	s3 =	sld [smem:$0x3FFD];
	_ =	sdelay $0x3  }
0x96: {  	_ =	strace s3  }
0x97: {  	_ =	strace $0x8FFFFFFF  }
0x98: {  	s19 =	sld [smem:$0x3FDB];
	_ =	sdelay $0x1  }
0x99: {  	s4 =	simm.s32 $_scs_section_size  }
0x9a: {  	s5 =	simm.s32 $_size__tile_overlayer_lowered;
	s6 =	simm.s32 $_tile_overlayer_lowered  }
0x9b: {  	s22 =	simm.s32 $0x1BFF;
	s21 =	sshll.u32 s6, $0x1;
	s3 =	sadd.s32 s4, s19  }
0x9c: {  	s7 =	simm.s32 $0x0;
	s20 =	sshll.u32 s5, $0x1;
	s5 =	sadd.s32 s21, s3  }
0x9d: {  	[timem:s7], [sflag:s22] =	dma.local [hbm:s5], s20  }
0x9e: {  	_ =	swait.ge [sflag:s22], s20  }
0x9f: {  	s4 =	ssub.s32 $0x0, s20;
	[sflag:s22] =	ssyncset.done $0x0  }
0xa0: {  	[sflag:s22] =	ssyncadd.s32 s4;
	_ =	sdelay $0x1  }
0xa1: {  	s23 =	simm.s32 $0x1B8B  }
0xa2: {  	_ =	swait.ge [sflag:s23], $0x1  }
0xa3: {  	[sflag:s23] =	ssyncset.done $0x0  }
0xa4: {  	s25 =	simm.s32 $0x1B8E;
	s24 =	sld [smem:$0x3FFE];
	[sflag:s23] =	ssyncadd.s32 $0xFFFFFFFF  }
0xa5: {  	s26 =	simm.s32 $execute0_lowered;
	[smem:$0x3FD2] =	sst s25  }
0xa6: {  	s5 =	sshll.u32 s26, $0x1;
	_ =	strace $0x80000049;
	[dreg:$0x1] =	wrdreg $0xFFFFFFFF  }
0xa7: {  	s28 =	simm.s32 $_size_execute0_lowered;
	s3 =	sadd.s32 s3, s5;
	[dreg:$0x0] =	wrdreg $0x0  }
0xa8: {  	s5 =	sshll.u32 s28, $0x1;
	[dreg:$0x2] =	wrdreg s3  }
0xa9: {  	[dreg:$0x3] =	wrdreg s5  }
0xaa: {  	[dreg:$0x4] =	wrdreg $0xC0  }
0xab: {  	_ =	task [dreg:s7], $0x5FFFF  }
0xac: {  	[dreg:$0x1] =	wrdreg $0xFFFFFFFF  }
0xad: {  	[dreg:$0x0] =	wrdreg $0x60  }
0xae: {  	[dreg:$0x2] =	wrdreg s24  }
0xaf: {  	[dreg:$0x3] =	wrdreg s2  }
0xb0: {  	[dreg:$0x4] =	wrdreg $0x0  }
0xb1: {  	[dreg:$0x5] =	wrdreg $0x9  }
0xb2: {  	_ =	task.clear_ibuf [dreg:s7], $0x6FFFF;
	_ =	strace $0x90000049  }
0xb3: {  	s29 =	simm.s32 $0x9;
	_ =	strace $0x8000004B  }
0xb4: {  	_ =	swait.ge [sflag:s29], $0x1  }
0xb5: {  	[sflag:s29] =	ssyncadd.s32 $0xFFFFFFFF  }
0xb6: {  	_ =	strace $0x9000004B  }
0xb7: {  	_ =	sfence  }
0xb8: {  	s30 =	sld [smem:$0x0];
	_ =	sdelay $0x2  }
0xb9: {  	s31 =	sshll.u32 s1, $0xD;
	s1 =	sshrl.u32 s1, $0x2  }
0xba: {  	s3 =	sand.u32 $0x4000, s31;
	s1 =	sadd.s32 s1, s30  }
0xbb: {  	s0 =	sor.u32 s3, s0;
	s1 =	sshll.u32 s1, $0x11  }
0xbc: {  	s0 =	sor.u32 s1, s0  }
0xbd: {  	s0 =	sadd.s32 $0x8F2B, s0  }
0xbe: {  	[sflag:s0] =	ssyncadd.remote.s32 $0x1  }
0xbf: {  	_ =	sfence.sel $0xFFFF  }
0xc0: {  	[dreg:$0x0] =	wrdreg $0xFFFFFFFF;
	(pc) =	sbr.abs _section_cstart, $3  }
0xc1: {  	[dreg:$0x1] =	wrdreg $0xFFFFFFFF  }
0xc2: {  	_ =	task.clear_ibuf [dreg:s7], $0x2FFFF;
	_ =	strace $0x9FFFFFFF  }
0xc3: {  	(tm) =	ssettm $0x7FFFFFFF  }
tec
execute0_lowered:
.L_overlay_start_1:
0x0: {  	(tag) =	ssettag $0x1  }
0x1: {  	s0 =	rddreg [dreg:$0x0]  }
0x2: {  	s3 =	rddreg [dreg:$0x1]  }
0x3: {  	s1 =	rddreg [dreg:$0x2];
	s2 =	simm.s32 $0x0;
	s4 =	srdreg.scid  }
0x4: {  	s24 =	stileid.u32;
	[smem:$0x7FF] =	sst s2;
	s10 =	sadd.s32 $0x29FA00, s0  }
0x5: {  	s11 =	sadd.s32 $0xB7400, s0;
	s7 =	sand.u32 $0x1, s4;
	s8 =	smul.u32 $0x4E000, s24  }
0x6: {  	s13 =	sadd.s32 $0x6E00, s0;
	s0 =	sadd.s32 $0x3D8200, s0;
	s9 =	smul.u32 $0x13800, s24  }
0x7: {  	p0 =	slt.u32 s24, $0x2;
	s4 =	simm.s32 $0x4F;
	s21 =	smul.u32 $0x4E0, s24  }
0x8: {  	s19 =	sshll.u32 s24, $0x6;
	s22 =	smin.u32 s24, $0x2;
	s16 =	smul.u32 $0x2700, s24  }
0x9: {  	_ =	strace $0x8000004A;
	s5 =	ssub.s32 $0x2, s7;
	s12 =	smul.u32 $0x4E2000, s7  }
0xa: {  	s4 =	simm.s32 @!p0 $0x4E;
	s15 =	smul.u32 $0x9C400, s7;
	s7 =	sor.u32 $0x1C02, s19  }
0xb: {  	p0 =	sne.s32 s24, $0xF;
	s24 =	simm.s32 $0x13880;
	s6 =	sshrl.u32 s5, $0x1  }
0xc: {  	s17 =	sshrl.u32 s8, $0x2;
	s18 =	sshrl.u32 s9, $0x3;
	s8 =	sadd.s32 $0x27000, s3  }
0xd: {  	s26 =	sadd.s32 s21, s13;
	s14 =	ssub.s32 s5, s6;
	s5 =	sadd.s32 s17, s1  }
0xe: {  	s6 =	sadd.s32 s3, s18;
	s20 =	sadd.s32 s9, s12;
	s9 =	sadd.s32 s10, s15  }
0xf: {  	s12 =	sshrl.u32 s12, $0x3;
	s17 =	sshll.u32 s22, $0x7;
	s15 =	sshll.u32 s22, $0x4  }
0x10: {  	s3 =	sshrl.u32 s20, $0x3;
	s10 =	sadd.s32 s10, s12;
	s16 =	sadd.s32 s17, s16  }
0x11: {  	s25 =	sadd.s32 s0, s3;
	s0 =	sadd.s32 s0, s12;
	s12 =	sadd.s32 $0x27100, s10  }
0x12: {  	s3 =	sadd.s32 s21, s11;
	s17 =	sadd.s32 $0x27100, s16;
	s30 =	sadd.s32 $0x4E200, s16  }
0x13: {  	s16 =	sadd.s32 $0x75300, s16;
	s22 =	sadd.s32 $0x4E200, s10;
	s23 =	sadd.s32 $0x27000, s0  }
0x14: {  	s18 =	sadd.s32 $0x4E100, s0;
	s3 =	sadd.s32 s15, s3;
	[dreg:$0x4] =	wrdreg s25  }
0x15: {  	s28 =	sshrl.u32 s17, $0x3;
	s31 =	sshrl.u32 s30, $0x3;
	[dreg:$0x5] =	wrdreg s23  }
0x16: {  	s16 =	sshrl.u32 s16, $0x3;
	s17 =	sadd.s32 $0x75200, s0;
	[dreg:$0x6] =	wrdreg s18  }
0x17: {  	s0 =	sadd.s32 $0x9C300, s0;
	s30 =	sadd.s32 $0x4E200, s25;
	[dreg:$0x8] =	wrdreg s3  }
0x18: {  	s18 =	sadd.s32 s15, s26;
	s29 =	sadd.s32 s28, s13;
	[dreg:$0xa] =	wrdreg s17  }
0x19: {  	s15 =	sadd.s32 s28, s11;
	s19 =	sadd.s32 s31, s11;
	[dreg:$0xb] =	wrdreg s0  }
0x1a: {  	s20 =	sadd.s32 s16, s13;
	s21 =	sadd.s32 s16, s11;
	[dreg:$0xf] =	wrdreg s30  }
0x1b: {  	s23 =	sadd.s32 $0x75300, s10;
	s26 =	smax.u32 s14, $0x1;
	[dreg:$0x7] =	wrdreg s18  }
0x1c: {  	s28 =	sadd.s32 $0x138000, s1;
	s0 =	simm.s32 $0x2;
	[dreg:$0x9] =	wrdreg s29  }
0x1d: {  	s3 =	simm.s32 $0x17880;
	s11 =	simm.s32 $0x17900;
	[dreg:$0xc] =	wrdreg s26  }
0x1e: {  	s18 =	sadd.s32 s31, s13;
	[dreg:$0xd] =	wrdreg s28;
	s29 =	sadd.s32 $0x27100, s25  }
0x1f: {  	s31 =	sadd.s32 $0x75300, s25;
	s13 =	simm.s32 $0x80;
	[dreg:$0xe] =	wrdreg s29  }
0x20: {  	s25 =	simm.s32 $0x1;
	s26 =	simm.s32 $0x0;
	[dreg:$0x10] =	wrdreg s31  }
.LBB2_1:
0x21: {  	s28 =	sshrl.u32 s5, $0x3  }
0x22: {  	[spmem:s28], [sflag:s7] =	dma.local [hbm:s6], $0x2700  }
0x23: {  	_ =	swait.ge [sflag:s0], $0x2700  }
0x24: {  	[sflag:s0] =	ssyncset.done $0x0;
	s10 =	rddreg [dreg:$0xd]  }
0x25: {  	s31 =	simm.s32 @!p0 $0x2;
	[sflag:s0] =	ssyncadd.s32 $0xFFFFD900;
	s10 =	sshrl.u32 @!p0 s10, $0x3  }
0x26: {  	[spmem:s10], [sflag:s7] =	dma.local @!p0 [hbm:s8], $0x100  }
0x27: {  	_ =	swait.ge @!p0 [sflag:s31], $0x100  }
0x28: {  	[sflag:s31] =	ssyncset.done @!p0 $0x0  }
0x29: {  	[sflag:s31] =	ssyncadd.s32 @!p0 $0xFFFFFF00  }
0x2a: {  	[bflag:$0x0] =	sbarrier.arrive $0xFFFF  }
0x2b: {  	s16 =	rddreg [dreg:$0x8]  }
0x2c: {  	[tilespmem:s3], [sflag:$0x2] =	stream.linear.gather [hbm4b:s16+s2], $0x80, $0x38;
	[tilespmem:$0x17980] =	vst v63  }
0x2d: {  	_ =	swait.ge [sflag:s0], $0x80  }
0x2e: {  	[sflag:s0] =	ssyncset.done $0x0  }
0x2f: {  	s29 =	rddreg [dreg:$0x7];
	[sflag:s0] =	ssyncadd.s32 $0xFFFFFF80  }
0x30: {  	[tilespmem:s11], [sflag:$0x2] =	stream.linear.gather [hbm4b:s29+s2], $0x80, $0x38;
	[tilespmem:$0x17980] =	vst v63  }
0x31: {  	_ =	swait.ge [sflag:s0], $0x80  }
0x32: {  	[sflag:s0] =	ssyncset.done $0x0  }
0x33: {  	[sflag:s0] =	ssyncadd.s32 $0xFFFFFF80  }
0x34: {  	[tilespmem:s24], [sflag:$0x1] =	stream.indirect.gather [hbm4b:s9+s13], $0x80, s3, s13, $0xb8;
	[tilespmem:$0x17980] =	vst v63  }
0x35: {  	p1 =	sne.s32 s4, $0x1;
	_ =	swait.ge [sflag:s25], $0x4000  }
.Ltmp0:
0x36: {  	[sflag:s25] =	ssyncset.done $0x0;
	(pc) =	sbr.rel @!p1 .LBB2_3-.Ltmp0, $4  }
0x37: {  	[sflag:s25] =	ssyncadd.s32 $0xFFFFC000  }
0x38: {  	[spmem:s1] =	stream.indirect.scatter.add.f32 [tilespmem:s24], [sflag:$0x2], $0x80, s11, s13, $0xb8;
	[tilespmem:$0x17980] =	vst v63  }
0x39: {  	_ =	swait.ge [sflag:s0], $0x4000  }
0x3a: {  	s14 =	sadd.s32 $0xFFFFFFFF, s4;
	[sflag:s0] =	ssyncset.done $0x0  }
.LBB2_2:
0x3b: {  	[sflag:s0] =	ssyncadd.s32 $0xFFFFC000;
	s29 =	sadd.s32 $0x10, s29;
	s16 =	sadd.s32 $0x10, s16  }
0x3c: {  	[tilespmem:s3], [sflag:$0x2] =	stream.linear.gather [hbm4b:s16+s2], $0x80, $0x38;
	[tilespmem:$0x17980] =	vst v63  }
0x3d: {  	p2 =	sne.s32 s14, $0x1;
	s14 =	sadd.s32 $0xFFFFFFFF, s14;
	_ =	swait.ge [sflag:s0], $0x80  }
0x3e: {  	[sflag:s0] =	ssyncset.done $0x0  }
0x3f: {  	[sflag:s0] =	ssyncadd.s32 $0xFFFFFF80  }
0x40: {  	[tilespmem:s11], [sflag:$0x2] =	stream.linear.gather [hbm4b:s29+s2], $0x80, $0x38;
	[tilespmem:$0x17980] =	vst v63  }
0x41: {  	_ =	swait.ge [sflag:s0], $0x80  }
0x42: {  	[sflag:s0] =	ssyncset.done $0x0  }
0x43: {  	[sflag:s0] =	ssyncadd.s32 $0xFFFFFF80  }
0x44: {  	[tilespmem:s24], [sflag:$0x1] =	stream.indirect.gather [hbm4b:s9+s13], $0x80, s3, s13, $0xb8;
	[tilespmem:$0x17980] =	vst v63  }
0x45: {  	_ =	swait.ge [sflag:s25], $0x4000  }
.Ltmp1:
0x46: {  	[sflag:s25] =	ssyncset.done $0x0;
	(pc) =	sbr.rel @p2 .LBB2_2-.Ltmp1, $4  }
0x47: {  	[sflag:s25] =	ssyncadd.s32 $0xFFFFC000  }
0x48: {  	[spmem:s1] =	stream.indirect.scatter.add.f32 [tilespmem:s24], [sflag:$0x2], $0x80, s11, s13, $0xb8;
	[tilespmem:$0x17980] =	vst v63  }
0x49: {  	_ =	swait.ge [sflag:s0], $0x4000  }
0x4a: {  	[sflag:s0] =	ssyncset.done $0x0  }
.LBB2_3:
0x4b: {  	[sflag:s0] =	ssyncadd.s32 $0xFFFFC000  }
0x4c: {  	[bflag:$0x0] =	sbarrier.arrive $0xFFFF  }
0x4d: {  	s14 =	rddreg [dreg:$0x4]  }
0x4e: {  	[hbm:s14], [sflag:s7] =	dma.local [spmem:s28], $0x2700  }
0x4f: {  	_ =	swait.ge [sflag:s0], $0x2700  }
0x50: {  	[sflag:s0] =	ssyncset.done $0x0  }
0x51: {  	[sflag:s0] =	ssyncadd.s32 $0xFFFFD900  }
0x52: {  	s29 =	sshrl.u32 @p0 s5, $0x3;
	s14 =	simm.s32 @p0 $0x2;
	[bflag:$0x0] =	sbarrier.arrive @p0 $0xFFFF  }
0x53: {  	[spmem:s29], [sflag:s7] =	dma.local @p0 [hbm:s6], $0x2700  }
0x54: {  	_ =	swait.ge @p0 [sflag:s14], $0x2700  }
0x55: {  	[sflag:s14] =	ssyncset.done @p0 $0x0  }
0x56: {  	s16 =	rddreg [dreg:$0x5];
	[sflag:s14] =	ssyncadd.s32 @p0 $0xFFFFD900  }
0x57: {  	[hbm:s16], [sflag:s7] =	dma.local @!p0 [spmem:s10], $0x100  }
0x58: {  	_ =	swait.ge @!p0 [sflag:s31], $0x100  }
0x59: {  	[sflag:s31] =	ssyncset.done @!p0 $0x0  }
0x5a: {  	[sflag:s31] =	ssyncadd.s32 @!p0 $0xFFFFFF00  }
0x5b: {  	s30 =	sshrl.u32 @!p0 s5, $0x3;
	[bflag:$0x0] =	sbarrier.arrive @!p0 $0xFFFF  }
0x5c: {  	[spmem:s30], [sflag:s7] =	dma.local @!p0 [hbm:s6], $0x2700  }
0x5d: {  	_ =	swait.ge @!p0 [sflag:s31], $0x2700  }
0x5e: {  	[sflag:s31] =	ssyncset.done @!p0 $0x0  }
0x5f: {  	[sflag:s31] =	ssyncadd.s32 @!p0 $0xFFFFD900  }
0x60: {  	[spmem:s10], [sflag:s7] =	dma.local @!p0 [hbm:s8], $0x100  }
0x61: {  	_ =	swait.ge @!p0 [sflag:s31], $0x100  }
0x62: {  	[sflag:s31] =	ssyncset.done @!p0 $0x0  }
0x63: {  	[sflag:s31] =	ssyncadd.s32 @!p0 $0xFFFFFF00  }
0x64: {  	[bflag:$0x0] =	sbarrier.arrive $0xFFFF  }
0x65: {  	[tilespmem:s3], [sflag:$0x2] =	stream.linear.gather [hbm4b:s15+s2], $0x80, $0x38;
	[tilespmem:$0x17980] =	vst v63  }
0x66: {  	_ =	swait.ge [sflag:s0], $0x80  }
0x67: {  	[sflag:s0] =	ssyncset.done $0x0  }
0x68: {  	s16 =	rddreg [dreg:$0x9];
	[sflag:s0] =	ssyncadd.s32 $0xFFFFFF80  }
0x69: {  	[tilespmem:s11], [sflag:$0x2] =	stream.linear.gather [hbm4b:s16+s2], $0x80, $0x38;
	[tilespmem:$0x17980] =	vst v63  }
0x6a: {  	_ =	swait.ge [sflag:s0], $0x80  }
0x6b: {  	[sflag:s0] =	ssyncset.done $0x0  }
0x6c: {  	[sflag:s0] =	ssyncadd.s32 $0xFFFFFF80  }
0x6d: {  	[tilespmem:s24], [sflag:$0x1] =	stream.indirect.gather [hbm4b:s12+s13], $0x80, s3, s13, $0xb8;
	[tilespmem:$0x17980] =	vst v63  }
0x6e: {  	_ =	swait.ge [sflag:s25], $0x4000  }
.Ltmp2:
0x6f: {  	[sflag:s25] =	ssyncset.done $0x0;
	(pc) =	sbr.rel @!p1 .LBB2_5-.Ltmp2, $4  }
0x70: {  	[sflag:s25] =	ssyncadd.s32 $0xFFFFC000  }
0x71: {  	[spmem:s1] =	stream.indirect.scatter.add.f32 [tilespmem:s24], [sflag:$0x2], $0x80, s11, s13, $0xb8;
	[tilespmem:$0x17980] =	vst v63  }
0x72: {  	_ =	swait.ge [sflag:s0], $0x4000  }
0x73: {  	s17 =	smov.u32 s15;
	s31 =	sadd.s32 $0xFFFFFFFF, s4;
	[sflag:s0] =	ssyncset.done $0x0  }
.LBB2_4:
0x74: {  	[sflag:s0] =	ssyncadd.s32 $0xFFFFC000;
	s16 =	sadd.s32 $0x10, s16;
	s17 =	sadd.s32 $0x10, s17  }
0x75: {  	[tilespmem:s3], [sflag:$0x2] =	stream.linear.gather [hbm4b:s17+s2], $0x80, $0x38;
	[tilespmem:$0x17980] =	vst v63  }
0x76: {  	p2 =	sne.s32 s31, $0x1;
	s31 =	sadd.s32 $0xFFFFFFFF, s31;
	_ =	swait.ge [sflag:s0], $0x80  }
0x77: {  	[sflag:s0] =	ssyncset.done $0x0  }
0x78: {  	[sflag:s0] =	ssyncadd.s32 $0xFFFFFF80  }
0x79: {  	[tilespmem:s11], [sflag:$0x2] =	stream.linear.gather [hbm4b:s16+s2], $0x80, $0x38;
	[tilespmem:$0x17980] =	vst v63  }
0x7a: {  	_ =	swait.ge [sflag:s0], $0x80  }
0x7b: {  	[sflag:s0] =	ssyncset.done $0x0  }
0x7c: {  	[sflag:s0] =	ssyncadd.s32 $0xFFFFFF80  }
0x7d: {  	[tilespmem:s24], [sflag:$0x1] =	stream.indirect.gather [hbm4b:s12+s13], $0x80, s3, s13, $0xb8;
	[tilespmem:$0x17980] =	vst v63  }
0x7e: {  	_ =	swait.ge [sflag:s25], $0x4000  }
.Ltmp3:
0x7f: {  	[sflag:s25] =	ssyncset.done $0x0;
	(pc) =	sbr.rel @p2 .LBB2_4-.Ltmp3, $4  }
0x80: {  	[sflag:s25] =	ssyncadd.s32 $0xFFFFC000  }
0x81: {  	[spmem:s1] =	stream.indirect.scatter.add.f32 [tilespmem:s24], [sflag:$0x2], $0x80, s11, s13, $0xb8;
	[tilespmem:$0x17980] =	vst v63  }
0x82: {  	_ =	swait.ge [sflag:s0], $0x4000  }
0x83: {  	[sflag:s0] =	ssyncset.done $0x0  }
.LBB2_5:
0x84: {  	[sflag:s0] =	ssyncadd.s32 $0xFFFFC000  }
0x85: {  	[bflag:$0x0] =	sbarrier.arrive $0xFFFF  }
0x86: {  	s16 =	rddreg [dreg:$0xe]  }
0x87: {  	[hbm:s16], [sflag:s7] =	dma.local [spmem:s28], $0x2700  }
0x88: {  	_ =	swait.ge [sflag:s0], $0x2700  }
0x89: {  	[sflag:s0] =	ssyncset.done $0x0  }
0x8a: {  	[sflag:s0] =	ssyncadd.s32 $0xFFFFD900  }
0x8b: {  	[bflag:$0x0] =	sbarrier.arrive @p0 $0xFFFF  }
0x8c: {  	[spmem:s29], [sflag:s7] =	dma.local @p0 [hbm:s6], $0x2700  }
0x8d: {  	_ =	swait.ge @p0 [sflag:s14], $0x2700  }
0x8e: {  	[sflag:s14] =	ssyncset.done @p0 $0x0  }
0x8f: {  	s31 =	simm.s32 @!p0 $0x2;
	[sflag:s14] =	ssyncadd.s32 @p0 $0xFFFFD900;
	s14 =	rddreg [dreg:$0x6]  }
0x90: {  	[hbm:s14], [sflag:s7] =	dma.local @!p0 [spmem:s10], $0x100  }
0x91: {  	_ =	swait.ge @!p0 [sflag:s31], $0x100  }
0x92: {  	[sflag:s31] =	ssyncset.done @!p0 $0x0  }
0x93: {  	[sflag:s31] =	ssyncadd.s32 @!p0 $0xFFFFFF00  }
0x94: {  	[bflag:$0x0] =	sbarrier.arrive @!p0 $0xFFFF  }
0x95: {  	[spmem:s30], [sflag:s7] =	dma.local @!p0 [hbm:s6], $0x2700  }
0x96: {  	_ =	swait.ge @!p0 [sflag:s31], $0x2700  }
0x97: {  	[sflag:s31] =	ssyncset.done @!p0 $0x0  }
0x98: {  	[sflag:s31] =	ssyncadd.s32 @!p0 $0xFFFFD900  }
0x99: {  	[spmem:s10], [sflag:s7] =	dma.local @!p0 [hbm:s8], $0x100  }
0x9a: {  	_ =	swait.ge @!p0 [sflag:s31], $0x100  }
0x9b: {  	[sflag:s31] =	ssyncset.done @!p0 $0x0  }
0x9c: {  	[sflag:s31] =	ssyncadd.s32 @!p0 $0xFFFFFF00  }
0x9d: {  	[bflag:$0x0] =	sbarrier.arrive $0xFFFF  }
0x9e: {  	[tilespmem:s3], [sflag:$0x2] =	stream.linear.gather [hbm4b:s19+s2], $0x80, $0x38;
	[tilespmem:$0x17980] =	vst v63  }
0x9f: {  	_ =	swait.ge [sflag:s0], $0x80  }
0xa0: {  	[sflag:s0] =	ssyncset.done $0x0  }
0xa1: {  	[sflag:s0] =	ssyncadd.s32 $0xFFFFFF80  }
0xa2: {  	[tilespmem:s11], [sflag:$0x2] =	stream.linear.gather [hbm4b:s18+s2], $0x80, $0x38;
	[tilespmem:$0x17980] =	vst v63  }
0xa3: {  	_ =	swait.ge [sflag:s0], $0x80  }
0xa4: {  	[sflag:s0] =	ssyncset.done $0x0  }
0xa5: {  	[sflag:s0] =	ssyncadd.s32 $0xFFFFFF80  }
0xa6: {  	[tilespmem:s24], [sflag:$0x1] =	stream.indirect.gather [hbm4b:s22+s13], $0x80, s3, s13, $0xb8;
	[tilespmem:$0x17980] =	vst v63  }
0xa7: {  	_ =	swait.ge [sflag:s25], $0x4000  }
.Ltmp4:
0xa8: {  	[sflag:s25] =	ssyncset.done $0x0;
	(pc) =	sbr.rel @!p1 .LBB2_7-.Ltmp4, $4  }
0xa9: {  	[sflag:s25] =	ssyncadd.s32 $0xFFFFC000  }
0xaa: {  	[spmem:s1] =	stream.indirect.scatter.add.f32 [tilespmem:s24], [sflag:$0x2], $0x80, s11, s13, $0xb8;
	[tilespmem:$0x17980] =	vst v63  }
0xab: {  	s17 =	smov.u32 s19;
	_ =	swait.ge [sflag:s0], $0x4000  }
0xac: {  	s16 =	smov.u32 s18;
	s14 =	sadd.s32 $0xFFFFFFFF, s4;
	[sflag:s0] =	ssyncset.done $0x0  }
.LBB2_6:
0xad: {  	[sflag:s0] =	ssyncadd.s32 $0xFFFFC000;
	s16 =	sadd.s32 $0x10, s16;
	s17 =	sadd.s32 $0x10, s17  }
0xae: {  	[tilespmem:s3], [sflag:$0x2] =	stream.linear.gather [hbm4b:s17+s2], $0x80, $0x38;
	[tilespmem:$0x17980] =	vst v63  }
0xaf: {  	p2 =	sne.s32 s14, $0x1;
	s14 =	sadd.s32 $0xFFFFFFFF, s14;
	_ =	swait.ge [sflag:s0], $0x80  }
0xb0: {  	[sflag:s0] =	ssyncset.done $0x0  }
0xb1: {  	[sflag:s0] =	ssyncadd.s32 $0xFFFFFF80  }
0xb2: {  	[tilespmem:s11], [sflag:$0x2] =	stream.linear.gather [hbm4b:s16+s2], $0x80, $0x38;
	[tilespmem:$0x17980] =	vst v63  }
0xb3: {  	_ =	swait.ge [sflag:s0], $0x80  }
0xb4: {  	[sflag:s0] =	ssyncset.done $0x0  }
0xb5: {  	[sflag:s0] =	ssyncadd.s32 $0xFFFFFF80  }
0xb6: {  	[tilespmem:s24], [sflag:$0x1] =	stream.indirect.gather [hbm4b:s22+s13], $0x80, s3, s13, $0xb8;
	[tilespmem:$0x17980] =	vst v63  }
0xb7: {  	_ =	swait.ge [sflag:s25], $0x4000  }
.Ltmp5:
0xb8: {  	[sflag:s25] =	ssyncset.done $0x0;
	(pc) =	sbr.rel @p2 .LBB2_6-.Ltmp5, $4  }
0xb9: {  	[sflag:s25] =	ssyncadd.s32 $0xFFFFC000  }
0xba: {  	[spmem:s1] =	stream.indirect.scatter.add.f32 [tilespmem:s24], [sflag:$0x2], $0x80, s11, s13, $0xb8;
	[tilespmem:$0x17980] =	vst v63  }
0xbb: {  	_ =	swait.ge [sflag:s0], $0x4000  }
0xbc: {  	[sflag:s0] =	ssyncset.done $0x0  }
.LBB2_7:
0xbd: {  	[sflag:s0] =	ssyncadd.s32 $0xFFFFC000  }
0xbe: {  	[bflag:$0x0] =	sbarrier.arrive $0xFFFF  }
0xbf: {  	s14 =	rddreg [dreg:$0xf]  }
0xc0: {  	[hbm:s14], [sflag:s7] =	dma.local [spmem:s28], $0x2700  }
0xc1: {  	_ =	swait.ge [sflag:s0], $0x2700  }
0xc2: {  	[sflag:s0] =	ssyncset.done $0x0  }
0xc3: {  	[sflag:s0] =	ssyncadd.s32 $0xFFFFD900  }
0xc4: {  	s14 =	simm.s32 @p0 $0x2;
	[bflag:$0x0] =	sbarrier.arrive @p0 $0xFFFF  }
0xc5: {  	[spmem:s29], [sflag:s7] =	dma.local @p0 [hbm:s6], $0x2700  }
0xc6: {  	_ =	swait.ge @p0 [sflag:s14], $0x2700  }
0xc7: {  	[sflag:s14] =	ssyncset.done @p0 $0x0  }
0xc8: {  	[sflag:s14] =	ssyncadd.s32 @p0 $0xFFFFD900;
	s14 =	rddreg [dreg:$0xa]  }
0xc9: {  	[hbm:s14], [sflag:s7] =	dma.local @!p0 [spmem:s10], $0x100  }
0xca: {  	_ =	swait.ge @!p0 [sflag:s31], $0x100  }
0xcb: {  	[sflag:s31] =	ssyncset.done @!p0 $0x0  }
0xcc: {  	[sflag:s31] =	ssyncadd.s32 @!p0 $0xFFFFFF00  }
0xcd: {  	[bflag:$0x0] =	sbarrier.arrive @!p0 $0xFFFF  }
0xce: {  	[spmem:s30], [sflag:s7] =	dma.local @!p0 [hbm:s6], $0x2700  }
0xcf: {  	_ =	swait.ge @!p0 [sflag:s31], $0x2700  }
0xd0: {  	[sflag:s31] =	ssyncset.done @!p0 $0x0  }
0xd1: {  	[sflag:s31] =	ssyncadd.s32 @!p0 $0xFFFFD900  }
0xd2: {  	[spmem:s10], [sflag:s7] =	dma.local @!p0 [hbm:s8], $0x100  }
0xd3: {  	_ =	swait.ge @!p0 [sflag:s31], $0x100  }
0xd4: {  	[sflag:s31] =	ssyncset.done @!p0 $0x0  }
0xd5: {  	[sflag:s31] =	ssyncadd.s32 @!p0 $0xFFFFFF00  }
0xd6: {  	[bflag:$0x0] =	sbarrier.arrive $0xFFFF  }
0xd7: {  	[tilespmem:s3], [sflag:$0x2] =	stream.linear.gather [hbm4b:s21+s2], $0x80, $0x38;
	[tilespmem:$0x17980] =	vst v63  }
0xd8: {  	_ =	swait.ge [sflag:s0], $0x80  }
0xd9: {  	[sflag:s0] =	ssyncset.done $0x0  }
0xda: {  	[sflag:s0] =	ssyncadd.s32 $0xFFFFFF80  }
0xdb: {  	[tilespmem:s11], [sflag:$0x2] =	stream.linear.gather [hbm4b:s20+s2], $0x80, $0x38;
	[tilespmem:$0x17980] =	vst v63  }
0xdc: {  	_ =	swait.ge [sflag:s0], $0x80  }
0xdd: {  	[sflag:s0] =	ssyncset.done $0x0  }
0xde: {  	[sflag:s0] =	ssyncadd.s32 $0xFFFFFF80  }
0xdf: {  	[tilespmem:s24], [sflag:$0x1] =	stream.indirect.gather [hbm4b:s23+s13], $0x80, s3, s13, $0xb8;
	[tilespmem:$0x17980] =	vst v63  }
0xe0: {  	_ =	swait.ge [sflag:s25], $0x4000  }
.Ltmp6:
0xe1: {  	[sflag:s25] =	ssyncset.done $0x0;
	(pc) =	sbr.rel @!p1 .LBB2_9-.Ltmp6, $4  }
0xe2: {  	[sflag:s25] =	ssyncadd.s32 $0xFFFFC000  }
0xe3: {  	[spmem:s1] =	stream.indirect.scatter.add.f32 [tilespmem:s24], [sflag:$0x2], $0x80, s11, s13, $0xb8;
	[tilespmem:$0x17980] =	vst v63  }
0xe4: {  	s16 =	smov.u32 s20;
	_ =	swait.ge [sflag:s0], $0x4000  }
0xe5: {  	s17 =	smov.u32 s21;
	s14 =	sadd.s32 $0xFFFFFFFF, s4;
	[sflag:s0] =	ssyncset.done $0x0  }
.LBB2_8:
0xe6: {  	[sflag:s0] =	ssyncadd.s32 $0xFFFFC000;
	s16 =	sadd.s32 $0x10, s16;
	s17 =	sadd.s32 $0x10, s17  }
0xe7: {  	[tilespmem:s3], [sflag:$0x2] =	stream.linear.gather [hbm4b:s17+s2], $0x80, $0x38;
	[tilespmem:$0x17980] =	vst v63  }
0xe8: {  	p1 =	sne.s32 s14, $0x1;
	s14 =	sadd.s32 $0xFFFFFFFF, s14;
	_ =	swait.ge [sflag:s0], $0x80  }
0xe9: {  	[sflag:s0] =	ssyncset.done $0x0  }
0xea: {  	[sflag:s0] =	ssyncadd.s32 $0xFFFFFF80  }
0xeb: {  	[tilespmem:s11], [sflag:$0x2] =	stream.linear.gather [hbm4b:s16+s2], $0x80, $0x38;
	[tilespmem:$0x17980] =	vst v63  }
0xec: {  	_ =	swait.ge [sflag:s0], $0x80  }
0xed: {  	[sflag:s0] =	ssyncset.done $0x0  }
0xee: {  	[sflag:s0] =	ssyncadd.s32 $0xFFFFFF80  }
0xef: {  	[tilespmem:s24], [sflag:$0x1] =	stream.indirect.gather [hbm4b:s23+s13], $0x80, s3, s13, $0xb8;
	[tilespmem:$0x17980] =	vst v63  }
0xf0: {  	_ =	swait.ge [sflag:s25], $0x4000  }
.Ltmp7:
0xf1: {  	[sflag:s25] =	ssyncset.done $0x0;
	(pc) =	sbr.rel @p1 .LBB2_8-.Ltmp7, $4  }
0xf2: {  	[sflag:s25] =	ssyncadd.s32 $0xFFFFC000  }
0xf3: {  	[spmem:s1] =	stream.indirect.scatter.add.f32 [tilespmem:s24], [sflag:$0x2], $0x80, s11, s13, $0xb8;
	[tilespmem:$0x17980] =	vst v63  }
0xf4: {  	_ =	swait.ge [sflag:s0], $0x4000  }
0xf5: {  	[sflag:s0] =	ssyncset.done $0x0  }
.LBB2_9:
0xf6: {  	[sflag:s0] =	ssyncadd.s32 $0xFFFFC000  }
0xf7: {  	[bflag:$0x0] =	sbarrier.arrive $0xFFFF  }
0xf8: {  	s14 =	rddreg [dreg:$0x10]  }
0xf9: {  	[hbm:s14], [sflag:s7] =	dma.local [spmem:s28], $0x2700  }
0xfa: {  	_ =	swait.ge [sflag:s0], $0x2700  }
0xfb: {  	[sflag:s0] =	ssyncset.done $0x0  }
0xfc: {  	s14 =	rddreg [dreg:$0xb];
	[sflag:s0] =	ssyncadd.s32 $0xFFFFD900  }
0xfd: {  	[hbm:s14], [sflag:s7] =	dma.local @!p0 [spmem:s10], $0x100  }
0xfe: {  	s10 =	simm.s32 @!p0 $0x2  }
0xff: {  	_ =	swait.ge @!p0 [sflag:s10], $0x100  }
0x100: {  	s26 =	sadd.s32 $0x1, s26;
	s31 =	rddreg [dreg:$0xc]  }
0x101: {  	p1 =	sne.s32 s26, s31  }
.Ltmp8:
0x102: {  	_ = 	snop;
	(pc) =	sbr.rel @p1 .LBB2_1-.Ltmp8, $3  }
0x103: {  	[sflag:s10] =	ssyncset.done @!p0 $0x0  }
0x104: {  	[sflag:s10] =	ssyncadd.s32 @!p0 $0xFFFFFF00  }
0x105: {  	[bflag:$0x0] =	sbarrier.arrive $0xFFFF;
	_ =	sdelay $0x1  }
0x106: {  	_ =	sfence.sel $0x180000  }
0x107: {  	[bflag:$0x0] =	sbarrier.arrive $0xFFFF  }
0x108: {  	_ =	strace $0x9000004A  }
0x109: {  	s0 =	stileid.u32;
	[bflag:$0x2] =	sbarrier.arrive $0xFFFF  }
0x10a: {  	p0 =	sne.s32 s0, $0x0;
	s0 =	rddreg [dreg:$0x3]  }
0x10b: {  	s0 =	sadd.s32 @!p0 $0x100000, s0  }
0x10c: {  	[sflag:s0] =	ssyncadd.tile.s32 @!p0 $0x1;
	_ =	shalt  }
.Lfunc_end2:
_tile_overlayer_lowered:
.L_overlay_start_2:
0x10d: {  	(tag) =	ssettag $0x2  }
0x10e: {  	s0 =	rddreg [dreg:$0x0];
	s2 =	stileid.u32  }
0x10f: {  	s1 =	rddreg [dreg:$0x1];
	p0 =	sne.s32 s2, $0x0  }
0x110: {  	s3 =	rddreg [dreg:$0x2];
	[bflag:$0x3] =	sbarrier.arrive $0xFFFF;
	s2 =	simm.s32 @!p0 $0x1C02  }
0x111: {  	[timem:s3], [sflag:s2] =	dma.local @!p0 [hbm:s0], s1  }
0x112: {  	s0 =	simm.s32 @!p0 $0x2  }
0x113: {  	_ =	swait.ge @!p0 [sflag:s0], s1  }
0x114: {  	s1 =	ssub.s32 @!p0 $0x0, s1;
	[sflag:s0] =	ssyncset.done @!p0 $0x0  }
0x115: {  	[sflag:s0] =	ssyncadd.s32 @!p0 s1  }
0x116: {  	[bflag:$0x3] =	sbarrier.arrive $0xFFFF  }
0x117: {  	_ =	shalt  }

</sc_bundles>
